<compile_context>
chip_gen: v7x
topology: tpu7x:2x2x1
jax: 0.10.2.dev20260603
libtpu: 0.0.44.dev20260713+nightly
codegen_flags: <defaults>
</compile_context>

<pallas_src>
import functools

import jax
import jax.numpy as jnp
from jax import lax
from jax.experimental import pallas as pl
from jax.experimental.pallas import tpu as pltpu
from jax.experimental.pallas import tpu_sc as plsc

BATCH = 4
NNODE = 10000
BN = BATCH * NNODE
KNBR = 32
DATT = 16
FEAT = 128

ENC_BLK = 2000
ENC_GRID = BN // ENC_BLK
ENC_BLKS_PER_BATCH = NNODE // ENC_BLK

ROWS_PER_CHUNK = 32
IDX_PER_DMA = 1024
GATHERS = ROWS_PER_CHUNK * KNBR // IDX_PER_DMA
NCHUNK = BN // ROWS_PER_CHUNK
NWORK = 32
PAIR_ITERS = (-(-NCHUNK // NWORK) + 1) // 2
NGROUP = ROWS_PER_CHUNK // 16

HEAD_BLK = 4000
HEAD_GRID = BN // HEAD_BLK


def _encode_body(x_ref, adj_ref, w1_ref, b1_ref, w2_ref, b2_ref, wa_ref,
                 ba_ref, wnv_ref, bnv_ref, q_ref, kv_ref, adjg_ref):
    x = x_ref[...]
    h = jnp.maximum(jnp.dot(x, w1_ref[...], preferred_element_type=jnp.float32)
                    + b1_ref[...], 0.0)
    h = jnp.maximum(jnp.dot(h, w2_ref[...], preferred_element_type=jnp.float32)
                    + b2_ref[...], 0.0)
    q_ref[...] = jnp.dot(h, wa_ref[...], preferred_element_type=jnp.float32) + ba_ref[...]
    kv_ref[...] = jnp.dot(h, wnv_ref[...], preferred_element_type=jnp.float32) + bnv_ref[...]
    b = pl.program_id(0) // ENC_BLKS_PER_BATCH
    adjg_ref[...] = adj_ref[...] + b * NNODE


def _head_body(ctx_ref, wo_ref, bo_ref, qw_ref, qb_ref, out_ref):
    o = jnp.maximum(jnp.dot(ctx_ref[...], wo_ref[...], preferred_element_type=jnp.float32)
                    + bo_ref[...], 0.0)
    out_ref[...] = jnp.dot(o, qw_ref[...], preferred_element_type=jnp.float32) + qb_ref[...]


def _attention_sc(adjg3, q_s, kv):
    mesh = plsc.VectorSubcoreMesh(core_axis_name="c", subcore_axis_name="s")

    CH = ROWS_PER_CHUNK
    G = GATHERS

    @functools.partial(
        pl.kernel,
        mesh=mesh,
        compiler_params=pltpu.CompilerParams(
            use_tc_tiling_on_sc=False, needs_layout_passes=False
        ),
        out_type=[
            jax.ShapeDtypeStruct((BN, KNBR), jnp.float32),
            jax.ShapeDtypeStruct((BN, DATT), jnp.float32),
        ],
        scratch_types=[
            pltpu.VMEM((G, IDX_PER_DMA), jnp.int32),
            pltpu.VMEM((G, IDX_PER_DMA), jnp.int32),
            pltpu.VMEM((G * IDX_PER_DMA, 2 * DATT), jnp.float32),
            pltpu.VMEM((G * IDX_PER_DMA, 2 * DATT), jnp.float32),
            pltpu.VMEM((CH, DATT), jnp.float32),
            pltpu.VMEM((CH, DATT), jnp.float32),
            pltpu.VMEM((CH, KNBR), jnp.float32),
            pltpu.VMEM((CH, KNBR), jnp.float32),
            pltpu.VMEM((CH, DATT), jnp.float32),
            pltpu.VMEM((CH, DATT), jnp.float32),
            pltpu.VMEM((KNBR, 16), jnp.float32),
            pltpu.SemaphoreType.DMA,
            pltpu.SemaphoreType.DMA,
            pltpu.SemaphoreType.DMA,
            pltpu.SemaphoreType.DMA,
            pltpu.SemaphoreType.DMA,
        ],
    )
    def attn(adjg_hbm, q_hbm, kv_hbm, att_hbm, ctx_hbm,
             idx0, idx1, kv0, kv1, q0, q1, at0, at1, cx0, cx1,
             sc_buf, sem_g, pf0, pf1, out0, out1):
        wid = lax.axis_index("s") * 2 + lax.axis_index("c")
        iota = lax.iota(jnp.int32, 16)
        slots = ((idx0, kv0, q0, at0, cx0, pf0, out0),
                 (idx1, kv1, q1, at1, cx1, pf1, out1))

        def cid_of(i):
            return i * NWORK + wid

        def fire_pf(cid, idx_s, q_s, pf_s):
            pltpu.async_copy(adjg_hbm.at[cid], idx_s, pf_s)
            pltpu.async_copy(q_hbm.at[pl.ds(cid * CH, CH), :], q_s, pf_s)

        def wait_pf(idx_s, q_s, pf_s):
            pltpu.make_async_copy(adjg_hbm.at[0], idx_s, pf_s).wait()
            pltpu.make_async_copy(q_hbm.at[pl.ds(0, CH), :], q_s, pf_s).wait()

        def fire_g(idx_s, kv_s):
            for j in range(G):
                pltpu.async_copy(
                    kv_hbm.at[idx_s.at[j]],
                    kv_s.at[pl.ds(j * IDX_PER_DMA, IDX_PER_DMA), :],
                    sem_g,
                )

        def wait_g(idx_s, kv_s):
            for j in range(G):
                pltpu.make_async_copy(
                    kv_hbm.at[idx_s.at[j]],
                    kv_s.at[pl.ds(j * IDX_PER_DMA, IDX_PER_DMA), :],
                    sem_g,
                ).wait()

        def fire_out(cid, att_s, ctx_s, out_s):
            base = cid * CH
            pltpu.async_copy(att_s, att_hbm.at[pl.ds(base, CH), :], out_s)
            pltpu.async_copy(ctx_s, ctx_hbm.at[pl.ds(base, CH), :], out_s)

        def wait_out(att_s, ctx_s, out_s):
            pltpu.make_async_copy(att_s, att_hbm.at[pl.ds(0, CH), :], out_s).wait()
            pltpu.make_async_copy(ctx_s, ctx_hbm.at[pl.ds(0, CH), :], out_s).wait()

        diag = [jnp.bitwise_and(j + iota, 15) for j in range(DATT)]
        diagv = [d + DATT for d in diag]

        def compute(kv_s, q_s, att_s, ctx_s):
            zero = jnp.zeros((16,), jnp.float32)
            for g in range(NGROUP):
                gnodes = g * 16 + iota
                grows = gnodes * KNBR
                qrot = [plsc.load_gather(q_s, [gnodes, diag[j]])
                        for j in range(DATT)]

                def score_k(kk, den):
                    rows = grows + kk
                    acc0 = zero
                    acc1 = zero
                    for j in range(0, DATT, 2):
                        acc0 = acc0 + qrot[j] * plsc.load_gather(
                            kv_s, [rows, diag[j]])
                        acc1 = acc1 + qrot[j + 1] * plsc.load_gather(
                            kv_s, [rows, diag[j + 1]])
                    e = jnp.exp(acc0 + acc1)
                    sc_buf[kk, :] = e
                    return den + e

                den = lax.fori_loop(0, KNBR, score_k, zero, unroll=2)
                inv = 1.0 / den

                def ctx_k(kk, cacc):
                    a = sc_buf[kk, :] * inv
                    rows = grows + kk
                    return tuple(
                        cacc[j] + a * plsc.load_gather(kv_s, [rows, diagv[j]])
                        for j in range(DATT)
                    )

                cacc = lax.fori_loop(0, KNBR, ctx_k, (zero,) * DATT, unroll=2)
                for j in range(DATT):
                    plsc.store_scatter(ctx_s, [gnodes, diag[j]], cacc[j])

                def att_j(j, carry):
                    dk = jnp.bitwise_and(j + iota, 31)
                    av = plsc.load_gather(sc_buf, [dk, iota]) * inv
                    plsc.store_scatter(att_s, [gnodes, dk], av)
                    return carry

                lax.fori_loop(0, KNBR, att_j, 0, unroll=4)

        i0 = cid_of(0)
        fire_pf(i0, idx0, q0, pf0)
        wait_pf(idx0, q0, pf0)
        fire_g(idx0, kv0)
        fire_pf(cid_of(1), idx1, q1, pf1)

        def pair_body(i2, carry):
            for s in range(2):
                me = slots[s]
                other = slots[1 - s]
                i = i2 * 2 + s
                cid = cid_of(i)
                valid = cid < NCHUNK

                @pl.when(valid)
                def _():
                    wait_g(me[0], me[1])

                @pl.when(cid_of(i + 1) < NCHUNK)
                def _():
                    wait_pf(other[0], other[2], other[5])
                    fire_g(other[0], other[1])

                @pl.when(valid & (i >= 2))
                def _():
                    wait_out(me[3], me[4], me[6])

                @pl.when(valid)
                def _():
                    compute(me[1], me[2], me[3], me[4])
                    fire_out(cid, me[3], me[4], me[6])

                @pl.when(cid_of(i + 2) < NCHUNK)
                def _():
                    fire_pf(cid_of(i + 2), me[0], me[2], me[5])

            return carry

        lax.fori_loop(0, PAIR_ITERS, pair_body, 0)
        wait_out(at0, cx0, out0)
        wait_out(at1, cx1, out1)

    return attn(adjg3, q_s, kv)


def kernel(features, adj, enc_W1, enc_b1, enc_W2, enc_b2, Wa, ba, Wn, bn,
           Wv, bv, Wo, bo, qW, qb):
    b, n, f = features.shape
    x = features.reshape(BN, FEAT)
    adj2 = adj.reshape(BN, KNBR)
    wnv = jnp.concatenate([Wn, Wv], axis=1)
    bnv = jnp.concatenate([bn, bv], axis=0).reshape(1, 2 * DATT)
    wa4 = Wa * 0.25
    ba4 = (ba * 0.25).reshape(1, DATT)
    b1 = enc_b1.reshape(1, -1)
    b2 = enc_b2.reshape(1, -1)

    full = lambda shape: pl.BlockSpec(shape, lambda i: (0, 0))
    q_s, kv, adjg = pl.pallas_call(
        _encode_body,
        grid=(ENC_GRID,),
        in_specs=[
            pl.BlockSpec((ENC_BLK, FEAT), lambda i: (i, 0)),
            pl.BlockSpec((ENC_BLK, KNBR), lambda i: (i, 0)),
            full((FEAT, 32)), full((1, 32)),
            full((32, 32)), full((1, 32)),
            full((32, DATT)), full((1, DATT)),
            full((32, 2 * DATT)), full((1, 2 * DATT)),
        ],
        out_specs=[
            pl.BlockSpec((ENC_BLK, DATT), lambda i: (i, 0)),
            pl.BlockSpec((ENC_BLK, 2 * DATT), lambda i: (i, 0)),
            pl.BlockSpec((ENC_BLK, KNBR), lambda i: (i, 0)),
        ],
        out_shape=[
            jax.ShapeDtypeStruct((BN, DATT), jnp.float32),
            jax.ShapeDtypeStruct((BN, 2 * DATT), jnp.float32),
            jax.ShapeDtypeStruct((BN, KNBR), jnp.int32),
        ],
    )(x, adj2, enc_W1, b1, enc_W2, b2, wa4, ba4, wnv, bnv)

    adjg3 = adjg.reshape(NCHUNK, GATHERS, IDX_PER_DMA)
    att2, ctx = _attention_sc(adjg3, q_s, kv)

    qv = pl.pallas_call(
        _head_body,
        grid=(HEAD_GRID,),
        in_specs=[
            pl.BlockSpec((HEAD_BLK, DATT), lambda i: (i, 0)),
            full((DATT, 32)), full((1, 32)),
            full((32, 8)), full((1, 8)),
        ],
        out_specs=pl.BlockSpec((HEAD_BLK, 8), lambda i: (i, 0)),
        out_shape=jax.ShapeDtypeStruct((BN, 8), jnp.float32),
    )(ctx, Wo, bo.reshape(1, -1), qW, qb.reshape(1, -1))

    return qv.reshape(b, n, 8), att2.reshape(b, n, 1, KNBR)

# --- scband reference (transcript-rebuilt; emitter-appended) ---
"""Pipeline reference for scband-co-light-net-83133386981784 (READ-ONLY COPY).

The authoritative reference and input builder live on the scoring server;
editing this copy changes nothing except your own understanding.
"""

import jax, jax.numpy as jnp
import numpy as np

B, N, K = 4, 10000, 32
FEAT, EMBED, ATT, OUT, NHEAD, NACT = 128, 32, 16, 32, 1, 8


def setup_inputs(seed: int = 0) -> dict:
    key = jax.random.key(seed)
    ks = jax.random.split(key, 18)
    s = 0.05
    inp = {}
    inp['features'] = jax.random.normal(ks[0], (B, N, FEAT), dtype=jnp.float32)
    inp['adj'] = jax.random.randint(ks[1], (B, N, K), 0, N, dtype=jnp.int32)
    # encoder params
    inp['enc_W1'] = jax.random.normal(ks[2], (FEAT, EMBED), dtype=jnp.float32) * s
    inp['enc_b1'] = jnp.zeros((EMBED,), dtype=jnp.float32)
    inp['enc_W2'] = jax.random.normal(ks[3], (EMBED, EMBED), dtype=jnp.float32) * s
    inp['enc_b2'] = jnp.zeros((EMBED,), dtype=jnp.float32)
    # attention params (dv*nhead = 16)
    inp['Wa'] = jax.random.normal(ks[4], (EMBED, ATT * NHEAD), dtype=jnp.float32) * s
    inp['ba'] = jnp.zeros((ATT * NHEAD,), dtype=jnp.float32)
    inp['Wn'] = jax.random.normal(ks[5], (EMBED, ATT * NHEAD), dtype=jnp.float32) * s
    inp['bn'] = jnp.zeros((ATT * NHEAD,), dtype=jnp.float32)
    inp['Wv'] = jax.random.normal(ks[6], (EMBED, ATT * NHEAD), dtype=jnp.float32) * s
    inp['bv'] = jnp.zeros((ATT * NHEAD,), dtype=jnp.float32)
    inp['Wo'] = jax.random.normal(ks[7], (ATT * NHEAD, OUT), dtype=jnp.float32) * s
    inp['bo'] = jnp.zeros((OUT,), dtype=jnp.float32)
    # q head
    inp['qW'] = jax.random.normal(ks[8], (OUT, NACT), dtype=jnp.float32) * s
    inp['qb'] = jnp.zeros((NACT,), dtype=jnp.float32)
    return inp


def reference(features, adj, enc_W1, enc_b1, enc_W2, enc_b2, Wa, ba, Wn, bn, Wv, bv, Wo, bo, qW, qb):
    b, n, _ = features.shape
    k = adj.shape[2]
    # encoder MLP
    h = jax.nn.relu(features @ enc_W1 + enc_b1)
    h = jax.nn.relu(h @ enc_W2 + enc_b2)
    # gather neighbors: (B, N, K, d)
    neighbor_h = jax.vmap(lambda hb, ab: jnp.take(hb, ab, axis=0))(h, adj)
    # multi-head attention (nhead=1, dv=16)
    Q = (h @ Wa + ba).reshape(b, n, NHEAD, ATT)
    Kp = (neighbor_h @ Wn + bn).reshape(b, n, k, NHEAD, ATT)
    V = (neighbor_h @ Wv + bv).reshape(b, n, k, NHEAD, ATT)
    scores = jnp.einsum('bnhd,bnkhd->bnhk', Q, Kp) / (ATT ** 0.5)
    att = jax.nn.softmax(scores, axis=-1)
    out = jnp.einsum('bnhk,bnkhd->bnhd', att, V).reshape(b, n, NHEAD * ATT)
    out = jax.nn.relu(out @ Wo + bo)
    q_values = out @ qW + qb
    return (q_values, att)

if __name__ == "__main__":
    import jax
    _d = setup_inputs()
    print(jax.jit(kernel)(*tuple(_d.values())))

</pallas_src>

<mosaic_0001>
#map = affine_map<(d0, d1) -> (0, 0, 0)>
#map1 = affine_map<(d0, d1) -> (0, 0)>
module attributes {stable_mosaic.version = 14 : i64} {
  func.func @attn(%arg0: i32, %arg1: i32, %arg2: memref<1250x1x1024xi32, #tpu.memory_space<hbm>>, %arg3: memref<40000x16xf32, #tpu.memory_space<hbm>>, %arg4: memref<40000x32xf32, #tpu.memory_space<hbm>>, %arg5: memref<40000x32xf32, #tpu.memory_space<hbm>>, %arg6: memref<40000x16xf32, #tpu.memory_space<hbm>>, %arg7: memref<1x1024xi32, #tpu.memory_space<vmem>>, %arg8: memref<1x1024xi32, #tpu.memory_space<vmem>>, %arg9: memref<1024x32xf32, #tpu.memory_space<vmem>>, %arg10: memref<1024x32xf32, #tpu.memory_space<vmem>>, %arg11: memref<32x16xf32, #tpu.memory_space<vmem>>, %arg12: memref<32x16xf32, #tpu.memory_space<vmem>>, %arg13: memref<32x32xf32, #tpu.memory_space<vmem>>, %arg14: memref<32x32xf32, #tpu.memory_space<vmem>>, %arg15: memref<32x16xf32, #tpu.memory_space<vmem>>, %arg16: memref<32x16xf32, #tpu.memory_space<vmem>>, %arg17: memref<32x16xf32, #tpu.memory_space<vmem>>, %arg18: memref<!tpu.dma_semaphore, #tpu.memory_space<semaphore_mem>>, %arg19: memref<!tpu.dma_semaphore, #tpu.memory_space<semaphore_mem>>, %arg20: memref<!tpu.dma_semaphore, #tpu.memory_space<semaphore_mem>>, %arg21: memref<!tpu.dma_semaphore, #tpu.memory_space<semaphore_mem>>, %arg22: memref<!tpu.dma_semaphore, #tpu.memory_space<semaphore_mem>>) attributes {dimension_semantics = [#tpu.dimension_semantics<core_parallel>, #tpu.dimension_semantics<subcore_parallel>], iteration_bounds = array<i64: 2, 16>, scalar_prefetch = 0 : i64, scratch_operands = 16 : i64, tpu.core_type = #tpu.core_type<sc_vector_subcore>, window_params = [{transform_indices = #map}, {transform_indices = #map1}, {transform_indices = #map1}, {transform_indices = #map1}, {transform_indices = #map1}]} {
    %mul3A = arith.constant 2 : i32
    %mul3A_0 = arith.muli %arg1, %mul3A : i32
    %add3A = arith.addi %mul3A_0, %arg0 : i32
    %iota3A = tpu.iota {dimensions = array<i32: 0>} : vector<16xi32>
    %add3A_1 = arith.constant 0 : i32
    %add3A_2 = vector.broadcast %add3A_1 : i32 to vector<16xi32>
    %add3A_3 = arith.addi %add3A_2, %iota3A : vector<16xi32>
    %and3A = arith.constant 15 : i32
    %and3A_4 = vector.broadcast %and3A : i32 to vector<16xi32>
    %and3A_5 = arith.andi %add3A_3, %and3A_4 : vector<16xi32>
    %add3A_6 = arith.constant 1 : i32
    %add3A_7 = vector.broadcast %add3A_6 : i32 to vector<16xi32>
    %add3A_8 = arith.addi %add3A_7, %iota3A : vector<16xi32>
    %and3A_9 = arith.constant 15 : i32
    %and3A_10 = vector.broadcast %and3A_9 : i32 to vector<16xi32>
    %and3A_11 = arith.andi %add3A_8, %and3A_10 : vector<16xi32>
    %add3A_12 = arith.constant 2 : i32
    %add3A_13 = vector.broadcast %add3A_12 : i32 to vector<16xi32>
    %add3A_14 = arith.addi %add3A_13, %iota3A : vector<16xi32>
    %and3A_15 = arith.constant 15 : i32
    %and3A_16 = vector.broadcast %and3A_15 : i32 to vector<16xi32>
    %and3A_17 = arith.andi %add3A_14, %and3A_16 : vector<16xi32>
    %add3A_18 = arith.constant 3 : i32
    %add3A_19 = vector.broadcast %add3A_18 : i32 to vector<16xi32>
    %add3A_20 = arith.addi %add3A_19, %iota3A : vector<16xi32>
    %and3A_21 = arith.constant 15 : i32
    %and3A_22 = vector.broadcast %and3A_21 : i32 to vector<16xi32>
    %and3A_23 = arith.andi %add3A_20, %and3A_22 : vector<16xi32>
    %add3A_24 = arith.constant 4 : i32
    %add3A_25 = vector.broadcast %add3A_24 : i32 to vector<16xi32>
    %add3A_26 = arith.addi %add3A_25, %iota3A : vector<16xi32>
    %and3A_27 = arith.constant 15 : i32
    %and3A_28 = vector.broadcast %and3A_27 : i32 to vector<16xi32>
    %and3A_29 = arith.andi %add3A_26, %and3A_28 : vector<16xi32>
    %add3A_30 = arith.constant 5 : i32
    %add3A_31 = vector.broadcast %add3A_30 : i32 to vector<16xi32>
    %add3A_32 = arith.addi %add3A_31, %iota3A : vector<16xi32>
    %and3A_33 = arith.constant 15 : i32
    %and3A_34 = vector.broadcast %and3A_33 : i32 to vector<16xi32>
    %and3A_35 = arith.andi %add3A_32, %and3A_34 : vector<16xi32>
    %add3A_36 = arith.constant 6 : i32
    %add3A_37 = vector.broadcast %add3A_36 : i32 to vector<16xi32>
    %add3A_38 = arith.addi %add3A_37, %iota3A : vector<16xi32>
    %and3A_39 = arith.constant 15 : i32
    %and3A_40 = vector.broadcast %and3A_39 : i32 to vector<16xi32>
    %and3A_41 = arith.andi %add3A_38, %and3A_40 : vector<16xi32>
    %add3A_42 = arith.constant 7 : i32
    %add3A_43 = vector.broadcast %add3A_42 : i32 to vector<16xi32>
    %add3A_44 = arith.addi %add3A_43, %iota3A : vector<16xi32>
    %and3A_45 = arith.constant 15 : i32
    %and3A_46 = vector.broadcast %and3A_45 : i32 to vector<16xi32>
    %and3A_47 = arith.andi %add3A_44, %and3A_46 : vector<16xi32>
    %add3A_48 = arith.constant 8 : i32
    %add3A_49 = vector.broadcast %add3A_48 : i32 to vector<16xi32>
    %add3A_50 = arith.addi %add3A_49, %iota3A : vector<16xi32>
    %and3A_51 = arith.constant 15 : i32
    %and3A_52 = vector.broadcast %and3A_51 : i32 to vector<16xi32>
    %and3A_53 = arith.andi %add3A_50, %and3A_52 : vector<16xi32>
    %add3A_54 = arith.constant 9 : i32
    %add3A_55 = vector.broadcast %add3A_54 : i32 to vector<16xi32>
    %add3A_56 = arith.addi %add3A_55, %iota3A : vector<16xi32>
    %and3A_57 = arith.constant 15 : i32
    %and3A_58 = vector.broadcast %and3A_57 : i32 to vector<16xi32>
    %and3A_59 = arith.andi %add3A_56, %and3A_58 : vector<16xi32>
    %add3A_60 = arith.constant 10 : i32
    %add3A_61 = vector.broadcast %add3A_60 : i32 to vector<16xi32>
    %add3A_62 = arith.addi %add3A_61, %iota3A : vector<16xi32>
    %and3A_63 = arith.constant 15 : i32
    %and3A_64 = vector.broadcast %and3A_63 : i32 to vector<16xi32>
    %and3A_65 = arith.andi %add3A_62, %and3A_64 : vector<16xi32>
    %add3A_66 = arith.constant 11 : i32
    %add3A_67 = vector.broadcast %add3A_66 : i32 to vector<16xi32>
    %add3A_68 = arith.addi %add3A_67, %iota3A : vector<16xi32>
    %and3A_69 = arith.constant 15 : i32
    %and3A_70 = vector.broadcast %and3A_69 : i32 to vector<16xi32>
    %and3A_71 = arith.andi %add3A_68, %and3A_70 : vector<16xi32>
    %add3A_72 = arith.constant 12 : i32
    %add3A_73 = vector.broadcast %add3A_72 : i32 to vector<16xi32>
    %add3A_74 = arith.addi %add3A_73, %iota3A : vector<16xi32>
    %and3A_75 = arith.constant 15 : i32
    %and3A_76 = vector.broadcast %and3A_75 : i32 to vector<16xi32>
    %and3A_77 = arith.andi %add3A_74, %and3A_76 : vector<16xi32>
    %add3A_78 = arith.constant 13 : i32
    %add3A_79 = vector.broadcast %add3A_78 : i32 to vector<16xi32>
    %add3A_80 = arith.addi %add3A_79, %iota3A : vector<16xi32>
    %and3A_81 = arith.constant 15 : i32
    %and3A_82 = vector.broadcast %and3A_81 : i32 to vector<16xi32>
    %and3A_83 = arith.andi %add3A_80, %and3A_82 : vector<16xi32>
    %add3A_84 = arith.constant 14 : i32
    %add3A_85 = vector.broadcast %add3A_84 : i32 to vector<16xi32>
    %add3A_86 = arith.addi %add3A_85, %iota3A : vector<16xi32>
    %and3A_87 = arith.constant 15 : i32
    %and3A_88 = vector.broadcast %and3A_87 : i32 to vector<16xi32>
    %and3A_89 = arith.andi %add3A_86, %and3A_88 : vector<16xi32>
    %add3A_90 = arith.constant 15 : i32
    %add3A_91 = vector.broadcast %add3A_90 : i32 to vector<16xi32>
    %add3A_92 = arith.addi %add3A_91, %iota3A : vector<16xi32>
    %and3A_93 = arith.constant 15 : i32
    %and3A_94 = vector.broadcast %and3A_93 : i32 to vector<16xi32>
    %and3A_95 = arith.andi %add3A_92, %and3A_94 : vector<16xi32>
    %add3A_96 = arith.constant 16 : i32
    %add3A_97 = vector.broadcast %add3A_96 : i32 to vector<16xi32>
    %add3A_98 = arith.addi %and3A_5, %add3A_97 : vector<16xi32>
    %add3A_99 = arith.constant 16 : i32
    %add3A_100 = vector.broadcast %add3A_99 : i32 to vector<16xi32>
    %add3A_101 = arith.addi %and3A_11, %add3A_100 : vector<16xi32>
    %add3A_102 = arith.constant 16 : i32
    %add3A_103 = vector.broadcast %add3A_102 : i32 to vector<16xi32>
    %add3A_104 = arith.addi %and3A_17, %add3A_103 : vector<16xi32>
    %add3A_105 = arith.constant 16 : i32
    %add3A_106 = vector.broadcast %add3A_105 : i32 to vector<16xi32>
    %add3A_107 = arith.addi %and3A_23, %add3A_106 : vector<16xi32>
    %add3A_108 = arith.constant 16 : i32
    %add3A_109 = vector.broadcast %add3A_108 : i32 to vector<16xi32>
    %add3A_110 = arith.addi %and3A_29, %add3A_109 : vector<16xi32>
    %add3A_111 = arith.constant 16 : i32
    %add3A_112 = vector.broadcast %add3A_111 : i32 to vector<16xi32>
    %add3A_113 = arith.addi %and3A_35, %add3A_112 : vector<16xi32>
    %add3A_114 = arith.constant 16 : i32
    %add3A_115 = vector.broadcast %add3A_114 : i32 to vector<16xi32>
    %add3A_116 = arith.addi %and3A_41, %add3A_115 : vector<16xi32>
    %add3A_117 = arith.constant 16 : i32
    %add3A_118 = vector.broadcast %add3A_117 : i32 to vector<16xi32>
    %add3A_119 = arith.addi %and3A_47, %add3A_118 : vector<16xi32>
    %add3A_120 = arith.constant 16 : i32
    %add3A_121 = vector.broadcast %add3A_120 : i32 to vector<16xi32>
    %add3A_122 = arith.addi %and3A_53, %add3A_121 : vector<16xi32>
    %add3A_123 = arith.constant 16 : i32
    %add3A_124 = vector.broadcast %add3A_123 : i32 to vector<16xi32>
    %add3A_125 = arith.addi %and3A_59, %add3A_124 : vector<16xi32>
    %add3A_126 = arith.constant 16 : i32
    %add3A_127 = vector.broadcast %add3A_126 : i32 to vector<16xi32>
    %add3A_128 = arith.addi %and3A_65, %add3A_127 : vector<16xi32>
    %add3A_129 = arith.constant 16 : i32
    %add3A_130 = vector.broadcast %add3A_129 : i32 to vector<16xi32>
    %add3A_131 = arith.addi %and3A_71, %add3A_130 : vector<16xi32>
    %add3A_132 = arith.constant 16 : i32
    %add3A_133 = vector.broadcast %add3A_132 : i32 to vector<16xi32>
    %add3A_134 = arith.addi %and3A_77, %add3A_133 : vector<16xi32>
    %add3A_135 = arith.constant 16 : i32
    %add3A_136 = vector.broadcast %add3A_135 : i32 to vector<16xi32>
    %add3A_137 = arith.addi %and3A_83, %add3A_136 : vector<16xi32>
    %add3A_138 = arith.constant 16 : i32
    %add3A_139 = vector.broadcast %add3A_138 : i32 to vector<16xi32>
    %add3A_140 = arith.addi %and3A_89, %add3A_139 : vector<16xi32>
    %add3A_141 = arith.constant 16 : i32
    %add3A_142 = vector.broadcast %add3A_141 : i32 to vector<16xi32>
    %add3A_143 = arith.addi %and3A_95, %add3A_142 : vector<16xi32>
    %add3A_144 = arith.constant 0 : i32
    %add3A_145 = arith.addi %add3A_144, %add3A : i32
    %dma_start3A = arith.constant 0 : i32
    %dma_start3A_146 = arith.constant 0 : i32
    %dma_start3A_147 = tpu.memref_slice %arg2[%add3A_145, %dma_start3A, %dma_start3A_146] : memref<1250x1x1024xi32, #tpu.memory_space<hbm>> -> memref<1x1x1024xi32, #tpu.memory_space<hbm>>
    %dma_start3A_148 = tpu.memref_squeeze %dma_start3A_147 : memref<1x1x1024xi32, #tpu.memory_space<hbm>> -> memref<1x1024xi32, #tpu.memory_space<hbm>>
    %dma_start3A_149 = arith.constant 0 : i32
    %dma_start3A_150 = arith.constant 0 : i32
    %dma_start3A_151 = tpu.memref_slice %arg2[%add3A_145, %dma_start3A_149, %dma_start3A_150] : memref<1250x1x1024xi32, #tpu.memory_space<hbm>> -> memref<1x1x1024xi32, #tpu.memory_space<hbm>>
    %dma_start3A_152 = tpu.memref_squeeze %dma_start3A_151 : memref<1x1x1024xi32, #tpu.memory_space<hbm>> -> memref<1x1024xi32, #tpu.memory_space<hbm>>
    tpu.enqueue_dma source(%dma_start3A_152 : memref<1x1024xi32, #tpu.memory_space<hbm>>) target(%arg7 : memref<1x1024xi32, #tpu.memory_space<vmem>>) target_semaphore(%arg19 : memref<!tpu.dma_semaphore, #tpu.memory_space<semaphore_mem>>)
    %mul3A_153 = arith.constant 32 : i32
    %mul3A_154 = arith.muli %add3A_145, %mul3A_153 : i32
    %dma_start3A_155 = arith.constant 0 : i32
    %dma_start3A_156 = tpu.memref_slice %arg3[%mul3A_154, %dma_start3A_155] : memref<40000x16xf32, #tpu.memory_space<hbm>> -> memref<32x16xf32, #tpu.memory_space<hbm>>
    %dma_start3A_157 = arith.constant 0 : i32
    %dma_start3A_158 = tpu.memref_slice %arg3[%mul3A_154, %dma_start3A_157] : memref<40000x16xf32, #tpu.memory_space<hbm>> -> memref<32x16xf32, #tpu.memory_space<hbm>>
    tpu.enqueue_dma source(%dma_start3A_158 : memref<32x16xf32, #tpu.memory_space<hbm>>) target(%arg11 : memref<32x16xf32, #tpu.memory_space<vmem>>) target_semaphore(%arg19 : memref<!tpu.dma_semaphore, #tpu.memory_space<semaphore_mem>>)
    %dma_wait3A = arith.constant 0 : i32
    %dma_wait3A_159 = arith.constant 0 : i32
    %dma_wait3A_160 = arith.constant 0 : i32
    %dma_wait3A_161 = tpu.memref_slice %arg2[%dma_wait3A, %dma_wait3A_159, %dma_wait3A_160] : memref<1250x1x1024xi32, #tpu.memory_space<hbm>> -> memref<1x1x1024xi32, #tpu.memory_space<hbm>>
    %dma_wait3A_162 = tpu.memref_squeeze %dma_wait3A_161 : memref<1x1x1024xi32, #tpu.memory_space<hbm>> -> memref<1x1024xi32, #tpu.memory_space<hbm>>
    %dma_wait3A_163 = arith.constant 0 : i32
    %dma_wait3A_164 = arith.constant 0 : i32
    %dma_wait3A_165 = tpu.memref_slice %arg2[%dma_wait3A, %dma_wait3A_163, %dma_wait3A_164] : memref<1250x1x1024xi32, #tpu.memory_space<hbm>> -> memref<1x1x1024xi32, #tpu.memory_space<hbm>>
    %dma_wait3A_166 = tpu.memref_squeeze %dma_wait3A_165 : memref<1x1x1024xi32, #tpu.memory_space<hbm>> -> memref<1x1024xi32, #tpu.memory_space<hbm>>
    tpu.wait_dma2 semaphore(%arg19 : memref<!tpu.dma_semaphore, #tpu.memory_space<semaphore_mem>>) src(%dma_wait3A_166 : memref<1x1024xi32, #tpu.memory_space<hbm>>) dst(%arg7 : memref<1x1024xi32, #tpu.memory_space<vmem>>)
    %dma_wait3A_167 = arith.constant 0 : i32
    %dma_wait3A_168 = arith.constant 0 : i32
    %dma_wait3A_169 = tpu.memref_slice %arg3[%dma_wait3A_167, %dma_wait3A_168] : memref<40000x16xf32, #tpu.memory_space<hbm>> -> memref<32x16xf32, #tpu.memory_space<hbm>>
    %dma_wait3A_170 = arith.constant 0 : i32
    %dma_wait3A_171 = arith.constant 0 : i32
    %dma_wait3A_172 = tpu.memref_slice %arg3[%dma_wait3A_170, %dma_wait3A_171] : memref<40000x16xf32, #tpu.memory_space<hbm>> -> memref<32x16xf32, #tpu.memory_space<hbm>>
    tpu.wait_dma2 semaphore(%arg19 : memref<!tpu.dma_semaphore, #tpu.memory_space<semaphore_mem>>) src(%dma_wait3A_172 : memref<32x16xf32, #tpu.memory_space<hbm>>) dst(%arg11 : memref<32x16xf32, #tpu.memory_space<vmem>>)
    %dma_start3A_173 = arith.constant 0 : i32
    %dma_start3A_174 = arith.constant 0 : i32
    %dma_start3A_175 = arith.constant 0 : i32
    %dma_start3A_176 = tpu.memref_slice %arg9[%dma_start3A_174, %dma_start3A_175] : memref<1024x32xf32, #tpu.memory_space<vmem>> -> memref<1024x32xf32, #tpu.memory_space<vmem>>
    %dma_start3A_177 = arith.constant 0 : i32
    %dma_start3A_178 = tpu.memref_slice %arg7[%dma_start3A_173, %dma_start3A_177] : memref<1x1024xi32, #tpu.memory_space<vmem>> -> memref<1x1024xi32, #tpu.memory_space<vmem>>
    %dma_start3A_179 = tpu.memref_squeeze %dma_start3A_178 : memref<1x1024xi32, #tpu.memory_space<vmem>> -> memref<1024xi32, #tpu.memory_space<vmem>>
    %dma_start3A_180 = arith.constant 0 : i32
    %dma_start3A_181 = arith.constant 0 : i32
    %dma_start3A_182 = tpu.memref_slice %arg4[%dma_start3A_180, %dma_start3A_181] : memref<40000x32xf32, #tpu.memory_space<hbm>> -> memref<40000x32xf32, #tpu.memory_space<hbm>>
    tpu.enqueue_indirect_dma source(%dma_start3A_182 : memref<40000x32xf32, #tpu.memory_space<hbm>>) target(%dma_start3A_176 : memref<1024x32xf32, #tpu.memory_space<vmem>>) offsets(%dma_start3A_179 : memref<1024xi32, #tpu.memory_space<vmem>>) semaphore(%arg18 : memref<!tpu.dma_semaphore, #tpu.memory_space<semaphore_mem>>)
    %add3A_183 = arith.constant 32 : i32
    %add3A_184 = arith.addi %add3A_183, %add3A : i32
    %dma_start3A_185 = arith.constant 0 : i32
    %dma_start3A_186 = arith.constant 0 : i32
    %dma_start3A_187 = tpu.memref_slice %arg2[%add3A_184, %dma_start3A_185, %dma_start3A_186] : memref<1250x1x1024xi32, #tpu.memory_space<hbm>> -> memref<1x1x1024xi32, #tpu.memory_space<hbm>>
    %dma_start3A_188 = tpu.memref_squeeze %dma_start3A_187 : memref<1x1x1024xi32, #tpu.memory_space<hbm>> -> memref<1x1024xi32, #tpu.memory_space<hbm>>
    %dma_start3A_189 = arith.constant 0 : i32
    %dma_start3A_190 = arith.constant 0 : i32
    %dma_start3A_191 = tpu.memref_slice %arg2[%add3A_184, %dma_start3A_189, %dma_start3A_190] : memref<1250x1x1024xi32, #tpu.memory_space<hbm>> -> memref<1x1x1024xi32, #tpu.memory_space<hbm>>
    %dma_start3A_192 = tpu.memref_squeeze %dma_start3A_191 : memref<1x1x1024xi32, #tpu.memory_space<hbm>> -> memref<1x1024xi32, #tpu.memory_space<hbm>>
    tpu.enqueue_dma source(%dma_start3A_192 : memref<1x1024xi32, #tpu.memory_space<hbm>>) target(%arg8 : memref<1x1024xi32, #tpu.memory_space<vmem>>) target_semaphore(%arg20 : memref<!tpu.dma_semaphore, #tpu.memory_space<semaphore_mem>>)
    %mul3A_193 = arith.constant 32 : i32
    %mul3A_194 = arith.muli %add3A_184, %mul3A_193 : i32
    %dma_start3A_195 = arith.constant 0 : i32
    %dma_start3A_196 = tpu.memref_slice %arg3[%mul3A_194, %dma_start3A_195] : memref<40000x16xf32, #tpu.memory_space<hbm>> -> memref<32x16xf32, #tpu.memory_space<hbm>>
    %dma_start3A_197 = arith.constant 0 : i32
    %dma_start3A_198 = tpu.memref_slice %arg3[%mul3A_194, %dma_start3A_197] : memref<40000x16xf32, #tpu.memory_space<hbm>> -> memref<32x16xf32, #tpu.memory_space<hbm>>
    tpu.enqueue_dma source(%dma_start3A_198 : memref<32x16xf32, #tpu.memory_space<hbm>>) target(%arg12 : memref<32x16xf32, #tpu.memory_space<vmem>>) target_semaphore(%arg20 : memref<!tpu.dma_semaphore, #tpu.memory_space<semaphore_mem>>)
    %scan3A = arith.constant 0 : i32
    %scan3A_199 = arith.constant 0 : i32
    %scan3A_200 = arith.constant 20 : i32
    %scan3A_201 = arith.addi %scan3A_199, %scan3A_200 : i32
    %scan3A_202 = arith.constant 1 : i32
    scf.for %scan3A_228 = %scan3A_199 to %scan3A_201 step %scan3A_202  : i32 {
      %mul3A_229 = arith.constant 2 : i32
      %mul3A_230 = arith.muli %scan3A_228, %mul3A_229 : i32
      %add3A_231 = arith.constant 0 : i32
      %add3A_232 = arith.addi %mul3A_230, %add3A_231 : i32
      %mul3A_233 = arith.constant 32 : i32
      %mul3A_234 = arith.muli %add3A_232, %mul3A_233 : i32
      %add3A_235 = arith.addi %mul3A_234, %add3A : i32
      %lt3A = arith.constant 1250 : i32
      %lt3A_236 = arith.cmpi slt, %add3A_235, %lt3A : i32
      %convert_element_type3A = arith.extui %lt3A_236 : i1 to i32
      %cond3A = arith.constant 0 : i32
      %cond3A_237 = arith.cmpi ne, %convert_element_type3A, %cond3A : i32
      scf.if %cond3A_237 {
        %dma_wait3A_307 = arith.constant 0 : i32
        %dma_wait3A_308 = arith.constant 0 : i32
        %dma_wait3A_309 = arith.constant 0 : i32
        %dma_wait3A_310 = tpu.memref_slice %arg9[%dma_wait3A_308, %dma_wait3A_309] : memref<1024x32xf32, #tpu.memory_space<vmem>> -> memref<1024x32xf32, #tpu.memory_space<vmem>>
        %dma_wait3A_311 = arith.constant 0 : i32
        %dma_wait3A_312 = tpu.memref_slice %arg7[%dma_wait3A_307, %dma_wait3A_311] : memref<1x1024xi32, #tpu.memory_space<vmem>> -> memref<1x1024xi32, #tpu.memory_space<vmem>>
        %dma_wait3A_313 = tpu.memref_squeeze %dma_wait3A_312 : memref<1x1024xi32, #tpu.memory_space<vmem>> -> memref<1024xi32, #tpu.memory_space<vmem>>
        %dma_wait3A_314 = arith.constant 0 : i32
        %dma_wait3A_315 = arith.constant 0 : i32
        %dma_wait3A_316 = tpu.memref_slice %arg4[%dma_wait3A_314, %dma_wait3A_315] : memref<40000x32xf32, #tpu.memory_space<hbm>> -> memref<40000x32xf32, #tpu.memory_space<hbm>>
        tpu.wait_indirect_dma semaphore(%arg18 : memref<!tpu.dma_semaphore, #tpu.memory_space<semaphore_mem>>) src(%dma_wait3A_316 : memref<40000x32xf32, #tpu.memory_space<hbm>>) dst(%dma_wait3A_310 : memref<1024x32xf32, #tpu.memory_space<vmem>>)
      } else {
      }
      %add3A_238 = arith.constant 1 : i32
      %add3A_239 = arith.addi %add3A_232, %add3A_238 : i32
      %mul3A_240 = arith.constant 32 : i32
      %mul3A_241 = arith.muli %add3A_239, %mul3A_240 : i32
      %add3A_242 = arith.addi %mul3A_241, %add3A : i32
      %lt3A_243 = arith.constant 1250 : i32
      %lt3A_244 = arith.cmpi slt, %add3A_242, %lt3A_243 : i32
      %convert_element_type3A_245 = arith.extui %lt3A_244 : i1 to i32
      %cond3A_246 = arith.constant 0 : i32
      %cond3A_247 = arith.cmpi ne, %convert_element_type3A_245, %cond3A_246 : i32
      scf.if %cond3A_247 {
        %dma_wait3A_307 = arith.constant 0 : i32
        %dma_wait3A_308 = arith.constant 0 : i32
        %dma_wait3A_309 = arith.constant 0 : i32
        %dma_wait3A_310 = tpu.memref_slice %arg2[%dma_wait3A_307, %dma_wait3A_308, %dma_wait3A_309] : memref<1250x1x1024xi32, #tpu.memory_space<hbm>> -> memref<1x1x1024xi32, #tpu.memory_space<hbm>>
        %dma_wait3A_311 = tpu.memref_squeeze %dma_wait3A_310 : memref<1x1x1024xi32, #tpu.memory_space<hbm>> -> memref<1x1024xi32, #tpu.memory_space<hbm>>
        %dma_wait3A_312 = arith.constant 0 : i32
        %dma_wait3A_313 = arith.constant 0 : i32
        %dma_wait3A_314 = tpu.memref_slice %arg2[%dma_wait3A_307, %dma_wait3A_312, %dma_wait3A_313] : memref<1250x1x1024xi32, #tpu.memory_space<hbm>> -> memref<1x1x1024xi32, #tpu.memory_space<hbm>>
        %dma_wait3A_315 = tpu.memref_squeeze %dma_wait3A_314 : memref<1x1x1024xi32, #tpu.memory_space<hbm>> -> memref<1x1024xi32, #tpu.memory_space<hbm>>
        tpu.wait_dma2 semaphore(%arg20 : memref<!tpu.dma_semaphore, #tpu.memory_space<semaphore_mem>>) src(%dma_wait3A_315 : memref<1x1024xi32, #tpu.memory_space<hbm>>) dst(%arg8 : memref<1x1024xi32, #tpu.memory_space<vmem>>)
        %dma_wait3A_316 = arith.constant 0 : i32
        %dma_wait3A_317 = arith.constant 0 : i32
        %dma_wait3A_318 = tpu.memref_slice %arg3[%dma_wait3A_316, %dma_wait3A_317] : memref<40000x16xf32, #tpu.memory_space<hbm>> -> memref<32x16xf32, #tpu.memory_space<hbm>>
        %dma_wait3A_319 = arith.constant 0 : i32
        %dma_wait3A_320 = arith.constant 0 : i32
        %dma_wait3A_321 = tpu.memref_slice %arg3[%dma_wait3A_319, %dma_wait3A_320] : memref<40000x16xf32, #tpu.memory_space<hbm>> -> memref<32x16xf32, #tpu.memory_space<hbm>>
        tpu.wait_dma2 semaphore(%arg20 : memref<!tpu.dma_semaphore, #tpu.memory_space<semaphore_mem>>) src(%dma_wait3A_321 : memref<32x16xf32, #tpu.memory_space<hbm>>) dst(%arg12 : memref<32x16xf32, #tpu.memory_space<vmem>>)
        %dma_start3A_322 = arith.constant 0 : i32
        %dma_start3A_323 = arith.constant 0 : i32
        %dma_start3A_324 = arith.constant 0 : i32
        %dma_start3A_325 = tpu.memref_slice %arg10[%dma_start3A_323, %dma_start3A_324] : memref<1024x32xf32, #tpu.memory_space<vmem>> -> memref<1024x32xf32, #tpu.memory_space<vmem>>
        %dma_start3A_326 = arith.constant 0 : i32
        %dma_start3A_327 = tpu.memref_slice %arg8[%dma_start3A_322, %dma_start3A_326] : memref<1x1024xi32, #tpu.memory_space<vmem>> -> memref<1x1024xi32, #tpu.memory_space<vmem>>
        %dma_start3A_328 = tpu.memref_squeeze %dma_start3A_327 : memref<1x1024xi32, #tpu.memory_space<vmem>> -> memref<1024xi32, #tpu.memory_space<vmem>>
        %dma_start3A_329 = arith.constant 0 : i32
        %dma_start3A_330 = arith.constant 0 : i32
        %dma_start3A_331 = tpu.memref_slice %arg4[%dma_start3A_329, %dma_start3A_330] : memref<40000x32xf32, #tpu.memory_space<hbm>> -> memref<40000x32xf32, #tpu.memory_space<hbm>>
        tpu.enqueue_indirect_dma source(%dma_start3A_331 : memref<40000x32xf32, #tpu.memory_space<hbm>>) target(%dma_start3A_325 : memref<1024x32xf32, #tpu.memory_space<vmem>>) offsets(%dma_start3A_328 : memref<1024xi32, #tpu.memory_space<vmem>>) semaphore(%arg18 : memref<!tpu.dma_semaphore, #tpu.memory_space<semaphore_mem>>)
      } else {
      }
      %ge3A = arith.constant 2 : i32
      %ge3A_248 = arith.cmpi sge, %add3A_232, %ge3A : i32
      %and3A_249 = arith.andi %lt3A_236, %ge3A_248 : i1
      %convert_element_type3A_250 = arith.extui %and3A_249 : i1 to i32
      %cond3A_251 = arith.constant 0 : i32
      %cond3A_252 = arith.cmpi ne, %convert_element_type3A_250, %cond3A_251 : i32
      scf.if %cond3A_252 {
        %dma_wait3A_307 = arith.constant 0 : i32
        %dma_wait3A_308 = arith.constant 0 : i32
        %dma_wait3A_309 = tpu.memref_slice %arg5[%dma_wait3A_307, %dma_wait3A_308] : memref<40000x32xf32, #tpu.memory_space<hbm>> -> memref<32x32xf32, #tpu.memory_space<hbm>>
        %dma_wait3A_310 = arith.constant 0 : i32
        %dma_wait3A_311 = arith.constant 0 : i32
        %dma_wait3A_312 = tpu.memref_slice %arg5[%dma_wait3A_310, %dma_wait3A_311] : memref<40000x32xf32, #tpu.memory_space<hbm>> -> memref<32x32xf32, #tpu.memory_space<hbm>>
        tpu.wait_dma2 semaphore(%arg21 : memref<!tpu.dma_semaphore, #tpu.memory_space<semaphore_mem>>) src(%arg13 : memref<32x32xf32, #tpu.memory_space<vmem>>) dst(%dma_wait3A_312 : memref<32x32xf32, #tpu.memory_space<hbm>>)
        %dma_wait3A_313 = arith.constant 0 : i32
        %dma_wait3A_314 = arith.constant 0 : i32
        %dma_wait3A_315 = tpu.memref_slice %arg6[%dma_wait3A_313, %dma_wait3A_314] : memref<40000x16xf32, #tpu.memory_space<hbm>> -> memref<32x16xf32, #tpu.memory_space<hbm>>
        %dma_wait3A_316 = arith.constant 0 : i32
        %dma_wait3A_317 = arith.constant 0 : i32
        %dma_wait3A_318 = tpu.memref_slice %arg6[%dma_wait3A_316, %dma_wait3A_317] : memref<40000x16xf32, #tpu.memory_space<hbm>> -> memref<32x16xf32, #tpu.memory_space<hbm>>
        tpu.wait_dma2 semaphore(%arg21 : memref<!tpu.dma_semaphore, #tpu.memory_space<semaphore_mem>>) src(%arg15 : memref<32x16xf32, #tpu.memory_space<vmem>>) dst(%dma_wait3A_318 : memref<32x16xf32, #tpu.memory_space<hbm>>)
      } else {
      }
      %convert_element_type3A_253 = arith.extui %lt3A_236 : i1 to i32
      %cond3A_254 = arith.constant 0 : i32
      %cond3A_255 = arith.cmpi ne, %convert_element_type3A_253, %cond3A_254 : i32
      scf.if %cond3A_255 {
        %broadcast_in_dim3A = arith.constant 0.000000e+00 : f32
        %broadcast_in_dim3A_307 = vector.broadcast %broadcast_in_dim3A : f32 to vector<16xf32>
        %add3A_308 = arith.constant 0 : i32
        %add3A_309 = vector.broadcast %add3A_308 : i32 to vector<16xi32>
        %add3A_310 = arith.addi %add3A_309, %iota3A : vector<16xi32>
        %mul3A_311 = arith.constant 32 : i32
        %mul3A_312 = vector.broadcast %mul3A_311 : i32 to vector<16xi32>
        %mul3A_313 = arith.muli %add3A_310, %mul3A_312 : vector<16xi32>
        %gather3A = tpu.vector_load_idx %arg11[%add3A_310, %and3A_5] : memref<32x16xf32, #tpu.memory_space<vmem>>[vector<16xi32>, vector<16xi32>], vector<16xf32>,
        %gather3A_314 = tpu.vector_load_idx %arg11[%add3A_310, %and3A_11] : memref<32x16xf32, #tpu.memory_space<vmem>>[vector<16xi32>, vector<16xi32>], vector<16xf32>,
        %gather3A_315 = tpu.vector_load_idx %arg11[%add3A_310, %and3A_17] : memref<32x16xf32, #tpu.memory_space<vmem>>[vector<16xi32>, vector<16xi32>], vector<16xf32>,
        %gather3A_316 = tpu.vector_load_idx %arg11[%add3A_310, %and3A_23] : memref<32x16xf32, #tpu.memory_space<vmem>>[vector<16xi32>, vector<16xi32>], vector<16xf32>,
        %gather3A_317 = tpu.vector_load_idx %arg11[%add3A_310, %and3A_29] : memref<32x16xf32, #tpu.memory_space<vmem>>[vector<16xi32>, vector<16xi32>], vector<16xf32>,
        %gather3A_318 = tpu.vector_load_idx %arg11[%add3A_310, %and3A_35] : memref<32x16xf32, #tpu.memory_space<vmem>>[vector<16xi32>, vector<16xi32>], vector<16xf32>,
        %gather3A_319 = tpu.vector_load_idx %arg11[%add3A_310, %and3A_41] : memref<32x16xf32, #tpu.memory_space<vmem>>[vector<16xi32>, vector<16xi32>], vector<16xf32>,
        %gather3A_320 = tpu.vector_load_idx %arg11[%add3A_310, %and3A_47] : memref<32x16xf32, #tpu.memory_space<vmem>>[vector<16xi32>, vector<16xi32>], vector<16xf32>,
        %gather3A_321 = tpu.vector_load_idx %arg11[%add3A_310, %and3A_53] : memref<32x16xf32, #tpu.memory_space<vmem>>[vector<16xi32>, vector<16xi32>], vector<16xf32>,
        %gather3A_322 = tpu.vector_load_idx %arg11[%add3A_310, %and3A_59] : memref<32x16xf32, #tpu.memory_space<vmem>>[vector<16xi32>, vector<16xi32>], vector<16xf32>,
        %gather3A_323 = tpu.vector_load_idx %arg11[%add3A_310, %and3A_65] : memref<32x16xf32, #tpu.memory_space<vmem>>[vector<16xi32>, vector<16xi32>], vector<16xf32>,
        %gather3A_324 = tpu.vector_load_idx %arg11[%add3A_310, %and3A_71] : memref<32x16xf32, #tpu.memory_space<vmem>>[vector<16xi32>, vector<16xi32>], vector<16xf32>,
        %gather3A_325 = tpu.vector_load_idx %arg11[%add3A_310, %and3A_77] : memref<32x16xf32, #tpu.memory_space<vmem>>[vector<16xi32>, vector<16xi32>], vector<16xf32>,
        %gather3A_326 = tpu.vector_load_idx %arg11[%add3A_310, %and3A_83] : memref<32x16xf32, #tpu.memory_space<vmem>>[vector<16xi32>, vector<16xi32>], vector<16xf32>,
        %gather3A_327 = tpu.vector_load_idx %arg11[%add3A_310, %and3A_89] : memref<32x16xf32, #tpu.memory_space<vmem>>[vector<16xi32>, vector<16xi32>], vector<16xf32>,
        %gather3A_328 = tpu.vector_load_idx %arg11[%add3A_310, %and3A_95] : memref<32x16xf32, #tpu.memory_space<vmem>>[vector<16xi32>, vector<16xi32>], vector<16xf32>,
        %scan3A_329 = arith.constant 0 : i32
        %scan3A_330 = arith.constant 32 : i32
        %scan3A_331 = arith.addi %scan3A_329, %scan3A_330 : i32
        %scan3A_332 = arith.constant 2 : i32
        %scan3A_333 = scf.for %scan3A_402 = %scan3A_329 to %scan3A_331 step %scan3A_332 iter_args(%scan3A_403 = %broadcast_in_dim3A_307) -> (vector<16xf32>)  : i32 {
          %add3A_404 = vector.broadcast %scan3A_402 : i32 to vector<16xi32>
          %add3A_405 = arith.addi %mul3A_313, %add3A_404 : vector<16xi32>
          %gather3A_406 = tpu.vector_load_idx %arg9[%add3A_405, %and3A_5] : memref<1024x32xf32, #tpu.memory_space<vmem>>[vector<16xi32>, vector<16xi32>], vector<16xf32>,
          %mul3A_407 = arith.mulf %gather3A, %gather3A_406 : vector<16xf32>
          %add3A_408 = arith.addf %broadcast_in_dim3A_307, %mul3A_407 : vector<16xf32>
          %gather3A_409 = tpu.vector_load_idx %arg9[%add3A_405, %and3A_11] : memref<1024x32xf32, #tpu.memory_space<vmem>>[vector<16xi32>, vector<16xi32>], vector<16xf32>,
          %mul3A_410 = arith.mulf %gather3A_314, %gather3A_409 : vector<16xf32>
          %add3A_411 = arith.addf %broadcast_in_dim3A_307, %mul3A_410 : vector<16xf32>
          %gather3A_412 = tpu.vector_load_idx %arg9[%add3A_405, %and3A_17] : memref<1024x32xf32, #tpu.memory_space<vmem>>[vector<16xi32>, vector<16xi32>], vector<16xf32>,
          %mul3A_413 = arith.mulf %gather3A_315, %gather3A_412 : vector<16xf32>
          %add3A_414 = arith.addf %add3A_408, %mul3A_413 : vector<16xf32>
          %gather3A_415 = tpu.vector_load_idx %arg9[%add3A_405, %and3A_23] : memref<1024x32xf32, #tpu.memory_space<vmem>>[vector<16xi32>, vector<16xi32>], vector<16xf32>,
          %mul3A_416 = arith.mulf %gather3A_316, %gather3A_415 : vector<16xf32>
          %add3A_417 = arith.addf %add3A_411, %mul3A_416 : vector<16xf32>
          %gather3A_418 = tpu.vector_load_idx %arg9[%add3A_405, %and3A_29] : memref<1024x32xf32, #tpu.memory_space<vmem>>[vector<16xi32>, vector<16xi32>], vector<16xf32>,
          %mul3A_419 = arith.mulf %gather3A_317, %gather3A_418 : vector<16xf32>
          %add3A_420 = arith.addf %add3A_414, %mul3A_419 : vector<16xf32>
          %gather3A_421 = tpu.vector_load_idx %arg9[%add3A_405, %and3A_35] : memref<1024x32xf32, #tpu.memory_space<vmem>>[vector<16xi32>, vector<16xi32>], vector<16xf32>,
          %mul3A_422 = arith.mulf %gather3A_318, %gather3A_421 : vector<16xf32>
          %add3A_423 = arith.addf %add3A_417, %mul3A_422 : vector<16xf32>
          %gather3A_424 = tpu.vector_load_idx %arg9[%add3A_405, %and3A_41] : memref<1024x32xf32, #tpu.memory_space<vmem>>[vector<16xi32>, vector<16xi32>], vector<16xf32>,
          %mul3A_425 = arith.mulf %gather3A_319, %gather3A_424 : vector<16xf32>
          %add3A_426 = arith.addf %add3A_420, %mul3A_425 : vector<16xf32>
          %gather3A_427 = tpu.vector_load_idx %arg9[%add3A_405, %and3A_47] : memref<1024x32xf32, #tpu.memory_space<vmem>>[vector<16xi32>, vector<16xi32>], vector<16xf32>,
          %mul3A_428 = arith.mulf %gather3A_320, %gather3A_427 : vector<16xf32>
          %add3A_429 = arith.addf %add3A_423, %mul3A_428 : vector<16xf32>
          %gather3A_430 = tpu.vector_load_idx %arg9[%add3A_405, %and3A_53] : memref<1024x32xf32, #tpu.memory_space<vmem>>[vector<16xi32>, vector<16xi32>], vector<16xf32>,
          %mul3A_431 = arith.mulf %gather3A_321, %gather3A_430 : vector<16xf32>
          %add3A_432 = arith.addf %add3A_426, %mul3A_431 : vector<16xf32>
          %gather3A_433 = tpu.vector_load_idx %arg9[%add3A_405, %and3A_59] : memref<1024x32xf32, #tpu.memory_space<vmem>>[vector<16xi32>, vector<16xi32>], vector<16xf32>,
          %mul3A_434 = arith.mulf %gather3A_322, %gather3A_433 : vector<16xf32>
          %add3A_435 = arith.addf %add3A_429, %mul3A_434 : vector<16xf32>
          %gather3A_436 = tpu.vector_load_idx %arg9[%add3A_405, %and3A_65] : memref<1024x32xf32, #tpu.memory_space<vmem>>[vector<16xi32>, vector<16xi32>], vector<16xf32>,
          %mul3A_437 = arith.mulf %gather3A_323, %gather3A_436 : vector<16xf32>
          %add3A_438 = arith.addf %add3A_432, %mul3A_437 : vector<16xf32>
          %gather3A_439 = tpu.vector_load_idx %arg9[%add3A_405, %and3A_71] : memref<1024x32xf32, #tpu.memory_space<vmem>>[vector<16xi32>, vector<16xi32>], vector<16xf32>,
          %mul3A_440 = arith.mulf %gather3A_324, %gather3A_439 : vector<16xf32>
          %add3A_441 = arith.addf %add3A_435, %mul3A_440 : vector<16xf32>
          %gather3A_442 = tpu.vector_load_idx %arg9[%add3A_405, %and3A_77] : memref<1024x32xf32, #tpu.memory_space<vmem>>[vector<16xi32>, vector<16xi32>], vector<16xf32>,
          %mul3A_443 = arith.mulf %gather3A_325, %gather3A_442 : vector<16xf32>
          %add3A_444 = arith.addf %add3A_438, %mul3A_443 : vector<16xf32>
          %gather3A_445 = tpu.vector_load_idx %arg9[%add3A_405, %and3A_83] : memref<1024x32xf32, #tpu.memory_space<vmem>>[vector<16xi32>, vector<16xi32>], vector<16xf32>,
          %mul3A_446 = arith.mulf %gather3A_326, %gather3A_445 : vector<16xf32>
          %add3A_447 = arith.addf %add3A_441, %mul3A_446 : vector<16xf32>
          %gather3A_448 = tpu.vector_load_idx %arg9[%add3A_405, %and3A_89] : memref<1024x32xf32, #tpu.memory_space<vmem>>[vector<16xi32>, vector<16xi32>], vector<16xf32>,
          %mul3A_449 = arith.mulf %gather3A_327, %gather3A_448 : vector<16xf32>
          %add3A_450 = arith.addf %add3A_444, %mul3A_449 : vector<16xf32>
          %gather3A_451 = tpu.vector_load_idx %arg9[%add3A_405, %and3A_95] : memref<1024x32xf32, #tpu.memory_space<vmem>>[vector<16xi32>, vector<16xi32>], vector<16xf32>,
          %mul3A_452 = arith.mulf %gather3A_328, %gather3A_451 : vector<16xf32>
          %add3A_453 = arith.addf %add3A_447, %mul3A_452 : vector<16xf32>
          %add3A_454 = arith.addf %add3A_450, %add3A_453 : vector<16xf32>
          %exp3A = math.exp %add3A_454 : vector<16xf32>
          %swap3A = arith.index_cast %scan3A_402 : i32 to index
          %swap3A_455 = arith.constant 0 : index
          %swap3A_456 = tpu.vector_load %arg17[%swap3A, %swap3A_455] {strides = array<i32>} : memref<32x16xf32, #tpu.memory_space<vmem>>, vector<16xf32>,
          tpu.vector_store %arg17[%swap3A, %swap3A_455], %exp3A {strides = array<i32>} : memref<32x16xf32, #tpu.memory_space<vmem>>, vector<16xf32>,
          %add3A_457 = arith.addf %scan3A_403, %exp3A : vector<16xf32>
          %scan3A_458 = arith.constant 1 : i32
          %scan3A_459 = arith.addi %scan3A_402, %scan3A_458 : i32
          %add3A_460 = vector.broadcast %scan3A_459 : i32 to vector<16xi32>
          %add3A_461 = arith.addi %mul3A_313, %add3A_460 : vector<16xi32>
          %gather3A_462 = tpu.vector_load_idx %arg9[%add3A_461, %and3A_5] : memref<1024x32xf32, #tpu.memory_space<vmem>>[vector<16xi32>, vector<16xi32>], vector<16xf32>,
          %mul3A_463 = arith.mulf %gather3A, %gather3A_462 : vector<16xf32>
          %add3A_464 = arith.addf %broadcast_in_dim3A_307, %mul3A_463 : vector<16xf32>
          %gather3A_465 = tpu.vector_load_idx %arg9[%add3A_461, %and3A_11] : memref<1024x32xf32, #tpu.memory_space<vmem>>[vector<16xi32>, vector<16xi32>], vector<16xf32>,
          %mul3A_466 = arith.mulf %gather3A_314, %gather3A_465 : vector<16xf32>
          %add3A_467 = arith.addf %broadcast_in_dim3A_307, %mul3A_466 : vector<16xf32>
          %gather3A_468 = tpu.vector_load_idx %arg9[%add3A_461, %and3A_17] : memref<1024x32xf32, #tpu.memory_space<vmem>>[vector<16xi32>, vector<16xi32>], vector<16xf32>,
          %mul3A_469 = arith.mulf %gather3A_315, %gather3A_468 : vector<16xf32>
          %add3A_470 = arith.addf %add3A_464, %mul3A_469 : vector<16xf32>
          %gather3A_471 = tpu.vector_load_idx %arg9[%add3A_461, %and3A_23] : memref<1024x32xf32, #tpu.memory_space<vmem>>[vector<16xi32>, vector<16xi32>], vector<16xf32>,
          %mul3A_472 = arith.mulf %gather3A_316, %gather3A_471 : vector<16xf32>
          %add3A_473 = arith.addf %add3A_467, %mul3A_472 : vector<16xf32>
          %gather3A_474 = tpu.vector_load_idx %arg9[%add3A_461, %and3A_29] : memref<1024x32xf32, #tpu.memory_space<vmem>>[vector<16xi32>, vector<16xi32>], vector<16xf32>,
          %mul3A_475 = arith.mulf %gather3A_317, %gather3A_474 : vector<16xf32>
          %add3A_476 = arith.addf %add3A_470, %mul3A_475 : vector<16xf32>
          %gather3A_477 = tpu.vector_load_idx %arg9[%add3A_461, %and3A_35] : memref<1024x32xf32, #tpu.memory_space<vmem>>[vector<16xi32>, vector<16xi32>], vector<16xf32>,
          %mul3A_478 = arith.mulf %gather3A_318, %gather3A_477 : vector<16xf32>
          %add3A_479 = arith.addf %add3A_473, %mul3A_478 : vector<16xf32>
          %gather3A_480 = tpu.vector_load_idx %arg9[%add3A_461, %and3A_41] : memref<1024x32xf32, #tpu.memory_space<vmem>>[vector<16xi32>, vector<16xi32>], vector<16xf32>,
          %mul3A_481 = arith.mulf %gather3A_319, %gather3A_480 : vector<16xf32>
          %add3A_482 = arith.addf %add3A_476, %mul3A_481 : vector<16xf32>
          %gather3A_483 = tpu.vector_load_idx %arg9[%add3A_461, %and3A_47] : memref<1024x32xf32, #tpu.memory_space<vmem>>[vector<16xi32>, vector<16xi32>], vector<16xf32>,
          %mul3A_484 = arith.mulf %gather3A_320, %gather3A_483 : vector<16xf32>
          %add3A_485 = arith.addf %add3A_479, %mul3A_484 : vector<16xf32>
          %gather3A_486 = tpu.vector_load_idx %arg9[%add3A_461, %and3A_53] : memref<1024x32xf32, #tpu.memory_space<vmem>>[vector<16xi32>, vector<16xi32>], vector<16xf32>,
          %mul3A_487 = arith.mulf %gather3A_321, %gather3A_486 : vector<16xf32>
          %add3A_488 = arith.addf %add3A_482, %mul3A_487 : vector<16xf32>
          %gather3A_489 = tpu.vector_load_idx %arg9[%add3A_461, %and3A_59] : memref<1024x32xf32, #tpu.memory_space<vmem>>[vector<16xi32>, vector<16xi32>], vector<16xf32>,
          %mul3A_490 = arith.mulf %gather3A_322, %gather3A_489 : vector<16xf32>
          %add3A_491 = arith.addf %add3A_485, %mul3A_490 : vector<16xf32>
          %gather3A_492 = tpu.vector_load_idx %arg9[%add3A_461, %and3A_65] : memref<1024x32xf32, #tpu.memory_space<vmem>>[vector<16xi32>, vector<16xi32>], vector<16xf32>,
          %mul3A_493 = arith.mulf %gather3A_323, %gather3A_492 : vector<16xf32>
          %add3A_494 = arith.addf %add3A_488, %mul3A_493 : vector<16xf32>
          %gather3A_495 = tpu.vector_load_idx %arg9[%add3A_461, %and3A_71] : memref<1024x32xf32, #tpu.memory_space<vmem>>[vector<16xi32>, vector<16xi32>], vector<16xf32>,
          %mul3A_496 = arith.mulf %gather3A_324, %gather3A_495 : vector<16xf32>
          %add3A_497 = arith.addf %add3A_491, %mul3A_496 : vector<16xf32>
          %gather3A_498 = tpu.vector_load_idx %arg9[%add3A_461, %and3A_77] : memref<1024x32xf32, #tpu.memory_space<vmem>>[vector<16xi32>, vector<16xi32>], vector<16xf32>,
          %mul3A_499 = arith.mulf %gather3A_325, %gather3A_498 : vector<16xf32>
          %add3A_500 = arith.addf %add3A_494, %mul3A_499 : vector<16xf32>
          %gather3A_501 = tpu.vector_load_idx %arg9[%add3A_461, %and3A_83] : memref<1024x32xf32, #tpu.memory_space<vmem>>[vector<16xi32>, vector<16xi32>], vector<16xf32>,
          %mul3A_502 = arith.mulf %gather3A_326, %gather3A_501 : vector<16xf32>
          %add3A_503 = arith.addf %add3A_497, %mul3A_502 : vector<16xf32>
          %gather3A_504 = tpu.vector_load_idx %arg9[%add3A_461, %and3A_89] : memref<1024x32xf32, #tpu.memory_space<vmem>>[vector<16xi32>, vector<16xi32>], vector<16xf32>,
          %mul3A_505 = arith.mulf %gather3A_327, %gather3A_504 : vector<16xf32>
          %add3A_506 = arith.addf %add3A_500, %mul3A_505 : vector<16xf32>
          %gather3A_507 = tpu.vector_load_idx %arg9[%add3A_461, %and3A_95] : memref<1024x32xf32, #tpu.memory_space<vmem>>[vector<16xi32>, vector<16xi32>], vector<16xf32>,
          %mul3A_508 = arith.mulf %gather3A_328, %gather3A_507 : vector<16xf32>
          %add3A_509 = arith.addf %add3A_503, %mul3A_508 : vector<16xf32>
          %add3A_510 = arith.addf %add3A_506, %add3A_509 : vector<16xf32>
          %exp3A_511 = math.exp %add3A_510 : vector<16xf32>
          %swap3A_512 = arith.index_cast %scan3A_459 : i32 to index
          %swap3A_513 = arith.constant 0 : index
          %swap3A_514 = tpu.vector_load %arg17[%swap3A_512, %swap3A_513] {strides = array<i32>} : memref<32x16xf32, #tpu.memory_space<vmem>>, vector<16xf32>,
          tpu.vector_store %arg17[%swap3A_512, %swap3A_513], %exp3A_511 {strides = array<i32>} : memref<32x16xf32, #tpu.memory_space<vmem>>, vector<16xf32>,
          %add3A_515 = arith.addf %add3A_457, %exp3A_511 : vector<16xf32>
          scf.yield %add3A_515 : vector<16xf32>
        }
        %scan3A_334 = arith.constant 32 : i32
        %div3A = arith.constant 1.000000e+00 : f32
        %div3A_335 = vector.broadcast %div3A : f32 to vector<16xf32>
        %div3A_336 = arith.divf %div3A_335, %scan3A_333 : vector<16xf32>
        %scan3A_337 = arith.constant 0 : i32
        %scan3A_338 = arith.constant 32 : i32
        %scan3A_339 = arith.addi %scan3A_337, %scan3A_338 : i32
        %scan3A_340 = arith.constant 2 : i32
        %scan3A_341:16 = scf.for %scan3A_402 = %scan3A_337 to %scan3A_339 step %scan3A_340 iter_args(%scan3A_403 = %broadcast_in_dim3A_307, %scan3A_404 = %broadcast_in_dim3A_307, %scan3A_405 = %broadcast_in_dim3A_307, %scan3A_406 = %broadcast_in_dim3A_307, %scan3A_407 = %broadcast_in_dim3A_307, %scan3A_408 = %broadcast_in_dim3A_307, %scan3A_409 = %broadcast_in_dim3A_307, %scan3A_410 = %broadcast_in_dim3A_307, %scan3A_411 = %broadcast_in_dim3A_307, %scan3A_412 = %broadcast_in_dim3A_307, %scan3A_413 = %broadcast_in_dim3A_307, %scan3A_414 = %broadcast_in_dim3A_307, %scan3A_415 = %broadcast_in_dim3A_307, %scan3A_416 = %broadcast_in_dim3A_307, %scan3A_417 = %broadcast_in_dim3A_307, %scan3A_418 = %broadcast_in_dim3A_307) -> (vector<16xf32>, vector<16xf32>, vector<16xf32>, vector<16xf32>, vector<16xf32>, vector<16xf32>, vector<16xf32>, vector<16xf32>, vector<16xf32>, vector<16xf32>, vector<16xf32>, vector<16xf32>, vector<16xf32>, vector<16xf32>, vector<16xf32>, vector<16xf32>)  : i32 {
          %get3A = arith.index_cast %scan3A_402 : i32 to index
          %get3A_419 = arith.constant 0 : index
          %get3A_420 = tpu.vector_load %arg17[%get3A, %get3A_419] {strides = array<i32>} : memref<32x16xf32, #tpu.memory_space<vmem>>, vector<16xf32>,
          %mul3A_421 = arith.mulf %get3A_420, %div3A_336 : vector<16xf32>
          %add3A_422 = vector.broadcast %scan3A_402 : i32 to vector<16xi32>
          %add3A_423 = arith.addi %mul3A_313, %add3A_422 : vector<16xi32>
          %gather3A_424 = tpu.vector_load_idx %arg9[%add3A_423, %add3A_98] : memref<1024x32xf32, #tpu.memory_space<vmem>>[vector<16xi32>, vector<16xi32>], vector<16xf32>,
          %mul3A_425 = arith.mulf %mul3A_421, %gather3A_424 : vector<16xf32>
          %add3A_426 = arith.addf %scan3A_403, %mul3A_425 : vector<16xf32>
          %gather3A_427 = tpu.vector_load_idx %arg9[%add3A_423, %add3A_101] : memref<1024x32xf32, #tpu.memory_space<vmem>>[vector<16xi32>, vector<16xi32>], vector<16xf32>,
          %mul3A_428 = arith.mulf %mul3A_421, %gather3A_427 : vector<16xf32>
          %add3A_429 = arith.addf %scan3A_404, %mul3A_428 : vector<16xf32>
          %gather3A_430 = tpu.vector_load_idx %arg9[%add3A_423, %add3A_104] : memref<1024x32xf32, #tpu.memory_space<vmem>>[vector<16xi32>, vector<16xi32>], vector<16xf32>,
          %mul3A_431 = arith.mulf %mul3A_421, %gather3A_430 : vector<16xf32>
          %add3A_432 = arith.addf %scan3A_405, %mul3A_431 : vector<16xf32>
          %gather3A_433 = tpu.vector_load_idx %arg9[%add3A_423, %add3A_107] : memref<1024x32xf32, #tpu.memory_space<vmem>>[vector<16xi32>, vector<16xi32>], vector<16xf32>,
          %mul3A_434 = arith.mulf %mul3A_421, %gather3A_433 : vector<16xf32>
          %add3A_435 = arith.addf %scan3A_406, %mul3A_434 : vector<16xf32>
          %gather3A_436 = tpu.vector_load_idx %arg9[%add3A_423, %add3A_110] : memref<1024x32xf32, #tpu.memory_space<vmem>>[vector<16xi32>, vector<16xi32>], vector<16xf32>,
          %mul3A_437 = arith.mulf %mul3A_421, %gather3A_436 : vector<16xf32>
          %add3A_438 = arith.addf %scan3A_407, %mul3A_437 : vector<16xf32>
          %gather3A_439 = tpu.vector_load_idx %arg9[%add3A_423, %add3A_113] : memref<1024x32xf32, #tpu.memory_space<vmem>>[vector<16xi32>, vector<16xi32>], vector<16xf32>,
          %mul3A_440 = arith.mulf %mul3A_421, %gather3A_439 : vector<16xf32>
          %add3A_441 = arith.addf %scan3A_408, %mul3A_440 : vector<16xf32>
          %gather3A_442 = tpu.vector_load_idx %arg9[%add3A_423, %add3A_116] : memref<1024x32xf32, #tpu.memory_space<vmem>>[vector<16xi32>, vector<16xi32>], vector<16xf32>,
          %mul3A_443 = arith.mulf %mul3A_421, %gather3A_442 : vector<16xf32>
          %add3A_444 = arith.addf %scan3A_409, %mul3A_443 : vector<16xf32>
          %gather3A_445 = tpu.vector_load_idx %arg9[%add3A_423, %add3A_119] : memref<1024x32xf32, #tpu.memory_space<vmem>>[vector<16xi32>, vector<16xi32>], vector<16xf32>,
          %mul3A_446 = arith.mulf %mul3A_421, %gather3A_445 : vector<16xf32>
          %add3A_447 = arith.addf %scan3A_410, %mul3A_446 : vector<16xf32>
          %gather3A_448 = tpu.vector_load_idx %arg9[%add3A_423, %add3A_122] : memref<1024x32xf32, #tpu.memory_space<vmem>>[vector<16xi32>, vector<16xi32>], vector<16xf32>,
          %mul3A_449 = arith.mulf %mul3A_421, %gather3A_448 : vector<16xf32>
          %add3A_450 = arith.addf %scan3A_411, %mul3A_449 : vector<16xf32>
          %gather3A_451 = tpu.vector_load_idx %arg9[%add3A_423, %add3A_125] : memref<1024x32xf32, #tpu.memory_space<vmem>>[vector<16xi32>, vector<16xi32>], vector<16xf32>,
          %mul3A_452 = arith.mulf %mul3A_421, %gather3A_451 : vector<16xf32>
          %add3A_453 = arith.addf %scan3A_412, %mul3A_452 : vector<16xf32>
          %gather3A_454 = tpu.vector_load_idx %arg9[%add3A_423, %add3A_128] : memref<1024x32xf32, #tpu.memory_space<vmem>>[vector<16xi32>, vector<16xi32>], vector<16xf32>,
          %mul3A_455 = arith.mulf %mul3A_421, %gather3A_454 : vector<16xf32>
          %add3A_456 = arith.addf %scan3A_413, %mul3A_455 : vector<16xf32>
          %gather3A_457 = tpu.vector_load_idx %arg9[%add3A_423, %add3A_131] : memref<1024x32xf32, #tpu.memory_space<vmem>>[vector<16xi32>, vector<16xi32>], vector<16xf32>,
          %mul3A_458 = arith.mulf %mul3A_421, %gather3A_457 : vector<16xf32>
          %add3A_459 = arith.addf %scan3A_414, %mul3A_458 : vector<16xf32>
          %gather3A_460 = tpu.vector_load_idx %arg9[%add3A_423, %add3A_134] : memref<1024x32xf32, #tpu.memory_space<vmem>>[vector<16xi32>, vector<16xi32>], vector<16xf32>,
          %mul3A_461 = arith.mulf %mul3A_421, %gather3A_460 : vector<16xf32>
          %add3A_462 = arith.addf %scan3A_415, %mul3A_461 : vector<16xf32>
          %gather3A_463 = tpu.vector_load_idx %arg9[%add3A_423, %add3A_137] : memref<1024x32xf32, #tpu.memory_space<vmem>>[vector<16xi32>, vector<16xi32>], vector<16xf32>,
          %mul3A_464 = arith.mulf %mul3A_421, %gather3A_463 : vector<16xf32>
          %add3A_465 = arith.addf %scan3A_416, %mul3A_464 : vector<16xf32>
          %gather3A_466 = tpu.vector_load_idx %arg9[%add3A_423, %add3A_140] : memref<1024x32xf32, #tpu.memory_space<vmem>>[vector<16xi32>, vector<16xi32>], vector<16xf32>,
          %mul3A_467 = arith.mulf %mul3A_421, %gather3A_466 : vector<16xf32>
          %add3A_468 = arith.addf %scan3A_417, %mul3A_467 : vector<16xf32>
          %gather3A_469 = tpu.vector_load_idx %arg9[%add3A_423, %add3A_143] : memref<1024x32xf32, #tpu.memory_space<vmem>>[vector<16xi32>, vector<16xi32>], vector<16xf32>,
          %mul3A_470 = arith.mulf %mul3A_421, %gather3A_469 : vector<16xf32>
          %add3A_471 = arith.addf %scan3A_418, %mul3A_470 : vector<16xf32>
          %scan3A_472 = arith.constant 1 : i32
          %scan3A_473 = arith.addi %scan3A_402, %scan3A_472 : i32
          %get3A_474 = arith.index_cast %scan3A_473 : i32 to index
          %get3A_475 = arith.constant 0 : index
          %get3A_476 = tpu.vector_load %arg17[%get3A_474, %get3A_475] {strides = array<i32>} : memref<32x16xf32, #tpu.memory_space<vmem>>, vector<16xf32>,
          %mul3A_477 = arith.mulf %get3A_476, %div3A_336 : vector<16xf32>
          %add3A_478 = vector.broadcast %scan3A_473 : i32 to vector<16xi32>
          %add3A_479 = arith.addi %mul3A_313, %add3A_478 : vector<16xi32>
          %gather3A_480 = tpu.vector_load_idx %arg9[%add3A_479, %add3A_98] : memref<1024x32xf32, #tpu.memory_space<vmem>>[vector<16xi32>, vector<16xi32>], vector<16xf32>,
          %mul3A_481 = arith.mulf %mul3A_477, %gather3A_480 : vector<16xf32>
          %add3A_482 = arith.addf %add3A_426, %mul3A_481 : vector<16xf32>
          %gather3A_483 = tpu.vector_load_idx %arg9[%add3A_479, %add3A_101] : memref<1024x32xf32, #tpu.memory_space<vmem>>[vector<16xi32>, vector<16xi32>], vector<16xf32>,
          %mul3A_484 = arith.mulf %mul3A_477, %gather3A_483 : vector<16xf32>
          %add3A_485 = arith.addf %add3A_429, %mul3A_484 : vector<16xf32>
          %gather3A_486 = tpu.vector_load_idx %arg9[%add3A_479, %add3A_104] : memref<1024x32xf32, #tpu.memory_space<vmem>>[vector<16xi32>, vector<16xi32>], vector<16xf32>,
          %mul3A_487 = arith.mulf %mul3A_477, %gather3A_486 : vector<16xf32>
          %add3A_488 = arith.addf %add3A_432, %mul3A_487 : vector<16xf32>
          %gather3A_489 = tpu.vector_load_idx %arg9[%add3A_479, %add3A_107] : memref<1024x32xf32, #tpu.memory_space<vmem>>[vector<16xi32>, vector<16xi32>], vector<16xf32>,
          %mul3A_490 = arith.mulf %mul3A_477, %gather3A_489 : vector<16xf32>
          %add3A_491 = arith.addf %add3A_435, %mul3A_490 : vector<16xf32>
          %gather3A_492 = tpu.vector_load_idx %arg9[%add3A_479, %add3A_110] : memref<1024x32xf32, #tpu.memory_space<vmem>>[vector<16xi32>, vector<16xi32>], vector<16xf32>,
          %mul3A_493 = arith.mulf %mul3A_477, %gather3A_492 : vector<16xf32>
          %add3A_494 = arith.addf %add3A_438, %mul3A_493 : vector<16xf32>
          %gather3A_495 = tpu.vector_load_idx %arg9[%add3A_479, %add3A_113] : memref<1024x32xf32, #tpu.memory_space<vmem>>[vector<16xi32>, vector<16xi32>], vector<16xf32>,
          %mul3A_496 = arith.mulf %mul3A_477, %gather3A_495 : vector<16xf32>
          %add3A_497 = arith.addf %add3A_441, %mul3A_496 : vector<16xf32>
          %gather3A_498 = tpu.vector_load_idx %arg9[%add3A_479, %add3A_116] : memref<1024x32xf32, #tpu.memory_space<vmem>>[vector<16xi32>, vector<16xi32>], vector<16xf32>,
          %mul3A_499 = arith.mulf %mul3A_477, %gather3A_498 : vector<16xf32>
          %add3A_500 = arith.addf %add3A_444, %mul3A_499 : vector<16xf32>
          %gather3A_501 = tpu.vector_load_idx %arg9[%add3A_479, %add3A_119] : memref<1024x32xf32, #tpu.memory_space<vmem>>[vector<16xi32>, vector<16xi32>], vector<16xf32>,
          %mul3A_502 = arith.mulf %mul3A_477, %gather3A_501 : vector<16xf32>
          %add3A_503 = arith.addf %add3A_447, %mul3A_502 : vector<16xf32>
          %gather3A_504 = tpu.vector_load_idx %arg9[%add3A_479, %add3A_122] : memref<1024x32xf32, #tpu.memory_space<vmem>>[vector<16xi32>, vector<16xi32>], vector<16xf32>,
          %mul3A_505 = arith.mulf %mul3A_477, %gather3A_504 : vector<16xf32>
          %add3A_506 = arith.addf %add3A_450, %mul3A_505 : vector<16xf32>
          %gather3A_507 = tpu.vector_load_idx %arg9[%add3A_479, %add3A_125] : memref<1024x32xf32, #tpu.memory_space<vmem>>[vector<16xi32>, vector<16xi32>], vector<16xf32>,
          %mul3A_508 = arith.mulf %mul3A_477, %gather3A_507 : vector<16xf32>
          %add3A_509 = arith.addf %add3A_453, %mul3A_508 : vector<16xf32>
          %gather3A_510 = tpu.vector_load_idx %arg9[%add3A_479, %add3A_128] : memref<1024x32xf32, #tpu.memory_space<vmem>>[vector<16xi32>, vector<16xi32>], vector<16xf32>,
          %mul3A_511 = arith.mulf %mul3A_477, %gather3A_510 : vector<16xf32>
          %add3A_512 = arith.addf %add3A_456, %mul3A_511 : vector<16xf32>
          %gather3A_513 = tpu.vector_load_idx %arg9[%add3A_479, %add3A_131] : memref<1024x32xf32, #tpu.memory_space<vmem>>[vector<16xi32>, vector<16xi32>], vector<16xf32>,
          %mul3A_514 = arith.mulf %mul3A_477, %gather3A_513 : vector<16xf32>
          %add3A_515 = arith.addf %add3A_459, %mul3A_514 : vector<16xf32>
          %gather3A_516 = tpu.vector_load_idx %arg9[%add3A_479, %add3A_134] : memref<1024x32xf32, #tpu.memory_space<vmem>>[vector<16xi32>, vector<16xi32>], vector<16xf32>,
          %mul3A_517 = arith.mulf %mul3A_477, %gather3A_516 : vector<16xf32>
          %add3A_518 = arith.addf %add3A_462, %mul3A_517 : vector<16xf32>
          %gather3A_519 = tpu.vector_load_idx %arg9[%add3A_479, %add3A_137] : memref<1024x32xf32, #tpu.memory_space<vmem>>[vector<16xi32>, vector<16xi32>], vector<16xf32>,
          %mul3A_520 = arith.mulf %mul3A_477, %gather3A_519 : vector<16xf32>
          %add3A_521 = arith.addf %add3A_465, %mul3A_520 : vector<16xf32>
          %gather3A_522 = tpu.vector_load_idx %arg9[%add3A_479, %add3A_140] : memref<1024x32xf32, #tpu.memory_space<vmem>>[vector<16xi32>, vector<16xi32>], vector<16xf32>,
          %mul3A_523 = arith.mulf %mul3A_477, %gather3A_522 : vector<16xf32>
          %add3A_524 = arith.addf %add3A_468, %mul3A_523 : vector<16xf32>
          %gather3A_525 = tpu.vector_load_idx %arg9[%add3A_479, %add3A_143] : memref<1024x32xf32, #tpu.memory_space<vmem>>[vector<16xi32>, vector<16xi32>], vector<16xf32>,
          %mul3A_526 = arith.mulf %mul3A_477, %gather3A_525 : vector<16xf32>
          %add3A_527 = arith.addf %add3A_471, %mul3A_526 : vector<16xf32>
          scf.yield %add3A_482, %add3A_485, %add3A_488, %add3A_491, %add3A_494, %add3A_497, %add3A_500, %add3A_503, %add3A_506, %add3A_509, %add3A_512, %add3A_515, %add3A_518, %add3A_521, %add3A_524, %add3A_527 : vector<16xf32>, vector<16xf32>, vector<16xf32>, vector<16xf32>, vector<16xf32>, vector<16xf32>, vector<16xf32>, vector<16xf32>, vector<16xf32>, vector<16xf32>, vector<16xf32>, vector<16xf32>, vector<16xf32>, vector<16xf32>, vector<16xf32>, vector<16xf32>
        }
        %scan3A_342 = arith.constant 32 : i32
        tpu.vector_store_idx %arg15[%add3A_310, %and3A_5], %scan3A_341#0 : memref<32x16xf32, #tpu.memory_space<vmem>>[vector<16xi32>, vector<16xi32>], vector<16xf32>,
        tpu.vector_store_idx %arg15[%add3A_310, %and3A_11], %scan3A_341#1 : memref<32x16xf32, #tpu.memory_space<vmem>>[vector<16xi32>, vector<16xi32>], vector<16xf32>,
        tpu.vector_store_idx %arg15[%add3A_310, %and3A_17], %scan3A_341#2 : memref<32x16xf32, #tpu.memory_space<vmem>>[vector<16xi32>, vector<16xi32>], vector<16xf32>,
        tpu.vector_store_idx %arg15[%add3A_310, %and3A_23], %scan3A_341#3 : memref<32x16xf32, #tpu.memory_space<vmem>>[vector<16xi32>, vector<16xi32>], vector<16xf32>,
        tpu.vector_store_idx %arg15[%add3A_310, %and3A_29], %scan3A_341#4 : memref<32x16xf32, #tpu.memory_space<vmem>>[vector<16xi32>, vector<16xi32>], vector<16xf32>,
        tpu.vector_store_idx %arg15[%add3A_310, %and3A_35], %scan3A_341#5 : memref<32x16xf32, #tpu.memory_space<vmem>>[vector<16xi32>, vector<16xi32>], vector<16xf32>,
        tpu.vector_store_idx %arg15[%add3A_310, %and3A_41], %scan3A_341#6 : memref<32x16xf32, #tpu.memory_space<vmem>>[vector<16xi32>, vector<16xi32>], vector<16xf32>,
        tpu.vector_store_idx %arg15[%add3A_310, %and3A_47], %scan3A_341#7 : memref<32x16xf32, #tpu.memory_space<vmem>>[vector<16xi32>, vector<16xi32>], vector<16xf32>,
        tpu.vector_store_idx %arg15[%add3A_310, %and3A_53], %scan3A_341#8 : memref<32x16xf32, #tpu.memory_space<vmem>>[vector<16xi32>, vector<16xi32>], vector<16xf32>,
        tpu.vector_store_idx %arg15[%add3A_310, %and3A_59], %scan3A_341#9 : memref<32x16xf32, #tpu.memory_space<vmem>>[vector<16xi32>, vector<16xi32>], vector<16xf32>,
        tpu.vector_store_idx %arg15[%add3A_310, %and3A_65], %scan3A_341#10 : memref<32x16xf32, #tpu.memory_space<vmem>>[vector<16xi32>, vector<16xi32>], vector<16xf32>,
        tpu.vector_store_idx %arg15[%add3A_310, %and3A_71], %scan3A_341#11 : memref<32x16xf32, #tpu.memory_space<vmem>>[vector<16xi32>, vector<16xi32>], vector<16xf32>,
        tpu.vector_store_idx %arg15[%add3A_310, %and3A_77], %scan3A_341#12 : memref<32x16xf32, #tpu.memory_space<vmem>>[vector<16xi32>, vector<16xi32>], vector<16xf32>,
        tpu.vector_store_idx %arg15[%add3A_310, %and3A_83], %scan3A_341#13 : memref<32x16xf32, #tpu.memory_space<vmem>>[vector<16xi32>, vector<16xi32>], vector<16xf32>,
        tpu.vector_store_idx %arg15[%add3A_310, %and3A_89], %scan3A_341#14 : memref<32x16xf32, #tpu.memory_space<vmem>>[vector<16xi32>, vector<16xi32>], vector<16xf32>,
        tpu.vector_store_idx %arg15[%add3A_310, %and3A_95], %scan3A_341#15 : memref<32x16xf32, #tpu.memory_space<vmem>>[vector<16xi32>, vector<16xi32>], vector<16xf32>,
        %scan3A_343 = arith.constant 0 : i32
        %scan3A_344 = arith.constant 0 : i32
        %scan3A_345 = arith.constant 32 : i32
        %scan3A_346 = arith.addi %scan3A_344, %scan3A_345 : i32
        %scan3A_347 = arith.constant 4 : i32
        scf.for %scan3A_402 = %scan3A_344 to %scan3A_346 step %scan3A_347  : i32 {
          %add3A_403 = vector.broadcast %scan3A_402 : i32 to vector<16xi32>
          %add3A_404 = arith.addi %add3A_403, %iota3A : vector<16xi32>
          %and3A_405 = arith.constant 31 : i32
          %and3A_406 = vector.broadcast %and3A_405 : i32 to vector<16xi32>
          %and3A_407 = arith.andi %add3A_404, %and3A_406 : vector<16xi32>
          %gather3A_408 = tpu.vector_load_idx %arg17[%and3A_407, %iota3A] : memref<32x16xf32, #tpu.memory_space<vmem>>[vector<16xi32>, vector<16xi32>], vector<16xf32>,
          %mul3A_409 = arith.mulf %gather3A_408, %div3A_336 : vector<16xf32>
          tpu.vector_store_idx %arg13[%add3A_310, %and3A_407], %mul3A_409 : memref<32x32xf32, #tpu.memory_space<vmem>>[vector<16xi32>, vector<16xi32>], vector<16xf32>,
          %scan3A_410 = arith.constant 1 : i32
          %scan3A_411 = arith.addi %scan3A_402, %scan3A_410 : i32
          %add3A_412 = vector.broadcast %scan3A_411 : i32 to vector<16xi32>
          %add3A_413 = arith.addi %add3A_412, %iota3A : vector<16xi32>
          %and3A_414 = arith.constant 31 : i32
          %and3A_415 = vector.broadcast %and3A_414 : i32 to vector<16xi32>
          %and3A_416 = arith.andi %add3A_413, %and3A_415 : vector<16xi32>
          %gather3A_417 = tpu.vector_load_idx %arg17[%and3A_416, %iota3A] : memref<32x16xf32, #tpu.memory_space<vmem>>[vector<16xi32>, vector<16xi32>], vector<16xf32>,
          %mul3A_418 = arith.mulf %gather3A_417, %div3A_336 : vector<16xf32>
          tpu.vector_store_idx %arg13[%add3A_310, %and3A_416], %mul3A_418 : memref<32x32xf32, #tpu.memory_space<vmem>>[vector<16xi32>, vector<16xi32>], vector<16xf32>,
          %scan3A_419 = arith.constant 2 : i32
          %scan3A_420 = arith.addi %scan3A_402, %scan3A_419 : i32
          %add3A_421 = vector.broadcast %scan3A_420 : i32 to vector<16xi32>
          %add3A_422 = arith.addi %add3A_421, %iota3A : vector<16xi32>
          %and3A_423 = arith.constant 31 : i32
          %and3A_424 = vector.broadcast %and3A_423 : i32 to vector<16xi32>
          %and3A_425 = arith.andi %add3A_422, %and3A_424 : vector<16xi32>
          %gather3A_426 = tpu.vector_load_idx %arg17[%and3A_425, %iota3A] : memref<32x16xf32, #tpu.memory_space<vmem>>[vector<16xi32>, vector<16xi32>], vector<16xf32>,
          %mul3A_427 = arith.mulf %gather3A_426, %div3A_336 : vector<16xf32>
          tpu.vector_store_idx %arg13[%add3A_310, %and3A_425], %mul3A_427 : memref<32x32xf32, #tpu.memory_space<vmem>>[vector<16xi32>, vector<16xi32>], vector<16xf32>,
          %scan3A_428 = arith.constant 3 : i32
          %scan3A_429 = arith.addi %scan3A_402, %scan3A_428 : i32
          %add3A_430 = vector.broadcast %scan3A_429 : i32 to vector<16xi32>
          %add3A_431 = arith.addi %add3A_430, %iota3A : vector<16xi32>
          %and3A_432 = arith.constant 31 : i32
          %and3A_433 = vector.broadcast %and3A_432 : i32 to vector<16xi32>
          %and3A_434 = arith.andi %add3A_431, %and3A_433 : vector<16xi32>
          %gather3A_435 = tpu.vector_load_idx %arg17[%and3A_434, %iota3A] : memref<32x16xf32, #tpu.memory_space<vmem>>[vector<16xi32>, vector<16xi32>], vector<16xf32>,
          %mul3A_436 = arith.mulf %gather3A_435, %div3A_336 : vector<16xf32>
          tpu.vector_store_idx %arg13[%add3A_310, %and3A_434], %mul3A_436 : memref<32x32xf32, #tpu.memory_space<vmem>>[vector<16xi32>, vector<16xi32>], vector<16xf32>,
        }
        %scan3A_348 = arith.constant 32 : i32
        %add3A_349 = arith.constant 16 : i32
        %add3A_350 = vector.broadcast %add3A_349 : i32 to vector<16xi32>
        %add3A_351 = arith.addi %add3A_350, %iota3A : vector<16xi32>
        %mul3A_352 = arith.constant 32 : i32
        %mul3A_353 = vector.broadcast %mul3A_352 : i32 to vector<16xi32>
        %mul3A_354 = arith.muli %add3A_351, %mul3A_353 : vector<16xi32>
        %gather3A_355 = tpu.vector_load_idx %arg11[%add3A_351, %and3A_5] : memref<32x16xf32, #tpu.memory_space<vmem>>[vector<16xi32>, vector<16xi32>], vector<16xf32>,
        %gather3A_356 = tpu.vector_load_idx %arg11[%add3A_351, %and3A_11] : memref<32x16xf32, #tpu.memory_space<vmem>>[vector<16xi32>, vector<16xi32>], vector<16xf32>,
        %gather3A_357 = tpu.vector_load_idx %arg11[%add3A_351, %and3A_17] : memref<32x16xf32, #tpu.memory_space<vmem>>[vector<16xi32>, vector<16xi32>], vector<16xf32>,
        %gather3A_358 = tpu.vector_load_idx %arg11[%add3A_351, %and3A_23] : memref<32x16xf32, #tpu.memory_space<vmem>>[vector<16xi32>, vector<16xi32>], vector<16xf32>,
        %gather3A_359 = tpu.vector_load_idx %arg11[%add3A_351, %and3A_29] : memref<32x16xf32, #tpu.memory_space<vmem>>[vector<16xi32>, vector<16xi32>], vector<16xf32>,
        %gather3A_360 = tpu.vector_load_idx %arg11[%add3A_351, %and3A_35] : memref<32x16xf32, #tpu.memory_space<vmem>>[vector<16xi32>, vector<16xi32>], vector<16xf32>,
        %gather3A_361 = tpu.vector_load_idx %arg11[%add3A_351, %and3A_41] : memref<32x16xf32, #tpu.memory_space<vmem>>[vector<16xi32>, vector<16xi32>], vector<16xf32>,
        %gather3A_362 = tpu.vector_load_idx %arg11[%add3A_351, %and3A_47] : memref<32x16xf32, #tpu.memory_space<vmem>>[vector<16xi32>, vector<16xi32>], vector<16xf32>,
        %gather3A_363 = tpu.vector_load_idx %arg11[%add3A_351, %and3A_53] : memref<32x16xf32, #tpu.memory_space<vmem>>[vector<16xi32>, vector<16xi32>], vector<16xf32>,
        %gather3A_364 = tpu.vector_load_idx %arg11[%add3A_351, %and3A_59] : memref<32x16xf32, #tpu.memory_space<vmem>>[vector<16xi32>, vector<16xi32>], vector<16xf32>,
        %gather3A_365 = tpu.vector_load_idx %arg11[%add3A_351, %and3A_65] : memref<32x16xf32, #tpu.memory_space<vmem>>[vector<16xi32>, vector<16xi32>], vector<16xf32>,
        %gather3A_366 = tpu.vector_load_idx %arg11[%add3A_351, %and3A_71] : memref<32x16xf32, #tpu.memory_space<vmem>>[vector<16xi32>, vector<16xi32>], vector<16xf32>,
        %gather3A_367 = tpu.vector_load_idx %arg11[%add3A_351, %and3A_77] : memref<32x16xf32, #tpu.memory_space<vmem>>[vector<16xi32>, vector<16xi32>], vector<16xf32>,
        %gather3A_368 = tpu.vector_load_idx %arg11[%add3A_351, %and3A_83] : memref<32x16xf32, #tpu.memory_space<vmem>>[vector<16xi32>, vector<16xi32>], vector<16xf32>,
        %gather3A_369 = tpu.vector_load_idx %arg11[%add3A_351, %and3A_89] : memref<32x16xf32, #tpu.memory_space<vmem>>[vector<16xi32>, vector<16xi32>], vector<16xf32>,
        %gather3A_370 = tpu.vector_load_idx %arg11[%add3A_351, %and3A_95] : memref<32x16xf32, #tpu.memory_space<vmem>>[vector<16xi32>, vector<16xi32>], vector<16xf32>,
        %scan3A_371 = arith.constant 0 : i32
        %scan3A_372 = arith.constant 32 : i32
        %scan3A_373 = arith.addi %scan3A_371, %scan3A_372 : i32
        %scan3A_374 = arith.constant 2 : i32
        %scan3A_375 = scf.for %scan3A_402 = %scan3A_371 to %scan3A_373 step %scan3A_374 iter_args(%scan3A_403 = %broadcast_in_dim3A_307) -> (vector<16xf32>)  : i32 {
          %add3A_404 = vector.broadcast %scan3A_402 : i32 to vector<16xi32>
          %add3A_405 = arith.addi %mul3A_354, %add3A_404 : vector<16xi32>
          %gather3A_406 = tpu.vector_load_idx %arg9[%add3A_405, %and3A_5] : memref<1024x32xf32, #tpu.memory_space<vmem>>[vector<16xi32>, vector<16xi32>], vector<16xf32>,
          %mul3A_407 = arith.mulf %gather3A_355, %gather3A_406 : vector<16xf32>
          %add3A_408 = arith.addf %broadcast_in_dim3A_307, %mul3A_407 : vector<16xf32>
          %gather3A_409 = tpu.vector_load_idx %arg9[%add3A_405, %and3A_11] : memref<1024x32xf32, #tpu.memory_space<vmem>>[vector<16xi32>, vector<16xi32>], vector<16xf32>,
          %mul3A_410 = arith.mulf %gather3A_356, %gather3A_409 : vector<16xf32>
          %add3A_411 = arith.addf %broadcast_in_dim3A_307, %mul3A_410 : vector<16xf32>
          %gather3A_412 = tpu.vector_load_idx %arg9[%add3A_405, %and3A_17] : memref<1024x32xf32, #tpu.memory_space<vmem>>[vector<16xi32>, vector<16xi32>], vector<16xf32>,
          %mul3A_413 = arith.mulf %gather3A_357, %gather3A_412 : vector<16xf32>
          %add3A_414 = arith.addf %add3A_408, %mul3A_413 : vector<16xf32>
          %gather3A_415 = tpu.vector_load_idx %arg9[%add3A_405, %and3A_23] : memref<1024x32xf32, #tpu.memory_space<vmem>>[vector<16xi32>, vector<16xi32>], vector<16xf32>,
          %mul3A_416 = arith.mulf %gather3A_358, %gather3A_415 : vector<16xf32>
          %add3A_417 = arith.addf %add3A_411, %mul3A_416 : vector<16xf32>
          %gather3A_418 = tpu.vector_load_idx %arg9[%add3A_405, %and3A_29] : memref<1024x32xf32, #tpu.memory_space<vmem>>[vector<16xi32>, vector<16xi32>], vector<16xf32>,
          %mul3A_419 = arith.mulf %gather3A_359, %gather3A_418 : vector<16xf32>
          %add3A_420 = arith.addf %add3A_414, %mul3A_419 : vector<16xf32>
          %gather3A_421 = tpu.vector_load_idx %arg9[%add3A_405, %and3A_35] : memref<1024x32xf32, #tpu.memory_space<vmem>>[vector<16xi32>, vector<16xi32>], vector<16xf32>,
          %mul3A_422 = arith.mulf %gather3A_360, %gather3A_421 : vector<16xf32>
          %add3A_423 = arith.addf %add3A_417, %mul3A_422 : vector<16xf32>
          %gather3A_424 = tpu.vector_load_idx %arg9[%add3A_405, %and3A_41] : memref<1024x32xf32, #tpu.memory_space<vmem>>[vector<16xi32>, vector<16xi32>], vector<16xf32>,
          %mul3A_425 = arith.mulf %gather3A_361, %gather3A_424 : vector<16xf32>
          %add3A_426 = arith.addf %add3A_420, %mul3A_425 : vector<16xf32>
          %gather3A_427 = tpu.vector_load_idx %arg9[%add3A_405, %and3A_47] : memref<1024x32xf32, #tpu.memory_space<vmem>>[vector<16xi32>, vector<16xi32>], vector<16xf32>,
          %mul3A_428 = arith.mulf %gather3A_362, %gather3A_427 : vector<16xf32>
          %add3A_429 = arith.addf %add3A_423, %mul3A_428 : vector<16xf32>
          %gather3A_430 = tpu.vector_load_idx %arg9[%add3A_405, %and3A_53] : memref<1024x32xf32, #tpu.memory_space<vmem>>[vector<16xi32>, vector<16xi32>], vector<16xf32>,
          %mul3A_431 = arith.mulf %gather3A_363, %gather3A_430 : vector<16xf32>
          %add3A_432 = arith.addf %add3A_426, %mul3A_431 : vector<16xf32>
          %gather3A_433 = tpu.vector_load_idx %arg9[%add3A_405, %and3A_59] : memref<1024x32xf32, #tpu.memory_space<vmem>>[vector<16xi32>, vector<16xi32>], vector<16xf32>,
          %mul3A_434 = arith.mulf %gather3A_364, %gather3A_433 : vector<16xf32>
          %add3A_435 = arith.addf %add3A_429, %mul3A_434 : vector<16xf32>
          %gather3A_436 = tpu.vector_load_idx %arg9[%add3A_405, %and3A_65] : memref<1024x32xf32, #tpu.memory_space<vmem>>[vector<16xi32>, vector<16xi32>], vector<16xf32>,
          %mul3A_437 = arith.mulf %gather3A_365, %gather3A_436 : vector<16xf32>
          %add3A_438 = arith.addf %add3A_432, %mul3A_437 : vector<16xf32>
          %gather3A_439 = tpu.vector_load_idx %arg9[%add3A_405, %and3A_71] : memref<1024x32xf32, #tpu.memory_space<vmem>>[vector<16xi32>, vector<16xi32>], vector<16xf32>,
          %mul3A_440 = arith.mulf %gather3A_366, %gather3A_439 : vector<16xf32>
          %add3A_441 = arith.addf %add3A_435, %mul3A_440 : vector<16xf32>
          %gather3A_442 = tpu.vector_load_idx %arg9[%add3A_405, %and3A_77] : memref<1024x32xf32, #tpu.memory_space<vmem>>[vector<16xi32>, vector<16xi32>], vector<16xf32>,
          %mul3A_443 = arith.mulf %gather3A_367, %gather3A_442 : vector<16xf32>
          %add3A_444 = arith.addf %add3A_438, %mul3A_443 : vector<16xf32>
          %gather3A_445 = tpu.vector_load_idx %arg9[%add3A_405, %and3A_83] : memref<1024x32xf32, #tpu.memory_space<vmem>>[vector<16xi32>, vector<16xi32>], vector<16xf32>,
          %mul3A_446 = arith.mulf %gather3A_368, %gather3A_445 : vector<16xf32>
          %add3A_447 = arith.addf %add3A_441, %mul3A_446 : vector<16xf32>
          %gather3A_448 = tpu.vector_load_idx %arg9[%add3A_405, %and3A_89] : memref<1024x32xf32, #tpu.memory_space<vmem>>[vector<16xi32>, vector<16xi32>], vector<16xf32>,
          %mul3A_449 = arith.mulf %gather3A_369, %gather3A_448 : vector<16xf32>
          %add3A_450 = arith.addf %add3A_444, %mul3A_449 : vector<16xf32>
          %gather3A_451 = tpu.vector_load_idx %arg9[%add3A_405, %and3A_95] : memref<1024x32xf32, #tpu.memory_space<vmem>>[vector<16xi32>, vector<16xi32>], vector<16xf32>,
          %mul3A_452 = arith.mulf %gather3A_370, %gather3A_451 : vector<16xf32>
          %add3A_453 = arith.addf %add3A_447, %mul3A_452 : vector<16xf32>
          %add3A_454 = arith.addf %add3A_450, %add3A_453 : vector<16xf32>
          %exp3A = math.exp %add3A_454 : vector<16xf32>
          %swap3A = arith.index_cast %scan3A_402 : i32 to index
          %swap3A_455 = arith.constant 0 : index
          %swap3A_456 = tpu.vector_load %arg17[%swap3A, %swap3A_455] {strides = array<i32>} : memref<32x16xf32, #tpu.memory_space<vmem>>, vector<16xf32>,
          tpu.vector_store %arg17[%swap3A, %swap3A_455], %exp3A {strides = array<i32>} : memref<32x16xf32, #tpu.memory_space<vmem>>, vector<16xf32>,
          %add3A_457 = arith.addf %scan3A_403, %exp3A : vector<16xf32>
          %scan3A_458 = arith.constant 1 : i32
          %scan3A_459 = arith.addi %scan3A_402, %scan3A_458 : i32
          %add3A_460 = vector.broadcast %scan3A_459 : i32 to vector<16xi32>
          %add3A_461 = arith.addi %mul3A_354, %add3A_460 : vector<16xi32>
          %gather3A_462 = tpu.vector_load_idx %arg9[%add3A_461, %and3A_5] : memref<1024x32xf32, #tpu.memory_space<vmem>>[vector<16xi32>, vector<16xi32>], vector<16xf32>,
          %mul3A_463 = arith.mulf %gather3A_355, %gather3A_462 : vector<16xf32>
          %add3A_464 = arith.addf %broadcast_in_dim3A_307, %mul3A_463 : vector<16xf32>
          %gather3A_465 = tpu.vector_load_idx %arg9[%add3A_461, %and3A_11] : memref<1024x32xf32, #tpu.memory_space<vmem>>[vector<16xi32>, vector<16xi32>], vector<16xf32>,
          %mul3A_466 = arith.mulf %gather3A_356, %gather3A_465 : vector<16xf32>
          %add3A_467 = arith.addf %broadcast_in_dim3A_307, %mul3A_466 : vector<16xf32>
          %gather3A_468 = tpu.vector_load_idx %arg9[%add3A_461, %and3A_17] : memref<1024x32xf32, #tpu.memory_space<vmem>>[vector<16xi32>, vector<16xi32>], vector<16xf32>,
          %mul3A_469 = arith.mulf %gather3A_357, %gather3A_468 : vector<16xf32>
          %add3A_470 = arith.addf %add3A_464, %mul3A_469 : vector<16xf32>
          %gather3A_471 = tpu.vector_load_idx %arg9[%add3A_461, %and3A_23] : memref<1024x32xf32, #tpu.memory_space<vmem>>[vector<16xi32>, vector<16xi32>], vector<16xf32>,
          %mul3A_472 = arith.mulf %gather3A_358, %gather3A_471 : vector<16xf32>
          %add3A_473 = arith.addf %add3A_467, %mul3A_472 : vector<16xf32>
          %gather3A_474 = tpu.vector_load_idx %arg9[%add3A_461, %and3A_29] : memref<1024x32xf32, #tpu.memory_space<vmem>>[vector<16xi32>, vector<16xi32>], vector<16xf32>,
          %mul3A_475 = arith.mulf %gather3A_359, %gather3A_474 : vector<16xf32>
          %add3A_476 = arith.addf %add3A_470, %mul3A_475 : vector<16xf32>
          %gather3A_477 = tpu.vector_load_idx %arg9[%add3A_461, %and3A_35] : memref<1024x32xf32, #tpu.memory_space<vmem>>[vector<16xi32>, vector<16xi32>], vector<16xf32>,
          %mul3A_478 = arith.mulf %gather3A_360, %gather3A_477 : vector<16xf32>
          %add3A_479 = arith.addf %add3A_473, %mul3A_478 : vector<16xf32>
          %gather3A_480 = tpu.vector_load_idx %arg9[%add3A_461, %and3A_41] : memref<1024x32xf32, #tpu.memory_space<vmem>>[vector<16xi32>, vector<16xi32>], vector<16xf32>,
          %mul3A_481 = arith.mulf %gather3A_361, %gather3A_480 : vector<16xf32>
          %add3A_482 = arith.addf %add3A_476, %mul3A_481 : vector<16xf32>
          %gather3A_483 = tpu.vector_load_idx %arg9[%add3A_461, %and3A_47] : memref<1024x32xf32, #tpu.memory_space<vmem>>[vector<16xi32>, vector<16xi32>], vector<16xf32>,
          %mul3A_484 = arith.mulf %gather3A_362, %gather3A_483 : vector<16xf32>
          %add3A_485 = arith.addf %add3A_479, %mul3A_484 : vector<16xf32>
          %gather3A_486 = tpu.vector_load_idx %arg9[%add3A_461, %and3A_53] : memref<1024x32xf32, #tpu.memory_space<vmem>>[vector<16xi32>, vector<16xi32>], vector<16xf32>,
          %mul3A_487 = arith.mulf %gather3A_363, %gather3A_486 : vector<16xf32>
          %add3A_488 = arith.addf %add3A_482, %mul3A_487 : vector<16xf32>
          %gather3A_489 = tpu.vector_load_idx %arg9[%add3A_461, %and3A_59] : memref<1024x32xf32, #tpu.memory_space<vmem>>[vector<16xi32>, vector<16xi32>], vector<16xf32>,
          %mul3A_490 = arith.mulf %gather3A_364, %gather3A_489 : vector<16xf32>
          %add3A_491 = arith.addf %add3A_485, %mul3A_490 : vector<16xf32>
          %gather3A_492 = tpu.vector_load_idx %arg9[%add3A_461, %and3A_65] : memref<1024x32xf32, #tpu.memory_space<vmem>>[vector<16xi32>, vector<16xi32>], vector<16xf32>,
          %mul3A_493 = arith.mulf %gather3A_365, %gather3A_492 : vector<16xf32>
          %add3A_494 = arith.addf %add3A_488, %mul3A_493 : vector<16xf32>
          %gather3A_495 = tpu.vector_load_idx %arg9[%add3A_461, %and3A_71] : memref<1024x32xf32, #tpu.memory_space<vmem>>[vector<16xi32>, vector<16xi32>], vector<16xf32>,
          %mul3A_496 = arith.mulf %gather3A_366, %gather3A_495 : vector<16xf32>
          %add3A_497 = arith.addf %add3A_491, %mul3A_496 : vector<16xf32>
          %gather3A_498 = tpu.vector_load_idx %arg9[%add3A_461, %and3A_77] : memref<1024x32xf32, #tpu.memory_space<vmem>>[vector<16xi32>, vector<16xi32>], vector<16xf32>,
          %mul3A_499 = arith.mulf %gather3A_367, %gather3A_498 : vector<16xf32>
          %add3A_500 = arith.addf %add3A_494, %mul3A_499 : vector<16xf32>
          %gather3A_501 = tpu.vector_load_idx %arg9[%add3A_461, %and3A_83] : memref<1024x32xf32, #tpu.memory_space<vmem>>[vector<16xi32>, vector<16xi32>], vector<16xf32>,
          %mul3A_502 = arith.mulf %gather3A_368, %gather3A_501 : vector<16xf32>
          %add3A_503 = arith.addf %add3A_497, %mul3A_502 : vector<16xf32>
          %gather3A_504 = tpu.vector_load_idx %arg9[%add3A_461, %and3A_89] : memref<1024x32xf32, #tpu.memory_space<vmem>>[vector<16xi32>, vector<16xi32>], vector<16xf32>,
          %mul3A_505 = arith.mulf %gather3A_369, %gather3A_504 : vector<16xf32>
          %add3A_506 = arith.addf %add3A_500, %mul3A_505 : vector<16xf32>
          %gather3A_507 = tpu.vector_load_idx %arg9[%add3A_461, %and3A_95] : memref<1024x32xf32, #tpu.memory_space<vmem>>[vector<16xi32>, vector<16xi32>], vector<16xf32>,
          %mul3A_508 = arith.mulf %gather3A_370, %gather3A_507 : vector<16xf32>
          %add3A_509 = arith.addf %add3A_503, %mul3A_508 : vector<16xf32>
          %add3A_510 = arith.addf %add3A_506, %add3A_509 : vector<16xf32>
          %exp3A_511 = math.exp %add3A_510 : vector<16xf32>
          %swap3A_512 = arith.index_cast %scan3A_459 : i32 to index
          %swap3A_513 = arith.constant 0 : index
          %swap3A_514 = tpu.vector_load %arg17[%swap3A_512, %swap3A_513] {strides = array<i32>} : memref<32x16xf32, #tpu.memory_space<vmem>>, vector<16xf32>,
          tpu.vector_store %arg17[%swap3A_512, %swap3A_513], %exp3A_511 {strides = array<i32>} : memref<32x16xf32, #tpu.memory_space<vmem>>, vector<16xf32>,
          %add3A_515 = arith.addf %add3A_457, %exp3A_511 : vector<16xf32>
          scf.yield %add3A_515 : vector<16xf32>
        }
        %scan3A_376 = arith.constant 32 : i32
        %div3A_377 = arith.constant 1.000000e+00 : f32
        %div3A_378 = vector.broadcast %div3A_377 : f32 to vector<16xf32>
        %div3A_379 = arith.divf %div3A_378, %scan3A_375 : vector<16xf32>
        %scan3A_380 = arith.constant 0 : i32
        %scan3A_381 = arith.constant 32 : i32
        %scan3A_382 = arith.addi %scan3A_380, %scan3A_381 : i32
        %scan3A_383 = arith.constant 2 : i32
        %scan3A_384:16 = scf.for %scan3A_402 = %scan3A_380 to %scan3A_382 step %scan3A_383 iter_args(%scan3A_403 = %broadcast_in_dim3A_307, %scan3A_404 = %broadcast_in_dim3A_307, %scan3A_405 = %broadcast_in_dim3A_307, %scan3A_406 = %broadcast_in_dim3A_307, %scan3A_407 = %broadcast_in_dim3A_307, %scan3A_408 = %broadcast_in_dim3A_307, %scan3A_409 = %broadcast_in_dim3A_307, %scan3A_410 = %broadcast_in_dim3A_307, %scan3A_411 = %broadcast_in_dim3A_307, %scan3A_412 = %broadcast_in_dim3A_307, %scan3A_413 = %broadcast_in_dim3A_307, %scan3A_414 = %broadcast_in_dim3A_307, %scan3A_415 = %broadcast_in_dim3A_307, %scan3A_416 = %broadcast_in_dim3A_307, %scan3A_417 = %broadcast_in_dim3A_307, %scan3A_418 = %broadcast_in_dim3A_307) -> (vector<16xf32>, vector<16xf32>, vector<16xf32>, vector<16xf32>, vector<16xf32>, vector<16xf32>, vector<16xf32>, vector<16xf32>, vector<16xf32>, vector<16xf32>, vector<16xf32>, vector<16xf32>, vector<16xf32>, vector<16xf32>, vector<16xf32>, vector<16xf32>)  : i32 {
          %get3A = arith.index_cast %scan3A_402 : i32 to index
          %get3A_419 = arith.constant 0 : index
          %get3A_420 = tpu.vector_load %arg17[%get3A, %get3A_419] {strides = array<i32>} : memref<32x16xf32, #tpu.memory_space<vmem>>, vector<16xf32>,
          %mul3A_421 = arith.mulf %get3A_420, %div3A_379 : vector<16xf32>
          %add3A_422 = vector.broadcast %scan3A_402 : i32 to vector<16xi32>
          %add3A_423 = arith.addi %mul3A_354, %add3A_422 : vector<16xi32>
          %gather3A_424 = tpu.vector_load_idx %arg9[%add3A_423, %add3A_98] : memref<1024x32xf32, #tpu.memory_space<vmem>>[vector<16xi32>, vector<16xi32>], vector<16xf32>,
          %mul3A_425 = arith.mulf %mul3A_421, %gather3A_424 : vector<16xf32>
          %add3A_426 = arith.addf %scan3A_403, %mul3A_425 : vector<16xf32>
          %gather3A_427 = tpu.vector_load_idx %arg9[%add3A_423, %add3A_101] : memref<1024x32xf32, #tpu.memory_space<vmem>>[vector<16xi32>, vector<16xi32>], vector<16xf32>,
          %mul3A_428 = arith.mulf %mul3A_421, %gather3A_427 : vector<16xf32>
          %add3A_429 = arith.addf %scan3A_404, %mul3A_428 : vector<16xf32>
          %gather3A_430 = tpu.vector_load_idx %arg9[%add3A_423, %add3A_104] : memref<1024x32xf32, #tpu.memory_space<vmem>>[vector<16xi32>, vector<16xi32>], vector<16xf32>,
          %mul3A_431 = arith.mulf %mul3A_421, %gather3A_430 : vector<16xf32>
          %add3A_432 = arith.addf %scan3A_405, %mul3A_431 : vector<16xf32>
          %gather3A_433 = tpu.vector_load_idx %arg9[%add3A_423, %add3A_107] : memref<1024x32xf32, #tpu.memory_space<vmem>>[vector<16xi32>, vector<16xi32>], vector<16xf32>,
          %mul3A_434 = arith.mulf %mul3A_421, %gather3A_433 : vector<16xf32>
          %add3A_435 = arith.addf %scan3A_406, %mul3A_434 : vector<16xf32>
          %gather3A_436 = tpu.vector_load_idx %arg9[%add3A_423, %add3A_110] : memref<1024x32xf32, #tpu.memory_space<vmem>>[vector<16xi32>, vector<16xi32>], vector<16xf32>,
          %mul3A_437 = arith.mulf %mul3A_421, %gather3A_436 : vector<16xf32>
          %add3A_438 = arith.addf %scan3A_407, %mul3A_437 : vector<16xf32>
          %gather3A_439 = tpu.vector_load_idx %arg9[%add3A_423, %add3A_113] : memref<1024x32xf32, #tpu.memory_space<vmem>>[vector<16xi32>, vector<16xi32>], vector<16xf32>,
          %mul3A_440 = arith.mulf %mul3A_421, %gather3A_439 : vector<16xf32>
          %add3A_441 = arith.addf %scan3A_408, %mul3A_440 : vector<16xf32>
          %gather3A_442 = tpu.vector_load_idx %arg9[%add3A_423, %add3A_116] : memref<1024x32xf32, #tpu.memory_space<vmem>>[vector<16xi32>, vector<16xi32>], vector<16xf32>,
          %mul3A_443 = arith.mulf %mul3A_421, %gather3A_442 : vector<16xf32>
          %add3A_444 = arith.addf %scan3A_409, %mul3A_443 : vector<16xf32>
          %gather3A_445 = tpu.vector_load_idx %arg9[%add3A_423, %add3A_119] : memref<1024x32xf32, #tpu.memory_space<vmem>>[vector<16xi32>, vector<16xi32>], vector<16xf32>,
          %mul3A_446 = arith.mulf %mul3A_421, %gather3A_445 : vector<16xf32>
          %add3A_447 = arith.addf %scan3A_410, %mul3A_446 : vector<16xf32>
          %gather3A_448 = tpu.vector_load_idx %arg9[%add3A_423, %add3A_122] : memref<1024x32xf32, #tpu.memory_space<vmem>>[vector<16xi32>, vector<16xi32>], vector<16xf32>,
          %mul3A_449 = arith.mulf %mul3A_421, %gather3A_448 : vector<16xf32>
          %add3A_450 = arith.addf %scan3A_411, %mul3A_449 : vector<16xf32>
          %gather3A_451 = tpu.vector_load_idx %arg9[%add3A_423, %add3A_125] : memref<1024x32xf32, #tpu.memory_space<vmem>>[vector<16xi32>, vector<16xi32>], vector<16xf32>,
          %mul3A_452 = arith.mulf %mul3A_421, %gather3A_451 : vector<16xf32>
          %add3A_453 = arith.addf %scan3A_412, %mul3A_452 : vector<16xf32>
          %gather3A_454 = tpu.vector_load_idx %arg9[%add3A_423, %add3A_128] : memref<1024x32xf32, #tpu.memory_space<vmem>>[vector<16xi32>, vector<16xi32>], vector<16xf32>,
          %mul3A_455 = arith.mulf %mul3A_421, %gather3A_454 : vector<16xf32>
          %add3A_456 = arith.addf %scan3A_413, %mul3A_455 : vector<16xf32>
          %gather3A_457 = tpu.vector_load_idx %arg9[%add3A_423, %add3A_131] : memref<1024x32xf32, #tpu.memory_space<vmem>>[vector<16xi32>, vector<16xi32>], vector<16xf32>,
          %mul3A_458 = arith.mulf %mul3A_421, %gather3A_457 : vector<16xf32>
          %add3A_459 = arith.addf %scan3A_414, %mul3A_458 : vector<16xf32>
          %gather3A_460 = tpu.vector_load_idx %arg9[%add3A_423, %add3A_134] : memref<1024x32xf32, #tpu.memory_space<vmem>>[vector<16xi32>, vector<16xi32>], vector<16xf32>,
          %mul3A_461 = arith.mulf %mul3A_421, %gather3A_460 : vector<16xf32>
          %add3A_462 = arith.addf %scan3A_415, %mul3A_461 : vector<16xf32>
          %gather3A_463 = tpu.vector_load_idx %arg9[%add3A_423, %add3A_137] : memref<1024x32xf32, #tpu.memory_space<vmem>>[vector<16xi32>, vector<16xi32>], vector<16xf32>,
          %mul3A_464 = arith.mulf %mul3A_421, %gather3A_463 : vector<16xf32>
          %add3A_465 = arith.addf %scan3A_416, %mul3A_464 : vector<16xf32>
          %gather3A_466 = tpu.vector_load_idx %arg9[%add3A_423, %add3A_140] : memref<1024x32xf32, #tpu.memory_space<vmem>>[vector<16xi32>, vector<16xi32>], vector<16xf32>,
          %mul3A_467 = arith.mulf %mul3A_421, %gather3A_466 : vector<16xf32>
          %add3A_468 = arith.addf %scan3A_417, %mul3A_467 : vector<16xf32>
          %gather3A_469 = tpu.vector_load_idx %arg9[%add3A_423, %add3A_143] : memref<1024x32xf32, #tpu.memory_space<vmem>>[vector<16xi32>, vector<16xi32>], vector<16xf32>,
          %mul3A_470 = arith.mulf %mul3A_421, %gather3A_469 : vector<16xf32>
          %add3A_471 = arith.addf %scan3A_418, %mul3A_470 : vector<16xf32>
          %scan3A_472 = arith.constant 1 : i32
          %scan3A_473 = arith.addi %scan3A_402, %scan3A_472 : i32
          %get3A_474 = arith.index_cast %scan3A_473 : i32 to index
          %get3A_475 = arith.constant 0 : index
          %get3A_476 = tpu.vector_load %arg17[%get3A_474, %get3A_475] {strides = array<i32>} : memref<32x16xf32, #tpu.memory_space<vmem>>, vector<16xf32>,
          %mul3A_477 = arith.mulf %get3A_476, %div3A_379 : vector<16xf32>
          %add3A_478 = vector.broadcast %scan3A_473 : i32 to vector<16xi32>
          %add3A_479 = arith.addi %mul3A_354, %add3A_478 : vector<16xi32>
          %gather3A_480 = tpu.vector_load_idx %arg9[%add3A_479, %add3A_98] : memref<1024x32xf32, #tpu.memory_space<vmem>>[vector<16xi32>, vector<16xi32>], vector<16xf32>,
          %mul3A_481 = arith.mulf %mul3A_477, %gather3A_480 : vector<16xf32>
          %add3A_482 = arith.addf %add3A_426, %mul3A_481 : vector<16xf32>
          %gather3A_483 = tpu.vector_load_idx %arg9[%add3A_479, %add3A_101] : memref<1024x32xf32, #tpu.memory_space<vmem>>[vector<16xi32>, vector<16xi32>], vector<16xf32>,
          %mul3A_484 = arith.mulf %mul3A_477, %gather3A_483 : vector<16xf32>
          %add3A_485 = arith.addf %add3A_429, %mul3A_484 : vector<16xf32>
          %gather3A_486 = tpu.vector_load_idx %arg9[%add3A_479, %add3A_104] : memref<1024x32xf32, #tpu.memory_space<vmem>>[vector<16xi32>, vector<16xi32>], vector<16xf32>,
          %mul3A_487 = arith.mulf %mul3A_477, %gather3A_486 : vector<16xf32>
          %add3A_488 = arith.addf %add3A_432, %mul3A_487 : vector<16xf32>
          %gather3A_489 = tpu.vector_load_idx %arg9[%add3A_479, %add3A_107] : memref<1024x32xf32, #tpu.memory_space<vmem>>[vector<16xi32>, vector<16xi32>], vector<16xf32>,
          %mul3A_490 = arith.mulf %mul3A_477, %gather3A_489 : vector<16xf32>
          %add3A_491 = arith.addf %add3A_435, %mul3A_490 : vector<16xf32>
          %gather3A_492 = tpu.vector_load_idx %arg9[%add3A_479, %add3A_110] : memref<1024x32xf32, #tpu.memory_space<vmem>>[vector<16xi32>, vector<16xi32>], vector<16xf32>,
          %mul3A_493 = arith.mulf %mul3A_477, %gather3A_492 : vector<16xf32>
          %add3A_494 = arith.addf %add3A_438, %mul3A_493 : vector<16xf32>
          %gather3A_495 = tpu.vector_load_idx %arg9[%add3A_479, %add3A_113] : memref<1024x32xf32, #tpu.memory_space<vmem>>[vector<16xi32>, vector<16xi32>], vector<16xf32>,
          %mul3A_496 = arith.mulf %mul3A_477, %gather3A_495 : vector<16xf32>
          %add3A_497 = arith.addf %add3A_441, %mul3A_496 : vector<16xf32>
          %gather3A_498 = tpu.vector_load_idx %arg9[%add3A_479, %add3A_116] : memref<1024x32xf32, #tpu.memory_space<vmem>>[vector<16xi32>, vector<16xi32>], vector<16xf32>,
          %mul3A_499 = arith.mulf %mul3A_477, %gather3A_498 : vector<16xf32>
          %add3A_500 = arith.addf %add3A_444, %mul3A_499 : vector<16xf32>
          %gather3A_501 = tpu.vector_load_idx %arg9[%add3A_479, %add3A_119] : memref<1024x32xf32, #tpu.memory_space<vmem>>[vector<16xi32>, vector<16xi32>], vector<16xf32>,
          %mul3A_502 = arith.mulf %mul3A_477, %gather3A_501 : vector<16xf32>
          %add3A_503 = arith.addf %add3A_447, %mul3A_502 : vector<16xf32>
          %gather3A_504 = tpu.vector_load_idx %arg9[%add3A_479, %add3A_122] : memref<1024x32xf32, #tpu.memory_space<vmem>>[vector<16xi32>, vector<16xi32>], vector<16xf32>,
          %mul3A_505 = arith.mulf %mul3A_477, %gather3A_504 : vector<16xf32>
          %add3A_506 = arith.addf %add3A_450, %mul3A_505 : vector<16xf32>
          %gather3A_507 = tpu.vector_load_idx %arg9[%add3A_479, %add3A_125] : memref<1024x32xf32, #tpu.memory_space<vmem>>[vector<16xi32>, vector<16xi32>], vector<16xf32>,
          %mul3A_508 = arith.mulf %mul3A_477, %gather3A_507 : vector<16xf32>
          %add3A_509 = arith.addf %add3A_453, %mul3A_508 : vector<16xf32>
          %gather3A_510 = tpu.vector_load_idx %arg9[%add3A_479, %add3A_128] : memref<1024x32xf32, #tpu.memory_space<vmem>>[vector<16xi32>, vector<16xi32>], vector<16xf32>,
          %mul3A_511 = arith.mulf %mul3A_477, %gather3A_510 : vector<16xf32>
          %add3A_512 = arith.addf %add3A_456, %mul3A_511 : vector<16xf32>
          %gather3A_513 = tpu.vector_load_idx %arg9[%add3A_479, %add3A_131] : memref<1024x32xf32, #tpu.memory_space<vmem>>[vector<16xi32>, vector<16xi32>], vector<16xf32>,
          %mul3A_514 = arith.mulf %mul3A_477, %gather3A_513 : vector<16xf32>
          %add3A_515 = arith.addf %add3A_459, %mul3A_514 : vector<16xf32>
          %gather3A_516 = tpu.vector_load_idx %arg9[%add3A_479, %add3A_134] : memref<1024x32xf32, #tpu.memory_space<vmem>>[vector<16xi32>, vector<16xi32>], vector<16xf32>,
          %mul3A_517 = arith.mulf %mul3A_477, %gather3A_516 : vector<16xf32>
          %add3A_518 = arith.addf %add3A_462, %mul3A_517 : vector<16xf32>
          %gather3A_519 = tpu.vector_load_idx %arg9[%add3A_479, %add3A_137] : memref<1024x32xf32, #tpu.memory_space<vmem>>[vector<16xi32>, vector<16xi32>], vector<16xf32>,
          %mul3A_520 = arith.mulf %mul3A_477, %gather3A_519 : vector<16xf32>
          %add3A_521 = arith.addf %add3A_465, %mul3A_520 : vector<16xf32>
          %gather3A_522 = tpu.vector_load_idx %arg9[%add3A_479, %add3A_140] : memref<1024x32xf32, #tpu.memory_space<vmem>>[vector<16xi32>, vector<16xi32>], vector<16xf32>,
          %mul3A_523 = arith.mulf %mul3A_477, %gather3A_522 : vector<16xf32>
          %add3A_524 = arith.addf %add3A_468, %mul3A_523 : vector<16xf32>
          %gather3A_525 = tpu.vector_load_idx %arg9[%add3A_479, %add3A_143] : memref<1024x32xf32, #tpu.memory_space<vmem>>[vector<16xi32>, vector<16xi32>], vector<16xf32>,
          %mul3A_526 = arith.mulf %mul3A_477, %gather3A_525 : vector<16xf32>
          %add3A_527 = arith.addf %add3A_471, %mul3A_526 : vector<16xf32>
          scf.yield %add3A_482, %add3A_485, %add3A_488, %add3A_491, %add3A_494, %add3A_497, %add3A_500, %add3A_503, %add3A_506, %add3A_509, %add3A_512, %add3A_515, %add3A_518, %add3A_521, %add3A_524, %add3A_527 : vector<16xf32>, vector<16xf32>, vector<16xf32>, vector<16xf32>, vector<16xf32>, vector<16xf32>, vector<16xf32>, vector<16xf32>, vector<16xf32>, vector<16xf32>, vector<16xf32>, vector<16xf32>, vector<16xf32>, vector<16xf32>, vector<16xf32>, vector<16xf32>
        }
        %scan3A_385 = arith.constant 32 : i32
        tpu.vector_store_idx %arg15[%add3A_351, %and3A_5], %scan3A_384#0 : memref<32x16xf32, #tpu.memory_space<vmem>>[vector<16xi32>, vector<16xi32>], vector<16xf32>,
        tpu.vector_store_idx %arg15[%add3A_351, %and3A_11], %scan3A_384#1 : memref<32x16xf32, #tpu.memory_space<vmem>>[vector<16xi32>, vector<16xi32>], vector<16xf32>,
        tpu.vector_store_idx %arg15[%add3A_351, %and3A_17], %scan3A_384#2 : memref<32x16xf32, #tpu.memory_space<vmem>>[vector<16xi32>, vector<16xi32>], vector<16xf32>,
        tpu.vector_store_idx %arg15[%add3A_351, %and3A_23], %scan3A_384#3 : memref<32x16xf32, #tpu.memory_space<vmem>>[vector<16xi32>, vector<16xi32>], vector<16xf32>,
        tpu.vector_store_idx %arg15[%add3A_351, %and3A_29], %scan3A_384#4 : memref<32x16xf32, #tpu.memory_space<vmem>>[vector<16xi32>, vector<16xi32>], vector<16xf32>,
        tpu.vector_store_idx %arg15[%add3A_351, %and3A_35], %scan3A_384#5 : memref<32x16xf32, #tpu.memory_space<vmem>>[vector<16xi32>, vector<16xi32>], vector<16xf32>,
        tpu.vector_store_idx %arg15[%add3A_351, %and3A_41], %scan3A_384#6 : memref<32x16xf32, #tpu.memory_space<vmem>>[vector<16xi32>, vector<16xi32>], vector<16xf32>,
        tpu.vector_store_idx %arg15[%add3A_351, %and3A_47], %scan3A_384#7 : memref<32x16xf32, #tpu.memory_space<vmem>>[vector<16xi32>, vector<16xi32>], vector<16xf32>,
        tpu.vector_store_idx %arg15[%add3A_351, %and3A_53], %scan3A_384#8 : memref<32x16xf32, #tpu.memory_space<vmem>>[vector<16xi32>, vector<16xi32>], vector<16xf32>,
        tpu.vector_store_idx %arg15[%add3A_351, %and3A_59], %scan3A_384#9 : memref<32x16xf32, #tpu.memory_space<vmem>>[vector<16xi32>, vector<16xi32>], vector<16xf32>,
        tpu.vector_store_idx %arg15[%add3A_351, %and3A_65], %scan3A_384#10 : memref<32x16xf32, #tpu.memory_space<vmem>>[vector<16xi32>, vector<16xi32>], vector<16xf32>,
        tpu.vector_store_idx %arg15[%add3A_351, %and3A_71], %scan3A_384#11 : memref<32x16xf32, #tpu.memory_space<vmem>>[vector<16xi32>, vector<16xi32>], vector<16xf32>,
        tpu.vector_store_idx %arg15[%add3A_351, %and3A_77], %scan3A_384#12 : memref<32x16xf32, #tpu.memory_space<vmem>>[vector<16xi32>, vector<16xi32>], vector<16xf32>,
        tpu.vector_store_idx %arg15[%add3A_351, %and3A_83], %scan3A_384#13 : memref<32x16xf32, #tpu.memory_space<vmem>>[vector<16xi32>, vector<16xi32>], vector<16xf32>,
        tpu.vector_store_idx %arg15[%add3A_351, %and3A_89], %scan3A_384#14 : memref<32x16xf32, #tpu.memory_space<vmem>>[vector<16xi32>, vector<16xi32>], vector<16xf32>,
        tpu.vector_store_idx %arg15[%add3A_351, %and3A_95], %scan3A_384#15 : memref<32x16xf32, #tpu.memory_space<vmem>>[vector<16xi32>, vector<16xi32>], vector<16xf32>,
        %scan3A_386 = arith.constant 0 : i32
        %scan3A_387 = arith.constant 0 : i32
        %scan3A_388 = arith.constant 32 : i32
        %scan3A_389 = arith.addi %scan3A_387, %scan3A_388 : i32
        %scan3A_390 = arith.constant 4 : i32
        scf.for %scan3A_402 = %scan3A_387 to %scan3A_389 step %scan3A_390  : i32 {
          %add3A_403 = vector.broadcast %scan3A_402 : i32 to vector<16xi32>
          %add3A_404 = arith.addi %add3A_403, %iota3A : vector<16xi32>
          %and3A_405 = arith.constant 31 : i32
          %and3A_406 = vector.broadcast %and3A_405 : i32 to vector<16xi32>
          %and3A_407 = arith.andi %add3A_404, %and3A_406 : vector<16xi32>
          %gather3A_408 = tpu.vector_load_idx %arg17[%and3A_407, %iota3A] : memref<32x16xf32, #tpu.memory_space<vmem>>[vector<16xi32>, vector<16xi32>], vector<16xf32>,
          %mul3A_409 = arith.mulf %gather3A_408, %div3A_379 : vector<16xf32>
          tpu.vector_store_idx %arg13[%add3A_351, %and3A_407], %mul3A_409 : memref<32x32xf32, #tpu.memory_space<vmem>>[vector<16xi32>, vector<16xi32>], vector<16xf32>,
          %scan3A_410 = arith.constant 1 : i32
          %scan3A_411 = arith.addi %scan3A_402, %scan3A_410 : i32
          %add3A_412 = vector.broadcast %scan3A_411 : i32 to vector<16xi32>
          %add3A_413 = arith.addi %add3A_412, %iota3A : vector<16xi32>
          %and3A_414 = arith.constant 31 : i32
          %and3A_415 = vector.broadcast %and3A_414 : i32 to vector<16xi32>
          %and3A_416 = arith.andi %add3A_413, %and3A_415 : vector<16xi32>
          %gather3A_417 = tpu.vector_load_idx %arg17[%and3A_416, %iota3A] : memref<32x16xf32, #tpu.memory_space<vmem>>[vector<16xi32>, vector<16xi32>], vector<16xf32>,
          %mul3A_418 = arith.mulf %gather3A_417, %div3A_379 : vector<16xf32>
          tpu.vector_store_idx %arg13[%add3A_351, %and3A_416], %mul3A_418 : memref<32x32xf32, #tpu.memory_space<vmem>>[vector<16xi32>, vector<16xi32>], vector<16xf32>,
          %scan3A_419 = arith.constant 2 : i32
          %scan3A_420 = arith.addi %scan3A_402, %scan3A_419 : i32
          %add3A_421 = vector.broadcast %scan3A_420 : i32 to vector<16xi32>
          %add3A_422 = arith.addi %add3A_421, %iota3A : vector<16xi32>
          %and3A_423 = arith.constant 31 : i32
          %and3A_424 = vector.broadcast %and3A_423 : i32 to vector<16xi32>
          %and3A_425 = arith.andi %add3A_422, %and3A_424 : vector<16xi32>
          %gather3A_426 = tpu.vector_load_idx %arg17[%and3A_425, %iota3A] : memref<32x16xf32, #tpu.memory_space<vmem>>[vector<16xi32>, vector<16xi32>], vector<16xf32>,
          %mul3A_427 = arith.mulf %gather3A_426, %div3A_379 : vector<16xf32>
          tpu.vector_store_idx %arg13[%add3A_351, %and3A_425], %mul3A_427 : memref<32x32xf32, #tpu.memory_space<vmem>>[vector<16xi32>, vector<16xi32>], vector<16xf32>,
          %scan3A_428 = arith.constant 3 : i32
          %scan3A_429 = arith.addi %scan3A_402, %scan3A_428 : i32
          %add3A_430 = vector.broadcast %scan3A_429 : i32 to vector<16xi32>
          %add3A_431 = arith.addi %add3A_430, %iota3A : vector<16xi32>
          %and3A_432 = arith.constant 31 : i32
          %and3A_433 = vector.broadcast %and3A_432 : i32 to vector<16xi32>
          %and3A_434 = arith.andi %add3A_431, %and3A_433 : vector<16xi32>
          %gather3A_435 = tpu.vector_load_idx %arg17[%and3A_434, %iota3A] : memref<32x16xf32, #tpu.memory_space<vmem>>[vector<16xi32>, vector<16xi32>], vector<16xf32>,
          %mul3A_436 = arith.mulf %gather3A_435, %div3A_379 : vector<16xf32>
          tpu.vector_store_idx %arg13[%add3A_351, %and3A_434], %mul3A_436 : memref<32x32xf32, #tpu.memory_space<vmem>>[vector<16xi32>, vector<16xi32>], vector<16xf32>,
        }
        %scan3A_391 = arith.constant 32 : i32
        %mul3A_392 = arith.constant 32 : i32
        %mul3A_393 = arith.muli %add3A_235, %mul3A_392 : i32
        %dma_start3A_394 = arith.constant 0 : i32
        %dma_start3A_395 = tpu.memref_slice %arg5[%mul3A_393, %dma_start3A_394] : memref<40000x32xf32, #tpu.memory_space<hbm>> -> memref<32x32xf32, #tpu.memory_space<hbm>>
        %dma_start3A_396 = arith.constant 0 : i32
        %dma_start3A_397 = tpu.memref_slice %arg5[%mul3A_393, %dma_start3A_396] : memref<40000x32xf32, #tpu.memory_space<hbm>> -> memref<32x32xf32, #tpu.memory_space<hbm>>
        tpu.enqueue_dma source(%arg13 : memref<32x32xf32, #tpu.memory_space<vmem>>) target(%dma_start3A_397 : memref<32x32xf32, #tpu.memory_space<hbm>>) target_semaphore(%arg21 : memref<!tpu.dma_semaphore, #tpu.memory_space<semaphore_mem>>)
        %dma_start3A_398 = arith.constant 0 : i32
        %dma_start3A_399 = tpu.memref_slice %arg6[%mul3A_393, %dma_start3A_398] : memref<40000x16xf32, #tpu.memory_space<hbm>> -> memref<32x16xf32, #tpu.memory_space<hbm>>
        %dma_start3A_400 = arith.constant 0 : i32
        %dma_start3A_401 = tpu.memref_slice %arg6[%mul3A_393, %dma_start3A_400] : memref<40000x16xf32, #tpu.memory_space<hbm>> -> memref<32x16xf32, #tpu.memory_space<hbm>>
        tpu.enqueue_dma source(%arg15 : memref<32x16xf32, #tpu.memory_space<vmem>>) target(%dma_start3A_401 : memref<32x16xf32, #tpu.memory_space<hbm>>) target_semaphore(%arg21 : memref<!tpu.dma_semaphore, #tpu.memory_space<semaphore_mem>>)
      } else {
      }
      %add3A_256 = arith.constant 2 : i32
      %add3A_257 = arith.addi %add3A_232, %add3A_256 : i32
      %mul3A_258 = arith.constant 32 : i32
      %mul3A_259 = arith.muli %add3A_257, %mul3A_258 : i32
      %add3A_260 = arith.addi %mul3A_259, %add3A : i32
      %lt3A_261 = arith.constant 1250 : i32
      %lt3A_262 = arith.cmpi slt, %add3A_260, %lt3A_261 : i32
      %convert_element_type3A_263 = arith.extui %lt3A_262 : i1 to i32
      %cond3A_264 = arith.constant 0 : i32
      %cond3A_265 = arith.cmpi ne, %convert_element_type3A_263, %cond3A_264 : i32
      scf.if %cond3A_265 {
        %add3A_307 = arith.constant 2 : i32
        %add3A_308 = arith.addi %add3A_232, %add3A_307 : i32
        %mul3A_309 = arith.constant 32 : i32
        %mul3A_310 = arith.muli %add3A_308, %mul3A_309 : i32
        %add3A_311 = arith.addi %mul3A_310, %add3A : i32
        %dma_start3A_312 = arith.constant 0 : i32
        %dma_start3A_313 = arith.constant 0 : i32
        %dma_start3A_314 = tpu.memref_slice %arg2[%add3A_311, %dma_start3A_312, %dma_start3A_313] : memref<1250x1x1024xi32, #tpu.memory_space<hbm>> -> memref<1x1x1024xi32, #tpu.memory_space<hbm>>
        %dma_start3A_315 = tpu.memref_squeeze %dma_start3A_314 : memref<1x1x1024xi32, #tpu.memory_space<hbm>> -> memref<1x1024xi32, #tpu.memory_space<hbm>>
        %dma_start3A_316 = arith.constant 0 : i32
        %dma_start3A_317 = arith.constant 0 : i32
        %dma_start3A_318 = tpu.memref_slice %arg2[%add3A_311, %dma_start3A_316, %dma_start3A_317] : memref<1250x1x1024xi32, #tpu.memory_space<hbm>> -> memref<1x1x1024xi32, #tpu.memory_space<hbm>>
        %dma_start3A_319 = tpu.memref_squeeze %dma_start3A_318 : memref<1x1x1024xi32, #tpu.memory_space<hbm>> -> memref<1x1024xi32, #tpu.memory_space<hbm>>
        tpu.enqueue_dma source(%dma_start3A_319 : memref<1x1024xi32, #tpu.memory_space<hbm>>) target(%arg7 : memref<1x1024xi32, #tpu.memory_space<vmem>>) target_semaphore(%arg19 : memref<!tpu.dma_semaphore, #tpu.memory_space<semaphore_mem>>)
        %mul3A_320 = arith.constant 32 : i32
        %mul3A_321 = arith.muli %add3A_311, %mul3A_320 : i32
        %dma_start3A_322 = arith.constant 0 : i32
        %dma_start3A_323 = tpu.memref_slice %arg3[%mul3A_321, %dma_start3A_322] : memref<40000x16xf32, #tpu.memory_space<hbm>> -> memref<32x16xf32, #tpu.memory_space<hbm>>
        %dma_start3A_324 = arith.constant 0 : i32
        %dma_start3A_325 = tpu.memref_slice %arg3[%mul3A_321, %dma_start3A_324] : memref<40000x16xf32, #tpu.memory_space<hbm>> -> memref<32x16xf32, #tpu.memory_space<hbm>>
        tpu.enqueue_dma source(%dma_start3A_325 : memref<32x16xf32, #tpu.memory_space<hbm>>) target(%arg11 : memref<32x16xf32, #tpu.memory_space<vmem>>) target_semaphore(%arg19 : memref<!tpu.dma_semaphore, #tpu.memory_space<semaphore_mem>>)
      } else {
      }
      %mul3A_266 = arith.constant 2 : i32
      %mul3A_267 = arith.muli %scan3A_228, %mul3A_266 : i32
      %add3A_268 = arith.constant 1 : i32
      %add3A_269 = arith.addi %mul3A_267, %add3A_268 : i32
      %mul3A_270 = arith.constant 32 : i32
      %mul3A_271 = arith.muli %add3A_269, %mul3A_270 : i32
      %add3A_272 = arith.addi %mul3A_271, %add3A : i32
      %lt3A_273 = arith.constant 1250 : i32
      %lt3A_274 = arith.cmpi slt, %add3A_272, %lt3A_273 : i32
      %convert_element_type3A_275 = arith.extui %lt3A_274 : i1 to i32
      %cond3A_276 = arith.constant 0 : i32
      %cond3A_277 = arith.cmpi ne, %convert_element_type3A_275, %cond3A_276 : i32
      scf.if %cond3A_277 {
        %dma_wait3A_307 = arith.constant 0 : i32
        %dma_wait3A_308 = arith.constant 0 : i32
        %dma_wait3A_309 = arith.constant 0 : i32
        %dma_wait3A_310 = tpu.memref_slice %arg10[%dma_wait3A_308, %dma_wait3A_309] : memref<1024x32xf32, #tpu.memory_space<vmem>> -> memref<1024x32xf32, #tpu.memory_space<vmem>>
        %dma_wait3A_311 = arith.constant 0 : i32
        %dma_wait3A_312 = tpu.memref_slice %arg8[%dma_wait3A_307, %dma_wait3A_311] : memref<1x1024xi32, #tpu.memory_space<vmem>> -> memref<1x1024xi32, #tpu.memory_space<vmem>>
        %dma_wait3A_313 = tpu.memref_squeeze %dma_wait3A_312 : memref<1x1024xi32, #tpu.memory_space<vmem>> -> memref<1024xi32, #tpu.memory_space<vmem>>
        %dma_wait3A_314 = arith.constant 0 : i32
        %dma_wait3A_315 = arith.constant 0 : i32
        %dma_wait3A_316 = tpu.memref_slice %arg4[%dma_wait3A_314, %dma_wait3A_315] : memref<40000x32xf32, #tpu.memory_space<hbm>> -> memref<40000x32xf32, #tpu.memory_space<hbm>>
        tpu.wait_indirect_dma semaphore(%arg18 : memref<!tpu.dma_semaphore, #tpu.memory_space<semaphore_mem>>) src(%dma_wait3A_316 : memref<40000x32xf32, #tpu.memory_space<hbm>>) dst(%dma_wait3A_310 : memref<1024x32xf32, #tpu.memory_space<vmem>>)
      } else {
      }
      %add3A_278 = arith.constant 1 : i32
      %add3A_279 = arith.addi %add3A_269, %add3A_278 : i32
      %mul3A_280 = arith.constant 32 : i32
      %mul3A_281 = arith.muli %add3A_279, %mul3A_280 : i32
      %add3A_282 = arith.addi %mul3A_281, %add3A : i32
      %lt3A_283 = arith.constant 1250 : i32
      %lt3A_284 = arith.cmpi slt, %add3A_282, %lt3A_283 : i32
      %convert_element_type3A_285 = arith.extui %lt3A_284 : i1 to i32
      %cond3A_286 = arith.constant 0 : i32
      %cond3A_287 = arith.cmpi ne, %convert_element_type3A_285, %cond3A_286 : i32
      scf.if %cond3A_287 {
        %dma_wait3A_307 = arith.constant 0 : i32
        %dma_wait3A_308 = arith.constant 0 : i32
        %dma_wait3A_309 = arith.constant 0 : i32
        %dma_wait3A_310 = tpu.memref_slice %arg2[%dma_wait3A_307, %dma_wait3A_308, %dma_wait3A_309] : memref<1250x1x1024xi32, #tpu.memory_space<hbm>> -> memref<1x1x1024xi32, #tpu.memory_space<hbm>>
        %dma_wait3A_311 = tpu.memref_squeeze %dma_wait3A_310 : memref<1x1x1024xi32, #tpu.memory_space<hbm>> -> memref<1x1024xi32, #tpu.memory_space<hbm>>
        %dma_wait3A_312 = arith.constant 0 : i32
        %dma_wait3A_313 = arith.constant 0 : i32
        %dma_wait3A_314 = tpu.memref_slice %arg2[%dma_wait3A_307, %dma_wait3A_312, %dma_wait3A_313] : memref<1250x1x1024xi32, #tpu.memory_space<hbm>> -> memref<1x1x1024xi32, #tpu.memory_space<hbm>>
        %dma_wait3A_315 = tpu.memref_squeeze %dma_wait3A_314 : memref<1x1x1024xi32, #tpu.memory_space<hbm>> -> memref<1x1024xi32, #tpu.memory_space<hbm>>
        tpu.wait_dma2 semaphore(%arg19 : memref<!tpu.dma_semaphore, #tpu.memory_space<semaphore_mem>>) src(%dma_wait3A_315 : memref<1x1024xi32, #tpu.memory_space<hbm>>) dst(%arg7 : memref<1x1024xi32, #tpu.memory_space<vmem>>)
        %dma_wait3A_316 = arith.constant 0 : i32
        %dma_wait3A_317 = arith.constant 0 : i32
        %dma_wait3A_318 = tpu.memref_slice %arg3[%dma_wait3A_316, %dma_wait3A_317] : memref<40000x16xf32, #tpu.memory_space<hbm>> -> memref<32x16xf32, #tpu.memory_space<hbm>>
        %dma_wait3A_319 = arith.constant 0 : i32
        %dma_wait3A_320 = arith.constant 0 : i32
        %dma_wait3A_321 = tpu.memref_slice %arg3[%dma_wait3A_319, %dma_wait3A_320] : memref<40000x16xf32, #tpu.memory_space<hbm>> -> memref<32x16xf32, #tpu.memory_space<hbm>>
        tpu.wait_dma2 semaphore(%arg19 : memref<!tpu.dma_semaphore, #tpu.memory_space<semaphore_mem>>) src(%dma_wait3A_321 : memref<32x16xf32, #tpu.memory_space<hbm>>) dst(%arg11 : memref<32x16xf32, #tpu.memory_space<vmem>>)
        %dma_start3A_322 = arith.constant 0 : i32
        %dma_start3A_323 = arith.constant 0 : i32
        %dma_start3A_324 = arith.constant 0 : i32
        %dma_start3A_325 = tpu.memref_slice %arg9[%dma_start3A_323, %dma_start3A_324] : memref<1024x32xf32, #tpu.memory_space<vmem>> -> memref<1024x32xf32, #tpu.memory_space<vmem>>
        %dma_start3A_326 = arith.constant 0 : i32
        %dma_start3A_327 = tpu.memref_slice %arg7[%dma_start3A_322, %dma_start3A_326] : memref<1x1024xi32, #tpu.memory_space<vmem>> -> memref<1x1024xi32, #tpu.memory_space<vmem>>
        %dma_start3A_328 = tpu.memref_squeeze %dma_start3A_327 : memref<1x1024xi32, #tpu.memory_space<vmem>> -> memref<1024xi32, #tpu.memory_space<vmem>>
        %dma_start3A_329 = arith.constant 0 : i32
        %dma_start3A_330 = arith.constant 0 : i32
        %dma_start3A_331 = tpu.memref_slice %arg4[%dma_start3A_329, %dma_start3A_330] : memref<40000x32xf32, #tpu.memory_space<hbm>> -> memref<40000x32xf32, #tpu.memory_space<hbm>>
        tpu.enqueue_indirect_dma source(%dma_start3A_331 : memref<40000x32xf32, #tpu.memory_space<hbm>>) target(%dma_start3A_325 : memref<1024x32xf32, #tpu.memory_space<vmem>>) offsets(%dma_start3A_328 : memref<1024xi32, #tpu.memory_space<vmem>>) semaphore(%arg18 : memref<!tpu.dma_semaphore, #tpu.memory_space<semaphore_mem>>)
      } else {
      }
      %ge3A_288 = arith.constant 2 : i32
      %ge3A_289 = arith.cmpi sge, %add3A_269, %ge3A_288 : i32
      %and3A_290 = arith.andi %lt3A_274, %ge3A_289 : i1
      %convert_element_type3A_291 = arith.extui %and3A_290 : i1 to i32
      %cond3A_292 = arith.constant 0 : i32
      %cond3A_293 = arith.cmpi ne, %convert_element_type3A_291, %cond3A_292 : i32
      scf.if %cond3A_293 {
        %dma_wait3A_307 = arith.constant 0 : i32
        %dma_wait3A_308 = arith.constant 0 : i32
        %dma_wait3A_309 = tpu.memref_slice %arg5[%dma_wait3A_307, %dma_wait3A_308] : memref<40000x32xf32, #tpu.memory_space<hbm>> -> memref<32x32xf32, #tpu.memory_space<hbm>>
        %dma_wait3A_310 = arith.constant 0 : i32
        %dma_wait3A_311 = arith.constant 0 : i32
        %dma_wait3A_312 = tpu.memref_slice %arg5[%dma_wait3A_310, %dma_wait3A_311] : memref<40000x32xf32, #tpu.memory_space<hbm>> -> memref<32x32xf32, #tpu.memory_space<hbm>>
        tpu.wait_dma2 semaphore(%arg22 : memref<!tpu.dma_semaphore, #tpu.memory_space<semaphore_mem>>) src(%arg14 : memref<32x32xf32, #tpu.memory_space<vmem>>) dst(%dma_wait3A_312 : memref<32x32xf32, #tpu.memory_space<hbm>>)
        %dma_wait3A_313 = arith.constant 0 : i32
        %dma_wait3A_314 = arith.constant 0 : i32
        %dma_wait3A_315 = tpu.memref_slice %arg6[%dma_wait3A_313, %dma_wait3A_314] : memref<40000x16xf32, #tpu.memory_space<hbm>> -> memref<32x16xf32, #tpu.memory_space<hbm>>
        %dma_wait3A_316 = arith.constant 0 : i32
        %dma_wait3A_317 = arith.constant 0 : i32
        %dma_wait3A_318 = tpu.memref_slice %arg6[%dma_wait3A_316, %dma_wait3A_317] : memref<40000x16xf32, #tpu.memory_space<hbm>> -> memref<32x16xf32, #tpu.memory_space<hbm>>
        tpu.wait_dma2 semaphore(%arg22 : memref<!tpu.dma_semaphore, #tpu.memory_space<semaphore_mem>>) src(%arg16 : memref<32x16xf32, #tpu.memory_space<vmem>>) dst(%dma_wait3A_318 : memref<32x16xf32, #tpu.memory_space<hbm>>)
      } else {
      }
      %convert_element_type3A_294 = arith.extui %lt3A_274 : i1 to i32
      %cond3A_295 = arith.constant 0 : i32
      %cond3A_296 = arith.cmpi ne, %convert_element_type3A_294, %cond3A_295 : i32
      scf.if %cond3A_296 {
        %broadcast_in_dim3A = arith.constant 0.000000e+00 : f32
        %broadcast_in_dim3A_307 = vector.broadcast %broadcast_in_dim3A : f32 to vector<16xf32>
        %add3A_308 = arith.constant 0 : i32
        %add3A_309 = vector.broadcast %add3A_308 : i32 to vector<16xi32>
        %add3A_310 = arith.addi %add3A_309, %iota3A : vector<16xi32>
        %mul3A_311 = arith.constant 32 : i32
        %mul3A_312 = vector.broadcast %mul3A_311 : i32 to vector<16xi32>
        %mul3A_313 = arith.muli %add3A_310, %mul3A_312 : vector<16xi32>
        %gather3A = tpu.vector_load_idx %arg12[%add3A_310, %and3A_5] : memref<32x16xf32, #tpu.memory_space<vmem>>[vector<16xi32>, vector<16xi32>], vector<16xf32>,
        %gather3A_314 = tpu.vector_load_idx %arg12[%add3A_310, %and3A_11] : memref<32x16xf32, #tpu.memory_space<vmem>>[vector<16xi32>, vector<16xi32>], vector<16xf32>,
        %gather3A_315 = tpu.vector_load_idx %arg12[%add3A_310, %and3A_17] : memref<32x16xf32, #tpu.memory_space<vmem>>[vector<16xi32>, vector<16xi32>], vector<16xf32>,
        %gather3A_316 = tpu.vector_load_idx %arg12[%add3A_310, %and3A_23] : memref<32x16xf32, #tpu.memory_space<vmem>>[vector<16xi32>, vector<16xi32>], vector<16xf32>,
        %gather3A_317 = tpu.vector_load_idx %arg12[%add3A_310, %and3A_29] : memref<32x16xf32, #tpu.memory_space<vmem>>[vector<16xi32>, vector<16xi32>], vector<16xf32>,
        %gather3A_318 = tpu.vector_load_idx %arg12[%add3A_310, %and3A_35] : memref<32x16xf32, #tpu.memory_space<vmem>>[vector<16xi32>, vector<16xi32>], vector<16xf32>,
        %gather3A_319 = tpu.vector_load_idx %arg12[%add3A_310, %and3A_41] : memref<32x16xf32, #tpu.memory_space<vmem>>[vector<16xi32>, vector<16xi32>], vector<16xf32>,
        %gather3A_320 = tpu.vector_load_idx %arg12[%add3A_310, %and3A_47] : memref<32x16xf32, #tpu.memory_space<vmem>>[vector<16xi32>, vector<16xi32>], vector<16xf32>,
        %gather3A_321 = tpu.vector_load_idx %arg12[%add3A_310, %and3A_53] : memref<32x16xf32, #tpu.memory_space<vmem>>[vector<16xi32>, vector<16xi32>], vector<16xf32>,
        %gather3A_322 = tpu.vector_load_idx %arg12[%add3A_310, %and3A_59] : memref<32x16xf32, #tpu.memory_space<vmem>>[vector<16xi32>, vector<16xi32>], vector<16xf32>,
        %gather3A_323 = tpu.vector_load_idx %arg12[%add3A_310, %and3A_65] : memref<32x16xf32, #tpu.memory_space<vmem>>[vector<16xi32>, vector<16xi32>], vector<16xf32>,
        %gather3A_324 = tpu.vector_load_idx %arg12[%add3A_310, %and3A_71] : memref<32x16xf32, #tpu.memory_space<vmem>>[vector<16xi32>, vector<16xi32>], vector<16xf32>,
        %gather3A_325 = tpu.vector_load_idx %arg12[%add3A_310, %and3A_77] : memref<32x16xf32, #tpu.memory_space<vmem>>[vector<16xi32>, vector<16xi32>], vector<16xf32>,
        %gather3A_326 = tpu.vector_load_idx %arg12[%add3A_310, %and3A_83] : memref<32x16xf32, #tpu.memory_space<vmem>>[vector<16xi32>, vector<16xi32>], vector<16xf32>,
        %gather3A_327 = tpu.vector_load_idx %arg12[%add3A_310, %and3A_89] : memref<32x16xf32, #tpu.memory_space<vmem>>[vector<16xi32>, vector<16xi32>], vector<16xf32>,
        %gather3A_328 = tpu.vector_load_idx %arg12[%add3A_310, %and3A_95] : memref<32x16xf32, #tpu.memory_space<vmem>>[vector<16xi32>, vector<16xi32>], vector<16xf32>,
        %scan3A_329 = arith.constant 0 : i32
        %scan3A_330 = arith.constant 32 : i32
        %scan3A_331 = arith.addi %scan3A_329, %scan3A_330 : i32
        %scan3A_332 = arith.constant 2 : i32
        %scan3A_333 = scf.for %scan3A_402 = %scan3A_329 to %scan3A_331 step %scan3A_332 iter_args(%scan3A_403 = %broadcast_in_dim3A_307) -> (vector<16xf32>)  : i32 {
          %add3A_404 = vector.broadcast %scan3A_402 : i32 to vector<16xi32>
          %add3A_405 = arith.addi %mul3A_313, %add3A_404 : vector<16xi32>
          %gather3A_406 = tpu.vector_load_idx %arg10[%add3A_405, %and3A_5] : memref<1024x32xf32, #tpu.memory_space<vmem>>[vector<16xi32>, vector<16xi32>], vector<16xf32>,
          %mul3A_407 = arith.mulf %gather3A, %gather3A_406 : vector<16xf32>
          %add3A_408 = arith.addf %broadcast_in_dim3A_307, %mul3A_407 : vector<16xf32>
          %gather3A_409 = tpu.vector_load_idx %arg10[%add3A_405, %and3A_11] : memref<1024x32xf32, #tpu.memory_space<vmem>>[vector<16xi32>, vector<16xi32>], vector<16xf32>,
          %mul3A_410 = arith.mulf %gather3A_314, %gather3A_409 : vector<16xf32>
          %add3A_411 = arith.addf %broadcast_in_dim3A_307, %mul3A_410 : vector<16xf32>
          %gather3A_412 = tpu.vector_load_idx %arg10[%add3A_405, %and3A_17] : memref<1024x32xf32, #tpu.memory_space<vmem>>[vector<16xi32>, vector<16xi32>], vector<16xf32>,
          %mul3A_413 = arith.mulf %gather3A_315, %gather3A_412 : vector<16xf32>
          %add3A_414 = arith.addf %add3A_408, %mul3A_413 : vector<16xf32>
          %gather3A_415 = tpu.vector_load_idx %arg10[%add3A_405, %and3A_23] : memref<1024x32xf32, #tpu.memory_space<vmem>>[vector<16xi32>, vector<16xi32>], vector<16xf32>,
          %mul3A_416 = arith.mulf %gather3A_316, %gather3A_415 : vector<16xf32>
          %add3A_417 = arith.addf %add3A_411, %mul3A_416 : vector<16xf32>
          %gather3A_418 = tpu.vector_load_idx %arg10[%add3A_405, %and3A_29] : memref<1024x32xf32, #tpu.memory_space<vmem>>[vector<16xi32>, vector<16xi32>], vector<16xf32>,
          %mul3A_419 = arith.mulf %gather3A_317, %gather3A_418 : vector<16xf32>
          %add3A_420 = arith.addf %add3A_414, %mul3A_419 : vector<16xf32>
          %gather3A_421 = tpu.vector_load_idx %arg10[%add3A_405, %and3A_35] : memref<1024x32xf32, #tpu.memory_space<vmem>>[vector<16xi32>, vector<16xi32>], vector<16xf32>,
          %mul3A_422 = arith.mulf %gather3A_318, %gather3A_421 : vector<16xf32>
          %add3A_423 = arith.addf %add3A_417, %mul3A_422 : vector<16xf32>
          %gather3A_424 = tpu.vector_load_idx %arg10[%add3A_405, %and3A_41] : memref<1024x32xf32, #tpu.memory_space<vmem>>[vector<16xi32>, vector<16xi32>], vector<16xf32>,
          %mul3A_425 = arith.mulf %gather3A_319, %gather3A_424 : vector<16xf32>
          %add3A_426 = arith.addf %add3A_420, %mul3A_425 : vector<16xf32>
          %gather3A_427 = tpu.vector_load_idx %arg10[%add3A_405, %and3A_47] : memref<1024x32xf32, #tpu.memory_space<vmem>>[vector<16xi32>, vector<16xi32>], vector<16xf32>,
          %mul3A_428 = arith.mulf %gather3A_320, %gather3A_427 : vector<16xf32>
          %add3A_429 = arith.addf %add3A_423, %mul3A_428 : vector<16xf32>
          %gather3A_430 = tpu.vector_load_idx %arg10[%add3A_405, %and3A_53] : memref<1024x32xf32, #tpu.memory_space<vmem>>[vector<16xi32>, vector<16xi32>], vector<16xf32>,
          %mul3A_431 = arith.mulf %gather3A_321, %gather3A_430 : vector<16xf32>
          %add3A_432 = arith.addf %add3A_426, %mul3A_431 : vector<16xf32>
          %gather3A_433 = tpu.vector_load_idx %arg10[%add3A_405, %and3A_59] : memref<1024x32xf32, #tpu.memory_space<vmem>>[vector<16xi32>, vector<16xi32>], vector<16xf32>,
          %mul3A_434 = arith.mulf %gather3A_322, %gather3A_433 : vector<16xf32>
          %add3A_435 = arith.addf %add3A_429, %mul3A_434 : vector<16xf32>
          %gather3A_436 = tpu.vector_load_idx %arg10[%add3A_405, %and3A_65] : memref<1024x32xf32, #tpu.memory_space<vmem>>[vector<16xi32>, vector<16xi32>], vector<16xf32>,
          %mul3A_437 = arith.mulf %gather3A_323, %gather3A_436 : vector<16xf32>
          %add3A_438 = arith.addf %add3A_432, %mul3A_437 : vector<16xf32>
          %gather3A_439 = tpu.vector_load_idx %arg10[%add3A_405, %and3A_71] : memref<1024x32xf32, #tpu.memory_space<vmem>>[vector<16xi32>, vector<16xi32>], vector<16xf32>,
          %mul3A_440 = arith.mulf %gather3A_324, %gather3A_439 : vector<16xf32>
          %add3A_441 = arith.addf %add3A_435, %mul3A_440 : vector<16xf32>
          %gather3A_442 = tpu.vector_load_idx %arg10[%add3A_405, %and3A_77] : memref<1024x32xf32, #tpu.memory_space<vmem>>[vector<16xi32>, vector<16xi32>], vector<16xf32>,
          %mul3A_443 = arith.mulf %gather3A_325, %gather3A_442 : vector<16xf32>
          %add3A_444 = arith.addf %add3A_438, %mul3A_443 : vector<16xf32>
          %gather3A_445 = tpu.vector_load_idx %arg10[%add3A_405, %and3A_83] : memref<1024x32xf32, #tpu.memory_space<vmem>>[vector<16xi32>, vector<16xi32>], vector<16xf32>,
          %mul3A_446 = arith.mulf %gather3A_326, %gather3A_445 : vector<16xf32>
          %add3A_447 = arith.addf %add3A_441, %mul3A_446 : vector<16xf32>
          %gather3A_448 = tpu.vector_load_idx %arg10[%add3A_405, %and3A_89] : memref<1024x32xf32, #tpu.memory_space<vmem>>[vector<16xi32>, vector<16xi32>], vector<16xf32>,
          %mul3A_449 = arith.mulf %gather3A_327, %gather3A_448 : vector<16xf32>
          %add3A_450 = arith.addf %add3A_444, %mul3A_449 : vector<16xf32>
          %gather3A_451 = tpu.vector_load_idx %arg10[%add3A_405, %and3A_95] : memref<1024x32xf32, #tpu.memory_space<vmem>>[vector<16xi32>, vector<16xi32>], vector<16xf32>,
          %mul3A_452 = arith.mulf %gather3A_328, %gather3A_451 : vector<16xf32>
          %add3A_453 = arith.addf %add3A_447, %mul3A_452 : vector<16xf32>
          %add3A_454 = arith.addf %add3A_450, %add3A_453 : vector<16xf32>
          %exp3A = math.exp %add3A_454 : vector<16xf32>
          %swap3A = arith.index_cast %scan3A_402 : i32 to index
          %swap3A_455 = arith.constant 0 : index
          %swap3A_456 = tpu.vector_load %arg17[%swap3A, %swap3A_455] {strides = array<i32>} : memref<32x16xf32, #tpu.memory_space<vmem>>, vector<16xf32>,
          tpu.vector_store %arg17[%swap3A, %swap3A_455], %exp3A {strides = array<i32>} : memref<32x16xf32, #tpu.memory_space<vmem>>, vector<16xf32>,
          %add3A_457 = arith.addf %scan3A_403, %exp3A : vector<16xf32>
          %scan3A_458 = arith.constant 1 : i32
          %scan3A_459 = arith.addi %scan3A_402, %scan3A_458 : i32
          %add3A_460 = vector.broadcast %scan3A_459 : i32 to vector<16xi32>
          %add3A_461 = arith.addi %mul3A_313, %add3A_460 : vector<16xi32>
          %gather3A_462 = tpu.vector_load_idx %arg10[%add3A_461, %and3A_5] : memref<1024x32xf32, #tpu.memory_space<vmem>>[vector<16xi32>, vector<16xi32>], vector<16xf32>,
          %mul3A_463 = arith.mulf %gather3A, %gather3A_462 : vector<16xf32>
          %add3A_464 = arith.addf %broadcast_in_dim3A_307, %mul3A_463 : vector<16xf32>
          %gather3A_465 = tpu.vector_load_idx %arg10[%add3A_461, %and3A_11] : memref<1024x32xf32, #tpu.memory_space<vmem>>[vector<16xi32>, vector<16xi32>], vector<16xf32>,
          %mul3A_466 = arith.mulf %gather3A_314, %gather3A_465 : vector<16xf32>
          %add3A_467 = arith.addf %broadcast_in_dim3A_307, %mul3A_466 : vector<16xf32>
          %gather3A_468 = tpu.vector_load_idx %arg10[%add3A_461, %and3A_17] : memref<1024x32xf32, #tpu.memory_space<vmem>>[vector<16xi32>, vector<16xi32>], vector<16xf32>,
          %mul3A_469 = arith.mulf %gather3A_315, %gather3A_468 : vector<16xf32>
          %add3A_470 = arith.addf %add3A_464, %mul3A_469 : vector<16xf32>
          %gather3A_471 = tpu.vector_load_idx %arg10[%add3A_461, %and3A_23] : memref<1024x32xf32, #tpu.memory_space<vmem>>[vector<16xi32>, vector<16xi32>], vector<16xf32>,
          %mul3A_472 = arith.mulf %gather3A_316, %gather3A_471 : vector<16xf32>
          %add3A_473 = arith.addf %add3A_467, %mul3A_472 : vector<16xf32>
          %gather3A_474 = tpu.vector_load_idx %arg10[%add3A_461, %and3A_29] : memref<1024x32xf32, #tpu.memory_space<vmem>>[vector<16xi32>, vector<16xi32>], vector<16xf32>,
          %mul3A_475 = arith.mulf %gather3A_317, %gather3A_474 : vector<16xf32>
          %add3A_476 = arith.addf %add3A_470, %mul3A_475 : vector<16xf32>
          %gather3A_477 = tpu.vector_load_idx %arg10[%add3A_461, %and3A_35] : memref<1024x32xf32, #tpu.memory_space<vmem>>[vector<16xi32>, vector<16xi32>], vector<16xf32>,
          %mul3A_478 = arith.mulf %gather3A_318, %gather3A_477 : vector<16xf32>
          %add3A_479 = arith.addf %add3A_473, %mul3A_478 : vector<16xf32>
          %gather3A_480 = tpu.vector_load_idx %arg10[%add3A_461, %and3A_41] : memref<1024x32xf32, #tpu.memory_space<vmem>>[vector<16xi32>, vector<16xi32>], vector<16xf32>,
          %mul3A_481 = arith.mulf %gather3A_319, %gather3A_480 : vector<16xf32>
          %add3A_482 = arith.addf %add3A_476, %mul3A_481 : vector<16xf32>
          %gather3A_483 = tpu.vector_load_idx %arg10[%add3A_461, %and3A_47] : memref<1024x32xf32, #tpu.memory_space<vmem>>[vector<16xi32>, vector<16xi32>], vector<16xf32>,
          %mul3A_484 = arith.mulf %gather3A_320, %gather3A_483 : vector<16xf32>
          %add3A_485 = arith.addf %add3A_479, %mul3A_484 : vector<16xf32>
          %gather3A_486 = tpu.vector_load_idx %arg10[%add3A_461, %and3A_53] : memref<1024x32xf32, #tpu.memory_space<vmem>>[vector<16xi32>, vector<16xi32>], vector<16xf32>,
          %mul3A_487 = arith.mulf %gather3A_321, %gather3A_486 : vector<16xf32>
          %add3A_488 = arith.addf %add3A_482, %mul3A_487 : vector<16xf32>
          %gather3A_489 = tpu.vector_load_idx %arg10[%add3A_461, %and3A_59] : memref<1024x32xf32, #tpu.memory_space<vmem>>[vector<16xi32>, vector<16xi32>], vector<16xf32>,
          %mul3A_490 = arith.mulf %gather3A_322, %gather3A_489 : vector<16xf32>
          %add3A_491 = arith.addf %add3A_485, %mul3A_490 : vector<16xf32>
          %gather3A_492 = tpu.vector_load_idx %arg10[%add3A_461, %and3A_65] : memref<1024x32xf32, #tpu.memory_space<vmem>>[vector<16xi32>, vector<16xi32>], vector<16xf32>,
          %mul3A_493 = arith.mulf %gather3A_323, %gather3A_492 : vector<16xf32>
          %add3A_494 = arith.addf %add3A_488, %mul3A_493 : vector<16xf32>
          %gather3A_495 = tpu.vector_load_idx %arg10[%add3A_461, %and3A_71] : memref<1024x32xf32, #tpu.memory_space<vmem>>[vector<16xi32>, vector<16xi32>], vector<16xf32>,
          %mul3A_496 = arith.mulf %gather3A_324, %gather3A_495 : vector<16xf32>
          %add3A_497 = arith.addf %add3A_491, %mul3A_496 : vector<16xf32>
          %gather3A_498 = tpu.vector_load_idx %arg10[%add3A_461, %and3A_77] : memref<1024x32xf32, #tpu.memory_space<vmem>>[vector<16xi32>, vector<16xi32>], vector<16xf32>,
          %mul3A_499 = arith.mulf %gather3A_325, %gather3A_498 : vector<16xf32>
          %add3A_500 = arith.addf %add3A_494, %mul3A_499 : vector<16xf32>
          %gather3A_501 = tpu.vector_load_idx %arg10[%add3A_461, %and3A_83] : memref<1024x32xf32, #tpu.memory_space<vmem>>[vector<16xi32>, vector<16xi32>], vector<16xf32>,
          %mul3A_502 = arith.mulf %gather3A_326, %gather3A_501 : vector<16xf32>
          %add3A_503 = arith.addf %add3A_497, %mul3A_502 : vector<16xf32>
          %gather3A_504 = tpu.vector_load_idx %arg10[%add3A_461, %and3A_89] : memref<1024x32xf32, #tpu.memory_space<vmem>>[vector<16xi32>, vector<16xi32>], vector<16xf32>,
          %mul3A_505 = arith.mulf %gather3A_327, %gather3A_504 : vector<16xf32>
          %add3A_506 = arith.addf %add3A_500, %mul3A_505 : vector<16xf32>
          %gather3A_507 = tpu.vector_load_idx %arg10[%add3A_461, %and3A_95] : memref<1024x32xf32, #tpu.memory_space<vmem>>[vector<16xi32>, vector<16xi32>], vector<16xf32>,
          %mul3A_508 = arith.mulf %gather3A_328, %gather3A_507 : vector<16xf32>
          %add3A_509 = arith.addf %add3A_503, %mul3A_508 : vector<16xf32>
          %add3A_510 = arith.addf %add3A_506, %add3A_509 : vector<16xf32>
          %exp3A_511 = math.exp %add3A_510 : vector<16xf32>
          %swap3A_512 = arith.index_cast %scan3A_459 : i32 to index
          %swap3A_513 = arith.constant 0 : index
          %swap3A_514 = tpu.vector_load %arg17[%swap3A_512, %swap3A_513] {strides = array<i32>} : memref<32x16xf32, #tpu.memory_space<vmem>>, vector<16xf32>,
          tpu.vector_store %arg17[%swap3A_512, %swap3A_513], %exp3A_511 {strides = array<i32>} : memref<32x16xf32, #tpu.memory_space<vmem>>, vector<16xf32>,
          %add3A_515 = arith.addf %add3A_457, %exp3A_511 : vector<16xf32>
          scf.yield %add3A_515 : vector<16xf32>
        }
        %scan3A_334 = arith.constant 32 : i32
        %div3A = arith.constant 1.000000e+00 : f32
        %div3A_335 = vector.broadcast %div3A : f32 to vector<16xf32>
        %div3A_336 = arith.divf %div3A_335, %scan3A_333 : vector<16xf32>
        %scan3A_337 = arith.constant 0 : i32
        %scan3A_338 = arith.constant 32 : i32
        %scan3A_339 = arith.addi %scan3A_337, %scan3A_338 : i32
        %scan3A_340 = arith.constant 2 : i32
        %scan3A_341:16 = scf.for %scan3A_402 = %scan3A_337 to %scan3A_339 step %scan3A_340 iter_args(%scan3A_403 = %broadcast_in_dim3A_307, %scan3A_404 = %broadcast_in_dim3A_307, %scan3A_405 = %broadcast_in_dim3A_307, %scan3A_406 = %broadcast_in_dim3A_307, %scan3A_407 = %broadcast_in_dim3A_307, %scan3A_408 = %broadcast_in_dim3A_307, %scan3A_409 = %broadcast_in_dim3A_307, %scan3A_410 = %broadcast_in_dim3A_307, %scan3A_411 = %broadcast_in_dim3A_307, %scan3A_412 = %broadcast_in_dim3A_307, %scan3A_413 = %broadcast_in_dim3A_307, %scan3A_414 = %broadcast_in_dim3A_307, %scan3A_415 = %broadcast_in_dim3A_307, %scan3A_416 = %broadcast_in_dim3A_307, %scan3A_417 = %broadcast_in_dim3A_307, %scan3A_418 = %broadcast_in_dim3A_307) -> (vector<16xf32>, vector<16xf32>, vector<16xf32>, vector<16xf32>, vector<16xf32>, vector<16xf32>, vector<16xf32>, vector<16xf32>, vector<16xf32>, vector<16xf32>, vector<16xf32>, vector<16xf32>, vector<16xf32>, vector<16xf32>, vector<16xf32>, vector<16xf32>)  : i32 {
          %get3A = arith.index_cast %scan3A_402 : i32 to index
          %get3A_419 = arith.constant 0 : index
          %get3A_420 = tpu.vector_load %arg17[%get3A, %get3A_419] {strides = array<i32>} : memref<32x16xf32, #tpu.memory_space<vmem>>, vector<16xf32>,
          %mul3A_421 = arith.mulf %get3A_420, %div3A_336 : vector<16xf32>
          %add3A_422 = vector.broadcast %scan3A_402 : i32 to vector<16xi32>
          %add3A_423 = arith.addi %mul3A_313, %add3A_422 : vector<16xi32>
          %gather3A_424 = tpu.vector_load_idx %arg10[%add3A_423, %add3A_98] : memref<1024x32xf32, #tpu.memory_space<vmem>>[vector<16xi32>, vector<16xi32>], vector<16xf32>,
          %mul3A_425 = arith.mulf %mul3A_421, %gather3A_424 : vector<16xf32>
          %add3A_426 = arith.addf %scan3A_403, %mul3A_425 : vector<16xf32>
          %gather3A_427 = tpu.vector_load_idx %arg10[%add3A_423, %add3A_101] : memref<1024x32xf32, #tpu.memory_space<vmem>>[vector<16xi32>, vector<16xi32>], vector<16xf32>,
          %mul3A_428 = arith.mulf %mul3A_421, %gather3A_427 : vector<16xf32>
          %add3A_429 = arith.addf %scan3A_404, %mul3A_428 : vector<16xf32>
          %gather3A_430 = tpu.vector_load_idx %arg10[%add3A_423, %add3A_104] : memref<1024x32xf32, #tpu.memory_space<vmem>>[vector<16xi32>, vector<16xi32>], vector<16xf32>,
          %mul3A_431 = arith.mulf %mul3A_421, %gather3A_430 : vector<16xf32>
          %add3A_432 = arith.addf %scan3A_405, %mul3A_431 : vector<16xf32>
          %gather3A_433 = tpu.vector_load_idx %arg10[%add3A_423, %add3A_107] : memref<1024x32xf32, #tpu.memory_space<vmem>>[vector<16xi32>, vector<16xi32>], vector<16xf32>,
          %mul3A_434 = arith.mulf %mul3A_421, %gather3A_433 : vector<16xf32>
          %add3A_435 = arith.addf %scan3A_406, %mul3A_434 : vector<16xf32>
          %gather3A_436 = tpu.vector_load_idx %arg10[%add3A_423, %add3A_110] : memref<1024x32xf32, #tpu.memory_space<vmem>>[vector<16xi32>, vector<16xi32>], vector<16xf32>,
          %mul3A_437 = arith.mulf %mul3A_421, %gather3A_436 : vector<16xf32>
          %add3A_438 = arith.addf %scan3A_407, %mul3A_437 : vector<16xf32>
          %gather3A_439 = tpu.vector_load_idx %arg10[%add3A_423, %add3A_113] : memref<1024x32xf32, #tpu.memory_space<vmem>>[vector<16xi32>, vector<16xi32>], vector<16xf32>,
          %mul3A_440 = arith.mulf %mul3A_421, %gather3A_439 : vector<16xf32>
          %add3A_441 = arith.addf %scan3A_408, %mul3A_440 : vector<16xf32>
          %gather3A_442 = tpu.vector_load_idx %arg10[%add3A_423, %add3A_116] : memref<1024x32xf32, #tpu.memory_space<vmem>>[vector<16xi32>, vector<16xi32>], vector<16xf32>,
          %mul3A_443 = arith.mulf %mul3A_421, %gather3A_442 : vector<16xf32>
          %add3A_444 = arith.addf %scan3A_409, %mul3A_443 : vector<16xf32>
          %gather3A_445 = tpu.vector_load_idx %arg10[%add3A_423, %add3A_119] : memref<1024x32xf32, #tpu.memory_space<vmem>>[vector<16xi32>, vector<16xi32>], vector<16xf32>,
          %mul3A_446 = arith.mulf %mul3A_421, %gather3A_445 : vector<16xf32>
          %add3A_447 = arith.addf %scan3A_410, %mul3A_446 : vector<16xf32>
          %gather3A_448 = tpu.vector_load_idx %arg10[%add3A_423, %add3A_122] : memref<1024x32xf32, #tpu.memory_space<vmem>>[vector<16xi32>, vector<16xi32>], vector<16xf32>,
          %mul3A_449 = arith.mulf %mul3A_421, %gather3A_448 : vector<16xf32>
          %add3A_450 = arith.addf %scan3A_411, %mul3A_449 : vector<16xf32>
          %gather3A_451 = tpu.vector_load_idx %arg10[%add3A_423, %add3A_125] : memref<1024x32xf32, #tpu.memory_space<vmem>>[vector<16xi32>, vector<16xi32>], vector<16xf32>,
          %mul3A_452 = arith.mulf %mul3A_421, %gather3A_451 : vector<16xf32>
          %add3A_453 = arith.addf %scan3A_412, %mul3A_452 : vector<16xf32>
          %gather3A_454 = tpu.vector_load_idx %arg10[%add3A_423, %add3A_128] : memref<1024x32xf32, #tpu.memory_space<vmem>>[vector<16xi32>, vector<16xi32>], vector<16xf32>,
          %mul3A_455 = arith.mulf %mul3A_421, %gather3A_454 : vector<16xf32>
          %add3A_456 = arith.addf %scan3A_413, %mul3A_455 : vector<16xf32>
          %gather3A_457 = tpu.vector_load_idx %arg10[%add3A_423, %add3A_131] : memref<1024x32xf32, #tpu.memory_space<vmem>>[vector<16xi32>, vector<16xi32>], vector<16xf32>,
          %mul3A_458 = arith.mulf %mul3A_421, %gather3A_457 : vector<16xf32>
          %add3A_459 = arith.addf %scan3A_414, %mul3A_458 : vector<16xf32>
          %gather3A_460 = tpu.vector_load_idx %arg10[%add3A_423, %add3A_134] : memref<1024x32xf32, #tpu.memory_space<vmem>>[vector<16xi32>, vector<16xi32>], vector<16xf32>,
          %mul3A_461 = arith.mulf %mul3A_421, %gather3A_460 : vector<16xf32>
          %add3A_462 = arith.addf %scan3A_415, %mul3A_461 : vector<16xf32>
          %gather3A_463 = tpu.vector_load_idx %arg10[%add3A_423, %add3A_137] : memref<1024x32xf32, #tpu.memory_space<vmem>>[vector<16xi32>, vector<16xi32>], vector<16xf32>,
          %mul3A_464 = arith.mulf %mul3A_421, %gather3A_463 : vector<16xf32>
          %add3A_465 = arith.addf %scan3A_416, %mul3A_464 : vector<16xf32>
          %gather3A_466 = tpu.vector_load_idx %arg10[%add3A_423, %add3A_140] : memref<1024x32xf32, #tpu.memory_space<vmem>>[vector<16xi32>, vector<16xi32>], vector<16xf32>,
          %mul3A_467 = arith.mulf %mul3A_421, %gather3A_466 : vector<16xf32>
          %add3A_468 = arith.addf %scan3A_417, %mul3A_467 : vector<16xf32>
          %gather3A_469 = tpu.vector_load_idx %arg10[%add3A_423, %add3A_143] : memref<1024x32xf32, #tpu.memory_space<vmem>>[vector<16xi32>, vector<16xi32>], vector<16xf32>,
          %mul3A_470 = arith.mulf %mul3A_421, %gather3A_469 : vector<16xf32>
          %add3A_471 = arith.addf %scan3A_418, %mul3A_470 : vector<16xf32>
          %scan3A_472 = arith.constant 1 : i32
          %scan3A_473 = arith.addi %scan3A_402, %scan3A_472 : i32
          %get3A_474 = arith.index_cast %scan3A_473 : i32 to index
          %get3A_475 = arith.constant 0 : index
          %get3A_476 = tpu.vector_load %arg17[%get3A_474, %get3A_475] {strides = array<i32>} : memref<32x16xf32, #tpu.memory_space<vmem>>, vector<16xf32>,
          %mul3A_477 = arith.mulf %get3A_476, %div3A_336 : vector<16xf32>
          %add3A_478 = vector.broadcast %scan3A_473 : i32 to vector<16xi32>
          %add3A_479 = arith.addi %mul3A_313, %add3A_478 : vector<16xi32>
          %gather3A_480 = tpu.vector_load_idx %arg10[%add3A_479, %add3A_98] : memref<1024x32xf32, #tpu.memory_space<vmem>>[vector<16xi32>, vector<16xi32>], vector<16xf32>,
          %mul3A_481 = arith.mulf %mul3A_477, %gather3A_480 : vector<16xf32>
          %add3A_482 = arith.addf %add3A_426, %mul3A_481 : vector<16xf32>
          %gather3A_483 = tpu.vector_load_idx %arg10[%add3A_479, %add3A_101] : memref<1024x32xf32, #tpu.memory_space<vmem>>[vector<16xi32>, vector<16xi32>], vector<16xf32>,
          %mul3A_484 = arith.mulf %mul3A_477, %gather3A_483 : vector<16xf32>
          %add3A_485 = arith.addf %add3A_429, %mul3A_484 : vector<16xf32>
          %gather3A_486 = tpu.vector_load_idx %arg10[%add3A_479, %add3A_104] : memref<1024x32xf32, #tpu.memory_space<vmem>>[vector<16xi32>, vector<16xi32>], vector<16xf32>,
          %mul3A_487 = arith.mulf %mul3A_477, %gather3A_486 : vector<16xf32>
          %add3A_488 = arith.addf %add3A_432, %mul3A_487 : vector<16xf32>
          %gather3A_489 = tpu.vector_load_idx %arg10[%add3A_479, %add3A_107] : memref<1024x32xf32, #tpu.memory_space<vmem>>[vector<16xi32>, vector<16xi32>], vector<16xf32>,
          %mul3A_490 = arith.mulf %mul3A_477, %gather3A_489 : vector<16xf32>
          %add3A_491 = arith.addf %add3A_435, %mul3A_490 : vector<16xf32>
          %gather3A_492 = tpu.vector_load_idx %arg10[%add3A_479, %add3A_110] : memref<1024x32xf32, #tpu.memory_space<vmem>>[vector<16xi32>, vector<16xi32>], vector<16xf32>,
          %mul3A_493 = arith.mulf %mul3A_477, %gather3A_492 : vector<16xf32>
          %add3A_494 = arith.addf %add3A_438, %mul3A_493 : vector<16xf32>
          %gather3A_495 = tpu.vector_load_idx %arg10[%add3A_479, %add3A_113] : memref<1024x32xf32, #tpu.memory_space<vmem>>[vector<16xi32>, vector<16xi32>], vector<16xf32>,
          %mul3A_496 = arith.mulf %mul3A_477, %gather3A_495 : vector<16xf32>
          %add3A_497 = arith.addf %add3A_441, %mul3A_496 : vector<16xf32>
          %gather3A_498 = tpu.vector_load_idx %arg10[%add3A_479, %add3A_116] : memref<1024x32xf32, #tpu.memory_space<vmem>>[vector<16xi32>, vector<16xi32>], vector<16xf32>,
          %mul3A_499 = arith.mulf %mul3A_477, %gather3A_498 : vector<16xf32>
          %add3A_500 = arith.addf %add3A_444, %mul3A_499 : vector<16xf32>
          %gather3A_501 = tpu.vector_load_idx %arg10[%add3A_479, %add3A_119] : memref<1024x32xf32, #tpu.memory_space<vmem>>[vector<16xi32>, vector<16xi32>], vector<16xf32>,
          %mul3A_502 = arith.mulf %mul3A_477, %gather3A_501 : vector<16xf32>
          %add3A_503 = arith.addf %add3A_447, %mul3A_502 : vector<16xf32>
          %gather3A_504 = tpu.vector_load_idx %arg10[%add3A_479, %add3A_122] : memref<1024x32xf32, #tpu.memory_space<vmem>>[vector<16xi32>, vector<16xi32>], vector<16xf32>,
          %mul3A_505 = arith.mulf %mul3A_477, %gather3A_504 : vector<16xf32>
          %add3A_506 = arith.addf %add3A_450, %mul3A_505 : vector<16xf32>
          %gather3A_507 = tpu.vector_load_idx %arg10[%add3A_479, %add3A_125] : memref<1024x32xf32, #tpu.memory_space<vmem>>[vector<16xi32>, vector<16xi32>], vector<16xf32>,
          %mul3A_508 = arith.mulf %mul3A_477, %gather3A_507 : vector<16xf32>
          %add3A_509 = arith.addf %add3A_453, %mul3A_508 : vector<16xf32>
          %gather3A_510 = tpu.vector_load_idx %arg10[%add3A_479, %add3A_128] : memref<1024x32xf32, #tpu.memory_space<vmem>>[vector<16xi32>, vector<16xi32>], vector<16xf32>,
          %mul3A_511 = arith.mulf %mul3A_477, %gather3A_510 : vector<16xf32>
          %add3A_512 = arith.addf %add3A_456, %mul3A_511 : vector<16xf32>
          %gather3A_513 = tpu.vector_load_idx %arg10[%add3A_479, %add3A_131] : memref<1024x32xf32, #tpu.memory_space<vmem>>[vector<16xi32>, vector<16xi32>], vector<16xf32>,
          %mul3A_514 = arith.mulf %mul3A_477, %gather3A_513 : vector<16xf32>
          %add3A_515 = arith.addf %add3A_459, %mul3A_514 : vector<16xf32>
          %gather3A_516 = tpu.vector_load_idx %arg10[%add3A_479, %add3A_134] : memref<1024x32xf32, #tpu.memory_space<vmem>>[vector<16xi32>, vector<16xi32>], vector<16xf32>,
          %mul3A_517 = arith.mulf %mul3A_477, %gather3A_516 : vector<16xf32>
          %add3A_518 = arith.addf %add3A_462, %mul3A_517 : vector<16xf32>
          %gather3A_519 = tpu.vector_load_idx %arg10[%add3A_479, %add3A_137] : memref<1024x32xf32, #tpu.memory_space<vmem>>[vector<16xi32>, vector<16xi32>], vector<16xf32>,
          %mul3A_520 = arith.mulf %mul3A_477, %gather3A_519 : vector<16xf32>
          %add3A_521 = arith.addf %add3A_465, %mul3A_520 : vector<16xf32>
          %gather3A_522 = tpu.vector_load_idx %arg10[%add3A_479, %add3A_140] : memref<1024x32xf32, #tpu.memory_space<vmem>>[vector<16xi32>, vector<16xi32>], vector<16xf32>,
          %mul3A_523 = arith.mulf %mul3A_477, %gather3A_522 : vector<16xf32>
          %add3A_524 = arith.addf %add3A_468, %mul3A_523 : vector<16xf32>
          %gather3A_525 = tpu.vector_load_idx %arg10[%add3A_479, %add3A_143] : memref<1024x32xf32, #tpu.memory_space<vmem>>[vector<16xi32>, vector<16xi32>], vector<16xf32>,
          %mul3A_526 = arith.mulf %mul3A_477, %gather3A_525 : vector<16xf32>
          %add3A_527 = arith.addf %add3A_471, %mul3A_526 : vector<16xf32>
          scf.yield %add3A_482, %add3A_485, %add3A_488, %add3A_491, %add3A_494, %add3A_497, %add3A_500, %add3A_503, %add3A_506, %add3A_509, %add3A_512, %add3A_515, %add3A_518, %add3A_521, %add3A_524, %add3A_527 : vector<16xf32>, vector<16xf32>, vector<16xf32>, vector<16xf32>, vector<16xf32>, vector<16xf32>, vector<16xf32>, vector<16xf32>, vector<16xf32>, vector<16xf32>, vector<16xf32>, vector<16xf32>, vector<16xf32>, vector<16xf32>, vector<16xf32>, vector<16xf32>
        }
        %scan3A_342 = arith.constant 32 : i32
        tpu.vector_store_idx %arg16[%add3A_310, %and3A_5], %scan3A_341#0 : memref<32x16xf32, #tpu.memory_space<vmem>>[vector<16xi32>, vector<16xi32>], vector<16xf32>,
        tpu.vector_store_idx %arg16[%add3A_310, %and3A_11], %scan3A_341#1 : memref<32x16xf32, #tpu.memory_space<vmem>>[vector<16xi32>, vector<16xi32>], vector<16xf32>,
        tpu.vector_store_idx %arg16[%add3A_310, %and3A_17], %scan3A_341#2 : memref<32x16xf32, #tpu.memory_space<vmem>>[vector<16xi32>, vector<16xi32>], vector<16xf32>,
        tpu.vector_store_idx %arg16[%add3A_310, %and3A_23], %scan3A_341#3 : memref<32x16xf32, #tpu.memory_space<vmem>>[vector<16xi32>, vector<16xi32>], vector<16xf32>,
        tpu.vector_store_idx %arg16[%add3A_310, %and3A_29], %scan3A_341#4 : memref<32x16xf32, #tpu.memory_space<vmem>>[vector<16xi32>, vector<16xi32>], vector<16xf32>,
        tpu.vector_store_idx %arg16[%add3A_310, %and3A_35], %scan3A_341#5 : memref<32x16xf32, #tpu.memory_space<vmem>>[vector<16xi32>, vector<16xi32>], vector<16xf32>,
        tpu.vector_store_idx %arg16[%add3A_310, %and3A_41], %scan3A_341#6 : memref<32x16xf32, #tpu.memory_space<vmem>>[vector<16xi32>, vector<16xi32>], vector<16xf32>,
        tpu.vector_store_idx %arg16[%add3A_310, %and3A_47], %scan3A_341#7 : memref<32x16xf32, #tpu.memory_space<vmem>>[vector<16xi32>, vector<16xi32>], vector<16xf32>,
        tpu.vector_store_idx %arg16[%add3A_310, %and3A_53], %scan3A_341#8 : memref<32x16xf32, #tpu.memory_space<vmem>>[vector<16xi32>, vector<16xi32>], vector<16xf32>,
        tpu.vector_store_idx %arg16[%add3A_310, %and3A_59], %scan3A_341#9 : memref<32x16xf32, #tpu.memory_space<vmem>>[vector<16xi32>, vector<16xi32>], vector<16xf32>,
        tpu.vector_store_idx %arg16[%add3A_310, %and3A_65], %scan3A_341#10 : memref<32x16xf32, #tpu.memory_space<vmem>>[vector<16xi32>, vector<16xi32>], vector<16xf32>,
        tpu.vector_store_idx %arg16[%add3A_310, %and3A_71], %scan3A_341#11 : memref<32x16xf32, #tpu.memory_space<vmem>>[vector<16xi32>, vector<16xi32>], vector<16xf32>,
        tpu.vector_store_idx %arg16[%add3A_310, %and3A_77], %scan3A_341#12 : memref<32x16xf32, #tpu.memory_space<vmem>>[vector<16xi32>, vector<16xi32>], vector<16xf32>,
        tpu.vector_store_idx %arg16[%add3A_310, %and3A_83], %scan3A_341#13 : memref<32x16xf32, #tpu.memory_space<vmem>>[vector<16xi32>, vector<16xi32>], vector<16xf32>,
        tpu.vector_store_idx %arg16[%add3A_310, %and3A_89], %scan3A_341#14 : memref<32x16xf32, #tpu.memory_space<vmem>>[vector<16xi32>, vector<16xi32>], vector<16xf32>,
        tpu.vector_store_idx %arg16[%add3A_310, %and3A_95], %scan3A_341#15 : memref<32x16xf32, #tpu.memory_space<vmem>>[vector<16xi32>, vector<16xi32>], vector<16xf32>,
        %scan3A_343 = arith.constant 0 : i32
        %scan3A_344 = arith.constant 0 : i32
        %scan3A_345 = arith.constant 32 : i32
        %scan3A_346 = arith.addi %scan3A_344, %scan3A_345 : i32
        %scan3A_347 = arith.constant 4 : i32
        scf.for %scan3A_402 = %scan3A_344 to %scan3A_346 step %scan3A_347  : i32 {
          %add3A_403 = vector.broadcast %scan3A_402 : i32 to vector<16xi32>
          %add3A_404 = arith.addi %add3A_403, %iota3A : vector<16xi32>
          %and3A_405 = arith.constant 31 : i32
          %and3A_406 = vector.broadcast %and3A_405 : i32 to vector<16xi32>
          %and3A_407 = arith.andi %add3A_404, %and3A_406 : vector<16xi32>
          %gather3A_408 = tpu.vector_load_idx %arg17[%and3A_407, %iota3A] : memref<32x16xf32, #tpu.memory_space<vmem>>[vector<16xi32>, vector<16xi32>], vector<16xf32>,
          %mul3A_409 = arith.mulf %gather3A_408, %div3A_336 : vector<16xf32>
          tpu.vector_store_idx %arg14[%add3A_310, %and3A_407], %mul3A_409 : memref<32x32xf32, #tpu.memory_space<vmem>>[vector<16xi32>, vector<16xi32>], vector<16xf32>,
          %scan3A_410 = arith.constant 1 : i32
          %scan3A_411 = arith.addi %scan3A_402, %scan3A_410 : i32
          %add3A_412 = vector.broadcast %scan3A_411 : i32 to vector<16xi32>
          %add3A_413 = arith.addi %add3A_412, %iota3A : vector<16xi32>
          %and3A_414 = arith.constant 31 : i32
          %and3A_415 = vector.broadcast %and3A_414 : i32 to vector<16xi32>
          %and3A_416 = arith.andi %add3A_413, %and3A_415 : vector<16xi32>
          %gather3A_417 = tpu.vector_load_idx %arg17[%and3A_416, %iota3A] : memref<32x16xf32, #tpu.memory_space<vmem>>[vector<16xi32>, vector<16xi32>], vector<16xf32>,
          %mul3A_418 = arith.mulf %gather3A_417, %div3A_336 : vector<16xf32>
          tpu.vector_store_idx %arg14[%add3A_310, %and3A_416], %mul3A_418 : memref<32x32xf32, #tpu.memory_space<vmem>>[vector<16xi32>, vector<16xi32>], vector<16xf32>,
          %scan3A_419 = arith.constant 2 : i32
          %scan3A_420 = arith.addi %scan3A_402, %scan3A_419 : i32
          %add3A_421 = vector.broadcast %scan3A_420 : i32 to vector<16xi32>
          %add3A_422 = arith.addi %add3A_421, %iota3A : vector<16xi32>
          %and3A_423 = arith.constant 31 : i32
          %and3A_424 = vector.broadcast %and3A_423 : i32 to vector<16xi32>
          %and3A_425 = arith.andi %add3A_422, %and3A_424 : vector<16xi32>
          %gather3A_426 = tpu.vector_load_idx %arg17[%and3A_425, %iota3A] : memref<32x16xf32, #tpu.memory_space<vmem>>[vector<16xi32>, vector<16xi32>], vector<16xf32>,
          %mul3A_427 = arith.mulf %gather3A_426, %div3A_336 : vector<16xf32>
          tpu.vector_store_idx %arg14[%add3A_310, %and3A_425], %mul3A_427 : memref<32x32xf32, #tpu.memory_space<vmem>>[vector<16xi32>, vector<16xi32>], vector<16xf32>,
          %scan3A_428 = arith.constant 3 : i32
          %scan3A_429 = arith.addi %scan3A_402, %scan3A_428 : i32
          %add3A_430 = vector.broadcast %scan3A_429 : i32 to vector<16xi32>
          %add3A_431 = arith.addi %add3A_430, %iota3A : vector<16xi32>
          %and3A_432 = arith.constant 31 : i32
          %and3A_433 = vector.broadcast %and3A_432 : i32 to vector<16xi32>
          %and3A_434 = arith.andi %add3A_431, %and3A_433 : vector<16xi32>
          %gather3A_435 = tpu.vector_load_idx %arg17[%and3A_434, %iota3A] : memref<32x16xf32, #tpu.memory_space<vmem>>[vector<16xi32>, vector<16xi32>], vector<16xf32>,
          %mul3A_436 = arith.mulf %gather3A_435, %div3A_336 : vector<16xf32>
          tpu.vector_store_idx %arg14[%add3A_310, %and3A_434], %mul3A_436 : memref<32x32xf32, #tpu.memory_space<vmem>>[vector<16xi32>, vector<16xi32>], vector<16xf32>,
        }
        %scan3A_348 = arith.constant 32 : i32
        %add3A_349 = arith.constant 16 : i32
        %add3A_350 = vector.broadcast %add3A_349 : i32 to vector<16xi32>
        %add3A_351 = arith.addi %add3A_350, %iota3A : vector<16xi32>
        %mul3A_352 = arith.constant 32 : i32
        %mul3A_353 = vector.broadcast %mul3A_352 : i32 to vector<16xi32>
        %mul3A_354 = arith.muli %add3A_351, %mul3A_353 : vector<16xi32>
        %gather3A_355 = tpu.vector_load_idx %arg12[%add3A_351, %and3A_5] : memref<32x16xf32, #tpu.memory_space<vmem>>[vector<16xi32>, vector<16xi32>], vector<16xf32>,
        %gather3A_356 = tpu.vector_load_idx %arg12[%add3A_351, %and3A_11] : memref<32x16xf32, #tpu.memory_space<vmem>>[vector<16xi32>, vector<16xi32>], vector<16xf32>,
        %gather3A_357 = tpu.vector_load_idx %arg12[%add3A_351, %and3A_17] : memref<32x16xf32, #tpu.memory_space<vmem>>[vector<16xi32>, vector<16xi32>], vector<16xf32>,
        %gather3A_358 = tpu.vector_load_idx %arg12[%add3A_351, %and3A_23] : memref<32x16xf32, #tpu.memory_space<vmem>>[vector<16xi32>, vector<16xi32>], vector<16xf32>,
        %gather3A_359 = tpu.vector_load_idx %arg12[%add3A_351, %and3A_29] : memref<32x16xf32, #tpu.memory_space<vmem>>[vector<16xi32>, vector<16xi32>], vector<16xf32>,
        %gather3A_360 = tpu.vector_load_idx %arg12[%add3A_351, %and3A_35] : memref<32x16xf32, #tpu.memory_space<vmem>>[vector<16xi32>, vector<16xi32>], vector<16xf32>,
        %gather3A_361 = tpu.vector_load_idx %arg12[%add3A_351, %and3A_41] : memref<32x16xf32, #tpu.memory_space<vmem>>[vector<16xi32>, vector<16xi32>], vector<16xf32>,
        %gather3A_362 = tpu.vector_load_idx %arg12[%add3A_351, %and3A_47] : memref<32x16xf32, #tpu.memory_space<vmem>>[vector<16xi32>, vector<16xi32>], vector<16xf32>,
        %gather3A_363 = tpu.vector_load_idx %arg12[%add3A_351, %and3A_53] : memref<32x16xf32, #tpu.memory_space<vmem>>[vector<16xi32>, vector<16xi32>], vector<16xf32>,
        %gather3A_364 = tpu.vector_load_idx %arg12[%add3A_351, %and3A_59] : memref<32x16xf32, #tpu.memory_space<vmem>>[vector<16xi32>, vector<16xi32>], vector<16xf32>,
        %gather3A_365 = tpu.vector_load_idx %arg12[%add3A_351, %and3A_65] : memref<32x16xf32, #tpu.memory_space<vmem>>[vector<16xi32>, vector<16xi32>], vector<16xf32>,
        %gather3A_366 = tpu.vector_load_idx %arg12[%add3A_351, %and3A_71] : memref<32x16xf32, #tpu.memory_space<vmem>>[vector<16xi32>, vector<16xi32>], vector<16xf32>,
        %gather3A_367 = tpu.vector_load_idx %arg12[%add3A_351, %and3A_77] : memref<32x16xf32, #tpu.memory_space<vmem>>[vector<16xi32>, vector<16xi32>], vector<16xf32>,
        %gather3A_368 = tpu.vector_load_idx %arg12[%add3A_351, %and3A_83] : memref<32x16xf32, #tpu.memory_space<vmem>>[vector<16xi32>, vector<16xi32>], vector<16xf32>,
        %gather3A_369 = tpu.vector_load_idx %arg12[%add3A_351, %and3A_89] : memref<32x16xf32, #tpu.memory_space<vmem>>[vector<16xi32>, vector<16xi32>], vector<16xf32>,
        %gather3A_370 = tpu.vector_load_idx %arg12[%add3A_351, %and3A_95] : memref<32x16xf32, #tpu.memory_space<vmem>>[vector<16xi32>, vector<16xi32>], vector<16xf32>,
        %scan3A_371 = arith.constant 0 : i32
        %scan3A_372 = arith.constant 32 : i32
        %scan3A_373 = arith.addi %scan3A_371, %scan3A_372 : i32
        %scan3A_374 = arith.constant 2 : i32
        %scan3A_375 = scf.for %scan3A_402 = %scan3A_371 to %scan3A_373 step %scan3A_374 iter_args(%scan3A_403 = %broadcast_in_dim3A_307) -> (vector<16xf32>)  : i32 {
          %add3A_404 = vector.broadcast %scan3A_402 : i32 to vector<16xi32>
          %add3A_405 = arith.addi %mul3A_354, %add3A_404 : vector<16xi32>
          %gather3A_406 = tpu.vector_load_idx %arg10[%add3A_405, %and3A_5] : memref<1024x32xf32, #tpu.memory_space<vmem>>[vector<16xi32>, vector<16xi32>], vector<16xf32>,
          %mul3A_407 = arith.mulf %gather3A_355, %gather3A_406 : vector<16xf32>
          %add3A_408 = arith.addf %broadcast_in_dim3A_307, %mul3A_407 : vector<16xf32>
          %gather3A_409 = tpu.vector_load_idx %arg10[%add3A_405, %and3A_11] : memref<1024x32xf32, #tpu.memory_space<vmem>>[vector<16xi32>, vector<16xi32>], vector<16xf32>,
          %mul3A_410 = arith.mulf %gather3A_356, %gather3A_409 : vector<16xf32>
          %add3A_411 = arith.addf %broadcast_in_dim3A_307, %mul3A_410 : vector<16xf32>
          %gather3A_412 = tpu.vector_load_idx %arg10[%add3A_405, %and3A_17] : memref<1024x32xf32, #tpu.memory_space<vmem>>[vector<16xi32>, vector<16xi32>], vector<16xf32>,
          %mul3A_413 = arith.mulf %gather3A_357, %gather3A_412 : vector<16xf32>
          %add3A_414 = arith.addf %add3A_408, %mul3A_413 : vector<16xf32>
          %gather3A_415 = tpu.vector_load_idx %arg10[%add3A_405, %and3A_23] : memref<1024x32xf32, #tpu.memory_space<vmem>>[vector<16xi32>, vector<16xi32>], vector<16xf32>,
          %mul3A_416 = arith.mulf %gather3A_358, %gather3A_415 : vector<16xf32>
          %add3A_417 = arith.addf %add3A_411, %mul3A_416 : vector<16xf32>
          %gather3A_418 = tpu.vector_load_idx %arg10[%add3A_405, %and3A_29] : memref<1024x32xf32, #tpu.memory_space<vmem>>[vector<16xi32>, vector<16xi32>], vector<16xf32>,
          %mul3A_419 = arith.mulf %gather3A_359, %gather3A_418 : vector<16xf32>
          %add3A_420 = arith.addf %add3A_414, %mul3A_419 : vector<16xf32>
          %gather3A_421 = tpu.vector_load_idx %arg10[%add3A_405, %and3A_35] : memref<1024x32xf32, #tpu.memory_space<vmem>>[vector<16xi32>, vector<16xi32>], vector<16xf32>,
          %mul3A_422 = arith.mulf %gather3A_360, %gather3A_421 : vector<16xf32>
          %add3A_423 = arith.addf %add3A_417, %mul3A_422 : vector<16xf32>
          %gather3A_424 = tpu.vector_load_idx %arg10[%add3A_405, %and3A_41] : memref<1024x32xf32, #tpu.memory_space<vmem>>[vector<16xi32>, vector<16xi32>], vector<16xf32>,
          %mul3A_425 = arith.mulf %gather3A_361, %gather3A_424 : vector<16xf32>
          %add3A_426 = arith.addf %add3A_420, %mul3A_425 : vector<16xf32>
          %gather3A_427 = tpu.vector_load_idx %arg10[%add3A_405, %and3A_47] : memref<1024x32xf32, #tpu.memory_space<vmem>>[vector<16xi32>, vector<16xi32>], vector<16xf32>,
          %mul3A_428 = arith.mulf %gather3A_362, %gather3A_427 : vector<16xf32>
          %add3A_429 = arith.addf %add3A_423, %mul3A_428 : vector<16xf32>
          %gather3A_430 = tpu.vector_load_idx %arg10[%add3A_405, %and3A_53] : memref<1024x32xf32, #tpu.memory_space<vmem>>[vector<16xi32>, vector<16xi32>], vector<16xf32>,
          %mul3A_431 = arith.mulf %gather3A_363, %gather3A_430 : vector<16xf32>
          %add3A_432 = arith.addf %add3A_426, %mul3A_431 : vector<16xf32>
          %gather3A_433 = tpu.vector_load_idx %arg10[%add3A_405, %and3A_59] : memref<1024x32xf32, #tpu.memory_space<vmem>>[vector<16xi32>, vector<16xi32>], vector<16xf32>,
          %mul3A_434 = arith.mulf %gather3A_364, %gather3A_433 : vector<16xf32>
          %add3A_435 = arith.addf %add3A_429, %mul3A_434 : vector<16xf32>
          %gather3A_436 = tpu.vector_load_idx %arg10[%add3A_405, %and3A_65] : memref<1024x32xf32, #tpu.memory_space<vmem>>[vector<16xi32>, vector<16xi32>], vector<16xf32>,
          %mul3A_437 = arith.mulf %gather3A_365, %gather3A_436 : vector<16xf32>
          %add3A_438 = arith.addf %add3A_432, %mul3A_437 : vector<16xf32>
          %gather3A_439 = tpu.vector_load_idx %arg10[%add3A_405, %and3A_71] : memref<1024x32xf32, #tpu.memory_space<vmem>>[vector<16xi32>, vector<16xi32>], vector<16xf32>,
          %mul3A_440 = arith.mulf %gather3A_366, %gather3A_439 : vector<16xf32>
          %add3A_441 = arith.addf %add3A_435, %mul3A_440 : vector<16xf32>
          %gather3A_442 = tpu.vector_load_idx %arg10[%add3A_405, %and3A_77] : memref<1024x32xf32, #tpu.memory_space<vmem>>[vector<16xi32>, vector<16xi32>], vector<16xf32>,
          %mul3A_443 = arith.mulf %gather3A_367, %gather3A_442 : vector<16xf32>
          %add3A_444 = arith.addf %add3A_438, %mul3A_443 : vector<16xf32>
          %gather3A_445 = tpu.vector_load_idx %arg10[%add3A_405, %and3A_83] : memref<1024x32xf32, #tpu.memory_space<vmem>>[vector<16xi32>, vector<16xi32>], vector<16xf32>,
          %mul3A_446 = arith.mulf %gather3A_368, %gather3A_445 : vector<16xf32>
          %add3A_447 = arith.addf %add3A_441, %mul3A_446 : vector<16xf32>
          %gather3A_448 = tpu.vector_load_idx %arg10[%add3A_405, %and3A_89] : memref<1024x32xf32, #tpu.memory_space<vmem>>[vector<16xi32>, vector<16xi32>], vector<16xf32>,
          %mul3A_449 = arith.mulf %gather3A_369, %gather3A_448 : vector<16xf32>
          %add3A_450 = arith.addf %add3A_444, %mul3A_449 : vector<16xf32>
          %gather3A_451 = tpu.vector_load_idx %arg10[%add3A_405, %and3A_95] : memref<1024x32xf32, #tpu.memory_space<vmem>>[vector<16xi32>, vector<16xi32>], vector<16xf32>,
          %mul3A_452 = arith.mulf %gather3A_370, %gather3A_451 : vector<16xf32>
          %add3A_453 = arith.addf %add3A_447, %mul3A_452 : vector<16xf32>
          %add3A_454 = arith.addf %add3A_450, %add3A_453 : vector<16xf32>
          %exp3A = math.exp %add3A_454 : vector<16xf32>
          %swap3A = arith.index_cast %scan3A_402 : i32 to index
          %swap3A_455 = arith.constant 0 : index
          %swap3A_456 = tpu.vector_load %arg17[%swap3A, %swap3A_455] {strides = array<i32>} : memref<32x16xf32, #tpu.memory_space<vmem>>, vector<16xf32>,
          tpu.vector_store %arg17[%swap3A, %swap3A_455], %exp3A {strides = array<i32>} : memref<32x16xf32, #tpu.memory_space<vmem>>, vector<16xf32>,
          %add3A_457 = arith.addf %scan3A_403, %exp3A : vector<16xf32>
          %scan3A_458 = arith.constant 1 : i32
          %scan3A_459 = arith.addi %scan3A_402, %scan3A_458 : i32
          %add3A_460 = vector.broadcast %scan3A_459 : i32 to vector<16xi32>
          %add3A_461 = arith.addi %mul3A_354, %add3A_460 : vector<16xi32>
          %gather3A_462 = tpu.vector_load_idx %arg10[%add3A_461, %and3A_5] : memref<1024x32xf32, #tpu.memory_space<vmem>>[vector<16xi32>, vector<16xi32>], vector<16xf32>,
          %mul3A_463 = arith.mulf %gather3A_355, %gather3A_462 : vector<16xf32>
          %add3A_464 = arith.addf %broadcast_in_dim3A_307, %mul3A_463 : vector<16xf32>
          %gather3A_465 = tpu.vector_load_idx %arg10[%add3A_461, %and3A_11] : memref<1024x32xf32, #tpu.memory_space<vmem>>[vector<16xi32>, vector<16xi32>], vector<16xf32>,
          %mul3A_466 = arith.mulf %gather3A_356, %gather3A_465 : vector<16xf32>
          %add3A_467 = arith.addf %broadcast_in_dim3A_307, %mul3A_466 : vector<16xf32>
          %gather3A_468 = tpu.vector_load_idx %arg10[%add3A_461, %and3A_17] : memref<1024x32xf32, #tpu.memory_space<vmem>>[vector<16xi32>, vector<16xi32>], vector<16xf32>,
          %mul3A_469 = arith.mulf %gather3A_357, %gather3A_468 : vector<16xf32>
          %add3A_470 = arith.addf %add3A_464, %mul3A_469 : vector<16xf32>
          %gather3A_471 = tpu.vector_load_idx %arg10[%add3A_461, %and3A_23] : memref<1024x32xf32, #tpu.memory_space<vmem>>[vector<16xi32>, vector<16xi32>], vector<16xf32>,
          %mul3A_472 = arith.mulf %gather3A_358, %gather3A_471 : vector<16xf32>
          %add3A_473 = arith.addf %add3A_467, %mul3A_472 : vector<16xf32>
          %gather3A_474 = tpu.vector_load_idx %arg10[%add3A_461, %and3A_29] : memref<1024x32xf32, #tpu.memory_space<vmem>>[vector<16xi32>, vector<16xi32>], vector<16xf32>,
          %mul3A_475 = arith.mulf %gather3A_359, %gather3A_474 : vector<16xf32>
          %add3A_476 = arith.addf %add3A_470, %mul3A_475 : vector<16xf32>
          %gather3A_477 = tpu.vector_load_idx %arg10[%add3A_461, %and3A_35] : memref<1024x32xf32, #tpu.memory_space<vmem>>[vector<16xi32>, vector<16xi32>], vector<16xf32>,
          %mul3A_478 = arith.mulf %gather3A_360, %gather3A_477 : vector<16xf32>
          %add3A_479 = arith.addf %add3A_473, %mul3A_478 : vector<16xf32>
          %gather3A_480 = tpu.vector_load_idx %arg10[%add3A_461, %and3A_41] : memref<1024x32xf32, #tpu.memory_space<vmem>>[vector<16xi32>, vector<16xi32>], vector<16xf32>,
          %mul3A_481 = arith.mulf %gather3A_361, %gather3A_480 : vector<16xf32>
          %add3A_482 = arith.addf %add3A_476, %mul3A_481 : vector<16xf32>
          %gather3A_483 = tpu.vector_load_idx %arg10[%add3A_461, %and3A_47] : memref<1024x32xf32, #tpu.memory_space<vmem>>[vector<16xi32>, vector<16xi32>], vector<16xf32>,
          %mul3A_484 = arith.mulf %gather3A_362, %gather3A_483 : vector<16xf32>
          %add3A_485 = arith.addf %add3A_479, %mul3A_484 : vector<16xf32>
          %gather3A_486 = tpu.vector_load_idx %arg10[%add3A_461, %and3A_53] : memref<1024x32xf32, #tpu.memory_space<vmem>>[vector<16xi32>, vector<16xi32>], vector<16xf32>,
          %mul3A_487 = arith.mulf %gather3A_363, %gather3A_486 : vector<16xf32>
          %add3A_488 = arith.addf %add3A_482, %mul3A_487 : vector<16xf32>
          %gather3A_489 = tpu.vector_load_idx %arg10[%add3A_461, %and3A_59] : memref<1024x32xf32, #tpu.memory_space<vmem>>[vector<16xi32>, vector<16xi32>], vector<16xf32>,
          %mul3A_490 = arith.mulf %gather3A_364, %gather3A_489 : vector<16xf32>
          %add3A_491 = arith.addf %add3A_485, %mul3A_490 : vector<16xf32>
          %gather3A_492 = tpu.vector_load_idx %arg10[%add3A_461, %and3A_65] : memref<1024x32xf32, #tpu.memory_space<vmem>>[vector<16xi32>, vector<16xi32>], vector<16xf32>,
          %mul3A_493 = arith.mulf %gather3A_365, %gather3A_492 : vector<16xf32>
          %add3A_494 = arith.addf %add3A_488, %mul3A_493 : vector<16xf32>
          %gather3A_495 = tpu.vector_load_idx %arg10[%add3A_461, %and3A_71] : memref<1024x32xf32, #tpu.memory_space<vmem>>[vector<16xi32>, vector<16xi32>], vector<16xf32>,
          %mul3A_496 = arith.mulf %gather3A_366, %gather3A_495 : vector<16xf32>
          %add3A_497 = arith.addf %add3A_491, %mul3A_496 : vector<16xf32>
          %gather3A_498 = tpu.vector_load_idx %arg10[%add3A_461, %and3A_77] : memref<1024x32xf32, #tpu.memory_space<vmem>>[vector<16xi32>, vector<16xi32>], vector<16xf32>,
          %mul3A_499 = arith.mulf %gather3A_367, %gather3A_498 : vector<16xf32>
          %add3A_500 = arith.addf %add3A_494, %mul3A_499 : vector<16xf32>
          %gather3A_501 = tpu.vector_load_idx %arg10[%add3A_461, %and3A_83] : memref<1024x32xf32, #tpu.memory_space<vmem>>[vector<16xi32>, vector<16xi32>], vector<16xf32>,
          %mul3A_502 = arith.mulf %gather3A_368, %gather3A_501 : vector<16xf32>
          %add3A_503 = arith.addf %add3A_497, %mul3A_502 : vector<16xf32>
          %gather3A_504 = tpu.vector_load_idx %arg10[%add3A_461, %and3A_89] : memref<1024x32xf32, #tpu.memory_space<vmem>>[vector<16xi32>, vector<16xi32>], vector<16xf32>,
          %mul3A_505 = arith.mulf %gather3A_369, %gather3A_504 : vector<16xf32>
          %add3A_506 = arith.addf %add3A_500, %mul3A_505 : vector<16xf32>
          %gather3A_507 = tpu.vector_load_idx %arg10[%add3A_461, %and3A_95] : memref<1024x32xf32, #tpu.memory_space<vmem>>[vector<16xi32>, vector<16xi32>], vector<16xf32>,
          %mul3A_508 = arith.mulf %gather3A_370, %gather3A_507 : vector<16xf32>
          %add3A_509 = arith.addf %add3A_503, %mul3A_508 : vector<16xf32>
          %add3A_510 = arith.addf %add3A_506, %add3A_509 : vector<16xf32>
          %exp3A_511 = math.exp %add3A_510 : vector<16xf32>
          %swap3A_512 = arith.index_cast %scan3A_459 : i32 to index
          %swap3A_513 = arith.constant 0 : index
          %swap3A_514 = tpu.vector_load %arg17[%swap3A_512, %swap3A_513] {strides = array<i32>} : memref<32x16xf32, #tpu.memory_space<vmem>>, vector<16xf32>,
          tpu.vector_store %arg17[%swap3A_512, %swap3A_513], %exp3A_511 {strides = array<i32>} : memref<32x16xf32, #tpu.memory_space<vmem>>, vector<16xf32>,
          %add3A_515 = arith.addf %add3A_457, %exp3A_511 : vector<16xf32>
          scf.yield %add3A_515 : vector<16xf32>
        }
        %scan3A_376 = arith.constant 32 : i32
        %div3A_377 = arith.constant 1.000000e+00 : f32
        %div3A_378 = vector.broadcast %div3A_377 : f32 to vector<16xf32>
        %div3A_379 = arith.divf %div3A_378, %scan3A_375 : vector<16xf32>
        %scan3A_380 = arith.constant 0 : i32
        %scan3A_381 = arith.constant 32 : i32
        %scan3A_382 = arith.addi %scan3A_380, %scan3A_381 : i32
        %scan3A_383 = arith.constant 2 : i32
        %scan3A_384:16 = scf.for %scan3A_402 = %scan3A_380 to %scan3A_382 step %scan3A_383 iter_args(%scan3A_403 = %broadcast_in_dim3A_307, %scan3A_404 = %broadcast_in_dim3A_307, %scan3A_405 = %broadcast_in_dim3A_307, %scan3A_406 = %broadcast_in_dim3A_307, %scan3A_407 = %broadcast_in_dim3A_307, %scan3A_408 = %broadcast_in_dim3A_307, %scan3A_409 = %broadcast_in_dim3A_307, %scan3A_410 = %broadcast_in_dim3A_307, %scan3A_411 = %broadcast_in_dim3A_307, %scan3A_412 = %broadcast_in_dim3A_307, %scan3A_413 = %broadcast_in_dim3A_307, %scan3A_414 = %broadcast_in_dim3A_307, %scan3A_415 = %broadcast_in_dim3A_307, %scan3A_416 = %broadcast_in_dim3A_307, %scan3A_417 = %broadcast_in_dim3A_307, %scan3A_418 = %broadcast_in_dim3A_307) -> (vector<16xf32>, vector<16xf32>, vector<16xf32>, vector<16xf32>, vector<16xf32>, vector<16xf32>, vector<16xf32>, vector<16xf32>, vector<16xf32>, vector<16xf32>, vector<16xf32>, vector<16xf32>, vector<16xf32>, vector<16xf32>, vector<16xf32>, vector<16xf32>)  : i32 {
          %get3A = arith.index_cast %scan3A_402 : i32 to index
          %get3A_419 = arith.constant 0 : index
          %get3A_420 = tpu.vector_load %arg17[%get3A, %get3A_419] {strides = array<i32>} : memref<32x16xf32, #tpu.memory_space<vmem>>, vector<16xf32>,
          %mul3A_421 = arith.mulf %get3A_420, %div3A_379 : vector<16xf32>
          %add3A_422 = vector.broadcast %scan3A_402 : i32 to vector<16xi32>
          %add3A_423 = arith.addi %mul3A_354, %add3A_422 : vector<16xi32>
          %gather3A_424 = tpu.vector_load_idx %arg10[%add3A_423, %add3A_98] : memref<1024x32xf32, #tpu.memory_space<vmem>>[vector<16xi32>, vector<16xi32>], vector<16xf32>,
          %mul3A_425 = arith.mulf %mul3A_421, %gather3A_424 : vector<16xf32>
          %add3A_426 = arith.addf %scan3A_403, %mul3A_425 : vector<16xf32>
          %gather3A_427 = tpu.vector_load_idx %arg10[%add3A_423, %add3A_101] : memref<1024x32xf32, #tpu.memory_space<vmem>>[vector<16xi32>, vector<16xi32>], vector<16xf32>,
          %mul3A_428 = arith.mulf %mul3A_421, %gather3A_427 : vector<16xf32>
          %add3A_429 = arith.addf %scan3A_404, %mul3A_428 : vector<16xf32>
          %gather3A_430 = tpu.vector_load_idx %arg10[%add3A_423, %add3A_104] : memref<1024x32xf32, #tpu.memory_space<vmem>>[vector<16xi32>, vector<16xi32>], vector<16xf32>,
          %mul3A_431 = arith.mulf %mul3A_421, %gather3A_430 : vector<16xf32>
          %add3A_432 = arith.addf %scan3A_405, %mul3A_431 : vector<16xf32>
          %gather3A_433 = tpu.vector_load_idx %arg10[%add3A_423, %add3A_107] : memref<1024x32xf32, #tpu.memory_space<vmem>>[vector<16xi32>, vector<16xi32>], vector<16xf32>,
          %mul3A_434 = arith.mulf %mul3A_421, %gather3A_433 : vector<16xf32>
          %add3A_435 = arith.addf %scan3A_406, %mul3A_434 : vector<16xf32>
          %gather3A_436 = tpu.vector_load_idx %arg10[%add3A_423, %add3A_110] : memref<1024x32xf32, #tpu.memory_space<vmem>>[vector<16xi32>, vector<16xi32>], vector<16xf32>,
          %mul3A_437 = arith.mulf %mul3A_421, %gather3A_436 : vector<16xf32>
          %add3A_438 = arith.addf %scan3A_407, %mul3A_437 : vector<16xf32>
          %gather3A_439 = tpu.vector_load_idx %arg10[%add3A_423, %add3A_113] : memref<1024x32xf32, #tpu.memory_space<vmem>>[vector<16xi32>, vector<16xi32>], vector<16xf32>,
          %mul3A_440 = arith.mulf %mul3A_421, %gather3A_439 : vector<16xf32>
          %add3A_441 = arith.addf %scan3A_408, %mul3A_440 : vector<16xf32>
          %gather3A_442 = tpu.vector_load_idx %arg10[%add3A_423, %add3A_116] : memref<1024x32xf32, #tpu.memory_space<vmem>>[vector<16xi32>, vector<16xi32>], vector<16xf32>,
          %mul3A_443 = arith.mulf %mul3A_421, %gather3A_442 : vector<16xf32>
          %add3A_444 = arith.addf %scan3A_409, %mul3A_443 : vector<16xf32>
          %gather3A_445 = tpu.vector_load_idx %arg10[%add3A_423, %add3A_119] : memref<1024x32xf32, #tpu.memory_space<vmem>>[vector<16xi32>, vector<16xi32>], vector<16xf32>,
          %mul3A_446 = arith.mulf %mul3A_421, %gather3A_445 : vector<16xf32>
          %add3A_447 = arith.addf %scan3A_410, %mul3A_446 : vector<16xf32>
          %gather3A_448 = tpu.vector_load_idx %arg10[%add3A_423, %add3A_122] : memref<1024x32xf32, #tpu.memory_space<vmem>>[vector<16xi32>, vector<16xi32>], vector<16xf32>,
          %mul3A_449 = arith.mulf %mul3A_421, %gather3A_448 : vector<16xf32>
          %add3A_450 = arith.addf %scan3A_411, %mul3A_449 : vector<16xf32>
          %gather3A_451 = tpu.vector_load_idx %arg10[%add3A_423, %add3A_125] : memref<1024x32xf32, #tpu.memory_space<vmem>>[vector<16xi32>, vector<16xi32>], vector<16xf32>,
          %mul3A_452 = arith.mulf %mul3A_421, %gather3A_451 : vector<16xf32>
          %add3A_453 = arith.addf %scan3A_412, %mul3A_452 : vector<16xf32>
          %gather3A_454 = tpu.vector_load_idx %arg10[%add3A_423, %add3A_128] : memref<1024x32xf32, #tpu.memory_space<vmem>>[vector<16xi32>, vector<16xi32>], vector<16xf32>,
          %mul3A_455 = arith.mulf %mul3A_421, %gather3A_454 : vector<16xf32>
          %add3A_456 = arith.addf %scan3A_413, %mul3A_455 : vector<16xf32>
          %gather3A_457 = tpu.vector_load_idx %arg10[%add3A_423, %add3A_131] : memref<1024x32xf32, #tpu.memory_space<vmem>>[vector<16xi32>, vector<16xi32>], vector<16xf32>,
          %mul3A_458 = arith.mulf %mul3A_421, %gather3A_457 : vector<16xf32>
          %add3A_459 = arith.addf %scan3A_414, %mul3A_458 : vector<16xf32>
          %gather3A_460 = tpu.vector_load_idx %arg10[%add3A_423, %add3A_134] : memref<1024x32xf32, #tpu.memory_space<vmem>>[vector<16xi32>, vector<16xi32>], vector<16xf32>,
          %mul3A_461 = arith.mulf %mul3A_421, %gather3A_460 : vector<16xf32>
          %add3A_462 = arith.addf %scan3A_415, %mul3A_461 : vector<16xf32>
          %gather3A_463 = tpu.vector_load_idx %arg10[%add3A_423, %add3A_137] : memref<1024x32xf32, #tpu.memory_space<vmem>>[vector<16xi32>, vector<16xi32>], vector<16xf32>,
          %mul3A_464 = arith.mulf %mul3A_421, %gather3A_463 : vector<16xf32>
          %add3A_465 = arith.addf %scan3A_416, %mul3A_464 : vector<16xf32>
          %gather3A_466 = tpu.vector_load_idx %arg10[%add3A_423, %add3A_140] : memref<1024x32xf32, #tpu.memory_space<vmem>>[vector<16xi32>, vector<16xi32>], vector<16xf32>,
          %mul3A_467 = arith.mulf %mul3A_421, %gather3A_466 : vector<16xf32>
          %add3A_468 = arith.addf %scan3A_417, %mul3A_467 : vector<16xf32>
          %gather3A_469 = tpu.vector_load_idx %arg10[%add3A_423, %add3A_143] : memref<1024x32xf32, #tpu.memory_space<vmem>>[vector<16xi32>, vector<16xi32>], vector<16xf32>,
          %mul3A_470 = arith.mulf %mul3A_421, %gather3A_469 : vector<16xf32>
          %add3A_471 = arith.addf %scan3A_418, %mul3A_470 : vector<16xf32>
          %scan3A_472 = arith.constant 1 : i32
          %scan3A_473 = arith.addi %scan3A_402, %scan3A_472 : i32
          %get3A_474 = arith.index_cast %scan3A_473 : i32 to index
          %get3A_475 = arith.constant 0 : index
          %get3A_476 = tpu.vector_load %arg17[%get3A_474, %get3A_475] {strides = array<i32>} : memref<32x16xf32, #tpu.memory_space<vmem>>, vector<16xf32>,
          %mul3A_477 = arith.mulf %get3A_476, %div3A_379 : vector<16xf32>
          %add3A_478 = vector.broadcast %scan3A_473 : i32 to vector<16xi32>
          %add3A_479 = arith.addi %mul3A_354, %add3A_478 : vector<16xi32>
          %gather3A_480 = tpu.vector_load_idx %arg10[%add3A_479, %add3A_98] : memref<1024x32xf32, #tpu.memory_space<vmem>>[vector<16xi32>, vector<16xi32>], vector<16xf32>,
          %mul3A_481 = arith.mulf %mul3A_477, %gather3A_480 : vector<16xf32>
          %add3A_482 = arith.addf %add3A_426, %mul3A_481 : vector<16xf32>
          %gather3A_483 = tpu.vector_load_idx %arg10[%add3A_479, %add3A_101] : memref<1024x32xf32, #tpu.memory_space<vmem>>[vector<16xi32>, vector<16xi32>], vector<16xf32>,
          %mul3A_484 = arith.mulf %mul3A_477, %gather3A_483 : vector<16xf32>
          %add3A_485 = arith.addf %add3A_429, %mul3A_484 : vector<16xf32>
          %gather3A_486 = tpu.vector_load_idx %arg10[%add3A_479, %add3A_104] : memref<1024x32xf32, #tpu.memory_space<vmem>>[vector<16xi32>, vector<16xi32>], vector<16xf32>,
          %mul3A_487 = arith.mulf %mul3A_477, %gather3A_486 : vector<16xf32>
          %add3A_488 = arith.addf %add3A_432, %mul3A_487 : vector<16xf32>
          %gather3A_489 = tpu.vector_load_idx %arg10[%add3A_479, %add3A_107] : memref<1024x32xf32, #tpu.memory_space<vmem>>[vector<16xi32>, vector<16xi32>], vector<16xf32>,
          %mul3A_490 = arith.mulf %mul3A_477, %gather3A_489 : vector<16xf32>
          %add3A_491 = arith.addf %add3A_435, %mul3A_490 : vector<16xf32>
          %gather3A_492 = tpu.vector_load_idx %arg10[%add3A_479, %add3A_110] : memref<1024x32xf32, #tpu.memory_space<vmem>>[vector<16xi32>, vector<16xi32>], vector<16xf32>,
          %mul3A_493 = arith.mulf %mul3A_477, %gather3A_492 : vector<16xf32>
          %add3A_494 = arith.addf %add3A_438, %mul3A_493 : vector<16xf32>
          %gather3A_495 = tpu.vector_load_idx %arg10[%add3A_479, %add3A_113] : memref<1024x32xf32, #tpu.memory_space<vmem>>[vector<16xi32>, vector<16xi32>], vector<16xf32>,
          %mul3A_496 = arith.mulf %mul3A_477, %gather3A_495 : vector<16xf32>
          %add3A_497 = arith.addf %add3A_441, %mul3A_496 : vector<16xf32>
          %gather3A_498 = tpu.vector_load_idx %arg10[%add3A_479, %add3A_116] : memref<1024x32xf32, #tpu.memory_space<vmem>>[vector<16xi32>, vector<16xi32>], vector<16xf32>,
          %mul3A_499 = arith.mulf %mul3A_477, %gather3A_498 : vector<16xf32>
          %add3A_500 = arith.addf %add3A_444, %mul3A_499 : vector<16xf32>
          %gather3A_501 = tpu.vector_load_idx %arg10[%add3A_479, %add3A_119] : memref<1024x32xf32, #tpu.memory_space<vmem>>[vector<16xi32>, vector<16xi32>], vector<16xf32>,
          %mul3A_502 = arith.mulf %mul3A_477, %gather3A_501 : vector<16xf32>
          %add3A_503 = arith.addf %add3A_447, %mul3A_502 : vector<16xf32>
          %gather3A_504 = tpu.vector_load_idx %arg10[%add3A_479, %add3A_122] : memref<1024x32xf32, #tpu.memory_space<vmem>>[vector<16xi32>, vector<16xi32>], vector<16xf32>,
          %mul3A_505 = arith.mulf %mul3A_477, %gather3A_504 : vector<16xf32>
          %add3A_506 = arith.addf %add3A_450, %mul3A_505 : vector<16xf32>
          %gather3A_507 = tpu.vector_load_idx %arg10[%add3A_479, %add3A_125] : memref<1024x32xf32, #tpu.memory_space<vmem>>[vector<16xi32>, vector<16xi32>], vector<16xf32>,
          %mul3A_508 = arith.mulf %mul3A_477, %gather3A_507 : vector<16xf32>
          %add3A_509 = arith.addf %add3A_453, %mul3A_508 : vector<16xf32>
          %gather3A_510 = tpu.vector_load_idx %arg10[%add3A_479, %add3A_128] : memref<1024x32xf32, #tpu.memory_space<vmem>>[vector<16xi32>, vector<16xi32>], vector<16xf32>,
          %mul3A_511 = arith.mulf %mul3A_477, %gather3A_510 : vector<16xf32>
          %add3A_512 = arith.addf %add3A_456, %mul3A_511 : vector<16xf32>
          %gather3A_513 = tpu.vector_load_idx %arg10[%add3A_479, %add3A_131] : memref<1024x32xf32, #tpu.memory_space<vmem>>[vector<16xi32>, vector<16xi32>], vector<16xf32>,
          %mul3A_514 = arith.mulf %mul3A_477, %gather3A_513 : vector<16xf32>
          %add3A_515 = arith.addf %add3A_459, %mul3A_514 : vector<16xf32>
          %gather3A_516 = tpu.vector_load_idx %arg10[%add3A_479, %add3A_134] : memref<1024x32xf32, #tpu.memory_space<vmem>>[vector<16xi32>, vector<16xi32>], vector<16xf32>,
          %mul3A_517 = arith.mulf %mul3A_477, %gather3A_516 : vector<16xf32>
          %add3A_518 = arith.addf %add3A_462, %mul3A_517 : vector<16xf32>
          %gather3A_519 = tpu.vector_load_idx %arg10[%add3A_479, %add3A_137] : memref<1024x32xf32, #tpu.memory_space<vmem>>[vector<16xi32>, vector<16xi32>], vector<16xf32>,
          %mul3A_520 = arith.mulf %mul3A_477, %gather3A_519 : vector<16xf32>
          %add3A_521 = arith.addf %add3A_465, %mul3A_520 : vector<16xf32>
          %gather3A_522 = tpu.vector_load_idx %arg10[%add3A_479, %add3A_140] : memref<1024x32xf32, #tpu.memory_space<vmem>>[vector<16xi32>, vector<16xi32>], vector<16xf32>,
          %mul3A_523 = arith.mulf %mul3A_477, %gather3A_522 : vector<16xf32>
          %add3A_524 = arith.addf %add3A_468, %mul3A_523 : vector<16xf32>
          %gather3A_525 = tpu.vector_load_idx %arg10[%add3A_479, %add3A_143] : memref<1024x32xf32, #tpu.memory_space<vmem>>[vector<16xi32>, vector<16xi32>], vector<16xf32>,
          %mul3A_526 = arith.mulf %mul3A_477, %gather3A_525 : vector<16xf32>
          %add3A_527 = arith.addf %add3A_471, %mul3A_526 : vector<16xf32>
          scf.yield %add3A_482, %add3A_485, %add3A_488, %add3A_491, %add3A_494, %add3A_497, %add3A_500, %add3A_503, %add3A_506, %add3A_509, %add3A_512, %add3A_515, %add3A_518, %add3A_521, %add3A_524, %add3A_527 : vector<16xf32>, vector<16xf32>, vector<16xf32>, vector<16xf32>, vector<16xf32>, vector<16xf32>, vector<16xf32>, vector<16xf32>, vector<16xf32>, vector<16xf32>, vector<16xf32>, vector<16xf32>, vector<16xf32>, vector<16xf32>, vector<16xf32>, vector<16xf32>
        }
        %scan3A_385 = arith.constant 32 : i32
        tpu.vector_store_idx %arg16[%add3A_351, %and3A_5], %scan3A_384#0 : memref<32x16xf32, #tpu.memory_space<vmem>>[vector<16xi32>, vector<16xi32>], vector<16xf32>,
        tpu.vector_store_idx %arg16[%add3A_351, %and3A_11], %scan3A_384#1 : memref<32x16xf32, #tpu.memory_space<vmem>>[vector<16xi32>, vector<16xi32>], vector<16xf32>,
        tpu.vector_store_idx %arg16[%add3A_351, %and3A_17], %scan3A_384#2 : memref<32x16xf32, #tpu.memory_space<vmem>>[vector<16xi32>, vector<16xi32>], vector<16xf32>,
        tpu.vector_store_idx %arg16[%add3A_351, %and3A_23], %scan3A_384#3 : memref<32x16xf32, #tpu.memory_space<vmem>>[vector<16xi32>, vector<16xi32>], vector<16xf32>,
        tpu.vector_store_idx %arg16[%add3A_351, %and3A_29], %scan3A_384#4 : memref<32x16xf32, #tpu.memory_space<vmem>>[vector<16xi32>, vector<16xi32>], vector<16xf32>,
        tpu.vector_store_idx %arg16[%add3A_351, %and3A_35], %scan3A_384#5 : memref<32x16xf32, #tpu.memory_space<vmem>>[vector<16xi32>, vector<16xi32>], vector<16xf32>,
        tpu.vector_store_idx %arg16[%add3A_351, %and3A_41], %scan3A_384#6 : memref<32x16xf32, #tpu.memory_space<vmem>>[vector<16xi32>, vector<16xi32>], vector<16xf32>,
        tpu.vector_store_idx %arg16[%add3A_351, %and3A_47], %scan3A_384#7 : memref<32x16xf32, #tpu.memory_space<vmem>>[vector<16xi32>, vector<16xi32>], vector<16xf32>,
        tpu.vector_store_idx %arg16[%add3A_351, %and3A_53], %scan3A_384#8 : memref<32x16xf32, #tpu.memory_space<vmem>>[vector<16xi32>, vector<16xi32>], vector<16xf32>,
        tpu.vector_store_idx %arg16[%add3A_351, %and3A_59], %scan3A_384#9 : memref<32x16xf32, #tpu.memory_space<vmem>>[vector<16xi32>, vector<16xi32>], vector<16xf32>,
        tpu.vector_store_idx %arg16[%add3A_351, %and3A_65], %scan3A_384#10 : memref<32x16xf32, #tpu.memory_space<vmem>>[vector<16xi32>, vector<16xi32>], vector<16xf32>,
        tpu.vector_store_idx %arg16[%add3A_351, %and3A_71], %scan3A_384#11 : memref<32x16xf32, #tpu.memory_space<vmem>>[vector<16xi32>, vector<16xi32>], vector<16xf32>,
        tpu.vector_store_idx %arg16[%add3A_351, %and3A_77], %scan3A_384#12 : memref<32x16xf32, #tpu.memory_space<vmem>>[vector<16xi32>, vector<16xi32>], vector<16xf32>,
        tpu.vector_store_idx %arg16[%add3A_351, %and3A_83], %scan3A_384#13 : memref<32x16xf32, #tpu.memory_space<vmem>>[vector<16xi32>, vector<16xi32>], vector<16xf32>,
        tpu.vector_store_idx %arg16[%add3A_351, %and3A_89], %scan3A_384#14 : memref<32x16xf32, #tpu.memory_space<vmem>>[vector<16xi32>, vector<16xi32>], vector<16xf32>,
        tpu.vector_store_idx %arg16[%add3A_351, %and3A_95], %scan3A_384#15 : memref<32x16xf32, #tpu.memory_space<vmem>>[vector<16xi32>, vector<16xi32>], vector<16xf32>,
        %scan3A_386 = arith.constant 0 : i32
        %scan3A_387 = arith.constant 0 : i32
        %scan3A_388 = arith.constant 32 : i32
        %scan3A_389 = arith.addi %scan3A_387, %scan3A_388 : i32
        %scan3A_390 = arith.constant 4 : i32
        scf.for %scan3A_402 = %scan3A_387 to %scan3A_389 step %scan3A_390  : i32 {
          %add3A_403 = vector.broadcast %scan3A_402 : i32 to vector<16xi32>
          %add3A_404 = arith.addi %add3A_403, %iota3A : vector<16xi32>
          %and3A_405 = arith.constant 31 : i32
          %and3A_406 = vector.broadcast %and3A_405 : i32 to vector<16xi32>
          %and3A_407 = arith.andi %add3A_404, %and3A_406 : vector<16xi32>
          %gather3A_408 = tpu.vector_load_idx %arg17[%and3A_407, %iota3A] : memref<32x16xf32, #tpu.memory_space<vmem>>[vector<16xi32>, vector<16xi32>], vector<16xf32>,
          %mul3A_409 = arith.mulf %gather3A_408, %div3A_379 : vector<16xf32>
          tpu.vector_store_idx %arg14[%add3A_351, %and3A_407], %mul3A_409 : memref<32x32xf32, #tpu.memory_space<vmem>>[vector<16xi32>, vector<16xi32>], vector<16xf32>,
          %scan3A_410 = arith.constant 1 : i32
          %scan3A_411 = arith.addi %scan3A_402, %scan3A_410 : i32
          %add3A_412 = vector.broadcast %scan3A_411 : i32 to vector<16xi32>
          %add3A_413 = arith.addi %add3A_412, %iota3A : vector<16xi32>
          %and3A_414 = arith.constant 31 : i32
          %and3A_415 = vector.broadcast %and3A_414 : i32 to vector<16xi32>
          %and3A_416 = arith.andi %add3A_413, %and3A_415 : vector<16xi32>
          %gather3A_417 = tpu.vector_load_idx %arg17[%and3A_416, %iota3A] : memref<32x16xf32, #tpu.memory_space<vmem>>[vector<16xi32>, vector<16xi32>], vector<16xf32>,
          %mul3A_418 = arith.mulf %gather3A_417, %div3A_379 : vector<16xf32>
          tpu.vector_store_idx %arg14[%add3A_351, %and3A_416], %mul3A_418 : memref<32x32xf32, #tpu.memory_space<vmem>>[vector<16xi32>, vector<16xi32>], vector<16xf32>,
          %scan3A_419 = arith.constant 2 : i32
          %scan3A_420 = arith.addi %scan3A_402, %scan3A_419 : i32
          %add3A_421 = vector.broadcast %scan3A_420 : i32 to vector<16xi32>
          %add3A_422 = arith.addi %add3A_421, %iota3A : vector<16xi32>
          %and3A_423 = arith.constant 31 : i32
          %and3A_424 = vector.broadcast %and3A_423 : i32 to vector<16xi32>
          %and3A_425 = arith.andi %add3A_422, %and3A_424 : vector<16xi32>
          %gather3A_426 = tpu.vector_load_idx %arg17[%and3A_425, %iota3A] : memref<32x16xf32, #tpu.memory_space<vmem>>[vector<16xi32>, vector<16xi32>], vector<16xf32>,
          %mul3A_427 = arith.mulf %gather3A_426, %div3A_379 : vector<16xf32>
          tpu.vector_store_idx %arg14[%add3A_351, %and3A_425], %mul3A_427 : memref<32x32xf32, #tpu.memory_space<vmem>>[vector<16xi32>, vector<16xi32>], vector<16xf32>,
          %scan3A_428 = arith.constant 3 : i32
          %scan3A_429 = arith.addi %scan3A_402, %scan3A_428 : i32
          %add3A_430 = vector.broadcast %scan3A_429 : i32 to vector<16xi32>
          %add3A_431 = arith.addi %add3A_430, %iota3A : vector<16xi32>
          %and3A_432 = arith.constant 31 : i32
          %and3A_433 = vector.broadcast %and3A_432 : i32 to vector<16xi32>
          %and3A_434 = arith.andi %add3A_431, %and3A_433 : vector<16xi32>
          %gather3A_435 = tpu.vector_load_idx %arg17[%and3A_434, %iota3A] : memref<32x16xf32, #tpu.memory_space<vmem>>[vector<16xi32>, vector<16xi32>], vector<16xf32>,
          %mul3A_436 = arith.mulf %gather3A_435, %div3A_379 : vector<16xf32>
          tpu.vector_store_idx %arg14[%add3A_351, %and3A_434], %mul3A_436 : memref<32x32xf32, #tpu.memory_space<vmem>>[vector<16xi32>, vector<16xi32>], vector<16xf32>,
        }
        %scan3A_391 = arith.constant 32 : i32
        %mul3A_392 = arith.constant 32 : i32
        %mul3A_393 = arith.muli %add3A_272, %mul3A_392 : i32
        %dma_start3A_394 = arith.constant 0 : i32
        %dma_start3A_395 = tpu.memref_slice %arg5[%mul3A_393, %dma_start3A_394] : memref<40000x32xf32, #tpu.memory_space<hbm>> -> memref<32x32xf32, #tpu.memory_space<hbm>>
        %dma_start3A_396 = arith.constant 0 : i32
        %dma_start3A_397 = tpu.memref_slice %arg5[%mul3A_393, %dma_start3A_396] : memref<40000x32xf32, #tpu.memory_space<hbm>> -> memref<32x32xf32, #tpu.memory_space<hbm>>
        tpu.enqueue_dma source(%arg14 : memref<32x32xf32, #tpu.memory_space<vmem>>) target(%dma_start3A_397 : memref<32x32xf32, #tpu.memory_space<hbm>>) target_semaphore(%arg22 : memref<!tpu.dma_semaphore, #tpu.memory_space<semaphore_mem>>)
        %dma_start3A_398 = arith.constant 0 : i32
        %dma_start3A_399 = tpu.memref_slice %arg6[%mul3A_393, %dma_start3A_398] : memref<40000x16xf32, #tpu.memory_space<hbm>> -> memref<32x16xf32, #tpu.memory_space<hbm>>
        %dma_start3A_400 = arith.constant 0 : i32
        %dma_start3A_401 = tpu.memref_slice %arg6[%mul3A_393, %dma_start3A_400] : memref<40000x16xf32, #tpu.memory_space<hbm>> -> memref<32x16xf32, #tpu.memory_space<hbm>>
        tpu.enqueue_dma source(%arg16 : memref<32x16xf32, #tpu.memory_space<vmem>>) target(%dma_start3A_401 : memref<32x16xf32, #tpu.memory_space<hbm>>) target_semaphore(%arg22 : memref<!tpu.dma_semaphore, #tpu.memory_space<semaphore_mem>>)
      } else {
      }
      %add3A_297 = arith.constant 2 : i32
      %add3A_298 = arith.addi %add3A_269, %add3A_297 : i32
      %mul3A_299 = arith.constant 32 : i32
      %mul3A_300 = arith.muli %add3A_298, %mul3A_299 : i32
      %add3A_301 = arith.addi %mul3A_300, %add3A : i32
      %lt3A_302 = arith.constant 1250 : i32
      %lt3A_303 = arith.cmpi slt, %add3A_301, %lt3A_302 : i32
      %convert_element_type3A_304 = arith.extui %lt3A_303 : i1 to i32
      %cond3A_305 = arith.constant 0 : i32
      %cond3A_306 = arith.cmpi ne, %convert_element_type3A_304, %cond3A_305 : i32
      scf.if %cond3A_306 {
        %add3A_307 = arith.constant 2 : i32
        %add3A_308 = arith.addi %add3A_269, %add3A_307 : i32
        %mul3A_309 = arith.constant 32 : i32
        %mul3A_310 = arith.muli %add3A_308, %mul3A_309 : i32
        %add3A_311 = arith.addi %mul3A_310, %add3A : i32
        %dma_start3A_312 = arith.constant 0 : i32
        %dma_start3A_313 = arith.constant 0 : i32
        %dma_start3A_314 = tpu.memref_slice %arg2[%add3A_311, %dma_start3A_312, %dma_start3A_313] : memref<1250x1x1024xi32, #tpu.memory_space<hbm>> -> memref<1x1x1024xi32, #tpu.memory_space<hbm>>
        %dma_start3A_315 = tpu.memref_squeeze %dma_start3A_314 : memref<1x1x1024xi32, #tpu.memory_space<hbm>> -> memref<1x1024xi32, #tpu.memory_space<hbm>>
        %dma_start3A_316 = arith.constant 0 : i32
        %dma_start3A_317 = arith.constant 0 : i32
        %dma_start3A_318 = tpu.memref_slice %arg2[%add3A_311, %dma_start3A_316, %dma_start3A_317] : memref<1250x1x1024xi32, #tpu.memory_space<hbm>> -> memref<1x1x1024xi32, #tpu.memory_space<hbm>>
        %dma_start3A_319 = tpu.memref_squeeze %dma_start3A_318 : memref<1x1x1024xi32, #tpu.memory_space<hbm>> -> memref<1x1024xi32, #tpu.memory_space<hbm>>
        tpu.enqueue_dma source(%dma_start3A_319 : memref<1x1024xi32, #tpu.memory_space<hbm>>) target(%arg8 : memref<1x1024xi32, #tpu.memory_space<vmem>>) target_semaphore(%arg20 : memref<!tpu.dma_semaphore, #tpu.memory_space<semaphore_mem>>)
        %mul3A_320 = arith.constant 32 : i32
        %mul3A_321 = arith.muli %add3A_311, %mul3A_320 : i32
        %dma_start3A_322 = arith.constant 0 : i32
        %dma_start3A_323 = tpu.memref_slice %arg3[%mul3A_321, %dma_start3A_322] : memref<40000x16xf32, #tpu.memory_space<hbm>> -> memref<32x16xf32, #tpu.memory_space<hbm>>
        %dma_start3A_324 = arith.constant 0 : i32
        %dma_start3A_325 = tpu.memref_slice %arg3[%mul3A_321, %dma_start3A_324] : memref<40000x16xf32, #tpu.memory_space<hbm>> -> memref<32x16xf32, #tpu.memory_space<hbm>>
        tpu.enqueue_dma source(%dma_start3A_325 : memref<32x16xf32, #tpu.memory_space<hbm>>) target(%arg12 : memref<32x16xf32, #tpu.memory_space<vmem>>) target_semaphore(%arg20 : memref<!tpu.dma_semaphore, #tpu.memory_space<semaphore_mem>>)
      } else {
      }
    }
    %scan3A_203 = arith.constant 20 : i32
    %dma_wait3A_204 = arith.constant 0 : i32
    %dma_wait3A_205 = arith.constant 0 : i32
    %dma_wait3A_206 = tpu.memref_slice %arg5[%dma_wait3A_204, %dma_wait3A_205] : memref<40000x32xf32, #tpu.memory_space<hbm>> -> memref<32x32xf32, #tpu.memory_space<hbm>>
    %dma_wait3A_207 = arith.constant 0 : i32
    %dma_wait3A_208 = arith.constant 0 : i32
    %dma_wait3A_209 = tpu.memref_slice %arg5[%dma_wait3A_207, %dma_wait3A_208] : memref<40000x32xf32, #tpu.memory_space<hbm>> -> memref<32x32xf32, #tpu.memory_space<hbm>>
    tpu.wait_dma2 semaphore(%arg21 : memref<!tpu.dma_semaphore, #tpu.memory_space<semaphore_mem>>) src(%arg13 : memref<32x32xf32, #tpu.memory_space<vmem>>) dst(%dma_wait3A_209 : memref<32x32xf32, #tpu.memory_space<hbm>>)
    %dma_wait3A_210 = arith.constant 0 : i32
    %dma_wait3A_211 = arith.constant 0 : i32
    %dma_wait3A_212 = tpu.memref_slice %arg6[%dma_wait3A_210, %dma_wait3A_211] : memref<40000x16xf32, #tpu.memory_space<hbm>> -> memref<32x16xf32, #tpu.memory_space<hbm>>
    %dma_wait3A_213 = arith.constant 0 : i32
    %dma_wait3A_214 = arith.constant 0 : i32
    %dma_wait3A_215 = tpu.memref_slice %arg6[%dma_wait3A_213, %dma_wait3A_214] : memref<40000x16xf32, #tpu.memory_space<hbm>> -> memref<32x16xf32, #tpu.memory_space<hbm>>
    tpu.wait_dma2 semaphore(%arg21 : memref<!tpu.dma_semaphore, #tpu.memory_space<semaphore_mem>>) src(%arg15 : memref<32x16xf32, #tpu.memory_space<vmem>>) dst(%dma_wait3A_215 : memref<32x16xf32, #tpu.memory_space<hbm>>)
    %dma_wait3A_216 = arith.constant 0 : i32
    %dma_wait3A_217 = arith.constant 0 : i32
    %dma_wait3A_218 = tpu.memref_slice %arg5[%dma_wait3A_216, %dma_wait3A_217] : memref<40000x32xf32, #tpu.memory_space<hbm>> -> memref<32x32xf32, #tpu.memory_space<hbm>>
    %dma_wait3A_219 = arith.constant 0 : i32
    %dma_wait3A_220 = arith.constant 0 : i32
    %dma_wait3A_221 = tpu.memref_slice %arg5[%dma_wait3A_219, %dma_wait3A_220] : memref<40000x32xf32, #tpu.memory_space<hbm>> -> memref<32x32xf32, #tpu.memory_space<hbm>>
    tpu.wait_dma2 semaphore(%arg22 : memref<!tpu.dma_semaphore, #tpu.memory_space<semaphore_mem>>) src(%arg14 : memref<32x32xf32, #tpu.memory_space<vmem>>) dst(%dma_wait3A_221 : memref<32x32xf32, #tpu.memory_space<hbm>>)
    %dma_wait3A_222 = arith.constant 0 : i32
    %dma_wait3A_223 = arith.constant 0 : i32
    %dma_wait3A_224 = tpu.memref_slice %arg6[%dma_wait3A_222, %dma_wait3A_223] : memref<40000x16xf32, #tpu.memory_space<hbm>> -> memref<32x16xf32, #tpu.memory_space<hbm>>
    %dma_wait3A_225 = arith.constant 0 : i32
    %dma_wait3A_226 = arith.constant 0 : i32
    %dma_wait3A_227 = tpu.memref_slice %arg6[%dma_wait3A_225, %dma_wait3A_226] : memref<40000x16xf32, #tpu.memory_space<hbm>> -> memref<32x16xf32, #tpu.memory_space<hbm>>
    tpu.wait_dma2 semaphore(%arg22 : memref<!tpu.dma_semaphore, #tpu.memory_space<semaphore_mem>>) src(%arg16 : memref<32x16xf32, #tpu.memory_space<vmem>>) dst(%dma_wait3A_227 : memref<32x16xf32, #tpu.memory_space<hbm>>)
    return
  }
}

module attributes {stable_mosaic.version = 14 : i64} {
  func.func @_encode_body(%arg0: i32, %arg1: memref<2000x128xf32, #tpu.memory_space<vmem>>, %arg2: memref<2000x32xi32, #tpu.memory_space<vmem>>, %arg3: memref<128x32xf32, #tpu.memory_space<vmem>>, %arg4: memref<1x32xf32, #tpu.memory_space<vmem>>, %arg5: memref<32x32xf32, #tpu.memory_space<vmem>>, %arg6: memref<1x32xf32, #tpu.memory_space<vmem>>, %arg7: memref<32x16xf32, #tpu.memory_space<vmem>>, %arg8: memref<1x16xf32, #tpu.memory_space<vmem>>, %arg9: memref<32x32xf32, #tpu.memory_space<vmem>>, %arg10: memref<1x32xf32, #tpu.memory_space<vmem>>, %arg11: memref<2000x16xf32, #tpu.memory_space<vmem>>, %arg12: memref<2000x32xf32, #tpu.memory_space<vmem>>, %arg13: memref<2000x32xi32, #tpu.memory_space<vmem>>) attributes {dimension_semantics = [#tpu.dimension_semantics<arbitrary>], iteration_bounds = array<i64: 20>, scalar_prefetch = 0 : i64, scratch_operands = 0 : i64, tpu.core_type = #tpu.core_type<tc>, window_params = [{transform_indices = @transform_0, window_bounds = array<i64: 2000, 128>}, {transform_indices = @transform_1, window_bounds = array<i64: 2000, 32>}, {pipeline_mode = #tpu.pipeline_mode<synchronous>, transform_indices = @transform_2, window_bounds = array<i64: 128, 32>}, {pipeline_mode = #tpu.pipeline_mode<synchronous>, transform_indices = @transform_3, window_bounds = array<i64: 1, 32>}, {pipeline_mode = #tpu.pipeline_mode<synchronous>, transform_indices = @transform_4, window_bounds = array<i64: 32, 32>}, {pipeline_mode = #tpu.pipeline_mode<synchronous>, transform_indices = @transform_5, window_bounds = array<i64: 1, 32>}, {pipeline_mode = #tpu.pipeline_mode<synchronous>, transform_indices = @transform_6, window_bounds = array<i64: 32, 16>}, {pipeline_mode = #tpu.pipeline_mode<synchronous>, transform_indices = @transform_7, window_bounds = array<i64: 1, 16>}, {pipeline_mode = #tpu.pipeline_mode<synchronous>, transform_indices = @transform_8, window_bounds = array<i64: 32, 32>}, {pipeline_mode = #tpu.pipeline_mode<synchronous>, transform_indices = @transform_9, window_bounds = array<i64: 1, 32>}, {transform_indices = @transform_10, window_bounds = array<i64: 2000, 16>}, {transform_indices = @transform_11, window_bounds = array<i64: 2000, 32>}, {transform_indices = @transform_12, window_bounds = array<i64: 2000, 32>}]} {
    %get3A = arith.constant 0 : index
    %get3A_0 = arith.constant 0 : index
    %get3A_1 = vector.load %arg1[%get3A, %get3A_0] : memref<2000x128xf32, #tpu.memory_space<vmem>>, vector<2000x128xf32>
    %get3A_2 = arith.constant 0 : index
    %get3A_3 = arith.constant 0 : index
    %get3A_4 = vector.load %arg3[%get3A_2, %get3A_3] : memref<128x32xf32, #tpu.memory_space<vmem>>, vector<128x32xf32>
    %dot_general3A = arith.constant dense<0.000000e+00> : vector<2000x32xf32>
    %dot_general3A_5 = tpu.matmul %get3A_1, %get3A_4, %dot_general3A {dimension_numbers = #tpu.dot_dimension_numbers<[1], [0], [0], [1], [0, 0, 1, 1], [], []>, transpose_lhs_hint = false} : vector<2000x128xf32>, vector<128x32xf32>, vector<2000x32xf32> -> vector<2000x32xf32>
    %get3A_6 = arith.constant 0 : index
    %get3A_7 = arith.constant 0 : index
    %get3A_8 = vector.load %arg4[%get3A_6, %get3A_7] : memref<1x32xf32, #tpu.memory_space<vmem>>, vector<1x32xf32>
    %add3A = vector.broadcast %get3A_8 : vector<1x32xf32> to vector<2000x32xf32>
    %add3A_9 = arith.addf %dot_general3A_5, %add3A : vector<2000x32xf32>
    %max3A = arith.constant 0.000000e+00 : f32
    %max3A_10 = vector.broadcast %max3A : f32 to vector<2000x32xf32>
    %max3A_11 = arith.maximumf %add3A_9, %max3A_10 : vector<2000x32xf32>
    %get3A_12 = arith.constant 0 : index
    %get3A_13 = arith.constant 0 : index
    %get3A_14 = vector.load %arg5[%get3A_12, %get3A_13] : memref<32x32xf32, #tpu.memory_space<vmem>>, vector<32x32xf32>
    %dot_general3A_15 = arith.constant dense<0.000000e+00> : vector<2000x32xf32>
    %dot_general3A_16 = tpu.matmul %max3A_11, %get3A_14, %dot_general3A_15 {dimension_numbers = #tpu.dot_dimension_numbers<[1], [0], [0], [1], [0, 0, 1, 1], [], []>, transpose_lhs_hint = false} : vector<2000x32xf32>, vector<32x32xf32>, vector<2000x32xf32> -> vector<2000x32xf32>
    %get3A_17 = arith.constant 0 : index
    %get3A_18 = arith.constant 0 : index
    %get3A_19 = vector.load %arg6[%get3A_17, %get3A_18] : memref<1x32xf32, #tpu.memory_space<vmem>>, vector<1x32xf32>
    %add3A_20 = vector.broadcast %get3A_19 : vector<1x32xf32> to vector<2000x32xf32>
    %add3A_21 = arith.addf %dot_general3A_16, %add3A_20 : vector<2000x32xf32>
    %max3A_22 = arith.constant 0.000000e+00 : f32
    %max3A_23 = vector.broadcast %max3A_22 : f32 to vector<2000x32xf32>
    %max3A_24 = arith.maximumf %add3A_21, %max3A_23 : vector<2000x32xf32>
    %get3A_25 = arith.constant 0 : index
    %get3A_26 = arith.constant 0 : index
    %get3A_27 = vector.load %arg7[%get3A_25, %get3A_26] : memref<32x16xf32, #tpu.memory_space<vmem>>, vector<32x16xf32>
    %dot_general3A_28 = arith.constant dense<0.000000e+00> : vector<2000x16xf32>
    %dot_general3A_29 = tpu.matmul %max3A_24, %get3A_27, %dot_general3A_28 {dimension_numbers = #tpu.dot_dimension_numbers<[1], [0], [0], [1], [0, 0, 1, 1], [], []>, transpose_lhs_hint = false} : vector<2000x32xf32>, vector<32x16xf32>, vector<2000x16xf32> -> vector<2000x16xf32>
    %get3A_30 = arith.constant 0 : index
    %get3A_31 = arith.constant 0 : index
    %get3A_32 = vector.load %arg8[%get3A_30, %get3A_31] : memref<1x16xf32, #tpu.memory_space<vmem>>, vector<1x16xf32>
    %add3A_33 = vector.broadcast %get3A_32 : vector<1x16xf32> to vector<2000x16xf32>
    %add3A_34 = arith.addf %dot_general3A_29, %add3A_33 : vector<2000x16xf32>
    %swap3A = arith.constant 0 : index
    %swap3A_35 = arith.constant 0 : index
    %swap3A_36 = vector.load %arg11[%swap3A, %swap3A_35] : memref<2000x16xf32, #tpu.memory_space<vmem>>, vector<2000x16xf32>
    tpu.vector_store %arg11[%swap3A, %swap3A_35], %add3A_34 {strides = array<i32>} : memref<2000x16xf32, #tpu.memory_space<vmem>>, vector<2000x16xf32>,
    %get3A_37 = arith.constant 0 : index
    %get3A_38 = arith.constant 0 : index
    %get3A_39 = vector.load %arg9[%get3A_37, %get3A_38] : memref<32x32xf32, #tpu.memory_space<vmem>>, vector<32x32xf32>
    %dot_general3A_40 = arith.constant dense<0.000000e+00> : vector<2000x32xf32>
    %dot_general3A_41 = tpu.matmul %max3A_24, %get3A_39, %dot_general3A_40 {dimension_numbers = #tpu.dot_dimension_numbers<[1], [0], [0], [1], [0, 0, 1, 1], [], []>, transpose_lhs_hint = false} : vector<2000x32xf32>, vector<32x32xf32>, vector<2000x32xf32> -> vector<2000x32xf32>
    %get3A_42 = arith.constant 0 : index
    %get3A_43 = arith.constant 0 : index
    %get3A_44 = vector.load %arg10[%get3A_42, %get3A_43] : memref<1x32xf32, #tpu.memory_space<vmem>>, vector<1x32xf32>
    %add3A_45 = vector.broadcast %get3A_44 : vector<1x32xf32> to vector<2000x32xf32>
    %add3A_46 = arith.addf %dot_general3A_41, %add3A_45 : vector<2000x32xf32>
    %swap3A_47 = arith.constant 0 : index
    %swap3A_48 = arith.constant 0 : index
    %swap3A_49 = vector.load %arg12[%swap3A_47, %swap3A_48] : memref<2000x32xf32, #tpu.memory_space<vmem>>, vector<2000x32xf32>
    tpu.vector_store %arg12[%swap3A_47, %swap3A_48], %add3A_46 {strides = array<i32>} : memref<2000x32xf32, #tpu.memory_space<vmem>>, vector<2000x32xf32>,
    %jit3A = arith.constant 5 : i32
    %div3A = arith.divsi %arg0, %jit3A : i32
    %sign3A = arith.constant 0 : i32
    %sign3A_50 = arith.cmpi sgt, %arg0, %sign3A : i32
    %sign3A_51 = arith.extui %sign3A_50 : i1 to i32
    %sign3A_52 = arith.constant 0 : i32
    %sign3A_53 = arith.cmpi slt, %arg0, %sign3A_52 : i32
    %sign3A_54 = arith.extui %sign3A_53 : i1 to i32
    %sign3A_55 = arith.subi %sign3A_51, %sign3A_54 : i32
    %sign3A_56 = arith.constant 0 : i32
    %sign3A_57 = arith.cmpi sgt, %jit3A, %sign3A_56 : i32
    %sign3A_58 = arith.extui %sign3A_57 : i1 to i32
    %sign3A_59 = arith.constant 0 : i32
    %sign3A_60 = arith.cmpi slt, %jit3A, %sign3A_59 : i32
    %sign3A_61 = arith.extui %sign3A_60 : i1 to i32
    %sign3A_62 = arith.subi %sign3A_58, %sign3A_61 : i32
    %ne3A = arith.cmpi ne, %sign3A_55, %sign3A_62 : i32
    %rem3A = arith.remsi %arg0, %jit3A : i32
    %ne3A_63 = arith.constant 0 : i32
    %ne3A_64 = arith.cmpi ne, %rem3A, %ne3A_63 : i32
    %and3A = arith.andi %ne3A, %ne3A_64 : i1
    %sub3A = arith.constant 1 : i32
    %sub3A_65 = arith.subi %div3A, %sub3A : i32
    %select_n3A = arith.select %and3A, %sub3A_65, %div3A : i32
    %get3A_66 = arith.constant 0 : index
    %get3A_67 = arith.constant 0 : index
    %get3A_68 = vector.load %arg2[%get3A_66, %get3A_67] : memref<2000x32xi32, #tpu.memory_space<vmem>>, vector<2000x32xi32>
    %mul3A = arith.constant 10000 : i32
    %mul3A_69 = arith.muli %select_n3A, %mul3A : i32
    %add3A_70 = vector.broadcast %mul3A_69 : i32 to vector<2000x32xi32>
    %add3A_71 = arith.addi %get3A_68, %add3A_70 : vector<2000x32xi32>
    %swap3A_72 = arith.constant 0 : index
    %swap3A_73 = arith.constant 0 : index
    %swap3A_74 = vector.load %arg13[%swap3A_72, %swap3A_73] : memref<2000x32xi32, #tpu.memory_space<vmem>>, vector<2000x32xi32>
    tpu.vector_store %arg13[%swap3A_72, %swap3A_73], %add3A_71 {strides = array<i32>} : memref<2000x32xi32, #tpu.memory_space<vmem>>, vector<2000x32xi32>,
    return
  }
  func.func @transform_0(%arg0: i32) -> (i32, i32) {
    %c0_i32 = arith.constant 0 : i32
    %c0_i32_0 = arith.constant 0 : i32
    return %arg0, %c0_i32 : i32, i32
  }
  func.func @transform_1(%arg0: i32) -> (i32, i32) {
    %c0_i32 = arith.constant 0 : i32
    %c0_i32_0 = arith.constant 0 : i32
    return %arg0, %c0_i32 : i32, i32
  }
  func.func @transform_2(%arg0: i32) -> (i32, i32) {
    %c0_i32 = arith.constant 0 : i32
    %c0_i32_0 = arith.constant 0 : i32
    %c0_i32_1 = arith.constant 0 : i32
    return %c0_i32, %c0_i32_0 : i32, i32
  }
  func.func @transform_3(%arg0: i32) -> (i32, i32) {
    %c0_i32 = arith.constant 0 : i32
    %c0_i32_0 = arith.constant 0 : i32
    %c0_i32_1 = arith.constant 0 : i32
    return %c0_i32, %c0_i32_0 : i32, i32
  }
  func.func @transform_4(%arg0: i32) -> (i32, i32) {
    %c0_i32 = arith.constant 0 : i32
    %c0_i32_0 = arith.constant 0 : i32
    %c0_i32_1 = arith.constant 0 : i32
    return %c0_i32, %c0_i32_0 : i32, i32
  }
  func.func @transform_5(%arg0: i32) -> (i32, i32) {
    %c0_i32 = arith.constant 0 : i32
    %c0_i32_0 = arith.constant 0 : i32
    %c0_i32_1 = arith.constant 0 : i32
    return %c0_i32, %c0_i32_0 : i32, i32
  }
  func.func @transform_6(%arg0: i32) -> (i32, i32) {
    %c0_i32 = arith.constant 0 : i32
    %c0_i32_0 = arith.constant 0 : i32
    %c0_i32_1 = arith.constant 0 : i32
    return %c0_i32, %c0_i32_0 : i32, i32
  }
  func.func @transform_7(%arg0: i32) -> (i32, i32) {
    %c0_i32 = arith.constant 0 : i32
    %c0_i32_0 = arith.constant 0 : i32
    %c0_i32_1 = arith.constant 0 : i32
    return %c0_i32, %c0_i32_0 : i32, i32
  }
  func.func @transform_8(%arg0: i32) -> (i32, i32) {
    %c0_i32 = arith.constant 0 : i32
    %c0_i32_0 = arith.constant 0 : i32
    %c0_i32_1 = arith.constant 0 : i32
    return %c0_i32, %c0_i32_0 : i32, i32
  }
  func.func @transform_9(%arg0: i32) -> (i32, i32) {
    %c0_i32 = arith.constant 0 : i32
    %c0_i32_0 = arith.constant 0 : i32
    %c0_i32_1 = arith.constant 0 : i32
    return %c0_i32, %c0_i32_0 : i32, i32
  }
  func.func @transform_10(%arg0: i32) -> (i32, i32) {
    %c0_i32 = arith.constant 0 : i32
    %c0_i32_0 = arith.constant 0 : i32
    return %arg0, %c0_i32 : i32, i32
  }
  func.func @transform_11(%arg0: i32) -> (i32, i32) {
    %c0_i32 = arith.constant 0 : i32
    %c0_i32_0 = arith.constant 0 : i32
    return %arg0, %c0_i32 : i32, i32
  }
  func.func @transform_12(%arg0: i32) -> (i32, i32) {
    %c0_i32 = arith.constant 0 : i32
    %c0_i32_0 = arith.constant 0 : i32
    return %arg0, %c0_i32 : i32, i32
  }
}

module attributes {stable_mosaic.version = 14 : i64} {
  func.func @_head_body(%arg0: i32, %arg1: memref<4000x16xf32, #tpu.memory_space<vmem>>, %arg2: memref<16x32xf32, #tpu.memory_space<vmem>>, %arg3: memref<1x32xf32, #tpu.memory_space<vmem>>, %arg4: memref<32x8xf32, #tpu.memory_space<vmem>>, %arg5: memref<1x8xf32, #tpu.memory_space<vmem>>, %arg6: memref<4000x8xf32, #tpu.memory_space<vmem>>) attributes {dimension_semantics = [#tpu.dimension_semantics<arbitrary>], iteration_bounds = array<i64: 10>, scalar_prefetch = 0 : i64, scratch_operands = 0 : i64, tpu.core_type = #tpu.core_type<tc>, window_params = [{transform_indices = @transform_0, window_bounds = array<i64: 4000, 16>}, {pipeline_mode = #tpu.pipeline_mode<synchronous>, transform_indices = @transform_1, window_bounds = array<i64: 16, 32>}, {pipeline_mode = #tpu.pipeline_mode<synchronous>, transform_indices = @transform_2, window_bounds = array<i64: 1, 32>}, {pipeline_mode = #tpu.pipeline_mode<synchronous>, transform_indices = @transform_3, window_bounds = array<i64: 32, 8>}, {pipeline_mode = #tpu.pipeline_mode<synchronous>, transform_indices = @transform_4, window_bounds = array<i64: 1, 8>}, {transform_indices = @transform_5, window_bounds = array<i64: 4000, 8>}]} {
    %get3A = arith.constant 0 : index
    %get3A_0 = arith.constant 0 : index
    %get3A_1 = vector.load %arg1[%get3A, %get3A_0] : memref<4000x16xf32, #tpu.memory_space<vmem>>, vector<4000x16xf32>
    %get3A_2 = arith.constant 0 : index
    %get3A_3 = arith.constant 0 : index
    %get3A_4 = vector.load %arg2[%get3A_2, %get3A_3] : memref<16x32xf32, #tpu.memory_space<vmem>>, vector<16x32xf32>
    %dot_general3A = arith.constant dense<0.000000e+00> : vector<4000x32xf32>
    %dot_general3A_5 = tpu.matmul %get3A_1, %get3A_4, %dot_general3A {dimension_numbers = #tpu.dot_dimension_numbers<[1], [0], [0], [1], [0, 0, 1, 1], [], []>, transpose_lhs_hint = false} : vector<4000x16xf32>, vector<16x32xf32>, vector<4000x32xf32> -> vector<4000x32xf32>
    %get3A_6 = arith.constant 0 : index
    %get3A_7 = arith.constant 0 : index
    %get3A_8 = vector.load %arg3[%get3A_6, %get3A_7] : memref<1x32xf32, #tpu.memory_space<vmem>>, vector<1x32xf32>
    %add3A = vector.broadcast %get3A_8 : vector<1x32xf32> to vector<4000x32xf32>
    %add3A_9 = arith.addf %dot_general3A_5, %add3A : vector<4000x32xf32>
    %max3A = arith.constant 0.000000e+00 : f32
    %max3A_10 = vector.broadcast %max3A : f32 to vector<4000x32xf32>
    %max3A_11 = arith.maximumf %add3A_9, %max3A_10 : vector<4000x32xf32>
    %get3A_12 = arith.constant 0 : index
    %get3A_13 = arith.constant 0 : index
    %get3A_14 = vector.load %arg4[%get3A_12, %get3A_13] : memref<32x8xf32, #tpu.memory_space<vmem>>, vector<32x8xf32>
    %dot_general3A_15 = arith.constant dense<0.000000e+00> : vector<4000x8xf32>
    %dot_general3A_16 = tpu.matmul %max3A_11, %get3A_14, %dot_general3A_15 {dimension_numbers = #tpu.dot_dimension_numbers<[1], [0], [0], [1], [0, 0, 1, 1], [], []>, transpose_lhs_hint = false} : vector<4000x32xf32>, vector<32x8xf32>, vector<4000x8xf32> -> vector<4000x8xf32>
    %get3A_17 = arith.constant 0 : index
    %get3A_18 = arith.constant 0 : index
    %get3A_19 = vector.load %arg5[%get3A_17, %get3A_18] : memref<1x8xf32, #tpu.memory_space<vmem>>, vector<1x8xf32>
    %add3A_20 = vector.broadcast %get3A_19 : vector<1x8xf32> to vector<4000x8xf32>
    %add3A_21 = arith.addf %dot_general3A_16, %add3A_20 : vector<4000x8xf32>
    %swap3A = arith.constant 0 : index
    %swap3A_22 = arith.constant 0 : index
    %swap3A_23 = vector.load %arg6[%swap3A, %swap3A_22] : memref<4000x8xf32, #tpu.memory_space<vmem>>, vector<4000x8xf32>
    tpu.vector_store %arg6[%swap3A, %swap3A_22], %add3A_21 {strides = array<i32>} : memref<4000x8xf32, #tpu.memory_space<vmem>>, vector<4000x8xf32>,
    return
  }
  func.func @transform_0(%arg0: i32) -> (i32, i32) {
    %c0_i32 = arith.constant 0 : i32
    %c0_i32_0 = arith.constant 0 : i32
    return %arg0, %c0_i32 : i32, i32
  }
  func.func @transform_1(%arg0: i32) -> (i32, i32) {
    %c0_i32 = arith.constant 0 : i32
    %c0_i32_0 = arith.constant 0 : i32
    %c0_i32_1 = arith.constant 0 : i32
    return %c0_i32, %c0_i32_0 : i32, i32
  }
  func.func @transform_2(%arg0: i32) -> (i32, i32) {
    %c0_i32 = arith.constant 0 : i32
    %c0_i32_0 = arith.constant 0 : i32
    %c0_i32_1 = arith.constant 0 : i32
    return %c0_i32, %c0_i32_0 : i32, i32
  }
  func.func @transform_3(%arg0: i32) -> (i32, i32) {
    %c0_i32 = arith.constant 0 : i32
    %c0_i32_0 = arith.constant 0 : i32
    %c0_i32_1 = arith.constant 0 : i32
    return %c0_i32, %c0_i32_0 : i32, i32
  }
  func.func @transform_4(%arg0: i32) -> (i32, i32) {
    %c0_i32 = arith.constant 0 : i32
    %c0_i32_0 = arith.constant 0 : i32
    %c0_i32_1 = arith.constant 0 : i32
    return %c0_i32, %c0_i32_0 : i32, i32
  }
  func.func @transform_5(%arg0: i32) -> (i32, i32) {
    %c0_i32 = arith.constant 0 : i32
    %c0_i32_0 = arith.constant 0 : i32
    return %arg0, %c0_i32 : i32, i32
  }
}

</mosaic_0001>

<sc_bundles>
// kernel: kernel.5.cloned.1.call-start
scs
__scs_entry_jumppad:
0x0: {  	(pc) =	sbr.rel $0x88, $3  }
0x1: {  	(tag) =	ssettag $0x0;
	lr =	simm.s32 $0x1  }
0x2: {  	[smem:$0x3F91] =	sst lr;
	_ =	strace $0xD0000000  }
0x3: {  	_ = 	snop  }
0x4: {  	_ = 	snop  }
0x5: {  	_ = 	snop  }
0x6: {  	_ = 	snop  }
0x7: {  	_ = 	snop  }
__scs_overlays_trampoline_lowered:
0x8: {  	[smem:$0x3FA0] =	sst s0  }
0x9: {  	[smem:$0x3FA1] =	sst s1  }
0xa: {  	[smem:$0x3FA2] =	sst s2  }
0xb: {  	[smem:$0x3FA3] =	sst s3  }
0xc: {  	[smem:$0x3FA4] =	sst s4  }
0xd: {  	[smem:$0x3FA5] =	sst s5  }
0xe: {  	[smem:$0x3FA6] =	sst s6  }
0xf: {  	[smem:$0x3FA7] =	sst s7  }
0x10: {  	[smem:$0x3FA8] =	sst s8  }
0x11: {  	[smem:$0x3FA9] =	sst s9;
	s0 =	simm.s32 @!p0 $0x0  }
0x12: {  	s1 =	sld [smem:$0x3F8F];
	s0 =	simm.s32 @p0 $0x1  }
0x13: {  	[smem:$0x3FAA] =	sst s0;
	s0 =	simm.s32 @!p1 $0x0  }
0x14: {  	s2 =	sld [smem:$0x3F8E];
	s0 =	simm.s32 @p1 $0x1  }
0x15: {  	[smem:$0x3FAB] =	sst s0;
	s0 =	simm.s32 @!p2 $0x0  }
0x16: {  	s3 =	sld [smem:$0x3FDB];
	s0 =	simm.s32 @p2 $0x1  }
0x17: {  	s4 =	simm.s32 $0x1BF5;
	[smem:$0x3FAD] =	sst s0  }
0x18: {  	s0 =	sld [smem:$0x3F90];
	_ =	swait.ge [sflag:s4], $0x0  }
0x19: {  	s7 =	sld [smem:$0x3F91]  }
0x1a: {  	s8 =	sadd.s32 $0xFFFFE003, lr  }
0x1b: {  	s9 =	sadd.s32 $0xFFFFFEF7, lr;
	s5 =	simm.s32 $0xFFFFFFFF;
	p2 =	slt.u32 s8, $0xFFFFF086  }
0x1c: {  	p1 =	slt.u32 s9, $0xF7A;
	s5 =	simm.s32 @!p2 $0x0  }
0x1d: {  	s5 =	simm.s32 @p1 $0x1;
	p0 =	seq.s32 s7, s2  }
0x1e: {  	s7 =	smul.u32 @!p0 $0xF7A, s2;
	p2 =	seq.s32 @!p0 s5, $0x0  }
0x1f: {  	s9 =	smul.u32 $0xF7A, s1;
	s8 =	simm.s32 @!p0 $0x1BF5;
	p2 =	por !p2, p0  }
0x20: {  	[sflag:s8] =	ssyncset.s32 @!p0 $0xFFFFF086;
	s6 =	sadd.s32 @!p0 s3, s7;
	s7 =	simm.s32 @!p0 $0x108  }
0x21: {  	s3 =	sadd.s32 s3, s9;
	s6 =	sadd.s32 @!p0 $0x88, s6;
	s7 =	simm.s32 @p2 $0x1082  }
0x22: {  	[simem:s7], [sflag:s8] =	dma.local @!p0 [hbm:s6], $0xF7A  }
0x23: {  	s9 =	sor.u32 $0xD0000000, s2;
	s6 =	simm.s32 $0x108;
	_ =	swait.ge @!p0 [sflag:s8], $0x0  }
0x24: {  	s3 =	sadd.s32 $0x88, s3;
	s6 =	simm.s32 @!p1 $0x1082;
	[sflag:s4] =	ssyncset.s32 $0xFFFFF086  }
0x25: {  	[simem:s6], [sflag:s4] =	dma.local [hbm:s3], $0xF7A  }
0x26: {  	[smem:$0x3F91] =	sst s1;
	(tag) =	ssettag s2;
	_ =	strace s9  }
0x27: {  	s1 =	sld [smem:$0x3FA1]  }
0x28: {  	s2 =	sld [smem:$0x3FA2]  }
0x29: {  	s4 =	sld [smem:$0x3FA4]  }
0x2a: {  	p0 =	seq.s32 s5, $0x0;
	s5 =	sld [smem:$0x3FA5]  }
0x2b: {  	s6 =	sld [smem:$0x3FA6]  }
0x2c: {  	s7 =	sld [smem:$0x3FA7]  }
0x2d: {  	s3 =	simm.s32 $0x108;
	s8 =	sld [smem:$0x3FA8]  }
0x2e: {  	s3 =	simm.s32 @!p0 $0x1082;
	s9 =	sld [smem:$0x3FA9]  }
0x2f: {  	lr =	sadd.s32 s0, s3;
	s0 =	sld [smem:$0x3FA0]  }
0x30: {  	s3 =	sld [smem:$0x3FA3]  }
0x31: {  	[smem:$0x3FAC] =	sst s10  }
0x32: {  	s10 =	sld [smem:$0x3FAA];
	_ =	sdelay $0x3  }
0x33: {  	p0 =	seq.s32 s10, $0x1;
	s10 =	sld [smem:$0x3FAC];
	_ =	sdelay $0x3  }
0x34: {  	[smem:$0x3FAC] =	sst s10  }
0x35: {  	s10 =	sld [smem:$0x3FAB];
	_ =	sdelay $0x3  }
0x36: {  	p1 =	seq.s32 s10, $0x1;
	s10 =	sld [smem:$0x3FAC];
	_ =	sdelay $0x3  }
0x37: {  	[smem:$0x3FAC] =	sst s10  }
0x38: {  	s10 =	sld [smem:$0x3FAD]  }
0x39: {  	_ = 	snop;
	(pc) =	sbr.ind lr, $3  }
0x3a: {  	_ = 	snop  }
0x3b: {  	_ = 	snop  }
0x3c: {  	p2 =	seq.s32 s10, $0x1;
	s10 =	sld [smem:$0x3FAC]  }
0x3d: {  	_ =	shalt  }
0x3e: {  	_ =	shalt  }
0x3f: {  	_ =	shalt  }
0x40: {  	_ =	shalt  }
0x41: {  	_ =	shalt  }
0x42: {  	_ =	shalt  }
0x43: {  	_ =	shalt  }
0x44: {  	_ =	shalt  }
0x45: {  	_ =	shalt  }
0x46: {  	_ =	shalt  }
0x47: {  	_ =	shalt  }
0x48: {  	_ =	shalt  }
0x49: {  	_ =	shalt  }
0x4a: {  	_ =	shalt  }
0x4b: {  	_ =	shalt  }
0x4c: {  	_ =	shalt  }
0x4d: {  	_ =	shalt  }
0x4e: {  	_ =	shalt  }
0x4f: {  	_ =	shalt  }
0x50: {  	_ =	shalt  }
0x51: {  	_ =	shalt  }
0x52: {  	_ =	shalt  }
0x53: {  	_ =	shalt  }
0x54: {  	_ =	shalt  }
0x55: {  	_ =	shalt  }
0x56: {  	_ =	shalt  }
0x57: {  	_ =	shalt  }
0x58: {  	_ =	shalt  }
0x59: {  	_ =	shalt  }
0x5a: {  	_ =	shalt  }
0x5b: {  	_ =	shalt  }
0x5c: {  	_ =	shalt  }
0x5d: {  	_ =	shalt  }
0x5e: {  	_ =	shalt  }
0x5f: {  	_ =	shalt  }
0x60: {  	_ =	shalt  }
0x61: {  	_ =	shalt  }
0x62: {  	_ =	shalt  }
0x63: {  	_ =	shalt  }
0x64: {  	_ =	shalt  }
0x65: {  	_ =	shalt  }
0x66: {  	_ =	shalt  }
0x67: {  	_ =	shalt  }
0x68: {  	_ =	shalt  }
0x69: {  	_ =	shalt  }
0x6a: {  	_ =	shalt  }
0x6b: {  	_ =	shalt  }
0x6c: {  	_ =	shalt  }
0x6d: {  	_ =	shalt  }
0x6e: {  	_ =	shalt  }
0x6f: {  	_ =	shalt  }
0x70: {  	_ =	shalt  }
0x71: {  	_ =	shalt  }
0x72: {  	_ =	shalt  }
0x73: {  	_ =	shalt  }
0x74: {  	_ =	shalt  }
0x75: {  	_ =	shalt  }
0x76: {  	_ =	shalt  }
0x77: {  	_ =	shalt  }
0x78: {  	_ =	shalt  }
0x79: {  	_ =	shalt  }
0x7a: {  	_ =	shalt  }
0x7b: {  	_ =	shalt  }
0x7c: {  	_ =	shalt  }
0x7d: {  	_ =	shalt  }
0x7e: {  	_ =	shalt  }
0x7f: {  	_ =	shalt  }
0x80: {  	_ =	shalt  }
0x81: {  	_ =	shalt  }
0x82: {  	_ =	shalt  }
0x83: {  	_ =	shalt  }
0x84: {  	_ =	shalt  }
0x85: {  	_ =	shalt  }
0x86: {  	_ =	shalt  }
0x87: {  	_ =	shalt  }
.Lfunc_end0:
.L_simem_size_0:
called_computation_lowered:
.L_overlay_start_0:
0x88: {  	s2 =	sld [smem:$0x3FD9]  }
0x89: {  	s3 =	sld [smem:$0x3FFE];
	_ =	sdelay $0x1  }
0x8a: {  	s1 =	srdreg.scid  }
0x8b: {  	s0 =	sand.u32 $0x1, s1  }
0x8c: {  	s14 =	sshll.u32 s0, $0xA;
	s2 =	sadd.s32 s3, s2  }
0x8d: {  	s2 =	sadd.s32 s2, s14  }
0x8e: {  	[smem:$0x3FB8] =	sst s2  }
0x8f: {  	_ = 	snop  }
0x90: {  	s2 =	sld [smem:$0x3FD0];
	_ =	sdelay $0x2  }
0x91: {  	s15 =	simm.s32 $0xA;
	s4 =	simm.s32 $0x10  }
0x92: {  	[smem:s4], [sflag:s15] =	dma.local [hbm:s2], $0x1  }
0x93: {  	_ =	swait.eq [sflag:s15], $0x1  }
0x94: {  	[sflag:s15] =	ssyncset.done $0x0  }
0x95: {  	[sflag:s15] =	ssyncadd.s32 $0xFFFFFFFF  }
0x96: {  	s16 =	sld [smem:$0x11];
	(tm) =	ssettm $0x1  }
0x97: {  	s17 =	sld [smem:$0x3FFB];
	_ =	sdelay $0x3  }
0x98: {  	_ =	strace s17  }
0x99: {  	s3 =	sld [smem:$0x3FFC];
	_ =	sdelay $0x3  }
0x9a: {  	_ =	strace s3  }
0x9b: {  	s3 =	sld [smem:$0x3FFD];
	_ =	sdelay $0x3  }
0x9c: {  	_ =	strace s3  }
0x9d: {  	_ =	strace $0x8FFFFFFF  }
0x9e: {  	s18 =	sld [smem:$0x3FDB];
	_ =	sdelay $0x1  }
0x9f: {  	s19 =	simm.s32 $_scs_section_size  }
0xa0: {  	s5 =	simm.s32 $_size__tile_overlayer_lowered;
	s6 =	simm.s32 $_tile_overlayer_lowered  }
0xa1: {  	s22 =	simm.s32 $0x1BFF;
	s21 =	sshll.u32 s6, $0x1;
	s3 =	sadd.s32 s19, s18  }
0xa2: {  	s7 =	simm.s32 $0x0;
	s20 =	sshll.u32 s5, $0x1;
	s5 =	sadd.s32 s21, s3  }
0xa3: {  	[timem:s7], [sflag:s22] =	dma.local [hbm:s5], s20  }
0xa4: {  	_ =	swait.ge [sflag:s22], s20  }
0xa5: {  	s4 =	ssub.s32 $0x0, s20;
	[sflag:s22] =	ssyncset.done $0x0  }
0xa6: {  	[sflag:s22] =	ssyncadd.s32 s4;
	_ =	sdelay $0x1  }
0xa7: {  	s23 =	simm.s32 $0x1B8B  }
0xa8: {  	_ =	swait.ge [sflag:s23], $0x1  }
0xa9: {  	[sflag:s23] =	ssyncset.done $0x0  }
0xaa: {  	s25 =	simm.s32 $0x1B8E;
	s24 =	sld [smem:$0x3FFE];
	[sflag:s23] =	ssyncadd.s32 $0xFFFFFFFF  }
0xab: {  	s26 =	simm.s32 $execute0_lowered;
	[smem:$0x3FD2] =	sst s25  }
0xac: {  	s5 =	sshll.u32 s26, $0x1;
	_ =	strace $0x80000046;
	[dreg:$0x1] =	wrdreg $0xFFFFFFFF  }
0xad: {  	s28 =	simm.s32 $_size_execute0_lowered;
	s3 =	sadd.s32 s3, s5;
	[dreg:$0x0] =	wrdreg $0x0  }
0xae: {  	s5 =	sshll.u32 s28, $0x1;
	[dreg:$0x2] =	wrdreg s3  }
0xaf: {  	[dreg:$0x3] =	wrdreg s5  }
0xb0: {  	[dreg:$0x4] =	wrdreg $0xC0  }
0xb1: {  	_ =	task [dreg:s7], $0x5FFFF  }
0xb2: {  	[dreg:$0x1] =	wrdreg $0xFFFFFFFF  }
0xb3: {  	[dreg:$0x0] =	wrdreg $0x60  }
0xb4: {  	[dreg:$0x2] =	wrdreg s16  }
0xb5: {  	[dreg:$0x3] =	wrdreg s24  }
0xb6: {  	[dreg:$0x4] =	wrdreg $0x9  }
0xb7: {  	_ =	task.clear_ibuf [dreg:s7], $0x5FFFF;
	_ =	strace $0x90000046  }
0xb8: {  	s29 =	simm.s32 $0x9;
	_ =	strace $0x80000048  }
0xb9: {  	_ =	swait.ge [sflag:s29], $0x1  }
0xba: {  	[sflag:s29] =	ssyncadd.s32 $0xFFFFFFFF  }
0xbb: {  	_ =	strace $0x90000048  }
0xbc: {  	_ =	sfence  }
0xbd: {  	s30 =	sld [smem:$0x0];
	_ =	sdelay $0x2  }
0xbe: {  	s31 =	sshll.u32 s1, $0xD;
	s1 =	sshrl.u32 s1, $0x2  }
0xbf: {  	s3 =	sand.u32 $0x4000, s31;
	s1 =	sadd.s32 s1, s30  }
0xc0: {  	s0 =	sor.u32 s3, s0;
	s1 =	sshll.u32 s1, $0x11  }
0xc1: {  	s0 =	sor.u32 s1, s0  }
0xc2: {  	s0 =	sadd.s32 $0x8F2B, s0  }
0xc3: {  	[sflag:s0] =	ssyncadd.remote.s32 $0x1  }
0xc4: {  	_ =	sfence.sel $0xFFFF  }
0xc5: {  	[dreg:$0x0] =	wrdreg $0xFFFFFFFF;
	(pc) =	sbr.abs _section_cstart, $3  }
0xc6: {  	[dreg:$0x1] =	wrdreg $0xFFFFFFFF  }
0xc7: {  	_ =	task.clear_ibuf [dreg:s7], $0x2FFFF;
	_ =	strace $0x9FFFFFFF  }
0xc8: {  	(tm) =	ssettm $0x7FFFFFFF  }
0xc9: {  	_ =	shalt  }
tec
execute0_lowered:
.L_overlay_start_1:
0x0: {  	(tag) =	ssettag $0x1  }
0x1: {  	v1 =	vimm.s32 $0xBCAB9A89  }
0x2: {  	v46 =	vlaneseq.u32;
	v2 =	vimm.s32 $0xF0EFDECD;
	v3 =	vimm.s32 $0x34231201  }
0x3: {  	v4 =	vimm.s32 $0x78675645;
	vm0 =	vcmask $0x1F10;
	v39 =	vimm.s32 $0xBDAC9B8A  }
0x4: {  	v5 =	vimm.s32 $0xF1E0DFCE;
	v41 =	vimm.s32 $0x35241302;
	v6 =	vimm.s32 $0x79685746  }
0x5: {  	v7 =	vimm.s32 $0xBEAD9C8B;
	v8 =	vimm.s32 $0xF2E1D0CF;
	v9 =	vimm.s32 $0x36251403  }
0x6: {  	v10 =	vimm.s32 $0x7A695847;
	v49 =	vimm.s32 $0xBFAE9D8C;
	v50 =	vimm.s32 $0xF3E2D1C0  }
0x7: {  	v54 =	vimm.s32 $0x37261504;
	v55 =	vimm.s32 $0x7B6A5948;
	v56 =	vimm.s32 $0xB0AF9E8D  }
0x8: {  	v57 =	vimm.s32 $0xF4E3D2C1;
	v58 =	vimm.s32 $0x38271605;
	v59 =	vimm.s32 $0x7C6B5A49  }
0x9: {  	v61 =	vimm.s32 $0xB1A09F8E;
	v12 =	vimm.s32 $0xF5E4D3C2;
	v13 =	vimm.s32 $0x39281706  }
0xa: {  	v14 =	vimm.s32 $0x7D6C5B4A;
	v16 =	vimm.s32 $0xB2A1908F;
	v18 =	vimm.s32 $0xF6E5D4C3  }
0xb: {  	v19 =	vimm.s32 $0x3A291807;
	v20 =	vimm.s32 $0x7E6D5C4B;
	v26 =	vimm.s32 $0xB3A29180  }
0xc: {  	v28 =	vimm.s32 $0xF7E6D5C4;
	v29 =	vimm.s32 $0x3B2A1908;
	v30 =	vimm.s32 $0x7F6E5D4C  }
0xd: {  	v36 =	vimm.s32 $0xB4A39281;
	v37 =	vimm.s32 $0xF8E7D6C5;
	v38 =	vimm.s32 $0x3C2B1A09  }
0xe: {  	v11 =	vimm.s32 $0x7261504F;
	vm15 =	vcmask $0x300;
	vm14 =	vcmask $0x704  }
0xf: {  	vm13 =	vcmask $0xB08;
	vm12 =	vcmask $0xF0C;
	vm11 =	vcmask $0x1310  }
0x10: {  	vm10 =	vcmask $0x1714;
	vm9 =	vcmask $0x1B18;
	vm7 =	vcmask $0x1F1C  }
0x11: {  	vm1 =	vcmask $0x2320;
	vm2 =	vcmask $0x2724;
	vm3 =	vcmask $0x2B28  }
0x12: {  	vm4 =	vcmask $0x2F2C;
	vm5 =	vcmask $0x3330;
	vm6 =	vcmask $0x3734  }
0x13: {  	vm8 =	vcmask $0x3B38;
	v1 =	vunpack.c.0.s8.s32 v1;
	v2 =	vunpack.c.0.s8.s32 v2  }
0x14: {  	v3 =	vunpack.c.0.s8.s32 v3;
	v4 =	vunpack.c.0.s8.s32 v4;
	v40 =	vunpack.c.0.s8.s32 v5  }
0x15: {  	v5 =	vunpack.c.0.s8.s32 v41;
	v6 =	vunpack.c.0.s8.s32 v6;
	v7 =	vunpack.c.0.s8.s32 v7  }
0x16: {  	v8 =	vunpack.c.0.s8.s32 v8;
	v9 =	vunpack.c.0.s8.s32 v9;
	v10 =	vunpack.c.0.s8.s32 v10  }
0x17: {  	v0 =	vmul.u32 $0x11, v46;
	v52 =	vunpack.c.0.s8.s32 v49;
	v53 =	vunpack.c.0.s8.s32 v50  }
0x18: {  	v27 =	vunpack.c.0.s8.s32 v26;
	v32 =	vunpack.c.0.s8.s32 v29;
	v33 =	vunpack.c.0.s8.s32 v30  }
0x19: {  	v49 =	vimm.s32 $0xFAE9D8C7;
	v50 =	vimm.s32 $0x3E2D1C0B;
	v11 =	vunpack.c.0.s8.s32 v11  }
0x1a: {  	v26 =	vimm.s32 $0xFEEDDCCB;
	v1 =	vsel vm0, v2, v1;
	v3 =	vsel vm0, v4, v3  }
0x1b: {  	v2 =	vunpack.c.0.s8.s32 v39;
	v42 =	vsel vm0, v6, v5;
	v43 =	vsel vm0, v8, v7  }
0x1c: {  	v44 =	vsel vm0, v10, v9;
	v4 =	vunpack.c.0.s8.s32 v55;
	v5 =	vunpack.c.0.s8.s32 v56  }
0x1d: {  	v6 =	vunpack.c.0.s8.s32 v57;
	v7 =	vunpack.c.0.s8.s32 v58;
	v8 =	vunpack.c.0.s8.s32 v59  }
0x1e: {  	v39 =	vimm.s32 $0x706F5E4D;
	v9 =	vunpack.c.0.s8.s32 v49;
	v10 =	vunpack.c.0.s8.s32 v50  }
0x1f: {  	v59 =	vimm.s32 $0xB7A69584;
	v1 =	vcombine.low v3, v1;
	v47 =	vcombine.low v44, v43  }
0x20: {  	v3 =	vunpack.c.0.s8.s32 v54;
	v41 =	vunpack.c.0.s8.s32 v39;
	v43 =	vimm.s32 $0xF9E8D7C6  }
0x21: {  	v39 =	vimm.s32 $0xA9876543;
	v2 =	vsel vm0, v40, v2;
	v62 =	vsel vm0, v6, v5  }
0x22: {  	v63 =	vsel vm0, v8, v7;
	v6 =	vunpack.c.0.s8.s32 v12;
	v7 =	vunpack.c.0.s8.s32 v13  }
0x23: {  	v8 =	vunpack.c.0.s8.s32 v14;
	v40 =	vunpack.c.0.s8.s32 v38;
	v44 =	vunpack.c.0.s8.s32 v43  }
0x24: {  	v54 =	vsel vm0, v11, v10;
	v10 =	vimm.s32 $0x3F2E1D0C;
	v11 =	vimm.s32 $0x73625140  }
0x25: {  	v12 =	vimm.s32 $0xB8A79685;
	v13 =	vimm.s32 $0xFCEBDAC9;
	v14 =	vimm.s32 $0x302F1E0D  }
0x26: {  	v38 =	vimm.s32 $0x210FEDCB;
	v2 =	vcombine.low v42, v2;
	v45 =	vand.u32 $0xFF, v1  }
0x27: {  	v51 =	vand.u32 $0xFF, v47;
	v1 =	vsel vm0, v53, v52;
	v60 =	vsel vm0, v4, v3  }
0x28: {  	v3 =	vunpack.c.0.s8.s32 v61;
	v15 =	vcombine.low v63, v62;
	v4 =	vunpack.c.0.s8.s32 v16  }
0x29: {  	v42 =	vimm.s32 $0xB5A49382;
	v47 =	vimm.s32 $0x71605F4E;
	v62 =	vunpack.c.0.s8.s32 v59  }
0x2a: {  	v5 =	vunpack.c.0.s8.s32 v12;
	v12 =	vimm.s32 $0xBA987654;
	v1 =	vcombine.low v60, v1  }
0x2b: {  	[tilespmem:$0x1FBE0] =	vst v45;
	v17 =	vsel vm0, v8, v7;
	v7 =	vunpack.c.0.s8.s32 v19;
	v8 =	vunpack.c.0.s8.s32 v20  }
0x2c: {  	v45 =	vimm.s32 $0x3D2C1B0A;
	v60 =	vimm.s32 $0xFBEAD9C8;
	v20 =	vimm.s32 $0xFDECDBCA  }
0x2d: {  	v48 =	vand.u32 $0xFF, v2;
	v3 =	vsel vm0, v6, v3;
	v6 =	vunpack.c.0.s8.s32 v18  }
0x2e: {  	v22 =	vand.u32 $0xFF, v15;
	v63 =	vunpack.c.0.s8.s32 v60;
	v15 =	vimm.s32 $0x74635241  }
0x2f: {  	v21 =	vand.u32 $0xFF, v1;
	v23 =	vcombine.low v17, v3;
	v25 =	vsel vm0, v8, v7  }
0x30: {  	[tilespmem:$0x1FBF0] =	vst v48;
	v1 =	vsel vm0, v33, v32;
	v3 =	vunpack.c.0.s8.s32 v36;
	v48 =	vimm.s32 $0xB6A59483  }
0x31: {  	[tilespmem:$0x1FC20] =	vst v22;
	v7 =	vunpack.c.0.s8.s32 v47;
	v17 =	vimm.s32 $0xB9A89786;
	v22 =	vimm.s32 $0x75645342  }
0x32: {  	v36 =	vimm.s32 $0x10FEDCBA;
	v24 =	vsel vm0, v6, v4;
	v4 =	vunpack.c.0.s8.s32 v28  }
0x33: {  	[tilespmem:$0x1FC10] =	vst v21;
	v6 =	vunpack.c.0.s8.s32 v45;
	v8 =	vunpack.c.0.s8.s32 v48;
	v21 =	vimm.s32 $0x31201F0E  }
0x34: {  	v28 =	vimm.s32 $0x76655443;
	v2 =	vcombine.low v25, v24;
	v31 =	vand.u32 $0xFF, v23  }
0x35: {  	v24 =	vimm.s32 $0xBAA99887;
	v35 =	vsel vm0, v4, v27;
	v4 =	vunpack.c.0.s8.s32 v37  }
0x36: {  	v52 =	vsel vm0, v7, v6;
	v53 =	vsel vm0, v9, v8;
	v6 =	vunpack.c.0.s8.s32 v13  }
0x37: {  	v7 =	vunpack.c.0.s8.s32 v14;
	v8 =	vunpack.c.0.s8.s32 v15;
	v27 =	vimm.s32 $0x3221100F  }
0x38: {  	v37 =	vimm.s32 $0x98765432;
	v9 =	vunpack.c.l.s4.s8 v39;
	v13 =	vimm.s32 $0x6543210F  }
0x39: {  	v14 =	vimm.s32 $0xEDCBA987;
	v39 =	vimm.s32 $0x1D1C1B1A;
	v34 =	vand.u32 $0xFF, v2  }
0x3a: {  	v1 =	vcombine.low v1, v35;
	v2 =	vsel vm0, v41, v40;
	v57 =	vcombine.low v54, v53  }
0x3b: {  	v35 =	vimm.s32 $0x87654321;
	v54 =	vimm.s32 $0x3210FEDC;
	v13 =	vunpack.c.l.s4.s8 v13  }
0x3c: {  	v14 =	vunpack.c.l.s4.s8 v14;
	v3 =	vsel vm0, v4, v3;
	v4 =	vunpack.c.0.s8.s32 v42  }
0x3d: {  	v18 =	vsel vm0, v6, v5;
	v19 =	vsel vm0, v8, v7;
	v6 =	vunpack.c.0.s8.s32 v20  }
0x3e: {  	[tilespmem:$0x1FC40] =	vst v34;
	v7 =	vunpack.c.0.s8.s32 v21;
	v8 =	vunpack.c.0.s8.s32 v22;
	v34 =	vimm.s32 $0xFEDCBA9  }
0x3f: {  	v5 =	vunpack.c.l.s4.s8 v35;
	v41 =	vunpack.c.0.s8.s32 v9;
	v21 =	vimm.s32 $0x43210FED  }
0x40: {  	v22 =	vimm.s32 $0xCBA98765;
	v20 =	vimm.s32 $0x76543210;
	v2 =	vcombine.low v2, v3  }
0x41: {  	v55 =	vand.u32 $0xFF, v1;
	v61 =	vand.u32 $0xFF, v57;
	v1 =	vsel vm0, v63, v62  }
0x42: {  	v23 =	vcombine.low v19, v18;
	v57 =	vunpack.c.l.s4.s8 v12;
	v9 =	vunpack.c.l.s4.s8 v21  }
0x43: {  	v13 =	vunpack.c.0.s8.s32 v13;
	v14 =	vunpack.c.0.s8.s32 v14;
	v18 =	vimm.s32 $0xFEDCBA98  }
0x44: {  	[tilespmem:$0x1FC00] =	vst v51;
	v21 =	vimm.s32 $0x1F3;
	v51 =	vsel vm0, v44, v4;
	v4 =	vunpack.c.0.s8.s32 v11  }
0x45: {  	v25 =	vsel vm0, v8, v7;
	v7 =	vunpack.c.0.s8.s32 v27;
	v8 =	vunpack.c.0.s8.s32 v28  }
0x46: {  	[tilespmem:$0x1FC80] =	vst v61;
	v5 =	vunpack.c.0.s8.s32 v5;
	v18 =	vunpack.c.l.s4.s8 v18;
	v61 =	vimm.s32 $0x1211101F  }
0x47: {  	v3 =	vcombine.low v52, v51;
	v56 =	vand.u32 $0xFF, v2;
	v30 =	vand.u32 $0xFF, v23  }
0x48: {  	v59 =	vunpack.c.0.s8.s32 v57;
	v23 =	vimm.s32 $0x543210FE;
	v9 =	vunpack.c.0.s8.s32 v9  }
0x49: {  	v19 =	vcombine.low v14, v13;
	v33 =	vsel vm0, v8, v7;
	v7 =	vunpack.c.l.s4.s8 v37  }
0x4a: {  	[tilespmem:$0x1FC60] =	vst v56;
	v8 =	vunpack.c.l.s4.s8 v38;
	v56 =	vunpack.c.l.s4.s8 v54;
	v11 =	vunpack.c.l.s4.s8 v23  }
0x4b: {  	v37 =	vimm.s32 $0x14131211;
	v38 =	vimm.s32 $0x18171615;
	v23 =	vimm.s32 $0x1F5  }
0x4c: {  	v58 =	vand.u32 $0xFF, v3;
	v3 =	vunpack.c.0.s8.s32 v10;
	v10 =	vunpack.c.l.s4.s8 v22  }
0x4d: {  	v44 =	vand.u32 $0xF, v19;
	v22 =	vimm.s32 $0x1F4;
	v7 =	vunpack.c.0.s8.s32 v7  }
0x4e: {  	[tilespmem:$0x1FC70] =	vst v58;
	v40 =	vunpack.c.0.s8.s32 v8;
	v58 =	vunpack.c.0.s8.s32 v56;
	v11 =	vunpack.c.0.s8.s32 v11  }
0x4f: {  	v16 =	vsel vm0, v4, v3;
	v3 =	vunpack.c.0.s8.s32 v17;
	v4 =	vunpack.c.0.s8.s32 v24  }
0x50: {  	v24 =	vimm.s32 $0xDCBA9876;
	v10 =	vunpack.c.0.s8.s32 v10;
	v1 =	vcombine.low v16, v1  }
0x51: {  	v53 =	vcombine.low v41, v40;
	v12 =	vunpack.c.l.s4.s8 v24;
	v15 =	vcombine.low v59, v58  }
0x52: {  	v3 =	vsel vm0, v6, v3;
	v6 =	vunpack.c.0.s8.s32 v26;
	v16 =	vcombine.low v10, v9  }
0x53: {  	[tilespmem:$0x1FC30] =	vst v31;
	v26 =	vunpack.c.0.s8.s32 v18;
	v29 =	vand.u32 $0xFF, v1;
	v31 =	vcombine.low v25, v3  }
0x54: {  	v47 =	vand.u32 $0xF, v53;
	v12 =	vunpack.c.0.s8.s32 v12;
	v62 =	vand.u32 $0xF, v15  }
0x55: {  	v25 =	vunpack.c.l.s4.s8 v20;
	v3 =	vcombine.low v40, v41;
	v1 =	vcombine.low v58, v59  }
0x56: {  	v40 =	vimm.s32 $0x11101F1E;
	v41 =	vunpack.c.0.s8.s32 v39;
	v32 =	vsel vm0, v6, v4  }
0x57: {  	v4 =	vunpack.c.l.s4.s8 v34;
	v6 =	vunpack.c.l.s4.s8 v36;
	v35 =	vand.u32 $0xF, v16  }
0x58: {  	[tilespmem:$0x1FC90] =	vst v29;
	v28 =	vand.u32 $0xF, v26;
	v29 =	vcombine.low v9, v10;
	v49 =	vunpack.c.0.s8.s32 v40  }
0x59: {  	v10 =	vimm.s32 $0x1F1E1D1C;
	v16 =	vimm.s32 $0x1F1;
	v2 =	vcombine.low v33, v32  }
0x5a: {  	v50 =	vand.u32 $0xFF, v31;
	v17 =	vcombine.low v12, v11;
	v15 =	vunpack.c.0.s8.s32 v25  }
0x5b: {  	[tilespmem:$0x1FCA0] =	vst v30;
	v43 =	vand.u32 $0xF, v3;
	v58 =	vand.u32 $0xF, v1;
	v30 =	vcombine.low v11, v12  }
0x5c: {  	v31 =	vimm.s32 $0x1C1B1A19;
	v32 =	vimm.s32 $0x101F1E1D;
	v33 =	vcombine.low v13, v14  }
0x5d: {  	v11 =	vimm.s32 $0x1F0;
	v13 =	vimm.s32 $0x13121110;
	v14 =	vimm.s32 $0x17161514  }
0x5e: {  	v4 =	vunpack.c.0.s8.s32 v4;
	v6 =	vunpack.c.0.s8.s32 v6;
	v34 =	vunpack.c.0.s8.s32 v31  }
0x5f: {  	[tilespmem:$0x1FCB0] =	vst v50;
	v36 =	vunpack.c.0.s8.s32 v32;
	v59 =	vand.u32 $0xF, v29;
	v50 =	vimm.s32 $0x15141312  }
0x60: {  	[tilespmem:$0x1FD00] =	vst v49;
	v12 =	vsel vm15, $0x101, v11;
	v29 =	vimm.s32 $0x1F8;
	v49 =	vimm.s32 $0x1FE  }
0x61: {  	[tilespmem:$0x1FC50] =	vst v55;
	v55 =	vand.u32 $0xFF, v2;
	v45 =	vand.u32 $0xF, v17;
	v56 =	vcombine.low v28, v15  }
0x62: {  	v54 =	vand.u32 $0xF, v30;
	v1 =	vunpack.c.0.s8.s32 v50;
	v2 =	vunpack.c.0.s8.s32 v13  }
0x63: {  	v15 =	vimm.s32 $0x1B1A1918;
	v17 =	vimm.s32 $0x1F2;
	v51 =	vcombine.low v5, v4  }
0x64: {  	[tilespmem:$0x1FBD0] =	vst v0;
	v28 =	vimm.s32 $0x1F7;
	v52 =	vcombine.low v7, v6;
	v4 =	vcombine.low v4, v5  }
0x65: {  	[tilespmem:$0x1FCC0] =	vst v55;
	v27 =	vcombine.low v6, v7;
	v55 =	vand.u32 $0xF, v33;
	v0 =	vsel vm0, v36, v34  }
0x66: {  	[tilespmem:$0x1FCD0] =	vst v34;
	v5 =	vunpack.c.0.s8.s32 v38;
	v6 =	vimm.s32 $0x16151413;
	v7 =	vimm.s32 $0x1A191817  }
0x67: {  	[tilespmem:$0x1FCE0] =	vst v36;
	v3 =	vsel vm15, $0x103, v17;
	v33 =	vimm.s32 $0x1F9;
	v34 =	vimm.s32 $0x1FA  }
0x68: {  	v36 =	vimm.s32 $0x1FB;
	[tilespmem:$0x1FD10] =	vst v1;
	v1 =	vunpack.c.0.s8.s32 v61;
	v8 =	vunpack.c.0.s8.s32 v6  }
0x69: {  	v9 =	vunpack.c.0.s8.s32 v7;
	[tilespmem:$0x1FD80] =	vst v2;
	v2 =	vunpack.c.0.s8.s32 v14;
	v3 =	vsel vm14, $0x114, v3  }
0x6a: {  	v48 =	vand.u32 $0xF, v51;
	v63 =	vand.u32 $0xF, v52;
	v60 =	vand.u32 $0xF, v4  }
0x6b: {  	v42 =	vand.u32 $0xF, v27;
	v4 =	vunpack.c.0.s8.s32 v37;
	v51 =	vimm.s32 $0x19181716  }
0x6c: {  	v52 =	vimm.s32 $0x1E1D1C1B;
	v3 =	vsel vm13, $0x125, v3;
	[tilespmem:$0x1FD40] =	vst v1;
	v1 =	vunpack.c.0.s8.s32 v10  }
0x6d: {  	v27 =	vimm.s32 $0x1F6;
	[tilespmem:$0x1FD90] =	vst v2;
	v2 =	vunpack.c.0.s8.s32 v15;
	v3 =	vsel vm12, $0x136, v3  }
0x6e: {  	v53 =	vunpack.c.0.s8.s32 v51;
	v57 =	vunpack.c.0.s8.s32 v52;
	v3 =	vsel vm11, $0x147, v3;
	[tilespmem:$0x1FD70] =	vst v1  }
0x6f: {  	v1 =	vsel vm14, $0x112, v12;
	[tilespmem:$0x1FDA0] =	vst v2;
	v2 =	vsel vm15, $0x102, v16;
	v3 =	vsel vm10, $0x158, v3  }
0x70: {  	v1 =	vsel vm13, $0x123, v1;
	v2 =	vsel vm14, $0x113, v2;
	v3 =	vsel vm9, $0x169, v3  }
0x71: {  	v1 =	vsel vm12, $0x134, v1;
	v2 =	vsel vm13, $0x124, v2;
	v3 =	vsel vm7, $0x17A, v3  }
0x72: {  	v1 =	vsel vm11, $0x145, v1;
	v2 =	vsel vm12, $0x135, v2;
	v3 =	vsel vm1, $0x18B, v3  }
0x73: {  	v1 =	vsel vm10, $0x156, v1;
	v2 =	vsel vm11, $0x146, v2;
	v3 =	vsel vm2, $0x19C, v3  }
0x74: {  	v1 =	vsel vm9, $0x167, v1;
	v2 =	vsel vm10, $0x157, v2;
	v3 =	vsel vm3, $0x1AD, v3  }
0x75: {  	v1 =	vsel vm7, $0x178, v1;
	v2 =	vsel vm9, $0x168, v2;
	v3 =	vsel vm4, $0x1BE, v3  }
0x76: {  	v1 =	vsel vm1, $0x189, v1;
	v2 =	vsel vm7, $0x179, v2;
	v3 =	vsel vm5, $0x1CF, v3  }
0x77: {  	v1 =	vsel vm2, $0x19A, v1;
	v2 =	vsel vm1, $0x18A, v2;
	v19 =	vsel vm6, $0x1D0, v3  }
0x78: {  	v3 =	vsel vm15, $0x106, v23;
	v1 =	vsel vm3, $0x1AB, v1;
	v2 =	vsel vm2, $0x19B, v2  }
0x79: {  	v20 =	vsel vm8, $0x1E1, v19;
	v1 =	vsel vm4, $0x1BC, v1;
	v2 =	vsel vm3, $0x1AC, v2  }
0x7a: {  	v3 =	vsel vm14, $0x117, v3;
	v1 =	vsel vm5, $0x1CD, v1;
	v2 =	vsel vm4, $0x1BD, v2  }
0x7b: {  	v3 =	vsel vm13, $0x128, v3;
	v1 =	vsel vm6, $0x1DE, v1;
	v2 =	vsel vm5, $0x1CE, v2  }
0x7c: {  	v3 =	vsel vm12, $0x139, v3;
	v1 =	vsel vm8, $0x1EF, v1;
	v18 =	vsel vm6, $0x1DF, v2  }
0x7d: {  	v3 =	vsel vm11, $0x14A, v3;
	v2 =	vsel vm15, $0x105, v22;
	[tilespmem:$0x1FDB0] =	vst v1;
	v1 =	vsel vm8, $0x1E0, v18  }
0x7e: {  	v3 =	vsel vm10, $0x15B, v3;
	v2 =	vsel vm14, $0x116, v2;
	[tilespmem:$0x1FDC0] =	vst v1;
	v1 =	vsel vm15, $0x104, v21  }
0x7f: {  	v3 =	vsel vm9, $0x16C, v3;
	v2 =	vsel vm13, $0x127, v2;
	v1 =	vsel vm14, $0x115, v1  }
0x80: {  	v3 =	vsel vm7, $0x17D, v3;
	v2 =	vsel vm12, $0x138, v2;
	v1 =	vsel vm13, $0x126, v1  }
0x81: {  	v3 =	vsel vm1, $0x18E, v3;
	v2 =	vsel vm11, $0x149, v2;
	v1 =	vsel vm12, $0x137, v1  }
0x82: {  	v3 =	vsel vm2, $0x19F, v3;
	v2 =	vsel vm10, $0x15A, v2;
	v1 =	vsel vm11, $0x148, v1  }
0x83: {  	v3 =	vsel vm3, $0x1A0, v3;
	v2 =	vsel vm9, $0x16B, v2;
	v1 =	vsel vm10, $0x159, v1  }
0x84: {  	v3 =	vsel vm4, $0x1B1, v3;
	v2 =	vsel vm7, $0x17C, v2;
	v1 =	vsel vm9, $0x16A, v1  }
0x85: {  	v3 =	vsel vm5, $0x1C2, v3;
	v2 =	vsel vm1, $0x18D, v2;
	v1 =	vsel vm7, $0x17B, v1  }
0x86: {  	v25 =	vsel vm6, $0x1D3, v3;
	v3 =	vsel vm15, $0x109, v29;
	v1 =	vsel vm1, $0x18C, v1  }
0x87: {  	v2 =	vsel vm2, $0x19E, v2;
	v3 =	vsel vm14, $0x11A, v3;
	v1 =	vsel vm2, $0x19D, v1  }
0x88: {  	v26 =	vsel vm8, $0x1E4, v25;
	v3 =	vsel vm13, $0x12B, v3;
	v1 =	vsel vm3, $0x1AE, v1  }
0x89: {  	v2 =	vsel vm3, $0x1AF, v2;
	v3 =	vsel vm12, $0x13C, v3;
	v1 =	vsel vm4, $0x1BF, v1  }
0x8a: {  	v2 =	vsel vm4, $0x1B0, v2;
	v3 =	vsel vm11, $0x14D, v3;
	v1 =	vsel vm5, $0x1C0, v1  }
0x8b: {  	v2 =	vsel vm5, $0x1C1, v2;
	v3 =	vsel vm10, $0x15E, v3;
	v1 =	vsel vm6, $0x1D1, v1  }
0x8c: {  	v24 =	vsel vm6, $0x1D2, v2;
	v3 =	vsel vm9, $0x16F, v3;
	v1 =	vsel vm8, $0x1E2, v1  }
0x8d: {  	v2 =	vsel vm15, $0x108, v28;
	v3 =	vsel vm7, $0x170, v3;
	[tilespmem:$0x1FDE0] =	vst v1;
	v1 =	vsel vm8, $0x1E3, v24  }
0x8e: {  	v2 =	vsel vm14, $0x119, v2;
	v3 =	vsel vm1, $0x181, v3;
	[tilespmem:$0x1FDF0] =	vst v1;
	v1 =	vsel vm15, $0x107, v27  }
0x8f: {  	v2 =	vsel vm13, $0x12A, v2;
	v3 =	vsel vm2, $0x192, v3;
	v1 =	vsel vm14, $0x118, v1  }
0x90: {  	v2 =	vsel vm12, $0x13B, v2;
	v3 =	vsel vm3, $0x1A3, v3;
	v1 =	vsel vm13, $0x129, v1  }
0x91: {  	v2 =	vsel vm11, $0x14C, v2;
	v3 =	vsel vm4, $0x1B4, v3;
	v1 =	vsel vm12, $0x13A, v1  }
0x92: {  	v2 =	vsel vm10, $0x15D, v2;
	v3 =	vsel vm5, $0x1C5, v3;
	v1 =	vsel vm11, $0x14B, v1  }
0x93: {  	v31 =	vsel vm6, $0x1D6, v3;
	v3 =	vsel vm15, $0x10C, v36;
	v1 =	vsel vm10, $0x15C, v1  }
0x94: {  	v2 =	vsel vm9, $0x16E, v2;
	v3 =	vsel vm14, $0x11D, v3;
	v1 =	vsel vm9, $0x16D, v1  }
0x95: {  	v2 =	vsel vm7, $0x17F, v2;
	v3 =	vsel vm13, $0x12E, v3;
	v1 =	vsel vm7, $0x17E, v1  }
0x96: {  	v2 =	vsel vm1, $0x180, v2;
	v3 =	vsel vm12, $0x13F, v3;
	v1 =	vsel vm1, $0x18F, v1  }
0x97: {  	v2 =	vsel vm2, $0x191, v2;
	v3 =	vsel vm11, $0x140, v3;
	v1 =	vsel vm2, $0x190, v1  }
0x98: {  	v32 =	vsel vm8, $0x1E7, v31;
	v3 =	vsel vm10, $0x151, v3;
	v1 =	vsel vm3, $0x1A1, v1  }
0x99: {  	v2 =	vsel vm3, $0x1A2, v2;
	v3 =	vsel vm9, $0x162, v3;
	v1 =	vsel vm4, $0x1B2, v1  }
0x9a: {  	v2 =	vsel vm4, $0x1B3, v2;
	v3 =	vsel vm7, $0x173, v3;
	v1 =	vsel vm5, $0x1C3, v1  }
0x9b: {  	v2 =	vsel vm5, $0x1C4, v2;
	v3 =	vsel vm1, $0x184, v3;
	v1 =	vsel vm6, $0x1D4, v1  }
0x9c: {  	v30 =	vsel vm6, $0x1D5, v2;
	v3 =	vsel vm2, $0x195, v3;
	v1 =	vsel vm8, $0x1E5, v1  }
0x9d: {  	v2 =	vsel vm15, $0x10B, v34;
	v3 =	vsel vm3, $0x1A6, v3;
	[tilespmem:$0x1FE10] =	vst v1;
	v1 =	vsel vm8, $0x1E6, v30  }
0x9e: {  	v2 =	vsel vm14, $0x11C, v2;
	v3 =	vsel vm4, $0x1B7, v3;
	[tilespmem:$0x1FE20] =	vst v1;
	v1 =	vsel vm15, $0x10A, v33  }
0x9f: {  	v2 =	vsel vm13, $0x12D, v2;
	v3 =	vsel vm5, $0x1C8, v3;
	v1 =	vsel vm14, $0x11B, v1  }
0xa0: {  	v38 =	vsel vm6, $0x1D9, v3;
	v3 =	vsel vm15, $0x10F, v49;
	v1 =	vsel vm13, $0x12C, v1  }
0xa1: {  	v2 =	vsel vm12, $0x13E, v2;
	v3 =	vsel vm14, $0x110, v3;
	v1 =	vsel vm12, $0x13D, v1  }
0xa2: {  	v2 =	vsel vm11, $0x14F, v2;
	v3 =	vsel vm13, $0x121, v3;
	v1 =	vsel vm11, $0x14E, v1  }
0xa3: {  	v2 =	vsel vm10, $0x150, v2;
	v3 =	vsel vm12, $0x132, v3;
	v1 =	vsel vm10, $0x15F, v1  }
0xa4: {  	[tilespmem:$0x1FCF0] =	vst v41;
	v2 =	vsel vm9, $0x161, v2;
	v3 =	vsel vm11, $0x143, v3;
	v1 =	vsel vm9, $0x160, v1  }
0xa5: {  	[tilespmem:$0x1FD50] =	vst v8;
	v2 =	vsel vm7, $0x172, v2;
	v3 =	vsel vm10, $0x154, v3;
	v1 =	vsel vm7, $0x171, v1  }
0xa6: {  	[tilespmem:$0x1FD60] =	vst v9;
	v2 =	vsel vm1, $0x183, v2;
	v3 =	vsel vm9, $0x165, v3;
	v1 =	vsel vm1, $0x182, v1  }
0xa7: {  	[tilespmem:$0x1FD20] =	vst v53;
	v2 =	vsel vm2, $0x194, v2;
	v3 =	vsel vm7, $0x176, v3;
	v1 =	vsel vm2, $0x193, v1  }
0xa8: {  	[tilespmem:$0x1FD30] =	vst v57;
	v39 =	vsel vm8, $0x1EA, v38;
	v3 =	vsel vm1, $0x187, v3;
	v1 =	vsel vm3, $0x1A4, v1  }
0xa9: {  	[tilespmem:$0x1FDD0] =	vst v20;
	v2 =	vsel vm3, $0x1A5, v2;
	v3 =	vsel vm2, $0x198, v3;
	v1 =	vsel vm4, $0x1B5, v1  }
0xaa: {  	[tilespmem:$0x1FE00] =	vst v26;
	v2 =	vsel vm4, $0x1B6, v2;
	v3 =	vsel vm3, $0x1A9, v3;
	v1 =	vsel vm5, $0x1C6, v1  }
0xab: {  	[tilespmem:$0x1FE30] =	vst v32;
	v2 =	vsel vm5, $0x1C7, v2;
	v3 =	vsel vm4, $0x1BA, v3;
	v1 =	vsel vm6, $0x1D7, v1  }
0xac: {  	[tilespmem:$0x1FE60] =	vst v39;
	v37 =	vsel vm6, $0x1D8, v2;
	v3 =	vsel vm5, $0x1CB, v3;
	v1 =	vsel vm8, $0x1E8, v1  }
0xad: {  	s31 =	rddreg [dreg:$0x0];
	s2 =	simm.s32 $0x0;
	v51 =	vsel vm6, $0x1DC, v3;
	[tilespmem:$0x1FE40] =	vst v1;
	v1 =	vsel vm8, $0x1E9, v37  }
0xae: {  	[smem:$0x7FF] =	sst s2;
	v52 =	vsel vm8, $0x1ED, v51;
	[tilespmem:$0x1FE50] =	vst v1  }
0xaf: {  	s1 =	rddreg [dreg:$0x1];
	_ =	strace $0x80000047;
	[tilespmem:$0x1FE90] =	vst v52  }
0xb0: {  	v61 =	vmul.u32 $0x400, v46;
	[tilespmem:$0x1FEA0] =	vst v4  }
0xb1: {  	[tilespmem:$0x1FEB0] =	vst v5  }
0xb2: {  	[tilespmem:$0x1FEC0] =	vst v61  }
0xb3: {  	v53 =	vsel vm0, v5, v4;
	[tilespmem:$0x1FED0] =	vst v0  }
0xb4: {  	[tilespmem:$0x1FEE0] =	vst v53  }
0xb5: {  	[tilespmem:$0x1FF00] =	vst v48  }
0xb6: {  	v40 =	vimm.s32 $0x1FC;
	[tilespmem:$0x1FF10] =	vst v63  }
0xb7: {  	v41 =	vimm.s32 $0x1FD;
	v1 =	vsel vm15, $0x10D, v40;
	[tilespmem:$0x1FF20] =	vst v47  }
0xb8: {  	v2 =	vsel vm15, $0x10E, v41;
	v1 =	vsel vm14, $0x11E, v1;
	[tilespmem:$0x1FF30] =	vst v62  }
0xb9: {  	s3 =	srdreg.scid;
	s0 =	stileid.u32;
	v2 =	vsel vm14, $0x11F, v2;
	[tilespmem:$0x1FF40] =	vst v35;
	v1 =	vsel vm13, $0x12F, v1  }
0xba: {  	s16 =	simm.s32 $0x10800;
	s19 =	simm.s32 $0x800;
	s20 =	simm.s32 $0x10A00;
	v2 =	vsel vm13, $0x120, v2;
	[tilespmem:$0x1FF50] =	vst v45;
	v1 =	vsel vm12, $0x130, v1  }
0xbb: {  	s28 =	simm.s32 $0x11600;
	s29 =	simm.s32 $0x11000;
	s4 =	sadd.s32 $0x29A00, s1;
	v2 =	vsel vm12, $0x131, v2;
	[tilespmem:$0x1FF60] =	vst v44;
	v1 =	vsel vm11, $0x141, v1  }
0xbc: {  	s5 =	sadd.s32 $0x2800, s1;
	s3 =	sand.u32 $0x1, s3;
	s7 =	sshll.u32 s0, $0x1;
	v2 =	vsel vm11, $0x142, v2;
	[tilespmem:$0x1FF70] =	vst v56;
	v1 =	vsel vm10, $0x152, v1  }
0xbd: {  	s6 =	sadd.s32 $0x50E00, s1;
	s9 =	ssub.s32 $0x2, s3;
	s0 =	sor.u32 s3, s7;
	v2 =	vsel vm10, $0x153, v2;
	[tilespmem:$0x1FF80] =	vst v60;
	v1 =	vsel vm9, $0x163, v1  }
0xbe: {  	s8 =	sadd.s32 $0x3D400, s1;
	s21 =	sshrl.u32 s9, $0x1;
	s3 =	sshll.u32 s0, $0x7;
	v2 =	vsel vm9, $0x164, v2;
	[tilespmem:$0x1FF90] =	vst v42;
	v1 =	vsel vm7, $0x174, v1  }
0xbf: {  	s22 =	sor.u32 $0x20, s0;
	s23 =	sshll.u32 s0, $0x6;
	s26 =	sor.u32 $0x40, s0;
	v2 =	vsel vm7, $0x175, v2;
	[tilespmem:$0x1FFA0] =	vst v43;
	v1 =	vsel vm1, $0x185, v1  }
0xc0: {  	s13 =	smov.u32 s0;
	s14 =	sor.u32 $0x60, s0;
	s3 =	sadd.s32 s31, s3;
	v2 =	vsel vm1, $0x186, v2;
	[tilespmem:$0x1FFB0] =	vst v58;
	v1 =	vsel vm2, $0x196, v1  }
0xc1: {  	s10 =	sshll.u32 s22, $0x7;
	s24 =	sadd.s32 s4, s23;
	v2 =	vsel vm2, $0x197, v2;
	[dreg:$0x3] =	wrdreg s3;
	[tilespmem:$0x1FFC0] =	vst v59;
	v1 =	vsel vm3, $0x1A7, v1  }
0xc2: {  	s1 =	ssub.s32 s9, s21;
	s25 =	sadd.s32 s31, s10;
	v57 =	vor.u32 $0x10, v46;
	v2 =	vsel vm3, $0x1A8, v2;
	[dreg:$0x4] =	wrdreg s24;
	[tilespmem:$0x1FFD0] =	vst v54;
	v1 =	vsel vm4, $0x1B8, v1  }
.Ltmp0:
0xc3: {  	s21 =	simm.s32 $0x1;
	v2 =	vsel vm4, $0x1B9, v2;
	[dreg:$0x5] =	wrdreg s25;
	v0 =	vcombine.low v53, v0;
	[tilespmem:$0x1FFE0] =	vst v55;
	v1 =	vsel vm5, $0x1C9, v1;
	(pc) =	sbr.rel .LBB2_1-.Ltmp0, $4  }
0xc4: {  	s23 =	simm.s32 $0x11800;
	s30 =	smax.u32 s1, $0x1;
	[dreg:$0x7] =	wrdreg s26;
	v2 =	vsel vm5, $0x1CA, v2;
	[tilespmem:$0x1FFF0] =	vst v57;
	v1 =	vsel vm6, $0x1DA, v1  }
0xc5: {  	s1 =	simm.s32 $0x0;
	s3 =	sshll.u32 s22, $0x6;
	[dreg:$0x8] =	wrdreg s30;
	v50 =	vsel vm6, $0x1DB, v2;
	[tilespmem:$0x1FEF0] =	vst v0;
	v1 =	vsel vm8, $0x1EB, v1  }
0xc6: {  	s22 =	simm.s32 $0x11400;
	s24 =	simm.s32 $0x10C00;
	s3 =	sadd.s32 s4, s3;
	[tilespmem:$0x1FE70] =	vst v1;
	v1 =	vsel vm8, $0x1EC, v50  }
0xc7: {  	s25 =	simm.s32 $0x5;
	s26 =	simm.s32 $0x8800;
	[dreg:$0x6] =	wrdreg s3;
	[tilespmem:$0x1FE80] =	vst v1  }
.LBB2_31:
0xc8: {  	s0 =	simm.s32 $0x4  }
0xc9: {  	_ =	swait.ge [sflag:s0], $0x400  }
0xca: {  	[sflag:s0] =	ssyncset.done $0x0  }
0xcb: {  	[sflag:s0] =	ssyncadd.s32 $0xFFFFFC00  }
0xcc: {  	_ =	swait.ge [sflag:s0], $0x200  }
0xcd: {  	[sflag:s0] =	ssyncset.done $0x0  }
0xce: {  	[sflag:s0] =	ssyncadd.s32 $0xFFFFFE00  }
0xcf: {  	_ =	swait.ge [sflag:s25], $0x400  }
0xd0: {  	[sflag:s25] =	ssyncset.done $0x0  }
0xd1: {  	[sflag:s25] =	ssyncadd.s32 $0xFFFFFC00  }
0xd2: {  	_ =	swait.ge [sflag:s25], $0x200  }
0xd3: {  	s1 =	rddreg [dreg:$0x9]  }
0xd4: {  	s30 =	rddreg [dreg:$0x8];
	s1 =	sadd.s32 $0x1, s1  }
0xd5: {  	p0 =	sne.s32 s1, s30  }
.Ltmp1:
0xd6: {  	_ = 	snop;
	(pc) =	sbr.rel @!p0 .LBB2_32-.Ltmp1, $3  }
0xd7: {  	_ =	sdelay $0x1  }
0xd8: {  	[sflag:s25] =	ssyncset.done $0x0  }
0xd9: {  	[sflag:s25] =	ssyncadd.s32 $0xFFFFFE00  }
.LBB2_1:
0xda: {  	[dreg:$0x9] =	wrdreg s1  }
0xdb: {  	s0 =	rddreg [dreg:$0x3]  }
0xdc: {  	[tilespmem:s2], [sflag:$0x2] =	stream.linear.gather [hbm4b:s0+s2], $0x400, $0x38;
	[tilespmem:$0x11A00] =	vst v63  }
0xdd: {  	s12 =	rddreg [dreg:$0x4];
	s15 =	simm.s32 $0x2  }
0xde: {  	[tilespmem:s16], [sflag:$0x2] =	stream.linear.gather [hbm4b:s12+s2], $0x200, $0x38;
	[tilespmem:$0x11A00] =	vst v63  }
0xdf: {  	_ =	swait.ge [sflag:s15], $0x400  }
0xe0: {  	[sflag:s15] =	ssyncset.done $0x0  }
0xe1: {  	[sflag:s15] =	ssyncadd.s32 $0xFFFFFC00  }
0xe2: {  	_ =	swait.ge [sflag:s15], $0x200  }
0xe3: {  	[sflag:s15] =	ssyncset.done $0x0  }
0xe4: {  	s17 =	simm.s32 $0x400;
	[sflag:s15] =	ssyncadd.s32 $0xFFFFFE00  }
0xe5: {  	[tilespmem:s19], [sflag:$0x1] =	stream.indirect.gather [hbm4b:s5+s17], $0x20, s2, s17, $0xb8;
	[tilespmem:$0x11A00] =	vst v63  }
.Ltmp2:
0xe6: {  	_ = 	snop;
	(pc) =	sbr.rel .LBB2_2-.Ltmp2, $4  }
0xe7: {  	s18 =	rddreg [dreg:$0x5]  }
0xe8: {  	[tilespmem:s17], [sflag:$0x3] =	stream.linear.gather [hbm4b:s18+s2], $0x400, $0x38;
	[tilespmem:$0x11A00] =	vst v63  }
0xe9: {  	s1 =	simm.s32 $0x0;
	s30 =	rddreg [dreg:$0x6]  }
0xea: {  	[tilespmem:s20], [sflag:$0x3] =	stream.linear.gather [hbm4b:s30+s2], $0x200, $0x38;
	[tilespmem:$0x11A00] =	vst v63  }
.LBB2_30:
0xeb: {  	s0 =	sadd.s32 s14, s3  }
0xec: {  	p0 =	sgt.u32 s0, $0x4E1  }
0xed: {  	s3 =	sshll.u32 @!p0 s0, $0x7;
	s9 =	simm.s32 @!p0 $0x0  }
0xee: {  	s10 =	simm.s32 @!p0 $0x400;
	s0 =	sshll.u32 @!p0 s0, $0x6;
	s3 =	sadd.s32 @!p0 s31, s3  }
0xef: {  	[tilespmem:s10], [sflag:$0x3] =	stream.linear.gather @!p0 [hbm4b:s3+s9], $0x400, $0x38;
	[tilespmem:$0x11A00] =	vst v63  }
0xf0: {  	s1 =	sadd.s32 $0x1, s1;
	s0 =	sadd.s32 @!p0 s4, s0;
	s3 =	simm.s32 @!p0 $0x10A00  }
0xf1: {  	[tilespmem:s3], [sflag:$0x3] =	stream.linear.gather @!p0 [hbm4b:s0+s9], $0x200, $0x38;
	[tilespmem:$0x11A00] =	vst v63  }
0xf2: {  	p0 =	sne.s32 s1, $0x14  }
.Ltmp3:
0xf3: {  	_ = 	snop;
	(pc) =	sbr.rel @!p0 .LBB2_31-.Ltmp3, $1  }
0xf4: {  	_ =	sdelay $0x3  }
.LBB2_2:
0xf5: {  	s3 =	sshll.u32 s1, $0x6  }
0xf6: {  	s9 =	sor.u32 s13, s3  }
0xf7: {  	_ =	swait.ge [sflag:s21], $0x8000;
	s18 =	sor.u32 $0x20, s9  }
0xf8: {  	[sflag:s21] =	ssyncset.done $0x0;
	p0 =	sgt.u32 s18, $0x4E1  }
0xf9: {  	[sflag:s21] =	ssyncadd.s32 $0xFFFF8000;
	s10 =	simm.s32 @!p0 $0x3  }
0xfa: {  	_ =	swait.ge @!p0 [sflag:s10], $0x400  }
0xfb: {  	[sflag:s10] =	ssyncset.done @!p0 $0x0  }
0xfc: {  	[sflag:s10] =	ssyncadd.s32 @!p0 $0xFFFFFC00  }
0xfd: {  	_ =	swait.ge @!p0 [sflag:s10], $0x200  }
0xfe: {  	p1 =	seq.s32 s1, $0x0;
	[sflag:s10] =	ssyncset.done @!p0 $0x0  }
0xff: {  	s11 =	simm.s32 @!p0 $0x8800;
	[sflag:s10] =	ssyncadd.s32 @!p0 $0xFFFFFE00;
	s10 =	simm.s32 @!p0 $0x400  }
0x100: {  	[tilespmem:s11], [sflag:$0x1] =	stream.indirect.gather @!p0 [hbm4b:s5+s10], $0x20, s10, s10, $0xb8;
	[tilespmem:$0x11A00] =	vst v63  }
0x101: {  	s10 =	simm.s32 @!p1 $0x4  }
0x102: {  	_ =	swait.ge @!p1 [sflag:s10], $0x400  }
0x103: {  	[sflag:s10] =	ssyncset.done @!p1 $0x0  }
0x104: {  	[sflag:s10] =	ssyncadd.s32 @!p1 $0xFFFFFC00  }
0x105: {  	_ =	swait.ge @!p1 [sflag:s10], $0x200  }
0x106: {  	v0 =	vld [tilespmem:$0x1FBD0];
	_ =	sdelay $0x5  }
0x107: {  	[sflag:s10] =	ssyncset.done @!p1 $0x0  }
0x108: {  	[sflag:s10] =	ssyncadd.s32 @!p1 $0xFFFFFE00  }
0x109: {  	v29 =	vld.idx.msk [tilespmem:v0+s16+$0x0], $0xffff  }
0x10a: {  	v0 =	vld [tilespmem:$0x1FBE0];
	_ =	sdelay $0x7  }
0x10b: {  	v16 =	vld.idx.msk [tilespmem:v0+s16+$0x0], $0xffff  }
0x10c: {  	v0 =	vld [tilespmem:$0x1FBF0];
	_ =	sdelay $0x7  }
0x10d: {  	v14 =	vld.idx.msk [tilespmem:v0+s16+$0x0], $0xffff  }
0x10e: {  	v0 =	vld [tilespmem:$0x1FC00];
	_ =	sdelay $0x7  }
0x10f: {  	v15 =	vld.idx.msk [tilespmem:v0+s16+$0x0], $0xffff  }
0x110: {  	v0 =	vld [tilespmem:$0x1FC10];
	_ =	sdelay $0x7  }
0x111: {  	v11 =	vld.idx.msk [tilespmem:v0+s16+$0x0], $0xffff  }
0x112: {  	v0 =	vld [tilespmem:$0x1FC20];
	_ =	sdelay $0x7  }
0x113: {  	v13 =	vld.idx.msk [tilespmem:v0+s16+$0x0], $0xffff  }
0x114: {  	v0 =	vld [tilespmem:$0x1FC30];
	_ =	sdelay $0x7  }
0x115: {  	v6 =	vld.idx.msk [tilespmem:v0+s16+$0x0], $0xffff  }
0x116: {  	v0 =	vld [tilespmem:$0x1FC40];
	_ =	sdelay $0x7  }
0x117: {  	v12 =	vld.idx.msk [tilespmem:v0+s16+$0x0], $0xffff  }
0x118: {  	v0 =	vld [tilespmem:$0x1FC50];
	_ =	sdelay $0x7  }
0x119: {  	v5 =	vld.idx.msk [tilespmem:v0+s16+$0x0], $0xffff  }
0x11a: {  	v0 =	vld [tilespmem:$0x1FC60];
	_ =	sdelay $0x7  }
0x11b: {  	v10 =	vld.idx.msk [tilespmem:v0+s16+$0x0], $0xffff  }
0x11c: {  	v0 =	vld [tilespmem:$0x1FC70];
	_ =	sdelay $0x7  }
0x11d: {  	v2 =	vld.idx.msk [tilespmem:v0+s16+$0x0], $0xffff  }
0x11e: {  	v0 =	vld [tilespmem:$0x1FC80];
	_ =	sdelay $0x7  }
0x11f: {  	v7 =	vld.idx.msk [tilespmem:v0+s16+$0x0], $0xffff  }
0x120: {  	v0 =	vld [tilespmem:$0x1FC90];
	_ =	sdelay $0x7  }
0x121: {  	v3 =	vld.idx.msk [tilespmem:v0+s16+$0x0], $0xffff  }
0x122: {  	v0 =	vld [tilespmem:$0x1FCA0];
	_ =	sdelay $0x7  }
0x123: {  	v8 =	vld.idx.msk [tilespmem:v0+s16+$0x0], $0xffff  }
0x124: {  	v0 =	vld [tilespmem:$0x1FCB0];
	_ =	sdelay $0x4  }
0x125: {  	v21 =	vld [tilespmem:$0x1FEC0];
	_ =	sdelay $0x1  }
0x126: {  	s17 =	simm.s32 $0x0  }
0x127: {  	v1 =	vmov s17;
	v4 =	vld.idx.msk [tilespmem:v0+s16+$0x0], $0xffff  }
0x128: {  	v1 =	vshll.u32 v1, $0x5;
	v0 =	vld [tilespmem:$0x1FCC0]  }
0x129: {  	v1 =	vor.u32 v21, v1  }
0x12a: {  	v18 =	vor.u32 v48, v1;
	_ =	sdelay $0x1  }
0x12b: {  	v17 =	vor.u32 v46, v1  }
0x12c: {  	v20 =	vor.u32 v47, v1  }
0x12d: {  	v19 =	vor.u32 v63, v1  }
0x12e: {  	v22 =	vor.u32 v35, v1;
	v18 =	vld.idx.msk [tilespmem:v18+s19+$0x0], $0xffff  }
0x12f: {  	v9 =	vld.idx.msk [tilespmem:v0+s16+$0x0], $0xffff;
	v0 =	vmov v21;
	v21 =	vor.u32 v62, v1  }
0x130: {  	v24 =	vor.u32 v44, v1;
	v17 =	vld.idx.msk [tilespmem:v17+s19+$0x0], $0xffff  }
0x131: {  	v23 =	vor.u32 v45, v1;
	v20 =	vld.idx.msk [tilespmem:v20+s19+$0x0], $0xffff  }
0x132: {  	v26 =	vor.u32 v60, v1;
	v19 =	vld.idx.msk [tilespmem:v19+s19+$0x0], $0xffff  }
0x133: {  	v25 =	vor.u32 v56, v1;
	v22 =	vld.idx.msk [tilespmem:v22+s19+$0x0], $0xffff  }
0x134: {  	v28 =	vor.u32 v43, v1;
	v18 =	vmul.f32 v18, v16;
	v21 =	vld.idx.msk [tilespmem:v21+s19+$0x0], $0xffff  }
0x135: {  	v27 =	vor.u32 v42, v1;
	v30 =	vor.u32 v58, v1;
	v24 =	vld.idx.msk [tilespmem:v24+s19+$0x0], $0xffff;
	v17 =	vmul.f32 v17, v29  }
0x136: {  	v31 =	vor.u32 v59, v1;
	v23 =	vld.idx.msk [tilespmem:v23+s19+$0x0], $0xffff;
	v18 =	vadd.f32 $0.0e+00, v18;
	v20 =	vmul.f32 v20, v15  }
0x137: {  	v32 =	vor.u32 v55, v1;
	v26 =	vld.idx.msk [tilespmem:v26+s19+$0x0], $0xffff;
	v17 =	vadd.f32 $0.0e+00, v17;
	v19 =	vmul.f32 v19, v14  }
0x138: {  	v25 =	vld.idx.msk [tilespmem:v25+s19+$0x0], $0xffff;
	v18 =	vadd.f32 v20, v18;
	v20 =	vmul.f32 v22, v13;
	v1 =	vor.u32 v54, v1  }
0x139: {  	v17 =	vadd.f32 v19, v17;
	v22 =	vld.idx.msk [tilespmem:v28+s19+$0x0], $0xffff;
	v19 =	vmul.f32 v21, v11  }
0x13a: {  	v18 =	vadd.f32 v20, v18;
	v20 =	vmul.f32 v24, v12;
	v21 =	vld.idx.msk [tilespmem:v27+s19+$0x0], $0xffff  }
0x13b: {  	v24 =	vld.idx.msk [tilespmem:v31+s19+$0x0], $0xffff;
	v17 =	vadd.f32 v19, v17;
	v19 =	vmul.f32 v23, v6  }
0x13c: {  	v18 =	vadd.f32 v20, v18;
	v20 =	vmul.f32 v26, v10;
	v23 =	vld.idx.msk [tilespmem:v30+s19+$0x0], $0xffff  }
0x13d: {  	v1 =	vld.idx.msk [tilespmem:v1+s19+$0x0], $0xffff;
	v17 =	vadd.f32 v19, v17;
	v19 =	vmul.f32 v25, v5  }
0x13e: {  	v18 =	vadd.f32 v20, v18;
	v20 =	vmul.f32 v22, v7;
	v25 =	vld.idx.msk [tilespmem:v32+s19+$0x0], $0xffff  }
0x13f: {  	v17 =	vadd.f32 v19, v17;
	v19 =	vmul.f32 v21, v2  }
0x140: {  	v18 =	vadd.f32 v20, v18;
	v20 =	vmul.f32 v24, v8  }
0x141: {  	v17 =	vadd.f32 v19, v17;
	v19 =	vmul.f32 v23, v3  }
0x142: {  	v18 =	vadd.f32 v20, v18  }
0x143: {  	v1 =	vmul.f32 v1, v4;
	v17 =	vadd.f32 v19, v17;
	v19 =	vmul.f32 v25, v9;
	_ =	sdelay $0x1  }
0x144: {  	v1 =	vadd.f32 v1, v17;
	v17 =	vadd.f32 v19, v18;
	_ =	sdelay $0x1  }
0x145: {  	v1 =	vadd.f32 v17, v1;
	_ =	sdelay $0x1  }
0x146: {  	v1 =	vmul.f32 $1.442695020e+00, v1;
	_ =	sdelay $0x1  }
0x147: {  	(erf) = vpow2.f32 v1;
	_ =	sdelay $0x1  }
0x148: {  	s7 =	smov.u32 s31;
	s31 =	simm.s32 $0x1  }
0x149: {  	v1 =	vmov s31  }
0x14a: {  	v1 =	vshll.u32 v1, $0x5  }
0x14b: {  	v25 =	vor.u32 v0, v1  }
0x14c: {  	v1 =	vor.u32 v46, v25  }
0x14d: {  	v17 =	vor.u32 v48, v25  }
0x14e: {  	v18 =	vor.u32 v63, v25  }
0x14f: {  	s17 =	simm.s32 $0x11810;
	v19 =	vor.u32 v47, v25;
	v37 =	vpop (erf)  }
0x150: {  	s15 =	simm.s32 $0x2;
	v20 =	vor.u32 v35, v25;
	[tilespmem:s17+$0xFFFFFFF0] =	vst v37  }
0x151: {  	s10 =	simm.s32 $0x4;
	v21 =	vmov s15;
	v23 =	vor.u32 v62, v25;
	v22 =	vld.idx.msk [tilespmem:v1+s19+$0x0], $0xffff  }
0x152: {  	v24 =	vmov s10;
	v1 =	vshll.u32 v21, $0x5;
	v26 =	vld.idx.msk [tilespmem:v17+s19+$0x0], $0xffff;
	v21 =	vor.u32 v44, v25  }
0x153: {  	v28 =	vshll.u32 v24, $0x5;
	v27 =	vor.u32 v45, v25;
	v31 =	vld.idx.msk [tilespmem:v18+s19+$0x0], $0xffff  }
0x154: {  	v36 =	vimm.f32 $0.0e+00;
	v50 =	vmovc v43;
	v49 =	vmovc v42;
	v38 =	vor.u32 v0, v28;
	v30 =	vor.u32 v60, v25;
	v61 =	vld.idx.msk [tilespmem:v19+s19+$0x0], $0xffff  }
0x155: {  	v33 =	vor.u32 v56, v25;
	v24 =	vor.u32 v42, v25;
	v42 =	vor.u32 v48, v38;
	v20 =	vld.idx.msk [tilespmem:v20+s19+$0x0], $0xffff  }
0x156: {  	v17 =	vor.u32 v55, v25;
	v19 =	vld.idx.msk [tilespmem:v23+s19+$0x0], $0xffff;
	v23 =	vor.u32 v43, v25;
	v18 =	vor.u32 v58, v25  }
0x157: {  	v43 =	vor.u32 v46, v38;
	v39 =	vor.u32 v0, v1;
	v1 =	vor.u32 v54, v25;
	v21 =	vld.idx.msk [tilespmem:v21+s19+$0x0], $0xffff  }
0x158: {  	v41 =	vor.u32 v46, v39;
	v34 =	vmul.f32 v22, v29;
	v26 =	vmul.f32 v26, v16;
	v22 =	vld.idx.msk [tilespmem:v27+s19+$0x0], $0xffff  }
0x159: {  	v40 =	vor.u32 v48, v39;
	v27 =	vor.u32 v59, v25;
	v25 =	vld.idx.msk [tilespmem:v30+s19+$0x0], $0xffff;
	v31 =	vmul.f32 v31, v14  }
0x15a: {  	s30 =	simm.s32 $0x6;
	s12 =	simm.s32 $0x11830;
	s11 =	simm.s32 $0x11830;
	v32 =	vmul.f32 v61, v15;
	v28 =	vadd.f32 $0.0e+00, v34;
	v30 =	vadd.f32 $0.0e+00, v26;
	v26 =	vld.idx.msk [tilespmem:v33+s19+$0x0], $0xffff  }
.LBB2_3:
0x15b: {  	p2 =	slt.u32 s30, $0x1E  }
0x15c: {  	s11 =	sadd.s32 $0x20, s11;
	v20 =	vmul.f32 v20, v13;
	v23 =	vld.idx.msk [tilespmem:v23+s19+$0x0], $0xffff;
	s31 =	smov.u32 s30;
	s30 =	sadd.s32 $0x2, s30  }
0x15d: {  	v19 =	vmul.f32 v19, v11;
	v28 =	vadd.f32 v31, v28;
	v30 =	vadd.f32 v32, v30;
	v24 =	vld.idx.msk [tilespmem:v24+s19+$0x0], $0xffff  }
0x15e: {  	v21 =	vmul.f32 v21, v12;
	v27 =	vld.idx.msk [tilespmem:v27+s19+$0x0], $0xffff  }
0x15f: {  	v22 =	vmul.f32 v22, v6;
	v19 =	vadd.f32 v19, v28;
	v20 =	vadd.f32 v20, v30;
	v18 =	vld.idx.msk [tilespmem:v18+s19+$0x0], $0xffff  }
0x160: {  	v25 =	vmul.f32 v25, v10;
	v17 =	vld.idx.msk [tilespmem:v17+s19+$0x0], $0xffff  }
0x161: {  	v19 =	vadd.f32 v22, v19;
	v20 =	vadd.f32 v21, v20;
	v21 =	vmul.f32 v26, v5;
	v1 =	vld.idx.msk [tilespmem:v1+s19+$0x0], $0xffff  }
0x162: {  	v22 =	vmul.f32 v23, v7  }
0x163: {  	v19 =	vadd.f32 v21, v19;
	v20 =	vadd.f32 v25, v20;
	v21 =	vmul.f32 v24, v2  }
0x164: {  	v23 =	vmul.f32 v27, v8  }
0x165: {  	v18 =	vmul.f32 v18, v3;
	v19 =	vadd.f32 v21, v19;
	v20 =	vadd.f32 v22, v20  }
0x166: {  	v17 =	vmul.f32 v17, v9  }
0x167: {  	v1 =	vmul.f32 v1, v4;
	v18 =	vadd.f32 v18, v19;
	v19 =	vadd.f32 v23, v20;
	_ =	sdelay $0x1  }
0x168: {  	v1 =	vadd.f32 v1, v18;
	v17 =	vadd.f32 v17, v19;
	_ =	sdelay $0x1  }
0x169: {  	v1 =	vadd.f32 v17, v1;
	_ =	sdelay $0x1  }
0x16a: {  	v1 =	vmul.f32 $1.442695020e+00, v1;
	_ =	sdelay $0x1  }
0x16b: {  	(erf) = vpow2.f32 v1;
	_ =	sdelay $0x7  }
0x16c: {  	v17 =	vadd.f32 v37, v36;
	v1 =	vor.u32 v63, v39  }
0x16d: {  	v18 =	vor.u32 v47, v39;
	v19 =	vpop (erf)  }
0x16e: {  	v20 =	vor.u32 v62, v39;
	[tilespmem:s17+$0x0] =	vst v19;
	v36 =	vadd.f32 v19, v17;
	s17 =	smov.u32 s12;
	s12 =	smov.u32 s11  }
0x16f: {  	v19 =	vor.u32 v35, v39;
	v17 =	vld.idx.msk [tilespmem:v41+s19+$0x0], $0xffff;
	v41 =	vmov v43  }
0x170: {  	v22 =	vor.u32 v45, v39;
	v21 =	vld.idx.msk [tilespmem:v40+s19+$0x0], $0xffff;
	v40 =	vmov v42  }
0x171: {  	v23 =	vor.u32 v44, v39;
	v1 =	vld.idx.msk [tilespmem:v1+s19+$0x0], $0xffff  }
0x172: {  	v24 =	vor.u32 v56, v39;
	v18 =	vld.idx.msk [tilespmem:v18+s19+$0x0], $0xffff  }
0x173: {  	v25 =	vor.u32 v60, v39;
	v20 =	vld.idx.msk [tilespmem:v20+s19+$0x0], $0xffff  }
0x174: {  	v26 =	vor.u32 v49, v39;
	v19 =	vld.idx.msk [tilespmem:v19+s19+$0x0], $0xffff  }
0x175: {  	v27 =	vor.u32 v50, v39;
	v17 =	vmul.f32 v17, v29;
	v22 =	vld.idx.msk [tilespmem:v22+s19+$0x0], $0xffff  }
0x176: {  	v28 =	vor.u32 v58, v39;
	v21 =	vmul.f32 v21, v16;
	v23 =	vld.idx.msk [tilespmem:v23+s19+$0x0], $0xffff  }
0x177: {  	v30 =	vor.u32 v59, v39;
	v17 =	vadd.f32 $0.0e+00, v17;
	v1 =	vmul.f32 v1, v14;
	v24 =	vld.idx.msk [tilespmem:v24+s19+$0x0], $0xffff  }
0x178: {  	v31 =	vor.u32 v55, v39;
	v21 =	vadd.f32 $0.0e+00, v21;
	v18 =	vmul.f32 v18, v15;
	v25 =	vld.idx.msk [tilespmem:v25+s19+$0x0], $0xffff  }
0x179: {  	v1 =	vadd.f32 v1, v17;
	v17 =	vmul.f32 v20, v11;
	v20 =	vld.idx.msk [tilespmem:v26+s19+$0x0], $0xffff;
	v26 =	vor.u32 v54, v39  }
0x17a: {  	v18 =	vadd.f32 v18, v21;
	v19 =	vmul.f32 v19, v13;
	v39 =	vmov v38;
	v21 =	vld.idx.msk [tilespmem:v27+s19+$0x0], $0xffff  }
0x17b: {  	v1 =	vadd.f32 v17, v1;
	v17 =	vmul.f32 v22, v6;
	v22 =	vld.idx.msk [tilespmem:v28+s19+$0x0], $0xffff  }
0x17c: {  	v18 =	vadd.f32 v19, v18;
	v19 =	vmul.f32 v23, v12;
	v23 =	vld.idx.msk [tilespmem:v30+s19+$0x0], $0xffff  }
0x17d: {  	v1 =	vadd.f32 v17, v1;
	v17 =	vmul.f32 v24, v5;
	v24 =	vld.idx.msk [tilespmem:v31+s19+$0x0], $0xffff  }
0x17e: {  	v18 =	vadd.f32 v19, v18;
	v19 =	vmul.f32 v25, v10;
	v25 =	vld.idx.msk [tilespmem:v26+s19+$0x0], $0xffff  }
0x17f: {  	v1 =	vadd.f32 v17, v1;
	v17 =	vmul.f32 v20, v2  }
0x180: {  	v18 =	vadd.f32 v19, v18;
	v19 =	vmul.f32 v21, v7  }
0x181: {  	v1 =	vadd.f32 v17, v1;
	v17 =	vmul.f32 v22, v3  }
0x182: {  	v18 =	vadd.f32 v19, v18;
	v19 =	vmul.f32 v23, v8  }
0x183: {  	v1 =	vadd.f32 v17, v1  }
0x184: {  	v17 =	vadd.f32 v19, v18;
	v18 =	vmul.f32 v25, v4;
	v19 =	vmul.f32 v24, v9;
	_ =	sdelay $0x1  }
0x185: {  	v1 =	vadd.f32 v18, v1;
	v17 =	vadd.f32 v19, v17;
	_ =	sdelay $0x1  }
0x186: {  	v1 =	vadd.f32 v17, v1;
	_ =	sdelay $0x1  }
0x187: {  	v1 =	vmul.f32 $1.442695020e+00, v1;
	_ =	sdelay $0x1  }
0x188: {  	(erf) = vpow2.f32 v1;
	_ =	sdelay $0x1  }
0x189: {  	s0 =	sadd.s32 $0x1, s15;
	s15 =	smov.u32 s10;
	s10 =	smov.u32 s31  }
0x18a: {  	v1 =	vmov s0  }
0x18b: {  	v1 =	vshll.u32 v1, $0x5  }
0x18c: {  	v25 =	vor.u32 v0, v1  }
0x18d: {  	v17 =	vor.u32 v46, v25;
	v18 =	vor.u32 v48, v25;
	v1 =	vor.u32 v54, v25;
	_ =	sdelay $0x1  }
0x18e: {  	v19 =	vor.u32 v63, v25  }
0x18f: {  	v20 =	vor.u32 v47, v25;
	v37 =	vpop (erf)  }
0x190: {  	v21 =	vor.u32 v35, v25;
	[tilespmem:s17+$0xFFFFFFF0] =	vst v37  }
0x191: {  	v23 =	vor.u32 v62, v25;
	v22 =	vld.idx.msk [tilespmem:v17+s19+$0x0], $0xffff  }
0x192: {  	v24 =	vor.u32 v44, v25;
	v26 =	vld.idx.msk [tilespmem:v18+s19+$0x0], $0xffff  }
0x193: {  	v27 =	vor.u32 v45, v25;
	v31 =	vld.idx.msk [tilespmem:v19+s19+$0x0], $0xffff  }
0x194: {  	v30 =	vor.u32 v60, v25;
	v32 =	vld.idx.msk [tilespmem:v20+s19+$0x0], $0xffff  }
0x195: {  	v33 =	vor.u32 v56, v25;
	v17 =	vor.u32 v55, v25;
	v20 =	vld.idx.msk [tilespmem:v21+s19+$0x0], $0xffff  }
.Ltmp4:
0x196: {  	v18 =	vor.u32 v58, v25;
	v21 =	vmov s10;
	v19 =	vld.idx.msk [tilespmem:v23+s19+$0x0], $0xffff;
	v23 =	vor.u32 v50, v25;
	(pc) =	sbr.rel @p2 .LBB2_3-.Ltmp4, $4  }
0x197: {  	v28 =	vshll.u32 v21, $0x5;
	v34 =	vmul.f32 v22, v29;
	v21 =	vld.idx.msk [tilespmem:v24+s19+$0x0], $0xffff;
	v24 =	vor.u32 v49, v25  }
0x198: {  	v38 =	vor.u32 v0, v28;
	v26 =	vmul.f32 v26, v16;
	v22 =	vld.idx.msk [tilespmem:v27+s19+$0x0], $0xffff;
	v27 =	vor.u32 v59, v25  }
0x199: {  	v43 =	vor.u32 v46, v38;
	v42 =	vor.u32 v48, v38;
	v28 =	vadd.f32 $0.0e+00, v34;
	v25 =	vld.idx.msk [tilespmem:v30+s19+$0x0], $0xffff  }
0x19a: {  	v31 =	vmul.f32 v31, v14;
	v30 =	vadd.f32 $0.0e+00, v26;
	v32 =	vmul.f32 v32, v15;
	v26 =	vld.idx.msk [tilespmem:v33+s19+$0x0], $0xffff  }
0x19b: {  	_ =	sdelay $0x2  }
0x19c: {  	v20 =	vmul.f32 v20, v13  }
0x19d: {  	v23 =	vld.idx.msk [tilespmem:v23+s19+$0x0], $0xffff;
	v19 =	vmul.f32 v19, v11;
	v28 =	vadd.f32 v31, v28;
	v30 =	vadd.f32 v32, v30  }
0x19e: {  	v24 =	vld.idx.msk [tilespmem:v24+s19+$0x0], $0xffff;
	v21 =	vmul.f32 v21, v12  }
0x19f: {  	v27 =	vld.idx.msk [tilespmem:v27+s19+$0x0], $0xffff;
	v22 =	vmul.f32 v22, v6;
	v19 =	vadd.f32 v19, v28;
	v20 =	vadd.f32 v20, v30  }
0x1a0: {  	v18 =	vld.idx.msk [tilespmem:v18+s19+$0x0], $0xffff;
	v25 =	vmul.f32 v25, v10  }
0x1a1: {  	v17 =	vld.idx.msk [tilespmem:v17+s19+$0x0], $0xffff;
	v19 =	vadd.f32 v22, v19;
	v20 =	vadd.f32 v21, v20;
	v21 =	vmul.f32 v26, v5  }
0x1a2: {  	v1 =	vld.idx.msk [tilespmem:v1+s19+$0x0], $0xffff;
	v22 =	vmul.f32 v23, v7  }
0x1a3: {  	v19 =	vadd.f32 v21, v19;
	v20 =	vadd.f32 v25, v20;
	v21 =	vmul.f32 v24, v2  }
0x1a4: {  	v23 =	vmul.f32 v27, v8  }
0x1a5: {  	v18 =	vmul.f32 v18, v3;
	v19 =	vadd.f32 v21, v19;
	v20 =	vadd.f32 v22, v20  }
0x1a6: {  	v17 =	vmul.f32 v17, v9  }
0x1a7: {  	v1 =	vmul.f32 v1, v4;
	v18 =	vadd.f32 v18, v19;
	v19 =	vadd.f32 v23, v20;
	_ =	sdelay $0x1  }
0x1a8: {  	v1 =	vadd.f32 v1, v18;
	v17 =	vadd.f32 v17, v19;
	_ =	sdelay $0x1  }
0x1a9: {  	v1 =	vadd.f32 v17, v1;
	_ =	sdelay $0x1  }
0x1aa: {  	v1 =	vmul.f32 $1.442695020e+00, v1;
	_ =	sdelay $0x1  }
0x1ab: {  	(erf) = vpow2.f32 v1;
	_ =	sdelay $0x7  }
0x1ac: {  	v1 =	vor.u32 v63, v39  }
0x1ad: {  	v17 =	vor.u32 v47, v39;
	v53 =	vpop (erf)  }
0x1ae: {  	v18 =	vor.u32 v62, v39;
	[tilespmem:s17+$0x0] =	vst v53  }
0x1af: {  	v20 =	vor.u32 v35, v39;
	v19 =	vld.idx.msk [tilespmem:v41+s19+$0x0], $0xffff  }
0x1b0: {  	v0 =	vmov v44;
	v22 =	vor.u32 v45, v39;
	v21 =	vld.idx.msk [tilespmem:v40+s19+$0x0], $0xffff  }
0x1b1: {  	v23 =	vor.u32 v0, v39;
	v1 =	vld.idx.msk [tilespmem:v1+s19+$0x0], $0xffff  }
0x1b2: {  	v24 =	vor.u32 v56, v39;
	v17 =	vld.idx.msk [tilespmem:v17+s19+$0x0], $0xffff  }
0x1b3: {  	v25 =	vor.u32 v60, v39;
	v18 =	vld.idx.msk [tilespmem:v18+s19+$0x0], $0xffff  }
0x1b4: {  	v26 =	vor.u32 v49, v39;
	v20 =	vld.idx.msk [tilespmem:v20+s19+$0x0], $0xffff;
	v19 =	vmul.f32 v19, v29  }
0x1b5: {  	v27 =	vor.u32 v50, v39;
	v22 =	vld.idx.msk [tilespmem:v22+s19+$0x0], $0xffff;
	v21 =	vmul.f32 v21, v16  }
0x1b6: {  	v28 =	vor.u32 v58, v39;
	v23 =	vld.idx.msk [tilespmem:v23+s19+$0x0], $0xffff;
	v1 =	vmul.f32 v1, v14;
	v19 =	vadd.f32 $0.0e+00, v19  }
0x1b7: {  	v30 =	vor.u32 v59, v39;
	v24 =	vld.idx.msk [tilespmem:v24+s19+$0x0], $0xffff;
	v17 =	vmul.f32 v17, v15;
	v21 =	vadd.f32 $0.0e+00, v21  }
0x1b8: {  	v31 =	vor.u32 v55, v39;
	v25 =	vld.idx.msk [tilespmem:v25+s19+$0x0], $0xffff;
	v18 =	vmul.f32 v18, v11;
	v1 =	vadd.f32 v1, v19  }
0x1b9: {  	v20 =	vmul.f32 v20, v13;
	v19 =	vld.idx.msk [tilespmem:v26+s19+$0x0], $0xffff;
	v26 =	vor.u32 v54, v39;
	v17 =	vadd.f32 v17, v21  }
0x1ba: {  	v21 =	vld.idx.msk [tilespmem:v27+s19+$0x0], $0xffff;
	v1 =	vadd.f32 v18, v1;
	v18 =	vmul.f32 v22, v6  }
0x1bb: {  	v22 =	vld.idx.msk [tilespmem:v28+s19+$0x0], $0xffff;
	v17 =	vadd.f32 v20, v17;
	v20 =	vmul.f32 v23, v12  }
0x1bc: {  	v23 =	vld.idx.msk [tilespmem:v30+s19+$0x0], $0xffff;
	v1 =	vadd.f32 v18, v1;
	v18 =	vmul.f32 v24, v5  }
0x1bd: {  	v24 =	vld.idx.msk [tilespmem:v31+s19+$0x0], $0xffff;
	v17 =	vadd.f32 v20, v17;
	v20 =	vmul.f32 v25, v10  }
0x1be: {  	v25 =	vld.idx.msk [tilespmem:v26+s19+$0x0], $0xffff;
	v1 =	vadd.f32 v18, v1;
	v18 =	vmul.f32 v19, v2  }
0x1bf: {  	v17 =	vadd.f32 v20, v17;
	v19 =	vmul.f32 v21, v7  }
0x1c0: {  	v1 =	vadd.f32 v18, v1;
	v18 =	vmul.f32 v22, v3  }
0x1c1: {  	v17 =	vadd.f32 v19, v17;
	v19 =	vmul.f32 v23, v8  }
0x1c2: {  	v1 =	vadd.f32 v18, v1  }
0x1c3: {  	v17 =	vadd.f32 v19, v17;
	v18 =	vmul.f32 v25, v4;
	v19 =	vmul.f32 v24, v9;
	_ =	sdelay $0x1  }
0x1c4: {  	v1 =	vadd.f32 v18, v1;
	v17 =	vadd.f32 v19, v17;
	_ =	sdelay $0x1  }
0x1c5: {  	v1 =	vadd.f32 v17, v1;
	_ =	sdelay $0x1  }
0x1c6: {  	v1 =	vmul.f32 $1.442695020e+00, v1;
	_ =	sdelay $0x1  }
0x1c7: {  	v17 =	vld [tilespmem:$0x1FEC0];
	(erf) = vpow2.f32 v1;
	_ =	sdelay $0x1  }
0x1c8: {  	s0 =	sadd.s32 $0x1, s15  }
0x1c9: {  	v1 =	vmov s0  }
0x1ca: {  	v1 =	vshll.u32 v1, $0x5  }
0x1cb: {  	v1 =	vor.u32 v17, v1  }
0x1cc: {  	v17 =	vor.u32 v46, v1  }
0x1cd: {  	v18 =	vor.u32 v48, v1  }
0x1ce: {  	v19 =	vor.u32 v63, v1  }
0x1cf: {  	v20 =	vor.u32 v47, v1;
	v61 =	vpop (erf)  }
0x1d0: {  	v21 =	vor.u32 v35, v1;
	[tilespmem:s12+$0xFFFFFFF0] =	vst v61  }
0x1d1: {  	v22 =	vor.u32 v62, v1;
	v17 =	vld.idx.msk [tilespmem:v17+s19+$0x0], $0xffff  }
0x1d2: {  	v23 =	vor.u32 v0, v1;
	v18 =	vld.idx.msk [tilespmem:v18+s19+$0x0], $0xffff  }
0x1d3: {  	v24 =	vor.u32 v45, v1;
	v19 =	vld.idx.msk [tilespmem:v19+s19+$0x0], $0xffff  }
0x1d4: {  	v25 =	vor.u32 v60, v1;
	v20 =	vld.idx.msk [tilespmem:v20+s19+$0x0], $0xffff  }
0x1d5: {  	v26 =	vor.u32 v56, v1;
	v21 =	vld.idx.msk [tilespmem:v21+s19+$0x0], $0xffff  }
0x1d6: {  	v27 =	vor.u32 v50, v1;
	v22 =	vld.idx.msk [tilespmem:v22+s19+$0x0], $0xffff  }
0x1d7: {  	v28 =	vor.u32 v49, v1;
	v23 =	vld.idx.msk [tilespmem:v23+s19+$0x0], $0xffff;
	v17 =	vmul.f32 v17, v29;
	v18 =	vmul.f32 v18, v16  }
0x1d8: {  	v30 =	vor.u32 v58, v1;
	v31 =	vor.u32 v59, v1;
	v24 =	vld.idx.msk [tilespmem:v24+s19+$0x0], $0xffff;
	v19 =	vmul.f32 v19, v14  }
0x1d9: {  	v25 =	vld.idx.msk [tilespmem:v25+s19+$0x0], $0xffff;
	v20 =	vmul.f32 v20, v15;
	v17 =	vadd.f32 $0.0e+00, v17;
	v18 =	vadd.f32 $0.0e+00, v18  }
0x1da: {  	v41 =	vor.u32 v54, v1;
	v1 =	vor.u32 v55, v1;
	v26 =	vld.idx.msk [tilespmem:v26+s19+$0x0], $0xffff;
	v21 =	vmul.f32 v21, v13  }
0x1db: {  	v27 =	vld.idx.msk [tilespmem:v27+s19+$0x0], $0xffff;
	v17 =	vadd.f32 v19, v17;
	v18 =	vadd.f32 v20, v18;
	v19 =	vmul.f32 v22, v11  }
0x1dc: {  	v20 =	vld.idx.msk [tilespmem:v28+s19+$0x0], $0xffff;
	v22 =	vmul.f32 v23, v12  }
0x1dd: {  	v23 =	vld.idx.msk [tilespmem:v31+s19+$0x0], $0xffff;
	v17 =	vadd.f32 v19, v17;
	v18 =	vadd.f32 v21, v18;
	v19 =	vmul.f32 v24, v6  }
0x1de: {  	v21 =	vld.idx.msk [tilespmem:v30+s19+$0x0], $0xffff;
	v24 =	vmul.f32 v25, v10  }
0x1df: {  	v1 =	vld.idx.msk [tilespmem:v1+s19+$0x0], $0xffff;
	v17 =	vadd.f32 v19, v17;
	v18 =	vadd.f32 v22, v18;
	v19 =	vmul.f32 v26, v5  }
0x1e0: {  	v25 =	vmul.f32 v27, v7;
	v22 =	vld.idx.msk [tilespmem:v41+s19+$0x0], $0xffff  }
0x1e1: {  	v17 =	vadd.f32 v19, v17;
	v18 =	vadd.f32 v24, v18;
	v19 =	vmul.f32 v20, v2  }
0x1e2: {  	v20 =	vmul.f32 v23, v8  }
0x1e3: {  	v17 =	vadd.f32 v19, v17;
	v18 =	vadd.f32 v25, v18;
	v19 =	vmul.f32 v21, v3  }
0x1e4: {  	v1 =	vmul.f32 v1, v9  }
0x1e5: {  	v17 =	vadd.f32 v19, v17;
	v18 =	vadd.f32 v20, v18;
	v19 =	vmul.f32 v22, v4;
	_ =	sdelay $0x1  }
0x1e6: {  	v17 =	vadd.f32 v19, v17;
	v1 =	vadd.f32 v1, v18;
	_ =	sdelay $0x1  }
0x1e7: {  	v1 =	vadd.f32 v1, v17;
	_ =	sdelay $0x1  }
0x1e8: {  	v1 =	vmul.f32 $1.442695020e+00, v1;
	_ =	sdelay $0x1  }
0x1e9: {  	(erf) = vpow2.f32 v1;
	_ =	sdelay $0x7  }
0x1ea: {  	v17 =	vor.u32 v63, v38  }
0x1eb: {  	v18 =	vor.u32 v47, v38;
	v1 =	vpop (erf)  }
0x1ec: {  	v19 =	vor.u32 v62, v38;
	[tilespmem:s12+$0x0] =	vst v1  }
0x1ed: {  	v21 =	vor.u32 v35, v38;
	v20 =	vld.idx.msk [tilespmem:v43+s19+$0x0], $0xffff  }
0x1ee: {  	v23 =	vor.u32 v45, v38;
	v22 =	vld.idx.msk [tilespmem:v42+s19+$0x0], $0xffff  }
0x1ef: {  	v24 =	vor.u32 v0, v38;
	v17 =	vld.idx.msk [tilespmem:v17+s19+$0x0], $0xffff  }
0x1f0: {  	v25 =	vor.u32 v56, v38;
	v18 =	vld.idx.msk [tilespmem:v18+s19+$0x0], $0xffff  }
0x1f1: {  	v26 =	vor.u32 v60, v38;
	v19 =	vld.idx.msk [tilespmem:v19+s19+$0x0], $0xffff  }
0x1f2: {  	v27 =	vor.u32 v49, v38;
	v21 =	vld.idx.msk [tilespmem:v21+s19+$0x0], $0xffff;
	v20 =	vmul.f32 v20, v29  }
0x1f3: {  	v28 =	vor.u32 v50, v38;
	v23 =	vld.idx.msk [tilespmem:v23+s19+$0x0], $0xffff;
	v22 =	vmul.f32 v22, v16  }
0x1f4: {  	v30 =	vor.u32 v58, v38;
	v24 =	vld.idx.msk [tilespmem:v24+s19+$0x0], $0xffff;
	v17 =	vmul.f32 v17, v14;
	v20 =	vadd.f32 $0.0e+00, v20  }
0x1f5: {  	v31 =	vor.u32 v59, v38;
	v25 =	vld.idx.msk [tilespmem:v25+s19+$0x0], $0xffff;
	v18 =	vmul.f32 v18, v15;
	v22 =	vadd.f32 $0.0e+00, v22  }
0x1f6: {  	v26 =	vld.idx.msk [tilespmem:v26+s19+$0x0], $0xffff;
	v43 =	vor.u32 v55, v38;
	v19 =	vmul.f32 v19, v11;
	v17 =	vadd.f32 v17, v20  }
0x1f7: {  	v21 =	vmul.f32 v21, v13;
	v20 =	vld.idx.msk [tilespmem:v27+s19+$0x0], $0xffff;
	v27 =	vor.u32 v54, v38;
	v18 =	vadd.f32 v18, v22  }
0x1f8: {  	v22 =	vld.idx.msk [tilespmem:v28+s19+$0x0], $0xffff;
	v17 =	vadd.f32 v19, v17;
	v19 =	vmul.f32 v23, v6  }
0x1f9: {  	v23 =	vld.idx.msk [tilespmem:v30+s19+$0x0], $0xffff;
	v18 =	vadd.f32 v21, v18;
	v21 =	vmul.f32 v24, v12  }
0x1fa: {  	v24 =	vld.idx.msk [tilespmem:v31+s19+$0x0], $0xffff;
	v17 =	vadd.f32 v19, v17;
	v19 =	vmul.f32 v25, v5  }
0x1fb: {  	v25 =	vld.idx.msk [tilespmem:v43+s19+$0x0], $0xffff;
	v18 =	vadd.f32 v21, v18;
	v21 =	vmul.f32 v26, v10  }
0x1fc: {  	v26 =	vld.idx.msk [tilespmem:v27+s19+$0x0], $0xffff;
	v17 =	vadd.f32 v19, v17;
	v19 =	vmul.f32 v20, v2  }
0x1fd: {  	v18 =	vadd.f32 v21, v18;
	v20 =	vmul.f32 v22, v7  }
0x1fe: {  	v17 =	vadd.f32 v19, v17;
	v19 =	vmul.f32 v23, v3  }
0x1ff: {  	v18 =	vadd.f32 v20, v18;
	v20 =	vmul.f32 v24, v8  }
0x200: {  	v17 =	vadd.f32 v19, v17  }
0x201: {  	v18 =	vadd.f32 v20, v18;
	v19 =	vmul.f32 v26, v4;
	v20 =	vmul.f32 v25, v9;
	_ =	sdelay $0x1  }
0x202: {  	v17 =	vadd.f32 v19, v17;
	v18 =	vadd.f32 v20, v18;
	_ =	sdelay $0x1  }
0x203: {  	v17 =	vadd.f32 v18, v17;
	_ =	sdelay $0x1  }
0x204: {  	v17 =	vmul.f32 $1.442695020e+00, v17;
	_ =	sdelay $0x1  }
0x205: {  	v18 =	vld [tilespmem:$0x1FEC0];
	(erf) = vpow2.f32 v17;
	_ =	sdelay $0x1  }
0x206: {  	s15 =	sadd.s32 $0x1, s10  }
0x207: {  	v17 =	vmov s15  }
0x208: {  	v17 =	vshll.u32 v17, $0x5  }
0x209: {  	v17 =	vor.u32 v18, v17  }
0x20a: {  	v18 =	vor.u32 v46, v17  }
0x20b: {  	v19 =	vor.u32 v48, v17  }
0x20c: {  	v20 =	vor.u32 v63, v17  }
0x20d: {  	s17 =	sadd.s32 $0x20, s11;
	v21 =	vor.u32 v47, v17;
	v22 =	vpop (erf)  }
0x20e: {  	v23 =	vor.u32 v35, v17;
	[tilespmem:s17+$0xFFFFFFF0] =	vst v22  }
0x20f: {  	v24 =	vor.u32 v62, v17;
	v18 =	vld.idx.msk [tilespmem:v18+s19+$0x0], $0xffff  }
0x210: {  	v25 =	vor.u32 v0, v17;
	v19 =	vld.idx.msk [tilespmem:v19+s19+$0x0], $0xffff  }
0x211: {  	v26 =	vor.u32 v45, v17;
	v20 =	vld.idx.msk [tilespmem:v20+s19+$0x0], $0xffff  }
0x212: {  	v27 =	vor.u32 v60, v17;
	v21 =	vld.idx.msk [tilespmem:v21+s19+$0x0], $0xffff  }
0x213: {  	v28 =	vor.u32 v56, v17;
	v23 =	vld.idx.msk [tilespmem:v23+s19+$0x0], $0xffff  }
0x214: {  	v30 =	vor.u32 v50, v17;
	v24 =	vld.idx.msk [tilespmem:v24+s19+$0x0], $0xffff  }
0x215: {  	v25 =	vld.idx.msk [tilespmem:v25+s19+$0x0], $0xffff;
	v18 =	vmul.f32 v18, v29;
	v29 =	vor.u32 v49, v17;
	v16 =	vmul.f32 v19, v16  }
0x216: {  	v31 =	vor.u32 v59, v17;
	v26 =	vld.idx.msk [tilespmem:v26+s19+$0x0], $0xffff;
	v19 =	vor.u32 v58, v17;
	v14 =	vmul.f32 v20, v14  }
0x217: {  	v27 =	vld.idx.msk [tilespmem:v27+s19+$0x0], $0xffff;
	v15 =	vmul.f32 v21, v15;
	v18 =	vadd.f32 $0.0e+00, v18;
	v16 =	vadd.f32 $0.0e+00, v16  }
0x218: {  	v20 =	vor.u32 v54, v17;
	v17 =	vor.u32 v55, v17;
	v21 =	vld.idx.msk [tilespmem:v28+s19+$0x0], $0xffff;
	v13 =	vmul.f32 v23, v13  }
0x219: {  	v23 =	vld.idx.msk [tilespmem:v30+s19+$0x0], $0xffff;
	v11 =	vmul.f32 v24, v11;
	v14 =	vadd.f32 v14, v18;
	v15 =	vadd.f32 v15, v16  }
0x21a: {  	v12 =	vmul.f32 v25, v12;
	v16 =	vld.idx.msk [tilespmem:v29+s19+$0x0], $0xffff  }
0x21b: {  	v6 =	vmul.f32 v26, v6;
	v18 =	vld.idx.msk [tilespmem:v31+s19+$0x0], $0xffff;
	v11 =	vadd.f32 v11, v14;
	v13 =	vadd.f32 v13, v15  }
0x21c: {  	v10 =	vmul.f32 v27, v10;
	v14 =	vld.idx.msk [tilespmem:v19+s19+$0x0], $0xffff  }
0x21d: {  	v5 =	vmul.f32 v21, v5;
	v15 =	vld.idx.msk [tilespmem:v17+s19+$0x0], $0xffff;
	v6 =	vadd.f32 v6, v11;
	v11 =	vadd.f32 v12, v13  }
0x21e: {  	v7 =	vmul.f32 v23, v7;
	v12 =	vld.idx.msk [tilespmem:v20+s19+$0x0], $0xffff  }
0x21f: {  	v5 =	vadd.f32 v5, v6;
	v6 =	vadd.f32 v10, v11;
	v2 =	vmul.f32 v16, v2  }
0x220: {  	v8 =	vmul.f32 v18, v8  }
0x221: {  	v3 =	vmul.f32 v14, v3;
	v2 =	vadd.f32 v2, v5;
	v5 =	vadd.f32 v7, v6  }
0x222: {  	v6 =	vmul.f32 v15, v9  }
0x223: {  	v4 =	vmul.f32 v12, v4;
	v2 =	vadd.f32 v3, v2;
	v3 =	vadd.f32 v8, v5;
	_ =	sdelay $0x1  }
0x224: {  	v2 =	vadd.f32 v4, v2;
	v3 =	vadd.f32 v6, v3;
	_ =	sdelay $0x1  }
0x225: {  	v2 =	vadd.f32 v3, v2;
	_ =	sdelay $0x1  }
0x226: {  	v2 =	vmul.f32 $1.442695020e+00, v2;
	_ =	sdelay $0x1  }
0x227: {  	v3 =	vadd.f32 v37, v36;
	(erf) = vpow2.f32 v2;
	_ =	sdelay $0x1  }
0x228: {  	v0 =	vld [tilespmem:$0x1FEC0];
	v2 =	vadd.f32 v53, v3  }
0x229: {  	v24 =	vld [tilespmem:$0x1FDA0]  }
0x22a: {  	v23 =	vld [tilespmem:$0x1FD70];
	v2 =	vadd.f32 v61, v2  }
0x22b: {  	v21 =	vld [tilespmem:$0x1FD80]  }
0x22c: {  	v17 =	vld [tilespmem:$0x1FD30];
	v1 =	vadd.f32 v1, v2  }
0x22d: {  	v13 =	vld [tilespmem:$0x1FD10]  }
0x22e: {  	v14 =	vld [tilespmem:$0x1FCF0];
	v1 =	vadd.f32 v22, v1  }
0x22f: {  	v15 =	vld [tilespmem:$0x1FD20];
	v2 =	vpop (erf)  }
0x230: {  	v12 =	vld [tilespmem:$0x1FD00];
	v1 =	vadd.f32 v2, v1  }
0x231: {  	s30 =	simm.s32 $0x0;
	v19 =	vld [tilespmem:$0x1FD60]  }
0x232: {  	v18 =	vld [tilespmem:$0x1FD50];
	(erf) = vrcp.f32 v1;
	v1 =	vmov s30  }
0x233: {  	v9 =	vld [tilespmem:$0x1FEA0];
	v1 =	vshll.u32 v1, $0x5  }
0x234: {  	v1 =	vor.u32 v0, v1;
	v0 =	vld [tilespmem:$0x1FCE0]  }
0x235: {  	v16 =	vld [tilespmem:$0x1FD40];
	v4 =	vsel vm0, v15, v13;
	v3 =	vsel vm0, v12, v14  }
0x236: {  	v28 =	vld [tilespmem:$0x1FEF0];
	v26 =	vcombine.low v4, v3  }
0x237: {  	v22 =	vld [tilespmem:$0x1FD90]  }
0x238: {  	v10 =	vld [tilespmem:$0x1FEB0];
	[tilespmem:s17+$0x0] =	vst v2;
	v2 =	vor.u32 v26, v1  }
0x239: {  	v7 =	vsel vm0, v21, v23;
	v23 =	vsel vm0, v23, v24;
	v9 =	vsel vm0, v9, v0;
	v0 =	vld [tilespmem:$0x1FCD0]  }
0x23a: {  	v5 =	vsel vm0, v16, v17;
	v17 =	vsel vm0, v17, v19;
	v6 =	vsel vm0, v19, v18  }
0x23b: {  	s10 =	simm.s32 $0x11810;
	v27 =	vcombine.low v6, v5;
	v12 =	vsel vm0, v13, v12;
	v14 =	vsel vm0, v14, v15  }
0x23c: {  	v15 =	vsel vm0, v18, v16;
	v19 =	vld [tilespmem:s10+$0x0];
	v21 =	vsel vm0, v22, v21;
	v11 =	vor.u32 v57, v1  }
0x23d: {  	v8 =	vsel vm0, v24, v22;
	v62 =	vcombine.low v23, v21;
	v13 =	vor.u32 v28, v1;
	v21 =	vld.idx.msk [tilespmem:v2+s19+$0x0], $0xffff  }
0x23e: {  	v29 =	vcombine.low v8, v7;
	v16 =	vor.u32 v27, v1;
	v2 =	vld [tilespmem:$0x1FEE0];
	v10 =	vsel vm0, v0, v10  }
0x23f: {  	v0 =	vld [tilespmem:$0x1FED0];
	v63 =	vcombine.low v10, v9  }
0x240: {  	v58 =	vcombine.low v5, v6;
	v20 =	vld [tilespmem:s10+$0xFFFFFFF0];
	v18 =	vor.u32 v29, v1  }
0x241: {  	v51 =	vimm.f32 $0.0e+00;
	[tilespmem:$0x1FBA0] =	vst v27;
	v11 =	vld.idx.msk [tilespmem:v11+s19+$0x0], $0xffff;
	v22 =	vor.u32 v63, v1  }
0x242: {  	s31 =	simm.s32 $0x1;
	v48 =	vcombine.low v14, v12;
	v59 =	vcombine.low v7, v8;
	v7 =	vor.u32 v58, v1;
	v13 =	vld.idx.msk [tilespmem:v13+s19+$0x0], $0xffff  }
0x243: {  	v61 =	vcombine.low v3, v4;
	[tilespmem:$0x1FB90] =	vst v26;
	v8 =	vmov s31;
	v3 =	vor.u32 v62, v1;
	v4 =	vld.idx.msk [tilespmem:v16+s19+$0x0], $0xffff  }
0x244: {  	v47 =	vcombine.low v17, v15;
	v8 =	vshll.u32 v8, $0x5;
	[tilespmem:$0x1FBB0] =	vst v29;
	v60 =	vcombine.low v0, v2;
	v0 =	vld [tilespmem:$0x1FEC0]  }
0x245: {  	v24 =	vor.u32 v48, v1;
	v5 =	vld.idx.msk [tilespmem:v18+s19+$0x0], $0xffff;
	v18 =	vcombine.low v12, v14;
	v45 =	vcombine.low v9, v10  }
0x246: {  	v23 =	vor.u32 v47, v1;
	v16 =	vor.u32 v61, v1;
	v25 =	vld.idx.msk [tilespmem:v22+s19+$0x0], $0xffff;
	v22 =	vcombine.low v15, v17  }
0x247: {  	v12 =	vor.u32 v59, v1;
	v7 =	vld.idx.msk [tilespmem:v7+s19+$0x0], $0xffff;
	[tilespmem:$0x1FB70] =	vst v18;
	v14 =	vor.u32 v45, v1;
	v2 =	vimm.f32 $0.0e+00  }
0x248: {  	v6 =	vor.u32 v60, v1;
	v15 =	vld.idx.msk [tilespmem:v3+s19+$0x0], $0xffff;
	v17 =	vor.u32 v18, v1;
	v3 =	vpop (erf);
	v1 =	vor.u32 v22, v1  }
0x249: {  	[tilespmem:$0x1FB80] =	vst v22;
	v18 =	vor.u32 v0, v8;
	v22 =	vmul.f32 v20, v3;
	v8 =	vmul.f32 v19, v3  }
0x24a: {  	v9 =	vld.idx.msk [tilespmem:v24+s19+$0x0], $0xffff;
	v49 =	vor.u32 v57, v18;
	v50 =	vor.u32 v28, v18;
	v39 =	vor.u32 v26, v18  }
0x24b: {  	v10 =	vld.idx.msk [tilespmem:v23+s19+$0x0], $0xffff;
	v42 =	vor.u32 v27, v18;
	v43 =	vor.u32 v29, v18;
	v44 =	vor.u32 v63, v18  }
0x24c: {  	v16 =	vld.idx.msk [tilespmem:v16+s19+$0x0], $0xffff;
	v55 =	vor.u32 v48, v18;
	v56 =	vor.u32 v47, v18;
	v54 =	vor.u32 v62, v18  }
0x24d: {  	v12 =	vld.idx.msk [tilespmem:v12+s19+$0x0], $0xffff;
	v35 =	vor.u32 v60, v18;
	v33 =	vor.u32 v61, v18;
	v29 =	vmul.f32 v11, v22  }
0x24e: {  	v36 =	vor.u32 v58, v18;
	v6 =	vld.idx.msk [tilespmem:v6+s19+$0x0], $0xffff;
	v31 =	vmul.f32 v13, v22;
	v34 =	vmul.f32 v21, v22  }
0x24f: {  	v52 =	vor.u32 v59, v18;
	v11 =	vld.idx.msk [tilespmem:v14+s19+$0x0], $0xffff;
	v32 =	vmul.f32 v4, v22;
	v26 =	vmul.f32 v5, v22  }
0x250: {  	v53 =	vor.u32 v45, v18;
	v27 =	vmul.f32 v9, v22;
	v24 =	vmul.f32 v10, v22;
	v28 =	vld.idx.msk [tilespmem:v17+s19+$0x0], $0xffff  }
0x251: {  	v23 =	vmul.f32 v16, v22;
	v21 =	vmul.f32 v7, v22;
	v16 =	vimm.f32 $0.0e+00;
	v30 =	vld.idx.msk [tilespmem:v1+s19+$0x0], $0xffff  }
0x252: {  	v14 =	vimm.f32 $0.0e+00;
	v13 =	vimm.f32 $0.0e+00;
	v9 =	vimm.f32 $0.0e+00;
	v37 =	vld.idx.msk [tilespmem:v49+s19+$0x0], $0xffff  }
0x253: {  	v10 =	vimm.f32 $0.0e+00;
	v5 =	vimm.f32 $0.0e+00;
	v7 =	vimm.f32 $0.0e+00;
	v40 =	vld.idx.msk [tilespmem:v50+s19+$0x0], $0xffff  }
0x254: {  	v4 =	vimm.f32 $0.0e+00;
	v25 =	vmul.f32 v25, v22;
	v20 =	vmul.f32 v15, v22;
	v41 =	vld.idx.msk [tilespmem:v39+s19+$0x0], $0xffff  }
0x255: {  	v17 =	vmul.f32 v12, v22;
	v15 =	vimm.f32 $0.0e+00;
	v12 =	vimm.f32 $0.0e+00;
	v42 =	vld.idx.msk [tilespmem:v42+s19+$0x0], $0xffff  }
0x256: {  	v50 =	vimm.f32 $0.0e+00;
	v49 =	vimm.f32 $0.0e+00;
	v38 =	vld.idx.msk [tilespmem:v43+s19+$0x0], $0xffff;
	v19 =	vmul.f32 v6, v22  }
0x257: {  	s11 =	simm.s32 $0x2;
	[tilespmem:$0x1FBC0] =	vst v45;
	v39 =	vld.idx.msk [tilespmem:v44+s19+$0x0], $0xffff;
	v1 =	vmul.f32 v11, v22;
	v11 =	vimm.f32 $0.0e+00;
	v6 =	vimm.f32 $0.0e+00  }
.LBB2_5:
0x258: {  	v44 =	vld.idx.msk [tilespmem:v56+s19+$0x0], $0xffff  }
0x259: {  	v28 =	vmul.f32 v28, v22;
	v22 =	vmul.f32 v30, v22;
	v30 =	vld.idx.msk [tilespmem:v55+s19+$0x0], $0xffff  }
0x25a: {  	v55 =	vld [tilespmem:$0x1FB70]  }
0x25b: {  	v56 =	vld [tilespmem:$0x1FB80]  }
0x25c: {  	v5 =	vadd.f32 v17, v5  }
0x25d: {  	v2 =	vadd.f32 v29, v2;
	v29 =	vadd.f32 v31, v50  }
0x25e: {  	v54 =	vld.idx.msk [tilespmem:v54+s19+$0x0], $0xffff;
	v34 =	vadd.f32 v34, v51;
	v32 =	vadd.f32 v32, v49  }
0x25f: {  	v35 =	vld.idx.msk [tilespmem:v35+s19+$0x0], $0xffff;
	v16 =	vadd.f32 v26, v16;
	v14 =	vadd.f32 v25, v14;
	v43 =	vor.u32 v55, v18  }
0x260: {  	v33 =	vld.idx.msk [tilespmem:v33+s19+$0x0], $0xffff;
	v15 =	vadd.f32 v27, v15;
	v13 =	vadd.f32 v24, v13;
	v18 =	vor.u32 v56, v18  }
0x261: {  	v26 =	vld.idx.msk [tilespmem:v52+s19+$0x0], $0xffff;
	v11 =	vadd.f32 v20, v11;
	v9 =	vadd.f32 v19, v9;
	v42 =	vmul.f32 v42, v8  }
0x262: {  	v27 =	vld.idx.msk [tilespmem:v53+s19+$0x0], $0xffff;
	v12 =	vadd.f32 v23, v12;
	v10 =	vadd.f32 v21, v10  }
0x263: {  	v37 =	vmul.f32 v37, v8;
	v40 =	vmul.f32 v40, v8;
	v49 =	vadd.f32 v42, v32;
	v42 =	vld.idx.msk [tilespmem:v36+s19+$0x0], $0xffff  }
0x264: {  	v1 =	vadd.f32 v1, v7;
	v31 =	vmul.f32 v41, v8;
	v25 =	vmul.f32 v30, v8;
	v30 =	vld.idx.msk [tilespmem:v43+s19+$0x0], $0xffff  }
0x265: {  	v24 =	vmul.f32 v44, v8;
	v19 =	vmul.f32 v33, v8;
	v50 =	vadd.f32 v40, v29;
	v18 =	vld.idx.msk [tilespmem:v18+s19+$0x0], $0xffff  }
0x266: {  	v29 =	vmul.f32 v38, v8;
	v51 =	vadd.f32 v31, v34;
	v31 =	vmul.f32 v39, v8  }
0x267: {  	v21 =	vmul.f32 v26, v8;
	v13 =	vadd.f32 v24, v13;
	v24 =	vmul.f32 v35, v8  }
0x268: {  	v12 =	vadd.f32 v19, v12;
	v19 =	vmul.f32 v27, v8;
	v16 =	vadd.f32 v29, v16  }
0x269: {  	v14 =	vadd.f32 v31, v14;
	v29 =	vmul.f32 v54, v8;
	v54 =	vld [tilespmem:$0x1FEF0];
	v20 =	vmul.f32 v42, v8  }
0x26a: {  	v31 =	vld [tilespmem:$0x1FB90];
	v17 =	vmul.f32 v30, v8;
	v8 =	vmul.f32 v18, v8;
	v18 =	vmov s11  }
0x26b: {  	v4 =	vadd.f32 v22, v4;
	v32 =	vld [tilespmem:$0x1FBA0];
	v7 =	vadd.f32 v19, v1;
	v1 =	vshll.u32 v18, $0x5  }
0x26c: {  	v2 =	vadd.f32 v37, v2;
	v6 =	vadd.f32 v28, v6;
	v37 =	vld [tilespmem:$0x1FBB0];
	v1 =	vor.u32 v0, v1  }
0x26d: {  	v4 =	vadd.f32 v8, v4;
	v8 =	vor.u32 v57, v1  }
0x26e: {  	v6 =	vadd.f32 v17, v6;
	v17 =	vor.u32 v54, v1  }
0x26f: {  	s10 =	sadd.s32 $0x20, s10;
	v18 =	vor.u32 v31, v1  }
0x270: {  	v5 =	vadd.f32 v21, v5;
	v21 =	vld [tilespmem:s10+$0xFFFFFFF0];
	v19 =	vor.u32 v32, v1  }
0x271: {  	v10 =	vadd.f32 v20, v10;
	v20 =	vld [tilespmem:s10+$0x0];
	v22 =	vor.u32 v37, v1  }
0x272: {  	v9 =	vadd.f32 v24, v9;
	v24 =	vor.u32 v48, v1;
	v23 =	vld.idx.msk [tilespmem:v8+s19+$0x0], $0xffff  }
0x273: {  	v26 =	vor.u32 v62, v1;
	v17 =	vld.idx.msk [tilespmem:v17+s19+$0x0], $0xffff  }
0x274: {  	v15 =	vadd.f32 v25, v15;
	v28 =	vor.u32 v58, v1;
	v25 =	vld.idx.msk [tilespmem:v18+s19+$0x0], $0xffff  }
0x275: {  	v11 =	vadd.f32 v29, v11;
	v29 =	vor.u32 v59, v1;
	v19 =	vld.idx.msk [tilespmem:v19+s19+$0x0], $0xffff  }
0x276: {  	v18 =	vor.u32 v47, v1;
	v27 =	vld.idx.msk [tilespmem:v22+s19+$0x0], $0xffff  }
0x277: {  	v8 =	vor.u32 v63, v1;
	v24 =	vld.idx.msk [tilespmem:v24+s19+$0x0], $0xffff  }
0x278: {  	v30 =	vor.u32 v55, v1;
	v38 =	vld.idx.msk [tilespmem:v26+s19+$0x0], $0xffff  }
0x279: {  	v22 =	vor.u32 v60, v1;
	v44 =	vld.idx.msk [tilespmem:v28+s19+$0x0], $0xffff  }
0x27a: {  	s0 =	sadd.s32 $0x1, s11;
	v26 =	vor.u32 v45, v1;
	v45 =	vld.idx.msk [tilespmem:v29+s19+$0x0], $0xffff  }
0x27b: {  	v36 =	vld.idx.msk [tilespmem:v18+s19+$0x0], $0xffff;
	v18 =	vmov s0  }
0x27c: {  	v33 =	vld.idx.msk [tilespmem:v8+s19+$0x0], $0xffff;
	v8 =	vor.u32 v61, v1;
	v18 =	vshll.u32 v18, $0x5  }
0x27d: {  	v28 =	vld.idx.msk [tilespmem:v30+s19+$0x0], $0xffff;
	v1 =	vor.u32 v56, v1;
	v18 =	vor.u32 v0, v18  }
0x27e: {  	v39 =	vld.idx.msk [tilespmem:v22+s19+$0x0], $0xffff;
	v22 =	vmul.f32 v21, v3;
	v35 =	vor.u32 v57, v18  }
0x27f: {  	v53 =	vld.idx.msk [tilespmem:v26+s19+$0x0], $0xffff;
	v40 =	vor.u32 v54, v18  }
0x280: {  	v41 =	vor.u32 v31, v18;
	v31 =	vmul.f32 v17, v22;
	v17 =	vmul.f32 v45, v22;
	v45 =	vld [tilespmem:$0x1FBC0]  }
0x281: {  	v21 =	vor.u32 v32, v18;
	v43 =	vld.idx.msk [tilespmem:v8+s19+$0x0], $0xffff  }
0x282: {  	v29 =	vmul.f32 v23, v22;
	v52 =	vor.u32 v37, v18;
	v30 =	vld.idx.msk [tilespmem:v1+s19+$0x0], $0xffff  }
0x283: {  	v34 =	vmul.f32 v25, v22;
	v26 =	vmul.f32 v27, v22;
	v57 =	vor.u32 v63, v18;
	v37 =	vld.idx.msk [tilespmem:v35+s19+$0x0], $0xffff  }
0x284: {  	p2 =	slt.u32 s11, $0x1E;
	v27 =	vmul.f32 v24, v22;
	v55 =	vor.u32 v48, v18;
	v56 =	vor.u32 v47, v18;
	v40 =	vld.idx.msk [tilespmem:v40+s19+$0x0], $0xffff  }
.Ltmp5:
0x285: {  	v32 =	vmul.f32 v19, v22;
	v54 =	vor.u32 v62, v18;
	v8 =	vmul.f32 v20, v3;
	v41 =	vld.idx.msk [tilespmem:v41+s19+$0x0], $0xffff;
	(pc) =	sbr.rel @p2 .LBB2_5-.Ltmp5, $4  }
0x286: {  	v25 =	vmul.f32 v33, v22;
	v24 =	vmul.f32 v36, v22;
	v33 =	vor.u32 v61, v18;
	v42 =	vld.idx.msk [tilespmem:v21+s19+$0x0], $0xffff  }
0x287: {  	v20 =	vmul.f32 v38, v22;
	v19 =	vmul.f32 v39, v22;
	v36 =	vor.u32 v58, v18;
	v38 =	vld.idx.msk [tilespmem:v52+s19+$0x0], $0xffff  }
0x288: {  	v1 =	vmul.f32 v53, v22;
	v35 =	vor.u32 v60, v18;
	v21 =	vmul.f32 v44, v22;
	v39 =	vld.idx.msk [tilespmem:v57+s19+$0x0], $0xffff  }
0x289: {  	s11 =	sadd.s32 $0x2, s11;
	v52 =	vor.u32 v59, v18;
	v57 =	vld [tilespmem:$0x1FFF0];
	v53 =	vor.u32 v45, v18;
	v23 =	vmul.f32 v43, v22  }
0x28a: {  	_ =	sdelay $0x3  }
0x28b: {  	v44 =	vld.idx.msk [tilespmem:v54+s19+$0x0], $0xffff  }
0x28c: {  	v54 =	vld [tilespmem:$0x1FB70]  }
0x28d: {  	[tilespmem:$0x1FB00] =	vst v58;
	v58 =	vld [tilespmem:$0x1FB80]  }
0x28e: {  	[tilespmem:$0x1FB30] =	vst v62;
	v62 =	vld.idx.msk [tilespmem:v55+s19+$0x0], $0xffff  }
0x28f: {  	v43 =	vld.idx.msk [tilespmem:v56+s19+$0x0], $0xffff  }
0x290: {  	v31 =	vadd.f32 v31, v50;
	v40 =	vmul.f32 v40, v8;
	v0 =	vld [tilespmem:$0x1FBD0]  }
0x291: {  	[tilespmem:$0x1FB60] =	vst v63;
	v35 =	vld.idx.msk [tilespmem:v35+s19+$0x0], $0xffff;
	v63 =	vor.u32 v54, v18  }
0x292: {  	v33 =	vld.idx.msk [tilespmem:v33+s19+$0x0], $0xffff;
	v31 =	vadd.f32 v40, v31;
	v40 =	vor.u32 v58, v18  }
0x293: {  	[tilespmem:$0x1FB40] =	vst v47;
	v34 =	vadd.f32 v34, v51;
	v41 =	vmul.f32 v41, v8;
	v47 =	vld.idx.msk [tilespmem:v52+s19+$0x0], $0xffff  }
0x294: {  	v2 =	vadd.f32 v29, v2;
	v37 =	vmul.f32 v37, v8;
	v32 =	vadd.f32 v32, v49;
	v49 =	vld.idx.msk [tilespmem:v53+s19+$0x0], $0xffff  }
0x295: {  	v34 =	vadd.f32 v41, v34;
	v41 =	vld.idx.msk [tilespmem:v36+s19+$0x0], $0xffff  }
0x296: {  	v2 =	vadd.f32 v37, v2;
	v37 =	vld.idx.msk [tilespmem:v63+s19+$0x0], $0xffff  }
0x297: {  	v18 =	vld.idx.msk [tilespmem:v40+s19+$0x0], $0xffff  }
0x298: {  	[tilespmem:v0+s22+$0x0] =	vst.idx.msk $0xffff, v2;
	v0 =	vld [tilespmem:$0x1FBE0];
	_ =	sdelay $0x7  }
0x299: {  	[tilespmem:v0+s22+$0x0] =	vst.idx.msk $0xffff, v31;
	v0 =	vld [tilespmem:$0x1FBF0];
	_ =	sdelay $0x7  }
0x29a: {  	[tilespmem:v0+s22+$0x0] =	vst.idx.msk $0xffff, v34;
	v0 =	vld [tilespmem:$0x1FC00];
	_ =	sdelay $0x3  }
0x29b: {  	v42 =	vmul.f32 v42, v8;
	_ =	sdelay $0x1  }
0x29c: {  	v32 =	vadd.f32 v42, v32;
	_ =	sdelay $0x1  }
0x29d: {  	[tilespmem:v0+s22+$0x0] =	vst.idx.msk $0xffff, v32;
	v0 =	vld [tilespmem:$0x1FC10];
	_ =	sdelay $0x3  }
0x29e: {  	v16 =	vadd.f32 v26, v16;
	v42 =	vmul.f32 v38, v8;
	_ =	sdelay $0x1  }
0x29f: {  	v16 =	vadd.f32 v42, v16;
	_ =	sdelay $0x1  }
0x2a0: {  	[tilespmem:v0+s22+$0x0] =	vst.idx.msk $0xffff, v16;
	v0 =	vld [tilespmem:$0x1FC20];
	_ =	sdelay $0x3  }
0x2a1: {  	[tilespmem:$0x1FB50] =	vst v48;
	v14 =	vadd.f32 v25, v14;
	v48 =	vmul.f32 v39, v8;
	_ =	sdelay $0x1  }
0x2a2: {  	v14 =	vadd.f32 v48, v14;
	_ =	sdelay $0x1  }
0x2a3: {  	[tilespmem:v0+s22+$0x0] =	vst.idx.msk $0xffff, v14;
	v0 =	vld [tilespmem:$0x1FC30];
	_ =	sdelay $0x3  }
0x2a4: {  	v15 =	vadd.f32 v27, v15;
	v29 =	vmul.f32 v62, v8;
	_ =	sdelay $0x1  }
0x2a5: {  	v15 =	vadd.f32 v29, v15;
	_ =	sdelay $0x1  }
0x2a6: {  	[tilespmem:v0+s22+$0x0] =	vst.idx.msk $0xffff, v15;
	v0 =	vld [tilespmem:$0x1FC40];
	_ =	sdelay $0x3  }
0x2a7: {  	v13 =	vadd.f32 v24, v13;
	v51 =	vmul.f32 v43, v8;
	_ =	sdelay $0x1  }
0x2a8: {  	v13 =	vadd.f32 v51, v13;
	_ =	sdelay $0x1  }
0x2a9: {  	[tilespmem:v0+s22+$0x0] =	vst.idx.msk $0xffff, v13;
	v0 =	vld [tilespmem:$0x1FC50];
	_ =	sdelay $0x3  }
0x2aa: {  	v11 =	vadd.f32 v20, v11;
	v55 =	vmul.f32 v44, v8;
	_ =	sdelay $0x1  }
0x2ab: {  	v11 =	vadd.f32 v55, v11;
	_ =	sdelay $0x1  }
0x2ac: {  	[tilespmem:v0+s22+$0x0] =	vst.idx.msk $0xffff, v11;
	v0 =	vld [tilespmem:$0x1FC60];
	_ =	sdelay $0x3  }
0x2ad: {  	v56 =	vmul.f32 v35, v8;
	v2 =	vadd.f32 v19, v9;
	_ =	sdelay $0x1  }
0x2ae: {  	v2 =	vadd.f32 v56, v2;
	_ =	sdelay $0x1  }
0x2af: {  	[tilespmem:v0+s22+$0x0] =	vst.idx.msk $0xffff, v2;
	v0 =	vld [tilespmem:$0x1FC70];
	_ =	sdelay $0x3  }
0x2b0: {  	[tilespmem:$0x1FAF0] =	vst v59;
	v53 =	vadd.f32 v23, v12;
	v59 =	vmul.f32 v33, v8;
	_ =	sdelay $0x1  }
0x2b1: {  	v9 =	vadd.f32 v59, v53;
	_ =	sdelay $0x1  }
0x2b2: {  	[tilespmem:v0+s22+$0x0] =	vst.idx.msk $0xffff, v9;
	v0 =	vld [tilespmem:$0x1FC80];
	_ =	sdelay $0x3  }
0x2b3: {  	[tilespmem:$0x1FB20] =	vst v60;
	v10 =	vadd.f32 v21, v10;
	v60 =	vmul.f32 v41, v8;
	_ =	sdelay $0x1  }
0x2b4: {  	v10 =	vadd.f32 v60, v10;
	_ =	sdelay $0x1  }
0x2b5: {  	[tilespmem:v0+s22+$0x0] =	vst.idx.msk $0xffff, v10;
	v0 =	vld [tilespmem:$0x1FC90];
	_ =	sdelay $0x3  }
0x2b6: {  	v5 =	vadd.f32 v17, v5;
	v1 =	vadd.f32 v1, v7;
	v7 =	vmul.f32 v47, v8;
	_ =	sdelay $0x1  }
0x2b7: {  	v5 =	vadd.f32 v7, v5;
	_ =	sdelay $0x1  }
0x2b8: {  	[tilespmem:v0+s22+$0x0] =	vst.idx.msk $0xffff, v5;
	v0 =	vld [tilespmem:$0x1FCA0];
	_ =	sdelay $0x3  }
0x2b9: {  	v62 =	vmul.f32 v49, v8;
	_ =	sdelay $0x1  }
0x2ba: {  	v1 =	vadd.f32 v62, v1;
	_ =	sdelay $0x1  }
0x2bb: {  	[tilespmem:v0+s22+$0x0] =	vst.idx.msk $0xffff, v1;
	v0 =	vld [tilespmem:$0x1FCB0];
	_ =	sdelay $0x1  }
0x2bc: {  	v50 =	vmul.f32 v28, v22;
	_ =	sdelay $0x1  }
0x2bd: {  	v6 =	vadd.f32 v50, v6;
	v63 =	vmul.f32 v37, v8;
	_ =	sdelay $0x1  }
0x2be: {  	v6 =	vadd.f32 v63, v6;
	_ =	sdelay $0x1  }
0x2bf: {  	s0 =	simm.s32 $0x0;
	[tilespmem:v0+s22+$0x0] =	vst.idx.msk $0xffff, v6;
	v0 =	vld [tilespmem:$0x1FCC0]  }
0x2c0: {  	[tilespmem:$0x1FB10] =	vst v61;
	v61 =	vadd.s32 s0, v46  }
0x2c1: {  	v52 =	vmul.f32 v30, v22;
	v2 =	vshll.u32 v61, $0x4  }
0x2c2: {  	v2 =	vand.u32 $0x1F0, v2  }
0x2c3: {  	v4 =	vadd.f32 v52, v4;
	v8 =	vmul.f32 v18, v8;
	v2 =	vor.u32 v46, v2;
	_ =	sdelay $0x1  }
0x2c4: {  	v4 =	vadd.f32 v8, v4;
	_ =	sdelay $0x1  }
0x2c5: {  	s17 =	simm.s32 $0x1;
	[tilespmem:v0+s22+$0x0] =	vst.idx.msk $0xffff, v4  }
0x2c6: {  	v0 =	vmul.u32 $0x20, v46;
	v1 =	vld.idx.msk [tilespmem:v2+s23+$0x0], $0xffff;
	v2 =	vadd.s32 s17, v46  }
0x2c7: {  	v4 =	vand.u32 $0x1F, v61;
	v6 =	vshll.u32 v2, $0x4  }
0x2c8: {  	v4 =	vor.u32 v0, v4;
	v6 =	vand.u32 $0x1F0, v6  }
0x2c9: {  	v6 =	vor.u32 v46, v6;
	_ =	sdelay $0x1  }
0x2ca: {  	v1 =	vmul.f32 v1, v3;
	_ =	sdelay $0x1  }
0x2cb: {  	s30 =	simm.s32 $0x2;
	[tilespmem:v4+s24+$0x0] =	vst.idx.msk $0xffff, v1  }
0x2cc: {  	v4 =	vadd.s32 s30, v46;
	v1 =	vld.idx.msk [tilespmem:v6+s23+$0x0], $0xffff  }
0x2cd: {  	v2 =	vand.u32 $0x1F, v2;
	v6 =	vshll.u32 v4, $0x4  }
0x2ce: {  	v2 =	vor.u32 v0, v2;
	v6 =	vand.u32 $0x1F0, v6  }
0x2cf: {  	v6 =	vor.u32 v46, v6;
	_ =	sdelay $0x1  }
0x2d0: {  	v1 =	vmul.f32 v1, v3;
	_ =	sdelay $0x1  }
0x2d1: {  	s31 =	simm.s32 $0x3;
	[tilespmem:v2+s24+$0x0] =	vst.idx.msk $0xffff, v1  }
0x2d2: {  	v2 =	vadd.s32 s31, v46;
	v1 =	vld.idx.msk [tilespmem:v6+s23+$0x0], $0xffff  }
0x2d3: {  	v4 =	vand.u32 $0x1F, v4;
	v6 =	vshll.u32 v2, $0x4  }
0x2d4: {  	v4 =	vor.u32 v0, v4;
	v6 =	vand.u32 $0x1F0, v6  }
0x2d5: {  	v6 =	vor.u32 v46, v6;
	_ =	sdelay $0x1  }
0x2d6: {  	v1 =	vmul.f32 v1, v3;
	_ =	sdelay $0x1  }
0x2d7: {  	s10 =	simm.s32 $0x4;
	[tilespmem:v4+s24+$0x0] =	vst.idx.msk $0xffff, v1  }
0x2d8: {  	v1 =	vadd.s32 s10, v46;
	v6 =	vld.idx.msk [tilespmem:v6+s23+$0x0], $0xffff  }
0x2d9: {  	v2 =	vand.u32 $0x1F, v2;
	v4 =	vshll.u32 v1, $0x4  }
0x2da: {  	v7 =	vand.u32 $0x1F0, v4;
	v4 =	vor.u32 v0, v2  }
0x2db: {  	v2 =	vor.u32 v46, v7;
	_ =	sdelay $0x1  }
0x2dc: {  	s11 =	simm.s32 $0x8;
	v1 =	vand.u32 $0x1F, v1;
	v6 =	vmul.f32 v6, v3  }
.LBB2_7:
0x2dd: {  	_ = 	snop  }
0x2de: {  	p2 =	slt.u32 s11, $0x1C;
	s0 =	smov.u32 s11;
	s11 =	sadd.s32 $0x4, s11;
	[tilespmem:v4+s24+$0x0] =	vst.idx.msk $0xffff, v6  }
0x2df: {  	s12 =	sadd.s32 $0x1, s10;
	v2 =	vld.idx.msk [tilespmem:v2+s23+$0x0], $0xffff  }
0x2e0: {  	v4 =	vadd.s32 s12, v46  }
0x2e1: {  	v6 =	vshll.u32 v4, $0x4;
	v4 =	vand.u32 $0x1F, v4  }
0x2e2: {  	v1 =	vor.u32 v0, v1;
	v6 =	vand.u32 $0x1F0, v6;
	v4 =	vor.u32 v0, v4  }
0x2e3: {  	v6 =	vor.u32 v46, v6;
	_ =	sdelay $0x1  }
0x2e4: {  	v2 =	vmul.f32 v2, v3;
	_ =	sdelay $0x1  }
0x2e5: {  	[tilespmem:v1+s24+$0x0] =	vst.idx.msk $0xffff, v2  }
0x2e6: {  	s12 =	sadd.s32 $0x2, s10;
	v1 =	vld.idx.msk [tilespmem:v6+s23+$0x0], $0xffff  }
0x2e7: {  	v2 =	vadd.s32 s12, v46  }
0x2e8: {  	v6 =	vshll.u32 v2, $0x4;
	v2 =	vand.u32 $0x1F, v2  }
0x2e9: {  	v6 =	vand.u32 $0x1F0, v6;
	v2 =	vor.u32 v0, v2  }
0x2ea: {  	v6 =	vor.u32 v46, v6;
	_ =	sdelay $0x1  }
0x2eb: {  	v1 =	vmul.f32 v1, v3;
	_ =	sdelay $0x1  }
0x2ec: {  	[tilespmem:v4+s24+$0x0] =	vst.idx.msk $0xffff, v1  }
0x2ed: {  	s12 =	sadd.s32 $0x3, s10;
	s10 =	smov.u32 s0;
	v1 =	vld.idx.msk [tilespmem:v6+s23+$0x0], $0xffff  }
0x2ee: {  	v4 =	vadd.s32 s12, v46  }
0x2ef: {  	v6 =	vshll.u32 v4, $0x4  }
0x2f0: {  	v6 =	vand.u32 $0x1F0, v6  }
0x2f1: {  	v6 =	vor.u32 v46, v6;
	_ =	sdelay $0x1  }
0x2f2: {  	v1 =	vmul.f32 v1, v3;
	_ =	sdelay $0x1  }
0x2f3: {  	[tilespmem:v2+s24+$0x0] =	vst.idx.msk $0xffff, v1  }
0x2f4: {  	v6 =	vld.idx.msk [tilespmem:v6+s23+$0x0], $0xffff  }
0x2f5: {  	v1 =	vadd.s32 s10, v46  }
.Ltmp6:
0x2f6: {  	v4 =	vand.u32 $0x1F, v4;
	v2 =	vshll.u32 v1, $0x4;
	v1 =	vand.u32 $0x1F, v1;
	(pc) =	sbr.rel @p2 .LBB2_7-.Ltmp6, $3  }
0x2f7: {  	v4 =	vor.u32 v0, v4;
	v2 =	vand.u32 $0x1F0, v2  }
0x2f8: {  	v2 =	vor.u32 v46, v2;
	_ =	sdelay $0x1  }
0x2f9: {  	v6 =	vmul.f32 v6, v3  }
0x2fa: {  	_ =	sdelay $0x3  }
0x2fb: {  	s0 =	sadd.s32 $0x1, s10;
	[tilespmem:v4+s24+$0x0] =	vst.idx.msk $0xffff, v6  }
0x2fc: {  	v4 =	vadd.s32 s0, v46;
	v2 =	vld.idx.msk [tilespmem:v2+s23+$0x0], $0xffff  }
0x2fd: {  	v6 =	vshll.u32 v4, $0x4  }
0x2fe: {  	v1 =	vor.u32 v0, v1;
	v6 =	vand.u32 $0x1F0, v6  }
0x2ff: {  	v6 =	vor.u32 v46, v6;
	_ =	sdelay $0x1  }
0x300: {  	v2 =	vmul.f32 v2, v3;
	_ =	sdelay $0x1  }
0x301: {  	s12 =	sadd.s32 $0x2, s10;
	[tilespmem:v1+s24+$0x0] =	vst.idx.msk $0xffff, v2  }
0x302: {  	v2 =	vadd.s32 s12, v46;
	v1 =	vld.idx.msk [tilespmem:v6+s23+$0x0], $0xffff  }
0x303: {  	v4 =	vand.u32 $0x1F, v4;
	v6 =	vshll.u32 v2, $0x4  }
0x304: {  	v4 =	vor.u32 v0, v4;
	v6 =	vand.u32 $0x1F0, v6  }
0x305: {  	v6 =	vor.u32 v46, v6;
	_ =	sdelay $0x1  }
0x306: {  	v1 =	vmul.f32 v1, v3;
	_ =	sdelay $0x1  }
0x307: {  	[tilespmem:v4+s24+$0x0] =	vst.idx.msk $0xffff, v1  }
0x308: {  	v1 =	vld.idx.msk [tilespmem:v6+s23+$0x0], $0xffff  }
0x309: {  	s15 =	sadd.s32 $0x3, s10;
	v2 =	vand.u32 $0x1F, v2  }
0x30a: {  	v2 =	vor.u32 v0, v2;
	v4 =	vadd.s32 s15, v46  }
0x30b: {  	v6 =	vshll.u32 v4, $0x4  }
0x30c: {  	v6 =	vand.u32 $0x1F0, v6  }
0x30d: {  	v6 =	vor.u32 v46, v6;
	v1 =	vmul.f32 v1, v3;
	_ =	sdelay $0x1  }
0x30e: {  	[tilespmem:v2+s24+$0x0] =	vst.idx.msk $0xffff, v1;
	v2 =	vand.u32 $0x1F, v4  }
0x30f: {  	[tilespmem:$0x1FAD0] =	vst v0;
	v2 =	vor.u32 v0, v2;
	v0 =	vld [tilespmem:$0x1FBD0];
	_ =	sdelay $0x1  }
0x310: {  	v1 =	vld.idx.msk [tilespmem:v6+s23+$0x0], $0xffff;
	_ =	sdelay $0x2  }
0x311: {  	v0 =	vor.u32 $0x100, v0;
	_ =	sdelay $0x1  }
0x312: {  	v1 =	vmul.f32 v1, v3;
	_ =	sdelay $0x1  }
0x313: {  	[tilespmem:v2+s24+$0x0] =	vst.idx.msk $0xffff, v1  }
0x314: {  	v52 =	vld.idx.msk [tilespmem:v0+s16+$0x0], $0xffff  }
0x315: {  	[tilespmem:$0x1FAE0] =	vst v0;
	v0 =	vld [tilespmem:$0x1FDB0];
	_ =	sdelay $0x7  }
0x316: {  	v51 =	vld.idx.msk [tilespmem:v0+s16+$0x0], $0xffff  }
0x317: {  	v0 =	vld [tilespmem:$0x1FDC0];
	_ =	sdelay $0x7  }
0x318: {  	v50 =	vld.idx.msk [tilespmem:v0+s16+$0x0], $0xffff  }
0x319: {  	v0 =	vld [tilespmem:$0x1FDD0];
	_ =	sdelay $0x7  }
0x31a: {  	v49 =	vld.idx.msk [tilespmem:v0+s16+$0x0], $0xffff  }
0x31b: {  	v0 =	vld [tilespmem:$0x1FDE0];
	_ =	sdelay $0x7  }
0x31c: {  	v16 =	vld.idx.msk [tilespmem:v0+s16+$0x0], $0xffff  }
0x31d: {  	v0 =	vld [tilespmem:$0x1FDF0];
	_ =	sdelay $0x7  }
0x31e: {  	v15 =	vld.idx.msk [tilespmem:v0+s16+$0x0], $0xffff  }
0x31f: {  	v0 =	vld [tilespmem:$0x1FE00];
	_ =	sdelay $0x7  }
0x320: {  	v14 =	vld.idx.msk [tilespmem:v0+s16+$0x0], $0xffff  }
0x321: {  	v0 =	vld [tilespmem:$0x1FE10];
	_ =	sdelay $0x7  }
0x322: {  	v13 =	vld.idx.msk [tilespmem:v0+s16+$0x0], $0xffff  }
0x323: {  	v0 =	vld [tilespmem:$0x1FE20];
	_ =	sdelay $0x7  }
0x324: {  	v12 =	vld.idx.msk [tilespmem:v0+s16+$0x0], $0xffff  }
0x325: {  	v0 =	vld [tilespmem:$0x1FE30];
	_ =	sdelay $0x7  }
0x326: {  	v6 =	vld.idx.msk [tilespmem:v0+s16+$0x0], $0xffff  }
0x327: {  	v0 =	vld [tilespmem:$0x1FEC0];
	_ =	sdelay $0x4  }
0x328: {  	v61 =	vor.u32 $0x4000, v0;
	v0 =	vld [tilespmem:$0x1FE40];
	_ =	sdelay $0x7  }
0x329: {  	v7 =	vld.idx.msk [tilespmem:v0+s16+$0x0], $0xffff  }
0x32a: {  	v0 =	vld [tilespmem:$0x1FE50];
	_ =	sdelay $0x7  }
0x32b: {  	v8 =	vld.idx.msk [tilespmem:v0+s16+$0x0], $0xffff  }
0x32c: {  	v0 =	vld [tilespmem:$0x1FE60];
	_ =	sdelay $0x7  }
0x32d: {  	v9 =	vld.idx.msk [tilespmem:v0+s16+$0x0], $0xffff  }
0x32e: {  	v0 =	vld [tilespmem:$0x1FE70];
	_ =	sdelay $0x7  }
0x32f: {  	v10 =	vld.idx.msk [tilespmem:v0+s16+$0x0], $0xffff  }
0x330: {  	v0 =	vld [tilespmem:$0x1FE80];
	_ =	sdelay $0x4  }
0x331: {  	v40 =	vld [tilespmem:$0x1FF00]  }
0x332: {  	v41 =	vld [tilespmem:$0x1FF10]  }
0x333: {  	v39 =	vld [tilespmem:$0x1FF20]  }
0x334: {  	v4 =	vld.idx.msk [tilespmem:v0+s16+$0x0], $0xffff  }
0x335: {  	v0 =	vld [tilespmem:$0x1FE90]  }
0x336: {  	v42 =	vld [tilespmem:$0x1FF30]  }
0x337: {  	v5 =	vld [tilespmem:$0x1FF60]  }
0x338: {  	v44 =	vld [tilespmem:$0x1FF70]  }
0x339: {  	v43 =	vld [tilespmem:$0x1FF80]  }
0x33a: {  	s17 =	simm.s32 $0x0;
	v32 =	vld [tilespmem:$0x1FF90]  }
0x33b: {  	v33 =	vld [tilespmem:$0x1FFA0];
	v1 =	vmov s17  }
0x33c: {  	v55 =	vld [tilespmem:$0x1FFB0];
	v1 =	vshll.u32 v1, $0x5  }
0x33d: {  	v1 =	vor.u32 v61, v1;
	v11 =	vld.idx.msk [tilespmem:v0+s16+$0x0], $0xffff  }
0x33e: {  	v2 =	vor.u32 v46, v1;
	v0 =	vld [tilespmem:$0x1FF40]  }
0x33f: {  	v3 =	vld [tilespmem:$0x1FF50];
	v17 =	vor.u32 v40, v1  }
0x340: {  	v56 =	vld [tilespmem:$0x1FFC0];
	v18 =	vor.u32 v41, v1  }
0x341: {  	v35 =	vld [tilespmem:$0x1FFE0];
	v19 =	vor.u32 v39, v1  }
0x342: {  	v34 =	vld [tilespmem:$0x1FFD0];
	v20 =	vor.u32 v42, v1  }
0x343: {  	v2 =	vld.idx.msk [tilespmem:v2+s19+$0x0], $0xffff;
	v21 =	vor.u32 v0, v1  }
0x344: {  	v22 =	vor.u32 v3, v1;
	v17 =	vld.idx.msk [tilespmem:v17+s19+$0x0], $0xffff  }
0x345: {  	v23 =	vor.u32 v5, v1;
	v18 =	vld.idx.msk [tilespmem:v18+s19+$0x0], $0xffff  }
0x346: {  	v24 =	vor.u32 v44, v1;
	v19 =	vld.idx.msk [tilespmem:v19+s19+$0x0], $0xffff  }
0x347: {  	v25 =	vor.u32 v43, v1;
	v20 =	vld.idx.msk [tilespmem:v20+s19+$0x0], $0xffff  }
0x348: {  	v26 =	vor.u32 v32, v1;
	v2 =	vmul.f32 v2, v52;
	v21 =	vld.idx.msk [tilespmem:v21+s19+$0x0], $0xffff  }
0x349: {  	v27 =	vor.u32 v33, v1;
	v22 =	vld.idx.msk [tilespmem:v22+s19+$0x0], $0xffff;
	v17 =	vmul.f32 v17, v51  }
0x34a: {  	v28 =	vor.u32 v55, v1;
	v23 =	vld.idx.msk [tilespmem:v23+s19+$0x0], $0xffff;
	v18 =	vmul.f32 v18, v50;
	v2 =	vadd.f32 $0.0e+00, v2  }
0x34b: {  	v29 =	vor.u32 v56, v1;
	v24 =	vld.idx.msk [tilespmem:v24+s19+$0x0], $0xffff;
	v19 =	vmul.f32 v19, v49;
	v17 =	vadd.f32 $0.0e+00, v17  }
0x34c: {  	v30 =	vor.u32 v35, v1;
	v25 =	vld.idx.msk [tilespmem:v25+s19+$0x0], $0xffff;
	v2 =	vadd.f32 v18, v2;
	v18 =	vmul.f32 v20, v16  }
0x34d: {  	v20 =	vld.idx.msk [tilespmem:v26+s19+$0x0], $0xffff;
	v17 =	vadd.f32 v19, v17;
	v1 =	vor.u32 v34, v1;
	v19 =	vmul.f32 v21, v15  }
0x34e: {  	v37 =	vld.idx.msk [tilespmem:v27+s19+$0x0], $0xffff;
	v2 =	vadd.f32 v18, v2;
	v18 =	vmul.f32 v22, v14  }
0x34f: {  	v38 =	vld.idx.msk [tilespmem:v28+s19+$0x0], $0xffff;
	v17 =	vadd.f32 v19, v17;
	v19 =	vmul.f32 v23, v13  }
0x350: {  	v47 =	vld.idx.msk [tilespmem:v29+s19+$0x0], $0xffff;
	v2 =	vadd.f32 v18, v2;
	v18 =	vmul.f32 v24, v12  }
0x351: {  	v48 =	vld.idx.msk [tilespmem:v30+s19+$0x0], $0xffff;
	v17 =	vadd.f32 v19, v17;
	v19 =	vmul.f32 v25, v6  }
0x352: {  	v2 =	vadd.f32 v18, v2;
	v18 =	vmul.f32 v20, v7;
	v1 =	vld.idx.msk [tilespmem:v1+s19+$0x0], $0xffff  }
0x353: {  	v17 =	vadd.f32 v19, v17;
	v19 =	vmul.f32 v37, v8  }
0x354: {  	v2 =	vadd.f32 v18, v2;
	v18 =	vmul.f32 v38, v9  }
0x355: {  	v17 =	vadd.f32 v19, v17;
	v19 =	vmul.f32 v47, v10  }
0x356: {  	v2 =	vadd.f32 v18, v2  }
0x357: {  	v18 =	vmul.f32 v48, v11;
	v1 =	vmul.f32 v1, v4;
	v17 =	vadd.f32 v19, v17;
	_ =	sdelay $0x1  }
0x358: {  	v1 =	vadd.f32 v1, v2;
	v2 =	vadd.f32 v18, v17;
	_ =	sdelay $0x1  }
0x359: {  	v1 =	vadd.f32 v2, v1;
	_ =	sdelay $0x1  }
0x35a: {  	v1 =	vmul.f32 $1.442695020e+00, v1;
	_ =	sdelay $0x1  }
0x35b: {  	(erf) = vpow2.f32 v1;
	_ =	sdelay $0x1  }
0x35c: {  	s30 =	simm.s32 $0x1  }
0x35d: {  	v1 =	vmov s30  }
0x35e: {  	v1 =	vshll.u32 v1, $0x5  }
0x35f: {  	v1 =	vor.u32 v61, v1  }
0x360: {  	v2 =	vor.u32 v46, v1  }
0x361: {  	v17 =	vor.u32 v40, v1  }
0x362: {  	v18 =	vor.u32 v41, v1  }
0x363: {  	s10 =	simm.s32 $0x11810;
	v19 =	vor.u32 v39, v1;
	v20 =	vpop (erf)  }
0x364: {  	v53 =	vor.u32 v42, v1;
	[tilespmem:s10+$0xFFFFFFF0] =	vst v20  }
0x365: {  	v59 =	vor.u32 v0, v1;
	v2 =	vld.idx.msk [tilespmem:v2+s19+$0x0], $0xffff  }
0x366: {  	v60 =	vor.u32 v3, v1;
	v17 =	vld.idx.msk [tilespmem:v17+s19+$0x0], $0xffff  }
0x367: {  	v62 =	vor.u32 v5, v1;
	v18 =	vld.idx.msk [tilespmem:v18+s19+$0x0], $0xffff  }
0x368: {  	v63 =	vor.u32 v44, v1;
	v19 =	vld.idx.msk [tilespmem:v19+s19+$0x0], $0xffff  }
0x369: {  	v36 =	vor.u32 v43, v1;
	v21 =	vld.idx.msk [tilespmem:v53+s19+$0x0], $0xffff  }
0x36a: {  	v37 =	vor.u32 v32, v1;
	v22 =	vld.idx.msk [tilespmem:v59+s19+$0x0], $0xffff;
	v2 =	vmul.f32 v2, v52  }
0x36b: {  	v38 =	vor.u32 v33, v1;
	v23 =	vld.idx.msk [tilespmem:v60+s19+$0x0], $0xffff;
	v17 =	vmul.f32 v17, v51  }
0x36c: {  	v47 =	vor.u32 v55, v1;
	v24 =	vld.idx.msk [tilespmem:v62+s19+$0x0], $0xffff;
	v18 =	vmul.f32 v18, v50;
	v2 =	vadd.f32 $0.0e+00, v2  }
0x36d: {  	v48 =	vor.u32 v56, v1;
	v25 =	vld.idx.msk [tilespmem:v63+s19+$0x0], $0xffff;
	v19 =	vmul.f32 v19, v49;
	v17 =	vadd.f32 $0.0e+00, v17  }
0x36e: {  	v26 =	vld.idx.msk [tilespmem:v36+s19+$0x0], $0xffff;
	v21 =	vmul.f32 v21, v16;
	v2 =	vadd.f32 v18, v2;
	v18 =	vor.u32 v35, v1  }
0x36f: {  	v22 =	vmul.f32 v22, v15;
	v17 =	vadd.f32 v19, v17;
	v19 =	vld.idx.msk [tilespmem:v37+s19+$0x0], $0xffff;
	v1 =	vor.u32 v34, v1  }
0x370: {  	v53 =	vld.idx.msk [tilespmem:v38+s19+$0x0], $0xffff;
	v23 =	vmul.f32 v23, v14;
	v2 =	vadd.f32 v21, v2  }
0x371: {  	v59 =	vld.idx.msk [tilespmem:v47+s19+$0x0], $0xffff;
	v24 =	vmul.f32 v24, v13;
	v17 =	vadd.f32 v22, v17  }
0x372: {  	v60 =	vld.idx.msk [tilespmem:v48+s19+$0x0], $0xffff;
	v25 =	vmul.f32 v25, v12;
	v2 =	vadd.f32 v23, v2  }
0x373: {  	v62 =	vmul.f32 v26, v6;
	v17 =	vadd.f32 v24, v17;
	v18 =	vld.idx.msk [tilespmem:v18+s19+$0x0], $0xffff  }
0x374: {  	v1 =	vld.idx.msk [tilespmem:v1+s19+$0x0], $0xffff;
	v19 =	vmul.f32 v19, v7;
	v2 =	vadd.f32 v25, v2  }
0x375: {  	v21 =	vmul.f32 v53, v8;
	v17 =	vadd.f32 v62, v17  }
0x376: {  	v2 =	vadd.f32 v19, v2;
	v19 =	vmul.f32 v59, v9  }
0x377: {  	v63 =	vmul.f32 v60, v10;
	v17 =	vadd.f32 v21, v17  }
0x378: {  	v2 =	vadd.f32 v19, v2  }
0x379: {  	v17 =	vadd.f32 v63, v17;
	v1 =	vmul.f32 v1, v4;
	v18 =	vmul.f32 v18, v11;
	_ =	sdelay $0x1  }
0x37a: {  	v1 =	vadd.f32 v1, v2;
	v2 =	vadd.f32 v18, v17;
	_ =	sdelay $0x1  }
0x37b: {  	v1 =	vadd.f32 v2, v1;
	_ =	sdelay $0x1  }
0x37c: {  	v1 =	vmul.f32 $1.442695020e+00, v1;
	_ =	sdelay $0x1  }
0x37d: {  	(erf) = vpow2.f32 v1  }
0x37e: {  	s11 =	simm.s32 $0x2;
	v36 =	vld [tilespmem:$0x1FB30]  }
0x37f: {  	v47 =	vld [tilespmem:$0x1FB20];
	v2 =	vmov s11  }
0x380: {  	v48 =	vld [tilespmem:$0x1FB10];
	v17 =	vimm.f32 $0.0e+00;
	v2 =	vshll.u32 v2, $0x5  }
0x381: {  	v38 =	vld [tilespmem:$0x1FAF0];
	v53 =	vadd.f32 v20, v17;
	v2 =	vor.u32 v61, v2  }
0x382: {  	s31 =	smov.u32 s7;
	s12 =	simm.s32 $0x4;
	s15 =	simm.s32 $0x11810;
	v37 =	vld [tilespmem:$0x1FB00];
	v18 =	vor.u32 v46, v2;
	v17 =	vor.u32 v40, v2;
	v19 =	vor.u32 v41, v2  }
.LBB2_9:
0x383: {  	p2 =	slt.u32 s12, $0x1E  }
0x384: {  	v1 =	vor.u32 v39, v2;
	v20 =	vor.u32 v42, v2;
	v21 =	vor.u32 v0, v2;
	s10 =	sadd.s32 $0x20, s10;
	s17 =	smov.u32 s12;
	s12 =	sadd.s32 $0x2, s12  }
0x385: {  	v22 =	vor.u32 v3, v2;
	v23 =	vor.u32 v5, v2;
	v24 =	vor.u32 v44, v2  }
0x386: {  	v25 =	vor.u32 v43, v2;
	v26 =	vor.u32 v32, v2;
	v27 =	vor.u32 v33, v2;
	v28 =	vpop (erf)  }
0x387: {  	v29 =	vor.u32 v55, v2;
	v30 =	vor.u32 v56, v2;
	[tilespmem:s15+$0x0] =	vst v28;
	v53 =	vadd.f32 v28, v53;
	s15 =	smov.u32 s10  }
0x388: {  	v28 =	vor.u32 v34, v2;
	v2 =	vor.u32 v35, v2;
	v19 =	vld.idx.msk [tilespmem:v19+s19+$0x0], $0xffff  }
0x389: {  	v18 =	vld.idx.msk [tilespmem:v18+s19+$0x0], $0xffff  }
0x38a: {  	v17 =	vld.idx.msk [tilespmem:v17+s19+$0x0], $0xffff;
	_ =	sdelay $0x1  }
0x38b: {  	v1 =	vld.idx.msk [tilespmem:v1+s19+$0x0], $0xffff  }
0x38c: {  	v20 =	vld.idx.msk [tilespmem:v20+s19+$0x0], $0xffff  }
0x38d: {  	v21 =	vld.idx.msk [tilespmem:v21+s19+$0x0], $0xffff  }
0x38e: {  	v18 =	vmul.f32 v18, v52;
	v22 =	vld.idx.msk [tilespmem:v22+s19+$0x0], $0xffff  }
0x38f: {  	v17 =	vmul.f32 v17, v51;
	v23 =	vld.idx.msk [tilespmem:v23+s19+$0x0], $0xffff  }
0x390: {  	v19 =	vmul.f32 v19, v50;
	v18 =	vadd.f32 $0.0e+00, v18;
	v24 =	vld.idx.msk [tilespmem:v24+s19+$0x0], $0xffff  }
0x391: {  	v17 =	vadd.f32 $0.0e+00, v17;
	v1 =	vmul.f32 v1, v49;
	v25 =	vld.idx.msk [tilespmem:v25+s19+$0x0], $0xffff  }
0x392: {  	v18 =	vadd.f32 v19, v18;
	v19 =	vmul.f32 v20, v16;
	v20 =	vld.idx.msk [tilespmem:v26+s19+$0x0], $0xffff  }
0x393: {  	v1 =	vadd.f32 v1, v17;
	v17 =	vmul.f32 v21, v15;
	v21 =	vld.idx.msk [tilespmem:v27+s19+$0x0], $0xffff  }
0x394: {  	v18 =	vadd.f32 v19, v18;
	v19 =	vmul.f32 v22, v14;
	v22 =	vld.idx.msk [tilespmem:v29+s19+$0x0], $0xffff  }
0x395: {  	v1 =	vadd.f32 v17, v1;
	v17 =	vmul.f32 v23, v13;
	v23 =	vld.idx.msk [tilespmem:v30+s19+$0x0], $0xffff  }
0x396: {  	v18 =	vadd.f32 v19, v18;
	v19 =	vmul.f32 v24, v12;
	v2 =	vld.idx.msk [tilespmem:v2+s19+$0x0], $0xffff  }
0x397: {  	v1 =	vadd.f32 v17, v1;
	v17 =	vmul.f32 v25, v6;
	v24 =	vld.idx.msk [tilespmem:v28+s19+$0x0], $0xffff  }
0x398: {  	v18 =	vadd.f32 v19, v18;
	v19 =	vmul.f32 v20, v7  }
0x399: {  	v1 =	vadd.f32 v17, v1;
	v17 =	vmul.f32 v21, v8  }
0x39a: {  	v18 =	vadd.f32 v19, v18;
	v19 =	vmul.f32 v22, v9  }
0x39b: {  	v1 =	vadd.f32 v17, v1;
	v17 =	vmul.f32 v23, v10  }
0x39c: {  	v18 =	vadd.f32 v19, v18  }
0x39d: {  	v2 =	vmul.f32 v2, v11;
	v1 =	vadd.f32 v17, v1;
	v17 =	vmul.f32 v24, v4;
	_ =	sdelay $0x1  }
0x39e: {  	v17 =	vadd.f32 v17, v18;
	v1 =	vadd.f32 v2, v1;
	_ =	sdelay $0x1  }
0x39f: {  	v1 =	vadd.f32 v1, v17;
	_ =	sdelay $0x1  }
0x3a0: {  	v1 =	vmul.f32 $1.442695020e+00, v1;
	_ =	sdelay $0x1  }
0x3a1: {  	(erf) = vpow2.f32 v1;
	_ =	sdelay $0x1  }
0x3a2: {  	s0 =	sadd.s32 $0x1, s11;
	s11 =	smov.u32 s17  }
0x3a3: {  	v1 =	vmov s0  }
0x3a4: {  	v1 =	vshll.u32 v1, $0x5  }
0x3a5: {  	v1 =	vor.u32 v61, v1  }
0x3a6: {  	v2 =	vor.u32 v46, v1  }
0x3a7: {  	v17 =	vor.u32 v40, v1  }
0x3a8: {  	v18 =	vor.u32 v41, v1  }
0x3a9: {  	v19 =	vor.u32 v39, v1;
	v20 =	vpop (erf)  }
0x3aa: {  	v21 =	vor.u32 v42, v1;
	[tilespmem:s10+$0xFFFFFFF0] =	vst v20  }
0x3ab: {  	v22 =	vor.u32 v0, v1;
	v2 =	vld.idx.msk [tilespmem:v2+s19+$0x0], $0xffff  }
0x3ac: {  	v23 =	vor.u32 v3, v1;
	v17 =	vld.idx.msk [tilespmem:v17+s19+$0x0], $0xffff  }
0x3ad: {  	v24 =	vor.u32 v5, v1;
	v18 =	vld.idx.msk [tilespmem:v18+s19+$0x0], $0xffff  }
0x3ae: {  	v25 =	vor.u32 v44, v1;
	v19 =	vld.idx.msk [tilespmem:v19+s19+$0x0], $0xffff  }
0x3af: {  	v26 =	vor.u32 v43, v1;
	v21 =	vld.idx.msk [tilespmem:v21+s19+$0x0], $0xffff  }
0x3b0: {  	v27 =	vor.u32 v32, v1;
	v22 =	vld.idx.msk [tilespmem:v22+s19+$0x0], $0xffff  }
0x3b1: {  	v28 =	vor.u32 v33, v1;
	v2 =	vmul.f32 v2, v52;
	v23 =	vld.idx.msk [tilespmem:v23+s19+$0x0], $0xffff  }
0x3b2: {  	v29 =	vor.u32 v55, v1;
	v17 =	vmul.f32 v17, v51;
	v24 =	vld.idx.msk [tilespmem:v24+s19+$0x0], $0xffff  }
0x3b3: {  	v30 =	vor.u32 v56, v1;
	v2 =	vadd.f32 $0.0e+00, v2;
	v18 =	vmul.f32 v18, v50;
	v25 =	vld.idx.msk [tilespmem:v25+s19+$0x0], $0xffff  }
0x3b4: {  	v31 =	vor.u32 v35, v1;
	v17 =	vadd.f32 $0.0e+00, v17;
	v19 =	vmul.f32 v19, v49;
	v26 =	vld.idx.msk [tilespmem:v26+s19+$0x0], $0xffff  }
0x3b5: {  	v1 =	vor.u32 v34, v1;
	v2 =	vadd.f32 v18, v2;
	v18 =	vmul.f32 v21, v16;
	v21 =	vld.idx.msk [tilespmem:v27+s19+$0x0], $0xffff  }
0x3b6: {  	v17 =	vadd.f32 v19, v17;
	v19 =	vmul.f32 v22, v15;
	v22 =	vld.idx.msk [tilespmem:v28+s19+$0x0], $0xffff  }
0x3b7: {  	v2 =	vadd.f32 v18, v2;
	v18 =	vmul.f32 v23, v14;
	v23 =	vld.idx.msk [tilespmem:v29+s19+$0x0], $0xffff  }
0x3b8: {  	v17 =	vadd.f32 v19, v17;
	v19 =	vmul.f32 v24, v13;
	v24 =	vld.idx.msk [tilespmem:v30+s19+$0x0], $0xffff  }
0x3b9: {  	v2 =	vadd.f32 v18, v2;
	v18 =	vmul.f32 v25, v12;
	v25 =	vld.idx.msk [tilespmem:v31+s19+$0x0], $0xffff  }
0x3ba: {  	v17 =	vadd.f32 v19, v17;
	v19 =	vmul.f32 v26, v6;
	v1 =	vld.idx.msk [tilespmem:v1+s19+$0x0], $0xffff  }
0x3bb: {  	v2 =	vadd.f32 v18, v2;
	v18 =	vmul.f32 v21, v7  }
0x3bc: {  	v17 =	vadd.f32 v19, v17;
	v19 =	vmul.f32 v22, v8  }
0x3bd: {  	v2 =	vadd.f32 v18, v2;
	v18 =	vmul.f32 v23, v9  }
0x3be: {  	v17 =	vadd.f32 v19, v17;
	v19 =	vmul.f32 v24, v10  }
0x3bf: {  	v2 =	vadd.f32 v18, v2  }
0x3c0: {  	v18 =	vmul.f32 v25, v11;
	v17 =	vadd.f32 v19, v17;
	v1 =	vmul.f32 v1, v4;
	_ =	sdelay $0x1  }
0x3c1: {  	v1 =	vadd.f32 v1, v2;
	v2 =	vadd.f32 v18, v17;
	_ =	sdelay $0x1  }
0x3c2: {  	v1 =	vadd.f32 v2, v1;
	_ =	sdelay $0x1  }
0x3c3: {  	v1 =	vmul.f32 $1.442695020e+00, v1;
	_ =	sdelay $0x1  }
0x3c4: {  	(erf) = vpow2.f32 v1;
	_ =	sdelay $0x1  }
.Ltmp7:
0x3c5: {  	(pc) =	sbr.rel @p2 .LBB2_9-.Ltmp7, $4  }
0x3c6: {  	v1 =	vmov s11  }
0x3c7: {  	v1 =	vshll.u32 v1, $0x5  }
0x3c8: {  	v53 =	vadd.f32 v20, v53;
	v2 =	vor.u32 v61, v1  }
0x3c9: {  	v18 =	vor.u32 v46, v2;
	v17 =	vor.u32 v40, v2;
	v19 =	vor.u32 v41, v2  }
0x3ca: {  	_ =	sdelay $0x1  }
0x3cb: {  	v20 =	vor.u32 v39, v2;
	v1 =	vpop (erf)  }
0x3cc: {  	v21 =	vor.u32 v42, v2;
	[tilespmem:s15+$0x0] =	vst v1  }
0x3cd: {  	v22 =	vor.u32 v0, v2;
	v18 =	vld.idx.msk [tilespmem:v18+s19+$0x0], $0xffff  }
0x3ce: {  	v23 =	vor.u32 v3, v2;
	v17 =	vld.idx.msk [tilespmem:v17+s19+$0x0], $0xffff  }
0x3cf: {  	v24 =	vor.u32 v5, v2;
	v19 =	vld.idx.msk [tilespmem:v19+s19+$0x0], $0xffff  }
0x3d0: {  	v25 =	vor.u32 v44, v2;
	v20 =	vld.idx.msk [tilespmem:v20+s19+$0x0], $0xffff  }
0x3d1: {  	v26 =	vor.u32 v43, v2;
	v21 =	vld.idx.msk [tilespmem:v21+s19+$0x0], $0xffff  }
0x3d2: {  	v27 =	vor.u32 v32, v2;
	v22 =	vld.idx.msk [tilespmem:v22+s19+$0x0], $0xffff;
	v18 =	vmul.f32 v18, v52  }
0x3d3: {  	v28 =	vor.u32 v33, v2;
	v29 =	vor.u32 v55, v2;
	v23 =	vld.idx.msk [tilespmem:v23+s19+$0x0], $0xffff;
	v17 =	vmul.f32 v17, v51  }
0x3d4: {  	v30 =	vor.u32 v56, v2;
	v24 =	vld.idx.msk [tilespmem:v24+s19+$0x0], $0xffff;
	v19 =	vmul.f32 v19, v50;
	v18 =	vadd.f32 $0.0e+00, v18  }
0x3d5: {  	v31 =	vor.u32 v35, v2;
	v25 =	vld.idx.msk [tilespmem:v25+s19+$0x0], $0xffff;
	v20 =	vmul.f32 v20, v49;
	v17 =	vadd.f32 $0.0e+00, v17  }
0x3d6: {  	v2 =	vor.u32 v34, v2;
	v26 =	vld.idx.msk [tilespmem:v26+s19+$0x0], $0xffff;
	v18 =	vadd.f32 v19, v18;
	v19 =	vmul.f32 v21, v16  }
0x3d7: {  	v21 =	vld.idx.msk [tilespmem:v27+s19+$0x0], $0xffff;
	v17 =	vadd.f32 v20, v17;
	v20 =	vmul.f32 v22, v15  }
0x3d8: {  	v22 =	vld.idx.msk [tilespmem:v28+s19+$0x0], $0xffff;
	v18 =	vadd.f32 v19, v18;
	v19 =	vmul.f32 v23, v14  }
0x3d9: {  	v23 =	vld.idx.msk [tilespmem:v29+s19+$0x0], $0xffff;
	v17 =	vadd.f32 v20, v17;
	v20 =	vmul.f32 v24, v13  }
0x3da: {  	v24 =	vld.idx.msk [tilespmem:v30+s19+$0x0], $0xffff;
	v18 =	vadd.f32 v19, v18;
	v19 =	vmul.f32 v25, v12  }
0x3db: {  	v2 =	vld.idx.msk [tilespmem:v2+s19+$0x0], $0xffff;
	v17 =	vadd.f32 v20, v17;
	v20 =	vmul.f32 v26, v6  }
0x3dc: {  	v25 =	vld.idx.msk [tilespmem:v31+s19+$0x0], $0xffff;
	v18 =	vadd.f32 v19, v18;
	v19 =	vmul.f32 v21, v7  }
0x3dd: {  	v17 =	vadd.f32 v20, v17;
	v20 =	vmul.f32 v22, v8  }
0x3de: {  	v18 =	vadd.f32 v19, v18  }
0x3df: {  	v19 =	vmul.f32 v23, v9;
	v17 =	vadd.f32 v20, v17;
	v20 =	vmul.f32 v24, v10  }
0x3e0: {  	v2 =	vmul.f32 v2, v4  }
0x3e1: {  	v18 =	vadd.f32 v19, v18;
	v17 =	vadd.f32 v20, v17;
	v19 =	vmul.f32 v25, v11;
	_ =	sdelay $0x1  }
0x3e2: {  	v2 =	vadd.f32 v2, v18;
	v17 =	vadd.f32 v19, v17;
	_ =	sdelay $0x1  }
0x3e3: {  	v2 =	vadd.f32 v17, v2;
	_ =	sdelay $0x1  }
0x3e4: {  	v2 =	vmul.f32 $1.442695020e+00, v2;
	_ =	sdelay $0x1  }
0x3e5: {  	(erf) = vpow2.f32 v2;
	_ =	sdelay $0x1  }
0x3e6: {  	s0 =	sadd.s32 $0x1, s11  }
0x3e7: {  	v2 =	vmov s0  }
0x3e8: {  	v2 =	vshll.u32 v2, $0x5  }
0x3e9: {  	v2 =	vor.u32 v61, v2  }
0x3ea: {  	v17 =	vor.u32 v46, v2  }
0x3eb: {  	v18 =	vor.u32 v40, v2  }
0x3ec: {  	v19 =	vor.u32 v41, v2  }
0x3ed: {  	s10 =	sadd.s32 $0x20, s10;
	v20 =	vor.u32 v39, v2;
	v21 =	vpop (erf)  }
0x3ee: {  	v22 =	vor.u32 v42, v2;
	[tilespmem:s10+$0xFFFFFFF0] =	vst v21  }
0x3ef: {  	v23 =	vor.u32 v0, v2;
	v17 =	vld.idx.msk [tilespmem:v17+s19+$0x0], $0xffff  }
0x3f0: {  	v24 =	vor.u32 v3, v2;
	v18 =	vld.idx.msk [tilespmem:v18+s19+$0x0], $0xffff  }
0x3f1: {  	v25 =	vor.u32 v5, v2;
	v19 =	vld.idx.msk [tilespmem:v19+s19+$0x0], $0xffff  }
0x3f2: {  	v26 =	vor.u32 v44, v2;
	v20 =	vld.idx.msk [tilespmem:v20+s19+$0x0], $0xffff  }
0x3f3: {  	v27 =	vor.u32 v43, v2;
	v22 =	vld.idx.msk [tilespmem:v22+s19+$0x0], $0xffff  }
0x3f4: {  	v28 =	vor.u32 v32, v2;
	v23 =	vld.idx.msk [tilespmem:v23+s19+$0x0], $0xffff  }
0x3f5: {  	v29 =	vor.u32 v33, v2;
	v24 =	vld.idx.msk [tilespmem:v24+s19+$0x0], $0xffff;
	v17 =	vmul.f32 v17, v52;
	v18 =	vmul.f32 v18, v51  }
0x3f6: {  	v30 =	vor.u32 v55, v2;
	v31 =	vor.u32 v56, v2;
	v25 =	vld.idx.msk [tilespmem:v25+s19+$0x0], $0xffff;
	v19 =	vmul.f32 v19, v50  }
0x3f7: {  	v26 =	vld.idx.msk [tilespmem:v26+s19+$0x0], $0xffff;
	v20 =	vmul.f32 v20, v49;
	v17 =	vadd.f32 $0.0e+00, v17;
	v18 =	vadd.f32 $0.0e+00, v18  }
0x3f8: {  	v55 =	vor.u32 v35, v2;
	v2 =	vor.u32 v34, v2;
	v27 =	vld.idx.msk [tilespmem:v27+s19+$0x0], $0xffff;
	v16 =	vmul.f32 v22, v16  }
0x3f9: {  	v15 =	vmul.f32 v23, v15;
	v17 =	vadd.f32 v19, v17;
	v19 =	vld.idx.msk [tilespmem:v28+s19+$0x0], $0xffff;
	v18 =	vadd.f32 v20, v18  }
0x3fa: {  	v14 =	vmul.f32 v24, v14;
	v20 =	vld.idx.msk [tilespmem:v29+s19+$0x0], $0xffff  }
0x3fb: {  	v13 =	vmul.f32 v25, v13;
	v16 =	vadd.f32 v16, v17;
	v17 =	vld.idx.msk [tilespmem:v30+s19+$0x0], $0xffff;
	v15 =	vadd.f32 v15, v18  }
0x3fc: {  	v12 =	vmul.f32 v26, v12;
	v18 =	vld.idx.msk [tilespmem:v31+s19+$0x0], $0xffff  }
0x3fd: {  	v2 =	vld.idx.msk [tilespmem:v2+s19+$0x0], $0xffff;
	v56 =	vmul.f32 v27, v6;
	v14 =	vadd.f32 v14, v16;
	v13 =	vadd.f32 v13, v15  }
0x3fe: {  	v16 =	vld.idx.msk [tilespmem:v55+s19+$0x0], $0xffff;
	v59 =	vmul.f32 v19, v7  }
0x3ff: {  	v8 =	vmul.f32 v20, v8;
	v12 =	vadd.f32 v12, v14;
	v6 =	vadd.f32 v56, v13  }
0x400: {  	v9 =	vmul.f32 v17, v9  }
0x401: {  	v7 =	vadd.f32 v59, v12;
	v6 =	vadd.f32 v8, v6;
	v8 =	vmul.f32 v18, v10  }
0x402: {  	v2 =	vmul.f32 v2, v4  }
0x403: {  	v60 =	vmul.f32 v16, v11;
	v7 =	vadd.f32 v9, v7;
	v6 =	vadd.f32 v8, v6;
	_ =	sdelay $0x1  }
0x404: {  	v2 =	vadd.f32 v2, v7;
	v4 =	vadd.f32 v60, v6;
	_ =	sdelay $0x1  }
0x405: {  	v2 =	vadd.f32 v4, v2;
	_ =	sdelay $0x1  }
0x406: {  	v2 =	vmul.f32 $1.442695020e+00, v2;
	_ =	sdelay $0x1  }
0x407: {  	(erf) = vpow2.f32 v2;
	_ =	sdelay $0x3  }
0x408: {  	s11 =	simm.s32 $0x1;
	v17 =	vld [tilespmem:$0x1FB40]  }
0x409: {  	v2 =	vmov s11  }
0x40a: {  	v46 =	vld [tilespmem:$0x1FEF0];
	v2 =	vshll.u32 v2, $0x5  }
0x40b: {  	v41 =	vld [tilespmem:$0x1FB60];
	v2 =	vor.u32 v61, v2  }
0x40c: {  	v51 =	vld [tilespmem:$0x1FBA0];
	v62 =	vor.u32 v47, v2  }
0x40d: {  	v52 =	vld [tilespmem:$0x1FB50];
	v32 =	vor.u32 v17, v2;
	v63 =	vpop (erf)  }
0x40e: {  	s12 =	simm.s32 $0x11810;
	v59 =	vld [tilespmem:$0x1FB90];
	v8 =	vor.u32 v57, v2;
	[tilespmem:s10+$0x0] =	vst v63  }
0x40f: {  	v9 =	vor.u32 v46, v2;
	v10 =	vld [tilespmem:s12+$0x0]  }
0x410: {  	v11 =	vor.u32 v58, v2;
	v12 =	vld [tilespmem:s12+$0xFFFFFFF0]  }
0x411: {  	v1 =	vadd.f32 v1, v53;
	v13 =	vor.u32 v54, v2;
	v3 =	vld.idx.msk [tilespmem:v62+s19+$0x0], $0xffff  }
0x412: {  	v33 =	vor.u32 v51, v2;
	v14 =	vld.idx.msk [tilespmem:v32+s19+$0x0], $0xffff  }
0x413: {  	v1 =	vadd.f32 v21, v1;
	v34 =	vor.u32 v59, v2;
	v8 =	vld.idx.msk [tilespmem:v8+s19+$0x0], $0xffff  }
0x414: {  	v16 =	vor.u32 v48, v2;
	v9 =	vld.idx.msk [tilespmem:v9+s19+$0x0], $0xffff  }
0x415: {  	s15 =	simm.s32 $0x0;
	v18 =	vor.u32 v45, v2;
	v1 =	vadd.f32 v63, v1;
	v11 =	vld.idx.msk [tilespmem:v11+s19+$0x0], $0xffff  }
0x416: {  	v15 =	vmov s15;
	v25 =	vor.u32 v37, v2;
	v13 =	vld.idx.msk [tilespmem:v13+s19+$0x0], $0xffff  }
0x417: {  	v19 =	vld.idx.msk [tilespmem:v33+s19+$0x0], $0xffff;
	(erf) = vrcp.f32 v1;
	v1 =	vshll.u32 v15, $0x5  }
0x418: {  	v21 =	vld.idx.msk [tilespmem:v34+s19+$0x0], $0xffff;
	v15 =	vor.u32 v38, v2;
	v0 =	vor.u32 v61, v1  }
0x419: {  	v16 =	vld.idx.msk [tilespmem:v16+s19+$0x0], $0xffff;
	v1 =	vor.u32 v57, v0  }
0x41a: {  	v18 =	vld.idx.msk [tilespmem:v18+s19+$0x0], $0xffff;
	v20 =	vor.u32 v46, v0  }
0x41b: {  	v25 =	vld.idx.msk [tilespmem:v25+s19+$0x0], $0xffff;
	v35 =	vor.u32 v51, v0  }
0x41c: {  	v39 =	vmov v48;
	v23 =	vor.u32 v48, v0;
	v48 =	vmov v47;
	v47 =	vld [tilespmem:$0x1FBB0]  }
0x41d: {  	v30 =	vor.u32 v38, v0;
	v15 =	vld.idx.msk [tilespmem:v15+s19+$0x0], $0xffff  }
0x41e: {  	v60 =	vor.u32 v36, v0;
	v24 =	vld.idx.msk [tilespmem:v1+s19+$0x0], $0xffff  }
0x41f: {  	v53 =	vor.u32 v17, v0;
	v20 =	vld.idx.msk [tilespmem:v20+s19+$0x0], $0xffff  }
0x420: {  	v49 =	vor.u32 v52, v0;
	v31 =	vld.idx.msk [tilespmem:v35+s19+$0x0], $0xffff  }
0x421: {  	v7 =	vmov v36;
	v22 =	vor.u32 v52, v2;
	v23 =	vld.idx.msk [tilespmem:v23+s19+$0x0], $0xffff;
	v6 =	vpop (erf)  }
0x422: {  	v28 =	vor.u32 v36, v2;
	v26 =	vor.u32 v59, v0;
	v30 =	vld.idx.msk [tilespmem:v30+s19+$0x0], $0xffff;
	v10 =	vmul.f32 v10, v6  }
0x423: {  	v29 =	vor.u32 v41, v0;
	v56 =	vor.u32 v45, v0;
	v36 =	vld.idx.msk [tilespmem:v60+s19+$0x0], $0xffff;
	v34 =	vmul.f32 v12, v6  }
0x424: {  	v62 =	vor.u32 v54, v0;
	v55 =	vor.u32 v48, v0;
	v32 =	vld.idx.msk [tilespmem:v53+s19+$0x0], $0xffff;
	v15 =	vmul.f32 v15, v10  }
0x425: {  	v27 =	vor.u32 v47, v0;
	v40 =	vld.idx.msk [tilespmem:v49+s19+$0x0], $0xffff;
	v24 =	vmul.f32 v24, v34;
	v3 =	vmul.f32 v3, v10  }
0x426: {  	v12 =	vld.idx.msk [tilespmem:v22+s19+$0x0], $0xffff;
	v22 =	vor.u32 v37, v0;
	v8 =	vmul.f32 v8, v10;
	v63 =	vmul.f32 v9, v10  }
0x427: {  	v0 =	vor.u32 v58, v0;
	v16 =	vmul.f32 v16, v10;
	[tilespmem:$0x1FA20] =	vst v3;
	v3 =	vmul.f32 v13, v10  }
0x428: {  	v9 =	vld.idx.msk [tilespmem:v28+s19+$0x0], $0xffff;
	v28 =	vor.u32 v47, v2;
	v19 =	vmul.f32 v19, v10;
	v11 =	vmul.f32 v11, v10  }
0x429: {  	v2 =	vor.u32 v41, v2;
	v31 =	vmul.f32 v31, v34;
	[tilespmem:$0x1FA30] =	vst v3;
	v3 =	vmul.f32 v21, v10  }
0x42a: {  	v20 =	vmul.f32 v20, v34;
	v36 =	vmul.f32 v36, v34;
	[tilespmem:$0x1FA80] =	vst v11;
	v11 =	vld.idx.msk [tilespmem:v26+s19+$0x0], $0xffff  }
0x42b: {  	v4 =	vmov v37;
	v37 =	vmul.f32 v40, v34;
	v26 =	vld.idx.msk [tilespmem:v56+s19+$0x0], $0xffff;
	[tilespmem:$0x1FA60] =	vst v3;
	v3 =	vmul.f32 v12, v10  }
0x42c: {  	s17 =	simm.s32 $0x3;
	v1 =	vimm.f32 $0.0e+00;
	v12 =	vmul.f32 v18, v10;
	v18 =	vld.idx.msk [tilespmem:v22+s19+$0x0], $0xffff;
	v22 =	vmul.f32 v23, v34  }
0x42d: {  	v29 =	vld.idx.msk [tilespmem:v29+s19+$0x0], $0xffff;
	v13 =	vmov s17;
	v24 =	vadd.f32 v24, v1;
	v20 =	vadd.f32 v20, v1  }
0x42e: {  	s30 =	simm.s32 $0x2;
	v31 =	vadd.f32 v31, v1;
	v13 =	vshll.u32 v13, $0x5;
	v0 =	vld.idx.msk [tilespmem:v0+s19+$0x0], $0xffff;
	v22 =	vadd.f32 v22, v1  }
0x42f: {  	v43 =	vmovc v38;
	v49 =	vadd.f32 v63, v20;
	v20 =	vmov s30;
	v35 =	vld.idx.msk [tilespmem:v2+s19+$0x0], $0xffff;
	v23 =	vmul.f32 v30, v34  }
0x430: {  	v28 =	vld.idx.msk [tilespmem:v28+s19+$0x0], $0xffff;
	v50 =	vmul.f32 v11, v34;
	v2 =	vadd.f32 v16, v22;
	v16 =	vor.u32 v61, v13  }
0x431: {  	v30 =	vld.idx.msk [tilespmem:v55+s19+$0x0], $0xffff;
	v55 =	vmul.f32 v26, v34;
	v11 =	vadd.f32 v8, v24;
	v56 =	vor.u32 v17, v16  }
0x432: {  	[tilespmem:$0x1FA70] =	vst v3;
	v3 =	vmul.f32 v14, v10;
	v13 =	vmul.f32 v32, v34;
	v32 =	vor.u32 v57, v16  }
0x433: {  	v23 =	vadd.f32 v23, v1;
	v42 =	vor.u32 v46, v16;
	[tilespmem:$0x1FA40] =	vst v2;
	v2 =	vmul.f32 v25, v10  }
0x434: {  	v20 =	vshll.u32 v20, $0x5;
	v0 =	vmul.f32 v0, v34;
	[tilespmem:$0x1FA90] =	vst v3;
	v3 =	vld.idx.msk [tilespmem:v27+s19+$0x0], $0xffff;
	v44 =	vor.u32 v58, v16  }
0x435: {  	v33 =	vadd.f32 v50, v1;
	v27 =	vmov v52;
	v38 =	vor.u32 v51, v16;
	[tilespmem:$0x1FAB0] =	vst v2;
	v2 =	vld.idx.msk [tilespmem:v62+s19+$0x0], $0xffff  }
0x436: {  	v52 =	vor.u32 v61, v20;
	v21 =	vadd.f32 v13, v1;
	v13 =	vor.u32 v54, v16;
	v50 =	vld.idx.msk [tilespmem:v56+s19+$0x0], $0xffff  }
0x437: {  	v15 =	vadd.f32 v15, v23;
	v18 =	vmul.f32 v18, v34;
	v25 =	vor.u32 v39, v16;
	v56 =	vld.idx.msk [tilespmem:v32+s19+$0x0], $0xffff  }
0x438: {  	v30 =	vmul.f32 v30, v34;
	v40 =	vor.u32 v45, v16;
	v23 =	vor.u32 v57, v52;
	v14 =	vld.idx.msk [tilespmem:v42+s19+$0x0], $0xffff  }
0x439: {  	v62 =	vor.u32 v46, v52;
	v46 =	vmov v45;
	v45 =	vadd.f32 v18, v1;
	v18 =	vld.idx.msk [tilespmem:v44+s19+$0x0], $0xffff  }
0x43a: {  	v24 =	vmul.f32 v9, v10;
	v9 =	vadd.f32 v19, v31;
	v31 =	vadd.f32 v36, v1;
	v32 =	vld.idx.msk [tilespmem:v38+s19+$0x0], $0xffff  }
0x43b: {  	v0 =	vadd.f32 v0, v1;
	v60 =	vadd.f32 v30, v1;
	v3 =	vmul.f32 v3, v34;
	v63 =	vld.idx.msk [tilespmem:v13+s19+$0x0], $0xffff  }
0x43c: {  	v42 =	vmul.f32 v29, v34;
	v29 =	vadd.f32 v55, v1;
	v38 =	vld.idx.msk [tilespmem:v25+s19+$0x0], $0xffff;
	v44 =	vmul.f32 v2, v34  }
0x43d: {  	v13 =	vadd.f32 v37, v1;
	v37 =	vld.idx.msk [tilespmem:v23+s19+$0x0], $0xffff;
	v25 =	vadd.f32 v3, v1  }
0x43e: {  	v19 =	vadd.f32 v42, v1;
	v23 =	vadd.f32 v44, v1;
	v1 =	vld [tilespmem:$0x1FA80];
	_ =	sdelay $0x2  }
0x43f: {  	v22 =	vor.u32 v48, v16  }
0x440: {  	[tilespmem:$0x1FA50] =	vst v61;
	v20 =	vor.u32 v17, v52;
	v61 =	vor.u32 v4, v52;
	v17 =	vld [tilespmem:$0x1FA60];
	v3 =	vor.u32 v4, v16  }
0x441: {  	s10 =	simm.s32 $0x11830;
	v4 =	vmul.f32 v35, v10;
	v42 =	vmul.f32 v28, v10;
	v10 =	vadd.f32 v1, v0;
	v0 =	vld [tilespmem:$0x1FA90]  }
0x442: {  	v5 =	vld [tilespmem:s10+$0xFFFFFFF0]  }
0x443: {  	v8 =	vld [tilespmem:s10+$0x0];
	v30 =	vor.u32 v43, v16  }
0x444: {  	v53 =	vld.idx.msk [tilespmem:v22+s19+$0x0], $0xffff;
	[tilespmem:$0x1FAC0] =	vst v14;
	v14 =	vor.u32 v51, v52  }
0x445: {  	v36 =	vor.u32 v59, v16;
	v55 =	vadd.f32 v17, v33;
	v17 =	vld [tilespmem:$0x1FA70]  }
0x446: {  	v21 =	vadd.f32 v0, v21;
	v0 =	vld [tilespmem:$0x1FAB0]  }
0x447: {  	v26 =	vor.u32 v39, v52;
	v22 =	vor.u32 v59, v52;
	v59 =	vadd.f32 v24, v31;
	v24 =	vld.idx.msk [tilespmem:v40+s19+$0x0], $0xffff  }
0x448: {  	v57 =	vor.u32 v48, v52;
	v31 =	vld.idx.msk [tilespmem:v30+s19+$0x0], $0xffff  }
0x449: {  	v48 =	vor.u32 v7, v16;
	v33 =	vmul.f32 v8, v6;
	v39 =	vld.idx.msk [tilespmem:v14+s19+$0x0], $0xffff;
	v14 =	vmul.f32 v5, v6  }
0x44a: {  	v30 =	vor.u32 v27, v16;
	v2 =	vld.idx.msk [tilespmem:v36+s19+$0x0], $0xffff;
	v36 =	vor.u32 v43, v52  }
0x44b: {  	v43 =	vmul.f32 v37, v14;
	v37 =	vmul.f32 v56, v33;
	v56 =	vadd.f32 v0, v45;
	v0 =	vld [tilespmem:$0x1FAC0]  }
0x44c: {  	[tilespmem:$0x1FAA0] =	vst v6;
	v40 =	vld.idx.msk [tilespmem:v26+s19+$0x0], $0xffff  }
0x44d: {  	v58 =	vor.u32 v47, v52;
	v28 =	vor.u32 v41, v16;
	v35 =	vld.idx.msk [tilespmem:v62+s19+$0x0], $0xffff;
	v62 =	vor.u32 v54, v52  }
0x44e: {  	v34 =	vld.idx.msk [tilespmem:v48+s19+$0x0], $0xffff;
	v51 =	vor.u32 v41, v52;
	v13 =	vadd.f32 v17, v13;
	v41 =	vor.u32 v46, v52  }
0x44f: {  	v44 =	vor.u32 v7, v52;
	v38 =	vmul.f32 v38, v33;
	v30 =	vld.idx.msk [tilespmem:v30+s19+$0x0], $0xffff;
	v54 =	vmul.f32 v31, v33  }
0x450: {  	s11 =	simm.s32 $0x4;
	v31 =	vld.idx.msk [tilespmem:v3+s19+$0x0], $0xffff;
	v1 =	vor.u32 v47, v16;
	v16 =	vadd.f32 v4, v19;
	v26 =	vmul.f32 v0, v33  }
.LBB2_11:
0x451: {  	v36 =	vld.idx.msk [tilespmem:v36+s19+$0x0], $0xffff  }
0x452: {  	v0 =	vmul.f32 v18, v33;
	v18 =	vld.idx.msk [tilespmem:v22+s19+$0x0], $0xffff  }
0x453: {  	v41 =	vld.idx.msk [tilespmem:v41+s19+$0x0], $0xffff  }
0x454: {  	v44 =	vld.idx.msk [tilespmem:v44+s19+$0x0], $0xffff  }
0x455: {  	v20 =	vld.idx.msk [tilespmem:v20+s19+$0x0], $0xffff  }
0x456: {  	v3 =	vld [tilespmem:$0x1FA40]  }
0x457: {  	v6 =	vld [tilespmem:$0x1FFF0]  }
0x458: {  	v17 =	vld [tilespmem:$0x1FB90]  }
0x459: {  	[tilespmem:$0x1FA00] =	vst v0;
	v0 =	vld [tilespmem:$0x1FA20]  }
0x45a: {  	v7 =	vld [tilespmem:$0x1FB40]  }
0x45b: {  	v47 =	vld.idx.msk [tilespmem:v1+s19+$0x0], $0xffff  }
0x45c: {  	s10 =	sadd.s32 $0x20, s10;
	v35 =	vmul.f32 v35, v14;
	v4 =	vld [tilespmem:$0x1FEF0]  }
0x45d: {  	v19 =	vmov v33;
	v11 =	vadd.f32 v43, v11;
	v48 =	vld [tilespmem:s10+$0x0]  }
0x45e: {  	v35 =	vadd.f32 v35, v49;
	v49 =	vld.idx.msk [tilespmem:v58+s19+$0x0], $0xffff;
	v22 =	vadd.f32 v0, v60;
	v0 =	vmul.f32 v53, v19  }
0x45f: {  	v29 =	vadd.f32 v12, v29;
	v12 =	vadd.f32 v37, v11;
	v37 =	vld.idx.msk [tilespmem:v28+s19+$0x0], $0xffff  }
0x460: {  	v45 =	vmul.f32 v2, v19;
	v2 =	vmul.f32 v39, v14;
	[tilespmem:$0x1FA20] =	vst v0;
	v0 =	vld [tilespmem:$0x1FA30]  }
0x461: {  	v28 =	vmul.f32 v34, v19;
	v34 =	vld.idx.msk [tilespmem:v62+s19+$0x0], $0xffff  }
0x462: {  	s12 =	smov.u32 s11;
	v40 =	vmul.f32 v40, v14;
	v2 =	vadd.f32 v2, v9;
	v9 =	vld [tilespmem:$0x1FA50]  }
0x463: {  	v32 =	vmul.f32 v32, v33;
	s0 =	sadd.s32 $0x1, s12;
	v39 =	vld.idx.msk [tilespmem:v51+s19+$0x0], $0xffff;
	v60 =	vor.u32 v27, v52  }
0x464: {  	v46 =	vmul.f32 v31, v19;
	v62 =	vld [tilespmem:$0x1FB70];
	v8 =	vadd.f32 v40, v3;
	v53 =	vmov s0  }
0x465: {  	v40 =	vmul.f32 v41, v14;
	v3 =	vld [tilespmem:s10+$0xFFFFFFF0];
	v33 =	vshll.u32 v53, $0x5;
	v0 =	vadd.f32 v0, v23  }
0x466: {  	v53 =	vmul.f32 v44, v14;
	v11 =	vadd.f32 v32, v2;
	v2 =	vadd.f32 v38, v8;
	v8 =	vld [tilespmem:$0x1FBA0]  }
0x467: {  	v29 =	vadd.f32 v40, v29;
	v40 =	vld [tilespmem:$0x1FB30];
	v31 =	vor.u32 v9, v33;
	[tilespmem:$0x1F9F0] =	vst v0;
	v0 =	vmul.f32 v63, v19  }
0x468: {  	v25 =	vadd.f32 v42, v25;
	v41 =	vadd.f32 v53, v59;
	v42 =	vld.idx.msk [tilespmem:v60+s19+$0x0], $0xffff;
	v59 =	vor.u32 v7, v31  }
0x469: {  	v23 =	vmul.f32 v24, v19;
	v24 =	vld.idx.msk [tilespmem:v57+s19+$0x0], $0xffff;
	[tilespmem:$0x1FA30] =	vst v0;
	v0 =	vmul.f32 v50, v19  }
0x46a: {  	[tilespmem:$0x1FA40] =	vst v2;
	v2 =	vmul.f32 v20, v14;
	v57 =	vld [tilespmem:$0x1FB20]  }
0x46b: {  	v5 =	vmul.f32 v49, v14;
	v49 =	vadd.f32 v26, v35;
	v26 =	vor.u32 v8, v31;
	[tilespmem:$0x1FA10] =	vst v0;
	v0 =	vld [tilespmem:$0x1FB80]  }
0x46c: {  	v21 =	vadd.f32 v2, v21;
	v2 =	vor.u32 v62, v31;
	v63 =	vld.idx.msk [tilespmem:v61+s19+$0x0], $0xffff  }
0x46d: {  	v44 =	vor.u32 v17, v31;
	v61 =	vld [tilespmem:$0x1FB10]  }
0x46e: {  	v50 =	vld.idx.msk [tilespmem:v59+s19+$0x0], $0xffff  }
0x46f: {  	v43 =	vor.u32 v6, v31;
	v35 =	vmul.f32 v42, v14;
	v59 =	vld [tilespmem:$0x1FAF0]  }
0x470: {  	v30 =	vmul.f32 v30, v19;
	v32 =	vld.idx.msk [tilespmem:v26+s19+$0x0], $0xffff;
	v52 =	vor.u32 v0, v52  }
0x471: {  	v36 =	vmul.f32 v36, v14;
	v13 =	vadd.f32 v35, v13;
	v20 =	vmul.f32 v63, v14;
	v63 =	vld.idx.msk [tilespmem:v2+s19+$0x0], $0xffff  }
0x472: {  	v18 =	vmul.f32 v18, v14;
	v1 =	vor.u32 v4, v31;
	v2 =	vld.idx.msk [tilespmem:v44+s19+$0x0], $0xffff  }
0x473: {  	v15 =	vadd.f32 v36, v15;
	v13 =	vadd.f32 v30, v13;
	v30 =	vld [tilespmem:$0x1FAA0]  }
0x474: {  	v55 =	vadd.f32 v18, v55;
	v18 =	vmov s12;
	v36 =	vor.u32 v0, v31;
	v0 =	vld.idx.msk [tilespmem:v43+s19+$0x0], $0xffff  }
0x475: {  	v18 =	vshll.u32 v18, $0x5;
	v33 =	vld.idx.msk [tilespmem:v52+s19+$0x0], $0xffff  }
0x476: {  	v58 =	vor.u32 v57, v31;
	v24 =	vmul.f32 v24, v14;
	v52 =	vor.u32 v9, v18;
	v9 =	vld [tilespmem:$0x1FBC0]  }
0x477: {  	v38 =	vor.u32 v61, v31;
	v43 =	vor.u32 v6, v52;
	v6 =	vld.idx.msk [tilespmem:v1+s19+$0x0], $0xffff  }
0x478: {  	v15 =	vadd.f32 v54, v15;
	v60 =	vadd.f32 v24, v22;
	v1 =	vld [tilespmem:$0x1FBB0]  }
0x479: {  	v54 =	vor.u32 v4, v52;
	v22 =	vor.u32 v17, v52;
	v17 =	vmul.f32 v39, v14;
	v39 =	vld [tilespmem:$0x1FB60]  }
0x47a: {  	v34 =	vmul.f32 v34, v14;
	v26 =	vmul.f32 v33, v14;
	v14 =	vld [tilespmem:$0x1FB00]  }
0x47b: {  	v44 =	vor.u32 v27, v31;
	v27 =	vor.u32 v40, v31;
	v53 =	vld.idx.msk [tilespmem:v58+s19+$0x0], $0xffff  }
0x47c: {  	v24 =	vor.u32 v59, v31;
	v56 =	vadd.f32 v20, v56;
	v38 =	vld.idx.msk [tilespmem:v38+s19+$0x0], $0xffff;
	v4 =	vor.u32 v8, v52  }
0x47d: {  	v18 =	vld.idx.msk [tilespmem:v36+s19+$0x0], $0xffff;
	v20 =	vor.u32 v7, v52;
	v7 =	vor.u32 v61, v52;
	v36 =	vor.u32 v59, v52  }
0x47e: {  	v59 =	vadd.f32 v28, v41;
	v42 =	vor.u32 v9, v31;
	v58 =	vor.u32 v1, v52;
	v35 =	vld.idx.msk [tilespmem:v54+s19+$0x0], $0xffff  }
0x47f: {  	v1 =	vor.u32 v1, v31;
	v28 =	vor.u32 v39, v31;
	v54 =	vld [tilespmem:$0x1FA00];
	v61 =	vor.u32 v14, v52  }
0x480: {  	v31 =	vor.u32 v14, v31;
	v14 =	vmul.f32 v3, v30;
	v3 =	vadd.f32 v26, v10;
	v10 =	vld [tilespmem:$0x1F9F0]  }
0x481: {  	v8 =	vld.idx.msk [tilespmem:v24+s19+$0x0], $0xffff  }
0x482: {  	v43 =	vld.idx.msk [tilespmem:v43+s19+$0x0], $0xffff  }
0x483: {  	v51 =	vor.u32 v39, v52;
	v39 =	vld.idx.msk [tilespmem:v4+s19+$0x0], $0xffff  }
0x484: {  	v55 =	vadd.f32 v45, v55;
	v45 =	vmul.f32 v37, v19;
	v41 =	vor.u32 v9, v52;
	v24 =	vld.idx.msk [tilespmem:v42+s19+$0x0], $0xffff  }
0x485: {  	p2 =	slt.u32 s11, $0x1E;
	v9 =	vmovc v11;
	v11 =	vmovc v12;
	v12 =	vmov v23;
	v23 =	vadd.f32 v34, v10;
	v10 =	vadd.f32 v54, v3;
	v3 =	vld [tilespmem:$0x1FA10]  }
.Ltmp8:
0x486: {  	v25 =	vadd.f32 v5, v25;
	v56 =	vadd.f32 v46, v56;
	v33 =	vmul.f32 v48, v30;
	v30 =	vld.idx.msk [tilespmem:v44+s19+$0x0], $0xffff;
	(pc) =	sbr.rel @p2 .LBB2_11-.Ltmp8, $4  }
0x487: {  	v57 =	vor.u32 v57, v52;
	v48 =	vadd.f32 v17, v16;
	v44 =	vor.u32 v40, v52;
	v40 =	vld.idx.msk [tilespmem:v7+s19+$0x0], $0xffff  }
0x488: {  	v62 =	vor.u32 v62, v52;
	v37 =	vmul.f32 v0, v33;
	v38 =	vmul.f32 v38, v33;
	v31 =	vld.idx.msk [tilespmem:v31+s19+$0x0], $0xffff  }
0x489: {  	v16 =	vadd.f32 v45, v48;
	v42 =	vmul.f32 v47, v19;
	v26 =	vmul.f32 v6, v33;
	v34 =	vld.idx.msk [tilespmem:v27+s19+$0x0], $0xffff  }
0x48a: {  	s11 =	sadd.s32 $0x2, s11;
	v43 =	vmul.f32 v43, v14;
	v54 =	vmul.f32 v8, v33;
	v27 =	vld [tilespmem:$0x1FB50];
	v21 =	vadd.f32 v3, v21  }
0x48b: {  	_ =	sdelay $0x1  }
0x48c: {  	v8 =	vmul.f32 v39, v14;
	_ =	sdelay $0x1  }
0x48d: {  	v0 =	vld.idx.msk [tilespmem:v44+s19+$0x0], $0xffff;
	v8 =	vadd.f32 v8, v9;
	v9 =	vmul.f32 v32, v33  }
0x48e: {  	v17 =	vld.idx.msk [tilespmem:v22+s19+$0x0], $0xffff  }
0x48f: {  	v8 =	vadd.f32 v9, v8;
	v9 =	vld.idx.msk [tilespmem:v58+s19+$0x0], $0xffff  }
0x490: {  	v5 =	vld.idx.msk [tilespmem:v36+s19+$0x0], $0xffff  }
0x491: {  	v1 =	vld.idx.msk [tilespmem:v1+s19+$0x0], $0xffff  }
0x492: {  	v20 =	vld.idx.msk [tilespmem:v20+s19+$0x0], $0xffff  }
0x493: {  	v46 =	vld [tilespmem:$0x1FB80];
	v17 =	vmul.f32 v17, v14  }
0x494: {  	v36 =	vadd.f32 v42, v25;
	v58 =	vld.idx.msk [tilespmem:v62+s19+$0x0], $0xffff;
	v9 =	vmul.f32 v9, v14  }
0x495: {  	v17 =	vadd.f32 v17, v55;
	v55 =	vld.idx.msk [tilespmem:v61+s19+$0x0], $0xffff  }
0x496: {  	v1 =	vmul.f32 v1, v33;
	v61 =	vld [tilespmem:$0x1FAE0];
	v9 =	vadd.f32 v9, v36  }
0x497: {  	v62 =	vld [tilespmem:$0x1FDB0]  }
0x498: {  	v7 =	vor.u32 v27, v52;
	v1 =	vadd.f32 v1, v9;
	v9 =	vld [tilespmem:$0x1FDC0]  }
0x499: {  	v19 =	vmul.f32 v35, v14;
	v42 =	vld.idx.msk [tilespmem:v41+s19+$0x0], $0xffff;
	v47 =	vor.u32 v46, v52  }
0x49a: {  	v44 =	vld.idx.msk [tilespmem:v28+s19+$0x0], $0xffff;
	v11 =	vadd.f32 v43, v11  }
0x49b: {  	v45 =	vmul.f32 v53, v33;
	v48 =	vld.idx.msk [tilespmem:v51+s19+$0x0], $0xffff;
	v19 =	vadd.f32 v19, v49  }
0x49c: {  	v2 =	vmul.f32 v2, v33;
	v53 =	vld.idx.msk [tilespmem:v57+s19+$0x0], $0xffff;
	v11 =	vadd.f32 v37, v11;
	v0 =	vmul.f32 v0, v14  }
0x49d: {  	v19 =	vadd.f32 v26, v19;
	v7 =	vld.idx.msk [tilespmem:v7+s19+$0x0], $0xffff  }
0x49e: {  	v0 =	vadd.f32 v0, v59;
	v2 =	vadd.f32 v2, v17;
	v59 =	vld.idx.msk [tilespmem:v47+s19+$0x0], $0xffff;
	[tilespmem:v61+s22+$0x0] =	vst.idx.msk $0xffff, v11  }
0x49f: {  	[tilespmem:v62+s22+$0x0] =	vst.idx.msk $0xffff, v19  }
0x4a0: {  	[tilespmem:v9+s22+$0x0] =	vst.idx.msk $0xffff, v2;
	v9 =	vld [tilespmem:$0x1FDD0];
	_ =	sdelay $0x5  }
0x4a1: {  	v4 =	vld [tilespmem:$0x1FA20];
	_ =	sdelay $0x1  }
0x4a2: {  	[tilespmem:v9+s22+$0x0] =	vst.idx.msk $0xffff, v8;
	v8 =	vld [tilespmem:$0x1FDE0]  }
0x4a3: {  	v9 =	vld [tilespmem:$0x1FDF0];
	_ =	sdelay $0x1  }
0x4a4: {  	v4 =	vadd.f32 v4, v60;
	v60 =	vmul.f32 v48, v14  }
0x4a5: {  	v43 =	vmul.f32 v18, v33;
	v49 =	vmul.f32 v63, v33  }
0x4a6: {  	v18 =	vmul.f32 v44, v33;
	v63 =	vmul.f32 v53, v14;
	v11 =	vadd.f32 v60, v16;
	_ =	sdelay $0x1  }
0x4a7: {  	v2 =	vadd.f32 v63, v4;
	v4 =	vadd.f32 v18, v11  }
0x4a8: {  	[tilespmem:v8+s22+$0x0] =	vst.idx.msk $0xffff, v1  }
0x4a9: {  	[tilespmem:v9+s22+$0x0] =	vst.idx.msk $0xffff, v4;
	v4 =	vld [tilespmem:$0x1FE00];
	_ =	sdelay $0x1  }
0x4aa: {  	v7 =	vmul.f32 v7, v14;
	_ =	sdelay $0x1  }
0x4ab: {  	v51 =	vmul.f32 v30, v33;
	v7 =	vadd.f32 v7, v13;
	_ =	sdelay $0x1  }
0x4ac: {  	v7 =	vadd.f32 v51, v7;
	_ =	sdelay $0x1  }
0x4ad: {  	[tilespmem:v4+s22+$0x0] =	vst.idx.msk $0xffff, v7;
	v4 =	vld [tilespmem:$0x1FE10];
	_ =	sdelay $0x1  }
0x4ae: {  	v20 =	vmul.f32 v20, v14;
	_ =	sdelay $0x1  }
0x4af: {  	v6 =	vld [tilespmem:$0x1FA30];
	v52 =	vmul.f32 v50, v33;
	v20 =	vadd.f32 v20, v21;
	_ =	sdelay $0x1  }
0x4b0: {  	v8 =	vadd.f32 v52, v20  }
0x4b1: {  	v3 =	vadd.f32 v12, v29  }
0x4b2: {  	v39 =	vmul.f32 v40, v14;
	v40 =	vld [tilespmem:$0x1FA40];
	[tilespmem:v4+s22+$0x0] =	vst.idx.msk $0xffff, v8;
	v4 =	vmul.f32 v42, v14  }
0x4b3: {  	v6 =	vadd.f32 v6, v23;
	v9 =	vld [tilespmem:$0x1FE20];
	v7 =	vmul.f32 v58, v14  }
0x4b4: {  	v3 =	vadd.f32 v4, v3;
	v4 =	vld [tilespmem:$0x1FE30]  }
0x4b5: {  	v6 =	vadd.f32 v7, v6;
	v7 =	vld [tilespmem:$0x1FE40];
	_ =	sdelay $0x1  }
0x4b6: {  	v57 =	vmul.f32 v34, v33;
	_ =	sdelay $0x1  }
0x4b7: {  	v22 =	vadd.f32 v39, v40;
	v0 =	vadd.f32 v57, v0  }
0x4b8: {  	v2 =	vadd.f32 v45, v2  }
0x4b9: {  	v22 =	vadd.f32 v38, v22;
	[tilespmem:v9+s22+$0x0] =	vst.idx.msk $0xffff, v0  }
0x4ba: {  	[tilespmem:v4+s22+$0x0] =	vst.idx.msk $0xffff, v2  }
0x4bb: {  	[tilespmem:v7+s22+$0x0] =	vst.idx.msk $0xffff, v22;
	v7 =	vld [tilespmem:$0x1FE50];
	_ =	sdelay $0x1  }
0x4bc: {  	v1 =	vmul.f32 v55, v14;
	_ =	sdelay $0x1  }
0x4bd: {  	s0 =	simm.s32 $0x0;
	v31 =	vmul.f32 v31, v33;
	v46 =	vlaneseq.u32;
	v1 =	vadd.f32 v1, v56  }
0x4be: {  	v0 =	vadd.s32 s0, v46  }
0x4bf: {  	v1 =	vadd.f32 v31, v1;
	v2 =	vshll.u32 v0, $0x4  }
0x4c0: {  	v2 =	vand.u32 $0x1F0, v2  }
0x4c1: {  	[tilespmem:v7+s22+$0x0] =	vst.idx.msk $0xffff, v1;
	v1 =	vor.u32 v46, v2;
	v2 =	vadd.f32 v49, v6;
	v6 =	vld [tilespmem:$0x1FE60];
	_ =	sdelay $0x1  }
0x4c2: {  	v5 =	vmul.f32 v5, v14;
	_ =	sdelay $0x1  }
0x4c3: {  	v5 =	vadd.f32 v5, v15;
	_ =	sdelay $0x1  }
0x4c4: {  	v5 =	vadd.f32 v54, v5;
	_ =	sdelay $0x1  }
0x4c5: {  	[tilespmem:v6+s22+$0x0] =	vst.idx.msk $0xffff, v5;
	v5 =	vld [tilespmem:$0x1FE70];
	_ =	sdelay $0x3  }
0x4c6: {  	v24 =	vmul.f32 v24, v33;
	_ =	sdelay $0x1  }
0x4c7: {  	v3 =	vadd.f32 v24, v3;
	_ =	sdelay $0x1  }
0x4c8: {  	[tilespmem:v5+s22+$0x0] =	vst.idx.msk $0xffff, v3;
	v3 =	vld [tilespmem:$0x1FE80];
	_ =	sdelay $0x7  }
0x4c9: {  	[tilespmem:v3+s22+$0x0] =	vst.idx.msk $0xffff, v2;
	v2 =	vld [tilespmem:$0x1FE90];
	_ =	sdelay $0x1  }
0x4ca: {  	v8 =	vmul.f32 v59, v14;
	_ =	sdelay $0x1  }
0x4cb: {  	v4 =	vadd.f32 v8, v10  }
0x4cc: {  	v3 =	vld [tilespmem:$0x1FAD0]  }
0x4cd: {  	v4 =	vadd.f32 v43, v4;
	_ =	sdelay $0x1  }
0x4ce: {  	s15 =	simm.s32 $0x1;
	v6 =	vld [tilespmem:$0x1FAA0];
	[tilespmem:v2+s22+$0x0] =	vst.idx.msk $0xffff, v4  }
0x4cf: {  	v2 =	vadd.s32 s15, v46;
	v1 =	vld.idx.msk [tilespmem:v1+s23+$0x0], $0xffff  }
0x4d0: {  	v0 =	vand.u32 $0x1F, v0;
	v5 =	vor.u32 $0x200, v3;
	v3 =	vshll.u32 v2, $0x4  }
0x4d1: {  	v0 =	vor.u32 v5, v0;
	v3 =	vand.u32 $0x1F0, v3  }
0x4d2: {  	v3 =	vor.u32 v46, v3;
	_ =	sdelay $0x1  }
0x4d3: {  	v1 =	vmul.f32 v1, v6;
	_ =	sdelay $0x1  }
0x4d4: {  	s17 =	simm.s32 $0x2;
	[tilespmem:v0+s24+$0x0] =	vst.idx.msk $0xffff, v1  }
0x4d5: {  	v1 =	vadd.s32 s17, v46;
	v0 =	vld.idx.msk [tilespmem:v3+s23+$0x0], $0xffff  }
0x4d6: {  	v2 =	vand.u32 $0x1F, v2;
	v3 =	vshll.u32 v1, $0x4  }
0x4d7: {  	v2 =	vor.u32 v5, v2;
	v3 =	vand.u32 $0x1F0, v3  }
0x4d8: {  	v3 =	vor.u32 v46, v3;
	_ =	sdelay $0x1  }
0x4d9: {  	v0 =	vmul.f32 v0, v6;
	_ =	sdelay $0x1  }
0x4da: {  	s30 =	simm.s32 $0x3;
	[tilespmem:v2+s24+$0x0] =	vst.idx.msk $0xffff, v0  }
0x4db: {  	v2 =	vadd.s32 s30, v46;
	v0 =	vld.idx.msk [tilespmem:v3+s23+$0x0], $0xffff  }
0x4dc: {  	v1 =	vand.u32 $0x1F, v1;
	v3 =	vshll.u32 v2, $0x4  }
0x4dd: {  	v1 =	vor.u32 v5, v1;
	v3 =	vand.u32 $0x1F0, v3  }
0x4de: {  	v3 =	vor.u32 v46, v3;
	_ =	sdelay $0x1  }
0x4df: {  	v0 =	vmul.f32 v0, v6;
	_ =	sdelay $0x1  }
0x4e0: {  	s10 =	simm.s32 $0x4;
	[tilespmem:v1+s24+$0x0] =	vst.idx.msk $0xffff, v0  }
0x4e1: {  	v1 =	vadd.s32 s10, v46;
	v0 =	vld.idx.msk [tilespmem:v3+s23+$0x0], $0xffff  }
0x4e2: {  	v2 =	vand.u32 $0x1F, v2;
	v3 =	vshll.u32 v1, $0x4  }
0x4e3: {  	v7 =	vor.u32 v5, v2;
	v3 =	vand.u32 $0x1F0, v3  }
0x4e4: {  	v2 =	vor.u32 v46, v3;
	_ =	sdelay $0x1  }
0x4e5: {  	s11 =	simm.s32 $0x8;
	v1 =	vand.u32 $0x1F, v1;
	v8 =	vmul.f32 v0, v6  }
.LBB2_13:
0x4e6: {  	_ = 	snop  }
0x4e7: {  	p2 =	slt.u32 s11, $0x1C;
	s0 =	smov.u32 s11;
	s11 =	sadd.s32 $0x4, s11;
	[tilespmem:v7+s24+$0x0] =	vst.idx.msk $0xffff, v8  }
0x4e8: {  	s12 =	sadd.s32 $0x1, s10;
	v0 =	vld.idx.msk [tilespmem:v2+s23+$0x0], $0xffff  }
0x4e9: {  	v2 =	vadd.s32 s12, v46  }
0x4ea: {  	v3 =	vshll.u32 v2, $0x4;
	v2 =	vand.u32 $0x1F, v2  }
0x4eb: {  	v1 =	vor.u32 v5, v1;
	v3 =	vand.u32 $0x1F0, v3;
	v2 =	vor.u32 v5, v2  }
0x4ec: {  	v3 =	vor.u32 v46, v3;
	_ =	sdelay $0x1  }
0x4ed: {  	v0 =	vmul.f32 v0, v6;
	_ =	sdelay $0x1  }
0x4ee: {  	[tilespmem:v1+s24+$0x0] =	vst.idx.msk $0xffff, v0  }
0x4ef: {  	s12 =	sadd.s32 $0x2, s10;
	v0 =	vld.idx.msk [tilespmem:v3+s23+$0x0], $0xffff  }
0x4f0: {  	v1 =	vadd.s32 s12, v46  }
0x4f1: {  	v3 =	vshll.u32 v1, $0x4;
	v1 =	vand.u32 $0x1F, v1  }
0x4f2: {  	v3 =	vand.u32 $0x1F0, v3;
	v1 =	vor.u32 v5, v1  }
0x4f3: {  	v3 =	vor.u32 v46, v3;
	_ =	sdelay $0x1  }
0x4f4: {  	v0 =	vmul.f32 v0, v6;
	_ =	sdelay $0x1  }
0x4f5: {  	[tilespmem:v2+s24+$0x0] =	vst.idx.msk $0xffff, v0  }
0x4f6: {  	s12 =	sadd.s32 $0x3, s10;
	s10 =	smov.u32 s0;
	v0 =	vld.idx.msk [tilespmem:v3+s23+$0x0], $0xffff  }
0x4f7: {  	v2 =	vadd.s32 s12, v46  }
0x4f8: {  	v3 =	vshll.u32 v2, $0x4  }
0x4f9: {  	v3 =	vand.u32 $0x1F0, v3  }
0x4fa: {  	v3 =	vor.u32 v46, v3;
	_ =	sdelay $0x1  }
0x4fb: {  	v0 =	vmul.f32 v0, v6;
	_ =	sdelay $0x1  }
0x4fc: {  	[tilespmem:v1+s24+$0x0] =	vst.idx.msk $0xffff, v0  }
0x4fd: {  	v0 =	vld.idx.msk [tilespmem:v3+s23+$0x0], $0xffff  }
0x4fe: {  	v1 =	vadd.s32 s10, v46  }
.Ltmp9:
0x4ff: {  	v2 =	vand.u32 $0x1F, v2;
	v3 =	vshll.u32 v1, $0x4;
	v1 =	vand.u32 $0x1F, v1;
	(pc) =	sbr.rel @p2 .LBB2_13-.Ltmp9, $3  }
0x500: {  	v7 =	vor.u32 v5, v2;
	v3 =	vand.u32 $0x1F0, v3  }
0x501: {  	v2 =	vor.u32 v46, v3;
	_ =	sdelay $0x1  }
0x502: {  	v8 =	vmul.f32 v0, v6  }
0x503: {  	_ =	sdelay $0x3  }
0x504: {  	s0 =	sadd.s32 $0x1, s10;
	[tilespmem:v7+s24+$0x0] =	vst.idx.msk $0xffff, v8  }
0x505: {  	v60 =	vadd.s32 s0, v46;
	v0 =	vld.idx.msk [tilespmem:v2+s23+$0x0], $0xffff  }
0x506: {  	v3 =	vshll.u32 v60, $0x4  }
0x507: {  	v1 =	vor.u32 v5, v1;
	v3 =	vand.u32 $0x1F0, v3  }
0x508: {  	v3 =	vor.u32 v46, v3;
	_ =	sdelay $0x1  }
0x509: {  	v0 =	vmul.f32 v0, v6;
	_ =	sdelay $0x1  }
0x50a: {  	s11 =	sadd.s32 $0x2, s10;
	[tilespmem:v1+s24+$0x0] =	vst.idx.msk $0xffff, v0  }
0x50b: {  	v61 =	vadd.s32 s11, v46;
	v0 =	vld.idx.msk [tilespmem:v3+s23+$0x0], $0xffff  }
0x50c: {  	v2 =	vand.u32 $0x1F, v60;
	v3 =	vshll.u32 v61, $0x4  }
0x50d: {  	v2 =	vor.u32 v5, v2;
	v3 =	vand.u32 $0x1F0, v3  }
0x50e: {  	v3 =	vor.u32 v46, v3;
	_ =	sdelay $0x1  }
0x50f: {  	v0 =	vmul.f32 v0, v6;
	_ =	sdelay $0x1  }
0x510: {  	s12 =	sadd.s32 $0x3, s10;
	[tilespmem:v2+s24+$0x0] =	vst.idx.msk $0xffff, v0  }
0x511: {  	v62 =	vadd.s32 s12, v46;
	v0 =	vld.idx.msk [tilespmem:v3+s23+$0x0], $0xffff  }
0x512: {  	v1 =	vand.u32 $0x1F, v61;
	v3 =	vshll.u32 v62, $0x4  }
0x513: {  	v1 =	vor.u32 v5, v1;
	v3 =	vand.u32 $0x1F0, v3  }
0x514: {  	v3 =	vor.u32 v46, v3;
	_ =	sdelay $0x1  }
0x515: {  	v0 =	vmul.f32 v0, v6;
	_ =	sdelay $0x1  }
0x516: {  	[tilespmem:v1+s24+$0x0] =	vst.idx.msk $0xffff, v0  }
0x517: {  	v0 =	vld.idx.msk [tilespmem:v3+s23+$0x0], $0xffff  }
0x518: {  	v63 =	vand.u32 $0x1F, v62  }
0x519: {  	v1 =	vor.u32 v5, v63;
	_ =	sdelay $0x2  }
0x51a: {  	v0 =	vmul.f32 v0, v6  }
0x51b: {  	s15 =	sshll.u32 s9, $0x7  }
0x51c: {  	s17 =	sshll.u32 s9, $0x6;
	s0 =	sadd.s32 s6, s15;
	[tilespmem:v1+s24+$0x0] =	vst.idx.msk $0xffff, v0  }
0x51d: {  	[hbm4b:s0+s2] =	stream.linear.scatter [tilespmem:s24], [sflag:$0x4], $0x400, $0x38;
	[tilespmem:$0x11A00] =	vst v63  }
0x51e: {  	s30 =	rddreg [dreg:$0x7];
	s0 =	sadd.s32 s8, s17  }
0x51f: {  	[hbm4b:s0+s2] =	stream.linear.scatter [tilespmem:s22], [sflag:$0x4], $0x200, $0x38;
	[tilespmem:$0x11A00] =	vst v63  }
0x520: {  	s0 =	sadd.s32 s30, s3  }
0x521: {  	p2 =	sgt.u32 s0, $0x4E1  }
0x522: {  	s9 =	sshll.u32 @!p2 s0, $0x7  }
0x523: {  	s10 =	simm.s32 @!p2 $0x0;
	s0 =	sshll.u32 @!p2 s0, $0x6;
	s9 =	sadd.s32 @!p2 s31, s9  }
0x524: {  	[tilespmem:s10], [sflag:$0x2] =	stream.linear.gather @!p2 [hbm4b:s9+s10], $0x400, $0x38;
	[tilespmem:$0x11A00] =	vst v63  }
0x525: {  	s0 =	sadd.s32 @!p2 s4, s0;
	s9 =	simm.s32 @!p2 $0x10800  }
0x526: {  	[tilespmem:s9], [sflag:$0x2] =	stream.linear.gather @!p2 [hbm4b:s0+s10], $0x200, $0x38;
	[tilespmem:$0x11A00] =	vst v63  }
0x527: {  	s0 =	simm.s32 @!p0 $0x1  }
0x528: {  	_ =	swait.ge @!p0 [sflag:s0], $0x8000  }
0x529: {  	[sflag:s0] =	ssyncset.done @!p0 $0x0  }
0x52a: {  	[sflag:s0] =	ssyncadd.s32 @!p0 $0xFFFF8000;
	s0 =	simm.s32 @!p2 $0x2  }
0x52b: {  	_ =	swait.ge @!p2 [sflag:s0], $0x400  }
0x52c: {  	[sflag:s0] =	ssyncset.done @!p2 $0x0  }
0x52d: {  	[sflag:s0] =	ssyncadd.s32 @!p2 $0xFFFFFC00  }
0x52e: {  	_ =	swait.ge @!p2 [sflag:s0], $0x200  }
0x52f: {  	v47 =	vld [tilespmem:$0x1FF20]  }
0x530: {  	v62 =	vld [tilespmem:$0x1FF30]  }
0x531: {  	v35 =	vld [tilespmem:$0x1FF40]  }
0x532: {  	v45 =	vld [tilespmem:$0x1FF50]  }
0x533: {  	[sflag:s0] =	ssyncset.done @!p2 $0x0;
	v44 =	vld [tilespmem:$0x1FF60]  }
0x534: {  	s9 =	simm.s32 @!p2 $0x800;
	v56 =	vld [tilespmem:$0x1FF70];
	[sflag:s0] =	ssyncadd.s32 @!p2 $0xFFFFFE00;
	s0 =	simm.s32 @!p2 $0x400  }
0x535: {  	v60 =	vld [tilespmem:$0x1FF80];
	[tilespmem:s9], [sflag:$0x1] =	stream.indirect.gather @!p2 [hbm4b:s5+s0], $0x20, s10, s0, $0xb8  }
0x536: {  	v42 =	vld [tilespmem:$0x1FF90];
	p2 =	sgt.u32 @!p1 s18, $0x4E1  }
0x537: {  	v43 =	vld [tilespmem:$0x1FFA0];
	p1 =	por p1, p2  }
.Ltmp10:
0x538: {  	v58 =	vld [tilespmem:$0x1FFB0];
	(pc) =	sbr.rel @p1 .LBB2_16-.Ltmp10, $4  }
0x539: {  	v59 =	vld [tilespmem:$0x1FFC0]  }
0x53a: {  	v54 =	vld [tilespmem:$0x1FFD0]  }
0x53b: {  	v55 =	vld [tilespmem:$0x1FFE0]  }
0x53c: {  	v57 =	vld [tilespmem:$0x1FFF0]  }
0x53d: {  	_ =	swait.ge [sflag:s25], $0x400  }
0x53e: {  	[sflag:s25] =	ssyncset.done $0x0  }
0x53f: {  	[sflag:s25] =	ssyncadd.s32 $0xFFFFFC00  }
0x540: {  	_ =	swait.ge [sflag:s25], $0x200  }
0x541: {  	[sflag:s25] =	ssyncset.done $0x0;
	v48 =	vld [tilespmem:$0x1FF00]  }
0x542: {  	v63 =	vld [tilespmem:$0x1FF10];
	[sflag:s25] =	ssyncadd.s32 $0xFFFFFE00  }
.LBB2_17:
0x543: {  	v0 =	vld [tilespmem:$0x1FBD0];
	_ =	sdelay $0x7  }
0x544: {  	v53 =	vld.idx.msk [tilespmem:v0+s20+$0x0], $0xffff  }
0x545: {  	v0 =	vld [tilespmem:$0x1FBE0];
	_ =	sdelay $0x7  }
0x546: {  	v52 =	vld.idx.msk [tilespmem:v0+s20+$0x0], $0xffff  }
0x547: {  	v0 =	vld [tilespmem:$0x1FBF0];
	_ =	sdelay $0x7  }
0x548: {  	v50 =	vld.idx.msk [tilespmem:v0+s20+$0x0], $0xffff  }
0x549: {  	v0 =	vld [tilespmem:$0x1FC00];
	_ =	sdelay $0x7  }
0x54a: {  	v51 =	vld.idx.msk [tilespmem:v0+s20+$0x0], $0xffff  }
0x54b: {  	v0 =	vld [tilespmem:$0x1FC10];
	_ =	sdelay $0x7  }
0x54c: {  	v15 =	vld.idx.msk [tilespmem:v0+s20+$0x0], $0xffff  }
0x54d: {  	v0 =	vld [tilespmem:$0x1FC20];
	_ =	sdelay $0x7  }
0x54e: {  	v49 =	vld.idx.msk [tilespmem:v0+s20+$0x0], $0xffff  }
0x54f: {  	v0 =	vld [tilespmem:$0x1FC30];
	_ =	sdelay $0x2  }
0x550: {  	v1 =	vld [tilespmem:$0x1FC60];
	_ =	sdelay $0x4  }
0x551: {  	v10 =	vld.idx.msk [tilespmem:v0+s20+$0x0], $0xffff  }
0x552: {  	v0 =	vld [tilespmem:$0x1FC40];
	_ =	sdelay $0x1  }
0x553: {  	v14 =	vld.idx.msk [tilespmem:v1+s20+$0x0], $0xffff  }
0x554: {  	v1 =	vld [tilespmem:$0x1FC70];
	_ =	sdelay $0x3  }
0x555: {  	v4 =	vld [tilespmem:$0x1FCB0]  }
0x556: {  	v16 =	vld.idx.msk [tilespmem:v0+s20+$0x0], $0xffff  }
0x557: {  	v0 =	vld [tilespmem:$0x1FC50]  }
0x558: {  	v39 =	vld [tilespmem:$0x1FEC0]  }
0x559: {  	v6 =	vld.idx.msk [tilespmem:v1+s20+$0x0], $0xffff  }
0x55a: {  	v1 =	vld [tilespmem:$0x1FC80]  }
0x55b: {  	v2 =	vld [tilespmem:$0x1FC90]  }
0x55c: {  	v3 =	vld [tilespmem:$0x1FCA0]  }
0x55d: {  	v8 =	vld.idx.msk [tilespmem:v4+s20+$0x0], $0xffff  }
0x55e: {  	s0 =	simm.s32 $0x0;
	v4 =	vld [tilespmem:$0x1FCC0]  }
0x55f: {  	v9 =	vld.idx.msk [tilespmem:v0+s20+$0x0], $0xffff;
	v0 =	vmov s0  }
0x560: {  	v0 =	vshll.u32 v0, $0x5  }
0x561: {  	v0 =	vor.u32 v39, v0  }
0x562: {  	v11 =	vld.idx.msk [tilespmem:v1+s20+$0x0], $0xffff;
	v1 =	vor.u32 v46, v0  }
0x563: {  	v7 =	vld.idx.msk [tilespmem:v2+s20+$0x0], $0xffff;
	v2 =	vor.u32 v48, v0  }
0x564: {  	v12 =	vld.idx.msk [tilespmem:v3+s20+$0x0], $0xffff;
	v3 =	vor.u32 v63, v0  }
0x565: {  	[tilespmem:$0x1F9E0] =	vst v5;
	v5 =	vor.u32 v47, v0  }
0x566: {  	v13 =	vld.idx.msk [tilespmem:v4+s20+$0x0], $0xffff;
	v17 =	vor.u32 v62, v0  }
0x567: {  	v18 =	vor.u32 v35, v0;
	v1 =	vld.idx.msk [tilespmem:v1+s26+$0x0], $0xffff  }
0x568: {  	v19 =	vor.u32 v45, v0;
	v2 =	vld.idx.msk [tilespmem:v2+s26+$0x0], $0xffff  }
0x569: {  	v20 =	vor.u32 v44, v0;
	v3 =	vld.idx.msk [tilespmem:v3+s26+$0x0], $0xffff  }
0x56a: {  	v21 =	vor.u32 v56, v0;
	v5 =	vld.idx.msk [tilespmem:v5+s26+$0x0], $0xffff  }
0x56b: {  	v22 =	vor.u32 v60, v0;
	v17 =	vld.idx.msk [tilespmem:v17+s26+$0x0], $0xffff  }
0x56c: {  	v23 =	vor.u32 v42, v0;
	v18 =	vld.idx.msk [tilespmem:v18+s26+$0x0], $0xffff;
	v1 =	vmul.f32 v1, v53  }
0x56d: {  	v24 =	vor.u32 v43, v0;
	v25 =	vor.u32 v58, v0;
	v19 =	vld.idx.msk [tilespmem:v19+s26+$0x0], $0xffff;
	v2 =	vmul.f32 v2, v52  }
0x56e: {  	v26 =	vor.u32 v59, v0;
	v20 =	vld.idx.msk [tilespmem:v20+s26+$0x0], $0xffff;
	v3 =	vmul.f32 v3, v50;
	v1 =	vadd.f32 $0.0e+00, v1  }
0x56f: {  	v27 =	vor.u32 v55, v0;
	v21 =	vld.idx.msk [tilespmem:v21+s26+$0x0], $0xffff;
	v5 =	vmul.f32 v5, v51;
	v2 =	vadd.f32 $0.0e+00, v2  }
0x570: {  	v0 =	vor.u32 v54, v0;
	v22 =	vld.idx.msk [tilespmem:v22+s26+$0x0], $0xffff;
	v1 =	vadd.f32 v3, v1;
	v3 =	vmul.f32 v17, v15  }
0x571: {  	v17 =	vld.idx.msk [tilespmem:v23+s26+$0x0], $0xffff;
	v2 =	vadd.f32 v5, v2;
	v5 =	vmul.f32 v18, v49  }
0x572: {  	v18 =	vld.idx.msk [tilespmem:v24+s26+$0x0], $0xffff;
	v1 =	vadd.f32 v3, v1;
	v3 =	vmul.f32 v19, v10  }
0x573: {  	v19 =	vld.idx.msk [tilespmem:v25+s26+$0x0], $0xffff;
	v2 =	vadd.f32 v5, v2;
	v5 =	vmul.f32 v20, v16  }
0x574: {  	v20 =	vld.idx.msk [tilespmem:v26+s26+$0x0], $0xffff;
	v1 =	vadd.f32 v3, v1;
	v3 =	vmul.f32 v21, v9  }
0x575: {  	v0 =	vld.idx.msk [tilespmem:v0+s26+$0x0], $0xffff;
	v2 =	vadd.f32 v5, v2;
	v5 =	vmul.f32 v22, v14  }
0x576: {  	v21 =	vld.idx.msk [tilespmem:v27+s26+$0x0], $0xffff;
	v1 =	vadd.f32 v3, v1;
	v3 =	vmul.f32 v17, v6  }
0x577: {  	v2 =	vadd.f32 v5, v2;
	v5 =	vmul.f32 v18, v11  }
0x578: {  	v1 =	vadd.f32 v3, v1  }
0x579: {  	v3 =	vmul.f32 v19, v7;
	v2 =	vadd.f32 v5, v2;
	v5 =	vmul.f32 v20, v12  }
0x57a: {  	v0 =	vmul.f32 v0, v8  }
0x57b: {  	v1 =	vadd.f32 v3, v1;
	v2 =	vadd.f32 v5, v2;
	v3 =	vmul.f32 v21, v13;
	_ =	sdelay $0x1  }
0x57c: {  	v0 =	vadd.f32 v0, v1;
	v1 =	vadd.f32 v3, v2;
	_ =	sdelay $0x1  }
0x57d: {  	v0 =	vadd.f32 v1, v0;
	_ =	sdelay $0x1  }
0x57e: {  	v0 =	vmul.f32 $1.442695020e+00, v0;
	_ =	sdelay $0x1  }
0x57f: {  	(erf) = vpow2.f32 v0;
	_ =	sdelay $0x1  }
0x580: {  	s30 =	simm.s32 $0x1  }
0x581: {  	v0 =	vmov s30  }
0x582: {  	v0 =	vshll.u32 v0, $0x5  }
0x583: {  	v0 =	vor.u32 v39, v0  }
0x584: {  	v1 =	vor.u32 v46, v0  }
0x585: {  	v2 =	vor.u32 v48, v0  }
0x586: {  	v3 =	vor.u32 v63, v0  }
0x587: {  	s15 =	simm.s32 $0x11810;
	v38 =	vmov v55;
	v5 =	vor.u32 v47, v0;
	v55 =	vpop (erf)  }
0x588: {  	v17 =	vor.u32 v35, v0;
	[tilespmem:s15+$0xFFFFFFF0] =	vst v55  }
0x589: {  	v21 =	vor.u32 v62, v0;
	v20 =	vld.idx.msk [tilespmem:v1+s26+$0x0], $0xffff  }
0x58a: {  	s9 =	simm.s32 $0x4;
	v24 =	vld.idx.msk [tilespmem:v2+s26+$0x0], $0xffff  }
0x58b: {  	v37 =	vmovc v54;
	s12 =	simm.s32 $0x2;
	v54 =	vimm.f32 $0.0e+00;
	v26 =	vmov s9;
	v25 =	vor.u32 v45, v0;
	v3 =	vld.idx.msk [tilespmem:v3+s26+$0x0], $0xffff  }
0x58c: {  	v34 =	vmovc v58;
	v18 =	vmov s12;
	v23 =	vor.u32 v44, v0;
	v28 =	vor.u32 v60, v0;
	v5 =	vld.idx.msk [tilespmem:v5+s26+$0x0], $0xffff  }
0x58d: {  	v36 =	vmovc v59;
	v31 =	vor.u32 v56, v0;
	v22 =	vor.u32 v43, v0;
	v1 =	vshll.u32 v18, $0x5;
	v19 =	vld.idx.msk [tilespmem:v17+s26+$0x0], $0xffff  }
0x58e: {  	v32 =	vmovc v56;
	v2 =	vor.u32 v38, v0;
	v18 =	vld.idx.msk [tilespmem:v21+s26+$0x0], $0xffff;
	v17 =	vor.u32 v34, v0;
	v21 =	vshll.u32 v26, $0x5  }
0x58f: {  	v33 =	vmovc v60;
	v26 =	vor.u32 v36, v0;
	v57 =	vor.u32 v39, v1;
	v1 =	vor.u32 v37, v0  }
0x590: {  	v56 =	vor.u32 v39, v21;
	v21 =	vld.idx.msk [tilespmem:v25+s26+$0x0], $0xffff;
	v59 =	vor.u32 v46, v57;
	v58 =	vor.u32 v48, v57  }
0x591: {  	v27 =	vmul.f32 v20, v53;
	v20 =	vld.idx.msk [tilespmem:v23+s26+$0x0], $0xffff;
	v23 =	vor.u32 v42, v0;
	v29 =	vmul.f32 v24, v52  }
0x592: {  	v25 =	vld.idx.msk [tilespmem:v31+s26+$0x0], $0xffff;
	v61 =	vor.u32 v46, v56;
	v60 =	vor.u32 v48, v56;
	v30 =	vmul.f32 v5, v51  }
0x593: {  	s17 =	simm.s32 $0x6;
	s10 =	simm.s32 $0x11830;
	s11 =	simm.s32 $0x11830;
	v24 =	vld.idx.msk [tilespmem:v28+s26+$0x0], $0xffff;
	v27 =	vadd.f32 $0.0e+00, v27;
	v28 =	vadd.f32 $0.0e+00, v29;
	v29 =	vmul.f32 v3, v50  }
.LBB2_18:
0x594: {  	p0 =	slt.u32 s17, $0x1E  }
0x595: {  	s10 =	sadd.s32 $0x20, s10;
	v0 =	vmul.f32 v19, v49;
	v3 =	vld.idx.msk [tilespmem:v22+s26+$0x0], $0xffff;
	s30 =	smov.u32 s17;
	s17 =	sadd.s32 $0x2, s17  }
0x596: {  	v18 =	vmul.f32 v18, v15;
	v5 =	vadd.f32 v29, v27;
	v19 =	vadd.f32 v30, v28;
	v22 =	vld.idx.msk [tilespmem:v23+s26+$0x0], $0xffff  }
0x597: {  	v20 =	vmul.f32 v20, v16;
	v23 =	vld.idx.msk [tilespmem:v26+s26+$0x0], $0xffff  }
0x598: {  	v5 =	vadd.f32 v18, v5;
	v0 =	vadd.f32 v0, v19;
	v18 =	vmul.f32 v21, v10;
	v17 =	vld.idx.msk [tilespmem:v17+s26+$0x0], $0xffff  }
0x599: {  	v19 =	vmul.f32 v24, v14;
	v2 =	vld.idx.msk [tilespmem:v2+s26+$0x0], $0xffff  }
0x59a: {  	v5 =	vadd.f32 v18, v5;
	v0 =	vadd.f32 v20, v0;
	v18 =	vmul.f32 v25, v9;
	v1 =	vld.idx.msk [tilespmem:v1+s26+$0x0], $0xffff  }
0x59b: {  	v3 =	vmul.f32 v3, v11  }
0x59c: {  	v5 =	vadd.f32 v18, v5;
	v0 =	vadd.f32 v19, v0;
	v18 =	vmul.f32 v22, v6  }
0x59d: {  	v19 =	vmul.f32 v23, v12  }
0x59e: {  	v5 =	vadd.f32 v18, v5;
	v0 =	vadd.f32 v3, v0;
	v3 =	vmul.f32 v17, v7  }
0x59f: {  	v2 =	vmul.f32 v2, v13  }
0x5a0: {  	v1 =	vmul.f32 v1, v8;
	v3 =	vadd.f32 v3, v5;
	v0 =	vadd.f32 v19, v0;
	_ =	sdelay $0x1  }
0x5a1: {  	v1 =	vadd.f32 v1, v3;
	v0 =	vadd.f32 v2, v0;
	_ =	sdelay $0x1  }
0x5a2: {  	v0 =	vadd.f32 v0, v1;
	_ =	sdelay $0x1  }
0x5a3: {  	v0 =	vmul.f32 $1.442695020e+00, v0;
	_ =	sdelay $0x1  }
0x5a4: {  	(erf) = vpow2.f32 v0;
	_ =	sdelay $0x7  }
0x5a5: {  	v1 =	vadd.f32 v55, v54;
	v0 =	vor.u32 v63, v57  }
0x5a6: {  	v2 =	vor.u32 v47, v57;
	v3 =	vpop (erf)  }
0x5a7: {  	v5 =	vor.u32 v62, v57;
	[tilespmem:s15+$0x0] =	vst v3;
	v54 =	vadd.f32 v3, v1;
	s15 =	smov.u32 s11;
	s11 =	smov.u32 s10  }
0x5a8: {  	v3 =	vor.u32 v35, v57;
	v1 =	vld.idx.msk [tilespmem:v59+s26+$0x0], $0xffff;
	v59 =	vmov v61  }
0x5a9: {  	v18 =	vor.u32 v45, v57;
	v17 =	vld.idx.msk [tilespmem:v58+s26+$0x0], $0xffff;
	v58 =	vmov v60  }
0x5aa: {  	v19 =	vor.u32 v44, v57;
	v0 =	vld.idx.msk [tilespmem:v0+s26+$0x0], $0xffff  }
0x5ab: {  	v20 =	vor.u32 v32, v57;
	v2 =	vld.idx.msk [tilespmem:v2+s26+$0x0], $0xffff  }
0x5ac: {  	v21 =	vor.u32 v33, v57;
	v5 =	vld.idx.msk [tilespmem:v5+s26+$0x0], $0xffff  }
0x5ad: {  	v22 =	vor.u32 v42, v57;
	v3 =	vld.idx.msk [tilespmem:v3+s26+$0x0], $0xffff  }
0x5ae: {  	v23 =	vor.u32 v43, v57;
	v1 =	vmul.f32 v1, v53;
	v18 =	vld.idx.msk [tilespmem:v18+s26+$0x0], $0xffff  }
0x5af: {  	v24 =	vor.u32 v34, v57;
	v17 =	vmul.f32 v17, v52;
	v19 =	vld.idx.msk [tilespmem:v19+s26+$0x0], $0xffff  }
0x5b0: {  	v25 =	vor.u32 v36, v57;
	v1 =	vadd.f32 $0.0e+00, v1;
	v0 =	vmul.f32 v0, v50;
	v20 =	vld.idx.msk [tilespmem:v20+s26+$0x0], $0xffff  }
0x5b1: {  	v26 =	vor.u32 v38, v57;
	v17 =	vadd.f32 $0.0e+00, v17;
	v2 =	vmul.f32 v2, v51;
	v21 =	vld.idx.msk [tilespmem:v21+s26+$0x0], $0xffff  }
0x5b2: {  	v0 =	vadd.f32 v0, v1;
	v1 =	vmul.f32 v5, v15;
	v5 =	vld.idx.msk [tilespmem:v22+s26+$0x0], $0xffff;
	v22 =	vor.u32 v37, v57  }
0x5b3: {  	v2 =	vadd.f32 v2, v17;
	v3 =	vmul.f32 v3, v49;
	v57 =	vmov v56;
	v17 =	vld.idx.msk [tilespmem:v23+s26+$0x0], $0xffff  }
0x5b4: {  	v0 =	vadd.f32 v1, v0;
	v1 =	vmul.f32 v18, v10;
	v18 =	vld.idx.msk [tilespmem:v24+s26+$0x0], $0xffff  }
0x5b5: {  	v2 =	vadd.f32 v3, v2;
	v3 =	vmul.f32 v19, v16;
	v19 =	vld.idx.msk [tilespmem:v25+s26+$0x0], $0xffff  }
0x5b6: {  	v0 =	vadd.f32 v1, v0;
	v1 =	vmul.f32 v20, v9;
	v20 =	vld.idx.msk [tilespmem:v26+s26+$0x0], $0xffff  }
0x5b7: {  	v2 =	vadd.f32 v3, v2;
	v3 =	vmul.f32 v21, v14;
	v21 =	vld.idx.msk [tilespmem:v22+s26+$0x0], $0xffff  }
0x5b8: {  	v0 =	vadd.f32 v1, v0;
	v1 =	vmul.f32 v5, v6  }
0x5b9: {  	v2 =	vadd.f32 v3, v2;
	v3 =	vmul.f32 v17, v11  }
0x5ba: {  	v0 =	vadd.f32 v1, v0;
	v1 =	vmul.f32 v18, v7  }
0x5bb: {  	v2 =	vadd.f32 v3, v2;
	v3 =	vmul.f32 v19, v12  }
0x5bc: {  	v0 =	vadd.f32 v1, v0  }
0x5bd: {  	v1 =	vadd.f32 v3, v2;
	v2 =	vmul.f32 v21, v8;
	v3 =	vmul.f32 v20, v13;
	_ =	sdelay $0x1  }
0x5be: {  	v0 =	vadd.f32 v2, v0;
	v1 =	vadd.f32 v3, v1;
	_ =	sdelay $0x1  }
0x5bf: {  	v0 =	vadd.f32 v1, v0;
	_ =	sdelay $0x1  }
0x5c0: {  	v0 =	vmul.f32 $1.442695020e+00, v0;
	_ =	sdelay $0x1  }
0x5c1: {  	(erf) = vpow2.f32 v0;
	_ =	sdelay $0x1  }
0x5c2: {  	s0 =	sadd.s32 $0x1, s12;
	s12 =	smov.u32 s9;
	s9 =	smov.u32 s30  }
0x5c3: {  	v0 =	vmov s0  }
0x5c4: {  	v0 =	vshll.u32 v0, $0x5  }
0x5c5: {  	v0 =	vor.u32 v39, v0  }
0x5c6: {  	v2 =	vor.u32 v46, v0;
	v3 =	vor.u32 v48, v0;
	v1 =	vor.u32 v37, v0;
	_ =	sdelay $0x1  }
0x5c7: {  	v5 =	vor.u32 v63, v0  }
0x5c8: {  	v17 =	vor.u32 v47, v0;
	v55 =	vpop (erf)  }
0x5c9: {  	v18 =	vor.u32 v35, v0;
	[tilespmem:s15+$0xFFFFFFF0] =	vst v55  }
0x5ca: {  	v21 =	vor.u32 v62, v0;
	v20 =	vld.idx.msk [tilespmem:v2+s26+$0x0], $0xffff  }
0x5cb: {  	v23 =	vor.u32 v44, v0;
	v3 =	vld.idx.msk [tilespmem:v3+s26+$0x0], $0xffff  }
0x5cc: {  	v24 =	vor.u32 v45, v0;
	v5 =	vld.idx.msk [tilespmem:v5+s26+$0x0], $0xffff  }
0x5cd: {  	v28 =	vor.u32 v33, v0;
	v25 =	vld.idx.msk [tilespmem:v17+s26+$0x0], $0xffff  }
0x5ce: {  	v31 =	vor.u32 v32, v0;
	v2 =	vor.u32 v38, v0;
	v19 =	vld.idx.msk [tilespmem:v18+s26+$0x0], $0xffff  }
.Ltmp11:
0x5cf: {  	v26 =	vmov s9;
	v22 =	vor.u32 v43, v0;
	v17 =	vor.u32 v34, v0;
	v18 =	vld.idx.msk [tilespmem:v21+s26+$0x0], $0xffff;
	(pc) =	sbr.rel @p0 .LBB2_18-.Ltmp11, $4  }
0x5d0: {  	v21 =	vshll.u32 v26, $0x5;
	v27 =	vmul.f32 v20, v53;
	v20 =	vld.idx.msk [tilespmem:v23+s26+$0x0], $0xffff;
	v23 =	vor.u32 v42, v0  }
0x5d1: {  	v26 =	vor.u32 v36, v0;
	v56 =	vor.u32 v39, v21;
	v3 =	vmul.f32 v3, v52;
	v21 =	vld.idx.msk [tilespmem:v24+s26+$0x0], $0xffff  }
0x5d2: {  	v61 =	vor.u32 v46, v56;
	v60 =	vor.u32 v48, v56;
	v27 =	vadd.f32 $0.0e+00, v27;
	v24 =	vld.idx.msk [tilespmem:v28+s26+$0x0], $0xffff  }
0x5d3: {  	v29 =	vmul.f32 v5, v50;
	v28 =	vadd.f32 $0.0e+00, v3;
	v30 =	vmul.f32 v25, v51;
	v25 =	vld.idx.msk [tilespmem:v31+s26+$0x0], $0xffff  }
0x5d4: {  	_ =	sdelay $0x2  }
0x5d5: {  	v0 =	vmul.f32 v19, v49  }
0x5d6: {  	v3 =	vld.idx.msk [tilespmem:v22+s26+$0x0], $0xffff;
	v18 =	vmul.f32 v18, v15;
	v5 =	vadd.f32 v29, v27;
	v19 =	vadd.f32 v30, v28  }
0x5d7: {  	v22 =	vld.idx.msk [tilespmem:v23+s26+$0x0], $0xffff;
	v20 =	vmul.f32 v20, v16  }
0x5d8: {  	v23 =	vld.idx.msk [tilespmem:v26+s26+$0x0], $0xffff;
	v5 =	vadd.f32 v18, v5;
	v0 =	vadd.f32 v0, v19;
	v18 =	vmul.f32 v21, v10  }
0x5d9: {  	v17 =	vld.idx.msk [tilespmem:v17+s26+$0x0], $0xffff;
	v19 =	vmul.f32 v24, v14  }
0x5da: {  	v2 =	vld.idx.msk [tilespmem:v2+s26+$0x0], $0xffff;
	v5 =	vadd.f32 v18, v5;
	v0 =	vadd.f32 v20, v0;
	v18 =	vmul.f32 v25, v9  }
0x5db: {  	v1 =	vld.idx.msk [tilespmem:v1+s26+$0x0], $0xffff;
	v3 =	vmul.f32 v3, v11  }
0x5dc: {  	v5 =	vadd.f32 v18, v5;
	v0 =	vadd.f32 v19, v0;
	v18 =	vmul.f32 v22, v6  }
0x5dd: {  	v19 =	vmul.f32 v23, v12  }
0x5de: {  	v5 =	vadd.f32 v18, v5;
	v0 =	vadd.f32 v3, v0;
	v3 =	vmul.f32 v17, v7  }
0x5df: {  	v2 =	vmul.f32 v2, v13  }
0x5e0: {  	v1 =	vmul.f32 v1, v8;
	v3 =	vadd.f32 v3, v5;
	v0 =	vadd.f32 v19, v0;
	_ =	sdelay $0x1  }
0x5e1: {  	v1 =	vadd.f32 v1, v3;
	v0 =	vadd.f32 v2, v0;
	_ =	sdelay $0x1  }
0x5e2: {  	v0 =	vadd.f32 v0, v1;
	_ =	sdelay $0x1  }
0x5e3: {  	v0 =	vmul.f32 $1.442695020e+00, v0;
	_ =	sdelay $0x1  }
0x5e4: {  	(erf) = vpow2.f32 v0;
	_ =	sdelay $0x7  }
0x5e5: {  	v0 =	vor.u32 v63, v57  }
0x5e6: {  	v4 =	vmov v62;
	v1 =	vor.u32 v47, v57;
	v62 =	vpop (erf)  }
0x5e7: {  	v2 =	vor.u32 v4, v57;
	[tilespmem:s15+$0x0] =	vst v62  }
0x5e8: {  	v41 =	vor.u32 v35, v57;
	v3 =	vld.idx.msk [tilespmem:v59+s26+$0x0], $0xffff  }
0x5e9: {  	v18 =	vor.u32 v45, v57;
	v17 =	vld.idx.msk [tilespmem:v58+s26+$0x0], $0xffff  }
0x5ea: {  	v19 =	vor.u32 v44, v57;
	v0 =	vld.idx.msk [tilespmem:v0+s26+$0x0], $0xffff  }
0x5eb: {  	v20 =	vor.u32 v32, v57;
	v1 =	vld.idx.msk [tilespmem:v1+s26+$0x0], $0xffff  }
0x5ec: {  	v21 =	vor.u32 v33, v57;
	v2 =	vld.idx.msk [tilespmem:v2+s26+$0x0], $0xffff  }
0x5ed: {  	v22 =	vor.u32 v42, v57;
	v5 =	vld.idx.msk [tilespmem:v41+s26+$0x0], $0xffff;
	v3 =	vmul.f32 v3, v53  }
0x5ee: {  	v23 =	vor.u32 v43, v57;
	v18 =	vld.idx.msk [tilespmem:v18+s26+$0x0], $0xffff;
	v17 =	vmul.f32 v17, v52  }
0x5ef: {  	v24 =	vor.u32 v34, v57;
	v19 =	vld.idx.msk [tilespmem:v19+s26+$0x0], $0xffff;
	v0 =	vmul.f32 v0, v50;
	v3 =	vadd.f32 $0.0e+00, v3  }
0x5f0: {  	v25 =	vor.u32 v36, v57;
	v20 =	vld.idx.msk [tilespmem:v20+s26+$0x0], $0xffff;
	v1 =	vmul.f32 v1, v51;
	v17 =	vadd.f32 $0.0e+00, v17  }
0x5f1: {  	v26 =	vor.u32 v38, v57;
	v21 =	vld.idx.msk [tilespmem:v21+s26+$0x0], $0xffff;
	v2 =	vmul.f32 v2, v15;
	v0 =	vadd.f32 v0, v3  }
0x5f2: {  	v5 =	vmul.f32 v5, v49;
	v3 =	vld.idx.msk [tilespmem:v22+s26+$0x0], $0xffff;
	v22 =	vor.u32 v37, v57;
	v1 =	vadd.f32 v1, v17  }
0x5f3: {  	v17 =	vld.idx.msk [tilespmem:v23+s26+$0x0], $0xffff;
	v0 =	vadd.f32 v2, v0;
	v2 =	vmul.f32 v18, v10  }
0x5f4: {  	v58 =	vmul.f32 v19, v16;
	v18 =	vld.idx.msk [tilespmem:v24+s26+$0x0], $0xffff;
	v1 =	vadd.f32 v5, v1  }
0x5f5: {  	v19 =	vld.idx.msk [tilespmem:v25+s26+$0x0], $0xffff;
	v0 =	vadd.f32 v2, v0;
	v2 =	vmul.f32 v20, v9  }
0x5f6: {  	v59 =	vmul.f32 v21, v14;
	v20 =	vld.idx.msk [tilespmem:v26+s26+$0x0], $0xffff;
	v1 =	vadd.f32 v58, v1  }
0x5f7: {  	v21 =	vld.idx.msk [tilespmem:v22+s26+$0x0], $0xffff;
	v0 =	vadd.f32 v2, v0;
	v2 =	vmul.f32 v3, v6  }
0x5f8: {  	v1 =	vadd.f32 v59, v1;
	v3 =	vmul.f32 v17, v11  }
0x5f9: {  	v0 =	vadd.f32 v2, v0;
	v2 =	vmul.f32 v18, v7  }
0x5fa: {  	v1 =	vadd.f32 v3, v1;
	v3 =	vmul.f32 v19, v12  }
0x5fb: {  	v0 =	vadd.f32 v2, v0  }
0x5fc: {  	v1 =	vadd.f32 v3, v1;
	v2 =	vmul.f32 v21, v8;
	v3 =	vmul.f32 v20, v13;
	_ =	sdelay $0x1  }
0x5fd: {  	v0 =	vadd.f32 v2, v0;
	v1 =	vadd.f32 v3, v1;
	_ =	sdelay $0x1  }
0x5fe: {  	v0 =	vadd.f32 v1, v0;
	_ =	sdelay $0x1  }
0x5ff: {  	v0 =	vmul.f32 $1.442695020e+00, v0;
	_ =	sdelay $0x1  }
0x600: {  	(erf) = vpow2.f32 v0;
	_ =	sdelay $0x1  }
0x601: {  	s0 =	sadd.s32 $0x1, s12  }
0x602: {  	v0 =	vmov s0  }
0x603: {  	v0 =	vshll.u32 v0, $0x5  }
0x604: {  	v0 =	vor.u32 v39, v0  }
0x605: {  	v1 =	vor.u32 v46, v0  }
0x606: {  	v2 =	vor.u32 v48, v0  }
0x607: {  	v3 =	vor.u32 v63, v0  }
0x608: {  	v40 =	vor.u32 v47, v0;
	v57 =	vpop (erf)  }
0x609: {  	v17 =	vor.u32 v35, v0;
	[tilespmem:s11+$0xFFFFFFF0] =	vst v57  }
0x60a: {  	v18 =	vor.u32 v4, v0;
	v1 =	vld.idx.msk [tilespmem:v1+s26+$0x0], $0xffff  }
0x60b: {  	v19 =	vor.u32 v44, v0;
	v2 =	vld.idx.msk [tilespmem:v2+s26+$0x0], $0xffff  }
0x60c: {  	v20 =	vor.u32 v45, v0;
	v3 =	vld.idx.msk [tilespmem:v3+s26+$0x0], $0xffff  }
0x60d: {  	v21 =	vor.u32 v33, v0;
	v5 =	vld.idx.msk [tilespmem:v40+s26+$0x0], $0xffff  }
0x60e: {  	v22 =	vor.u32 v32, v0;
	v17 =	vld.idx.msk [tilespmem:v17+s26+$0x0], $0xffff  }
0x60f: {  	v23 =	vor.u32 v43, v0;
	v18 =	vld.idx.msk [tilespmem:v18+s26+$0x0], $0xffff  }
0x610: {  	v24 =	vor.u32 v42, v0;
	v19 =	vld.idx.msk [tilespmem:v19+s26+$0x0], $0xffff;
	v1 =	vmul.f32 v1, v53;
	v2 =	vmul.f32 v2, v52  }
0x611: {  	v25 =	vor.u32 v34, v0;
	v26 =	vor.u32 v36, v0;
	v20 =	vld.idx.msk [tilespmem:v20+s26+$0x0], $0xffff;
	v3 =	vmul.f32 v3, v50  }
0x612: {  	v21 =	vld.idx.msk [tilespmem:v21+s26+$0x0], $0xffff;
	v5 =	vmul.f32 v5, v51;
	v1 =	vadd.f32 $0.0e+00, v1;
	v2 =	vadd.f32 $0.0e+00, v2  }
0x613: {  	v27 =	vor.u32 v37, v0;
	v0 =	vor.u32 v38, v0;
	v22 =	vld.idx.msk [tilespmem:v22+s26+$0x0], $0xffff;
	v17 =	vmul.f32 v17, v49  }
0x614: {  	v23 =	vld.idx.msk [tilespmem:v23+s26+$0x0], $0xffff;
	v1 =	vadd.f32 v3, v1;
	v2 =	vadd.f32 v5, v2;
	v3 =	vmul.f32 v18, v15  }
0x615: {  	v41 =	vld.idx.msk [tilespmem:v24+s26+$0x0], $0xffff;
	v18 =	vmul.f32 v19, v16  }
0x616: {  	v19 =	vld.idx.msk [tilespmem:v26+s26+$0x0], $0xffff;
	v1 =	vadd.f32 v3, v1;
	v2 =	vadd.f32 v17, v2;
	v3 =	vmul.f32 v20, v10  }
0x617: {  	v17 =	vld.idx.msk [tilespmem:v25+s26+$0x0], $0xffff;
	v20 =	vmul.f32 v21, v14  }
0x618: {  	v0 =	vld.idx.msk [tilespmem:v0+s26+$0x0], $0xffff;
	v1 =	vadd.f32 v3, v1;
	v2 =	vadd.f32 v18, v2;
	v3 =	vmul.f32 v22, v9  }
0x619: {  	v21 =	vmul.f32 v23, v11;
	v18 =	vld.idx.msk [tilespmem:v27+s26+$0x0], $0xffff  }
0x61a: {  	v1 =	vadd.f32 v3, v1;
	v2 =	vadd.f32 v20, v2;
	v3 =	vmul.f32 v41, v6  }
0x61b: {  	v58 =	vmul.f32 v19, v12  }
0x61c: {  	v1 =	vadd.f32 v3, v1;
	v2 =	vadd.f32 v21, v2;
	v3 =	vmul.f32 v17, v7  }
0x61d: {  	v0 =	vmul.f32 v0, v13  }
0x61e: {  	v1 =	vadd.f32 v3, v1;
	v2 =	vadd.f32 v58, v2;
	v3 =	vmul.f32 v18, v8;
	_ =	sdelay $0x1  }
0x61f: {  	v1 =	vadd.f32 v3, v1;
	v0 =	vadd.f32 v0, v2;
	_ =	sdelay $0x1  }
0x620: {  	v0 =	vadd.f32 v0, v1;
	_ =	sdelay $0x1  }
0x621: {  	v0 =	vmul.f32 $1.442695020e+00, v0;
	_ =	sdelay $0x1  }
0x622: {  	(erf) = vpow2.f32 v0;
	_ =	sdelay $0x7  }
0x623: {  	v0 =	vor.u32 v63, v56  }
0x624: {  	v2 =	vor.u32 v47, v56;
	v1 =	vpop (erf)  }
0x625: {  	v3 =	vor.u32 v4, v56;
	[tilespmem:s11+$0x0] =	vst v1  }
0x626: {  	v17 =	vor.u32 v35, v56;
	v59 =	vld.idx.msk [tilespmem:v61+s26+$0x0], $0xffff  }
0x627: {  	v19 =	vor.u32 v45, v56;
	v18 =	vld.idx.msk [tilespmem:v60+s26+$0x0], $0xffff  }
0x628: {  	v20 =	vor.u32 v44, v56;
	v0 =	vld.idx.msk [tilespmem:v0+s26+$0x0], $0xffff  }
0x629: {  	v21 =	vor.u32 v32, v56;
	v2 =	vld.idx.msk [tilespmem:v2+s26+$0x0], $0xffff  }
0x62a: {  	v22 =	vor.u32 v33, v56;
	v3 =	vld.idx.msk [tilespmem:v3+s26+$0x0], $0xffff  }
0x62b: {  	v23 =	vor.u32 v42, v56;
	v17 =	vld.idx.msk [tilespmem:v17+s26+$0x0], $0xffff  }
0x62c: {  	v24 =	vor.u32 v43, v56;
	v19 =	vld.idx.msk [tilespmem:v19+s26+$0x0], $0xffff;
	v5 =	vmul.f32 v59, v53  }
0x62d: {  	v20 =	vld.idx.msk [tilespmem:v20+s26+$0x0], $0xffff;
	v18 =	vmul.f32 v18, v52  }
0x62e: {  	v26 =	vor.u32 v36, v56;
	v21 =	vld.idx.msk [tilespmem:v21+s26+$0x0], $0xffff;
	v0 =	vmul.f32 v0, v50;
	v5 =	vadd.f32 $0.0e+00, v5  }
0x62f: {  	v25 =	vor.u32 v34, v56;
	v22 =	vld.idx.msk [tilespmem:v22+s26+$0x0], $0xffff;
	v2 =	vmul.f32 v2, v51;
	v18 =	vadd.f32 $0.0e+00, v18  }
0x630: {  	v27 =	vor.u32 v38, v56;
	v60 =	vld.idx.msk [tilespmem:v23+s26+$0x0], $0xffff;
	v3 =	vmul.f32 v3, v15;
	v0 =	vadd.f32 v0, v5  }
0x631: {  	v23 =	vor.u32 v37, v56;
	v17 =	vmul.f32 v17, v49;
	v2 =	vadd.f32 v2, v18;
	v18 =	vld.idx.msk [tilespmem:v24+s26+$0x0], $0xffff  }
0x632: {  	v0 =	vadd.f32 v3, v0;
	v3 =	vmul.f32 v19, v10  }
0x633: {  	v2 =	vadd.f32 v17, v2;
	v17 =	vmul.f32 v20, v16;
	v20 =	vld.idx.msk [tilespmem:v26+s26+$0x0], $0xffff  }
0x634: {  	v19 =	vld.idx.msk [tilespmem:v25+s26+$0x0], $0xffff;
	v0 =	vadd.f32 v3, v0  }
0x635: {  	v3 =	vmul.f32 v21, v9;
	v21 =	vld.idx.msk [tilespmem:v27+s26+$0x0], $0xffff;
	v2 =	vadd.f32 v17, v2;
	v17 =	vmul.f32 v22, v14  }
0x636: {  	v22 =	vld.idx.msk [tilespmem:v23+s26+$0x0], $0xffff;
	v61 =	vmul.f32 v18, v11  }
0x637: {  	v0 =	vadd.f32 v3, v0;
	v3 =	vmul.f32 v60, v6;
	v2 =	vadd.f32 v17, v2  }
0x638: {  	v40 =	vmul.f32 v20, v12  }
0x639: {  	v0 =	vadd.f32 v3, v0;
	v3 =	vmul.f32 v19, v7;
	v2 =	vadd.f32 v61, v2  }
0x63a: {  	v41 =	vmul.f32 v21, v13  }
0x63b: {  	v0 =	vadd.f32 v3, v0;
	v2 =	vadd.f32 v40, v2;
	v3 =	vmul.f32 v22, v8;
	_ =	sdelay $0x1  }
0x63c: {  	v0 =	vadd.f32 v3, v0;
	v2 =	vadd.f32 v41, v2;
	_ =	sdelay $0x1  }
0x63d: {  	v0 =	vadd.f32 v2, v0;
	_ =	sdelay $0x1  }
0x63e: {  	v0 =	vmul.f32 $1.442695020e+00, v0;
	_ =	sdelay $0x1  }
0x63f: {  	(erf) = vpow2.f32 v0;
	_ =	sdelay $0x1  }
0x640: {  	s9 =	sadd.s32 $0x1, s9  }
0x641: {  	v0 =	vmov s9  }
0x642: {  	v0 =	vshll.u32 v0, $0x5  }
0x643: {  	v0 =	vor.u32 v39, v0  }
0x644: {  	v2 =	vor.u32 v46, v0  }
0x645: {  	v3 =	vor.u32 v48, v0  }
0x646: {  	v46 =	vor.u32 v63, v0  }
0x647: {  	s10 =	sadd.s32 $0x20, s10;
	v17 =	vor.u32 v47, v0;
	v18 =	vpop (erf)  }
0x648: {  	v19 =	vor.u32 v35, v0;
	[tilespmem:s10+$0xFFFFFFF0] =	vst v18  }
0x649: {  	v20 =	vor.u32 v4, v0;
	v2 =	vld.idx.msk [tilespmem:v2+s26+$0x0], $0xffff  }
0x64a: {  	v21 =	vor.u32 v44, v0;
	v3 =	vld.idx.msk [tilespmem:v3+s26+$0x0], $0xffff  }
0x64b: {  	v22 =	vor.u32 v45, v0;
	v5 =	vld.idx.msk [tilespmem:v46+s26+$0x0], $0xffff  }
0x64c: {  	v23 =	vor.u32 v33, v0;
	v17 =	vld.idx.msk [tilespmem:v17+s26+$0x0], $0xffff  }
0x64d: {  	v24 =	vor.u32 v32, v0;
	v19 =	vld.idx.msk [tilespmem:v19+s26+$0x0], $0xffff  }
0x64e: {  	v25 =	vor.u32 v43, v0;
	v20 =	vld.idx.msk [tilespmem:v20+s26+$0x0], $0xffff  }
0x64f: {  	v26 =	vor.u32 v42, v0;
	v21 =	vld.idx.msk [tilespmem:v21+s26+$0x0], $0xffff;
	v2 =	vmul.f32 v2, v53;
	v3 =	vmul.f32 v3, v52  }
0x650: {  	v27 =	vor.u32 v34, v0;
	v28 =	vor.u32 v36, v0;
	v22 =	vld.idx.msk [tilespmem:v22+s26+$0x0], $0xffff;
	v5 =	vmul.f32 v5, v50  }
0x651: {  	v23 =	vld.idx.msk [tilespmem:v23+s26+$0x0], $0xffff;
	v17 =	vmul.f32 v17, v51;
	v2 =	vadd.f32 $0.0e+00, v2;
	v3 =	vadd.f32 $0.0e+00, v3  }
0x652: {  	v29 =	vor.u32 v37, v0;
	v0 =	vor.u32 v38, v0;
	v24 =	vld.idx.msk [tilespmem:v24+s26+$0x0], $0xffff;
	v19 =	vmul.f32 v19, v49  }
0x653: {  	v25 =	vld.idx.msk [tilespmem:v25+s26+$0x0], $0xffff;
	v47 =	vmul.f32 v20, v15;
	v2 =	vadd.f32 v5, v2;
	v3 =	vadd.f32 v17, v3  }
0x654: {  	v15 =	vld.idx.msk [tilespmem:v26+s26+$0x0], $0xffff;
	v16 =	vmul.f32 v21, v16  }
0x655: {  	v48 =	vmul.f32 v22, v10;
	v10 =	vld.idx.msk [tilespmem:v27+s26+$0x0], $0xffff;
	v2 =	vadd.f32 v47, v2;
	v3 =	vadd.f32 v19, v3  }
0x656: {  	v14 =	vmul.f32 v23, v14;
	v17 =	vld.idx.msk [tilespmem:v28+s26+$0x0], $0xffff  }
0x657: {  	v0 =	vld.idx.msk [tilespmem:v0+s26+$0x0], $0xffff;
	v49 =	vmul.f32 v24, v9;
	v2 =	vadd.f32 v48, v2;
	v3 =	vadd.f32 v16, v3  }
0x658: {  	v9 =	vld.idx.msk [tilespmem:v29+s26+$0x0], $0xffff;
	v11 =	vmul.f32 v25, v11  }
0x659: {  	v50 =	vmul.f32 v15, v6;
	v2 =	vadd.f32 v49, v2;
	v3 =	vadd.f32 v14, v3  }
0x65a: {  	v52 =	vmul.f32 v10, v7  }
0x65b: {  	v51 =	vmul.f32 v17, v12;
	v2 =	vadd.f32 v50, v2;
	v3 =	vadd.f32 v11, v3  }
0x65c: {  	v0 =	vmul.f32 v0, v13  }
0x65d: {  	v53 =	vmul.f32 v9, v8;
	v2 =	vadd.f32 v52, v2;
	v3 =	vadd.f32 v51, v3;
	_ =	sdelay $0x1  }
0x65e: {  	v2 =	vadd.f32 v53, v2;
	v0 =	vadd.f32 v0, v3  }
0x65f: {  	v56 =	vld [tilespmem:$0x1FB20]  }
0x660: {  	v59 =	vld [tilespmem:$0x1FB80];
	v0 =	vadd.f32 v0, v2  }
0x661: {  	v60 =	vld [tilespmem:$0x1FB10]  }
0x662: {  	v40 =	vld [tilespmem:$0x1FB50];
	v0 =	vmul.f32 $1.442695020e+00, v0  }
0x663: {  	v41 =	vld [tilespmem:$0x1FBC0]  }
0x664: {  	v42 =	vld [tilespmem:$0x1FB70];
	(erf) = vpow2.f32 v0  }
0x665: {  	v63 =	vld [tilespmem:$0x1FAF0]  }
0x666: {  	v45 =	vld [tilespmem:$0x1FB30]  }
0x667: {  	v5 =	vld [tilespmem:$0x1FB00];
	v0 =	vadd.f32 v55, v54  }
0x668: {  	s11 =	simm.s32 $0x1;
	v47 =	vld [tilespmem:$0x1FFF0]  }
0x669: {  	v48 =	vld [tilespmem:$0x1FEF0];
	v2 =	vmov s11;
	v0 =	vadd.f32 v62, v0  }
0x66a: {  	v7 =	vld [tilespmem:$0x1FBB0];
	v2 =	vshll.u32 v2, $0x5  }
0x66b: {  	v6 =	vld [tilespmem:$0x1FB60];
	v3 =	vor.u32 v39, v2;
	v0 =	vadd.f32 v57, v0  }
0x66c: {  	v52 =	vld [tilespmem:$0x1FB90];
	v2 =	vor.u32 v56, v3  }
0x66d: {  	v49 =	vld [tilespmem:$0x1FBA0];
	v0 =	vadd.f32 v1, v0;
	v1 =	vor.u32 v47, v3;
	v54 =	vpop (erf)  }
0x66e: {  	s12 =	simm.s32 $0x11810;
	v58 =	vor.u32 v48, v3;
	v57 =	vld [tilespmem:$0x1FB40];
	[tilespmem:s10+$0x0] =	vst v54  }
0x66f: {  	v9 =	vor.u32 v59, v3;
	v8 =	vld [tilespmem:s12+$0x0]  }
0x670: {  	v11 =	vor.u32 v42, v3;
	v10 =	vld [tilespmem:s12+$0xFFFFFFF0]  }
0x671: {  	v46 =	vor.u32 v52, v3;
	v0 =	vadd.f32 v18, v0;
	v12 =	vld.idx.msk [tilespmem:v2+s26+$0x0], $0xffff  }
0x672: {  	v14 =	vor.u32 v60, v3;
	v1 =	vld.idx.msk [tilespmem:v1+s26+$0x0], $0xffff  }
0x673: {  	s15 =	simm.s32 $0x0;
	v23 =	vor.u32 v5, v3;
	v0 =	vadd.f32 v54, v0;
	v50 =	vld.idx.msk [tilespmem:v58+s26+$0x0], $0xffff  }
0x674: {  	v13 =	vmov s15;
	v27 =	vor.u32 v45, v3;
	v9 =	vld.idx.msk [tilespmem:v9+s26+$0x0], $0xffff  }
0x675: {  	v55 =	vor.u32 v57, v3;
	v16 =	vld.idx.msk [tilespmem:v11+s26+$0x0], $0xffff;
	(erf) = vrcp.f32 v0;
	v0 =	vshll.u32 v13, $0x5  }
0x676: {  	v19 =	vld.idx.msk [tilespmem:v46+s26+$0x0], $0xffff;
	v13 =	vor.u32 v63, v3;
	v0 =	vor.u32 v39, v0  }
0x677: {  	v14 =	vld.idx.msk [tilespmem:v14+s26+$0x0], $0xffff;
	v15 =	vor.u32 v47, v0  }
0x678: {  	v2 =	vor.u32 v49, v3;
	v23 =	vld.idx.msk [tilespmem:v23+s26+$0x0], $0xffff  }
0x679: {  	v11 =	vor.u32 v41, v3;
	v27 =	vld.idx.msk [tilespmem:v27+s26+$0x0], $0xffff  }
0x67a: {  	v28 =	vld.idx.msk [tilespmem:v55+s26+$0x0], $0xffff;
	v18 =	vor.u32 v48, v0  }
0x67b: {  	v20 =	vor.u32 v49, v0;
	v13 =	vld.idx.msk [tilespmem:v13+s26+$0x0], $0xffff  }
0x67c: {  	v22 =	vor.u32 v60, v0;
	v15 =	vld.idx.msk [tilespmem:v15+s26+$0x0], $0xffff  }
0x67d: {  	v21 =	vor.u32 v40, v3;
	v29 =	vor.u32 v63, v0;
	v17 =	vld.idx.msk [tilespmem:v2+s26+$0x0], $0xffff  }
0x67e: {  	v25 =	vor.u32 v52, v0;
	v26 =	vor.u32 v7, v0;
	v30 =	vor.u32 v57, v0;
	v24 =	vld.idx.msk [tilespmem:v11+s26+$0x0], $0xffff;
	v38 =	vpop (erf)  }
0x67f: {  	v31 =	vor.u32 v56, v0;
	v51 =	vld.idx.msk [tilespmem:v18+s26+$0x0], $0xffff;
	v11 =	vmul.f32 v8, v38;
	v32 =	vmul.f32 v10, v38  }
0x680: {  	v53 =	vor.u32 v41, v0;
	v54 =	vor.u32 v42, v0;
	v55 =	vor.u32 v7, v3;
	v20 =	vld.idx.msk [tilespmem:v20+s26+$0x0], $0xffff  }
0x681: {  	v3 =	vor.u32 v6, v3;
	v22 =	vld.idx.msk [tilespmem:v22+s26+$0x0], $0xffff;
	v34 =	vmul.f32 v13, v11;
	v15 =	vmul.f32 v15, v32  }
0x682: {  	v29 =	vld.idx.msk [tilespmem:v29+s26+$0x0], $0xffff;
	v13 =	vor.u32 v45, v0;
	v1 =	vmul.f32 v1, v11;
	v8 =	vmul.f32 v9, v11  }
0x683: {  	v18 =	vor.u32 v6, v0;
	v30 =	vld.idx.msk [tilespmem:v30+s26+$0x0], $0xffff;
	v14 =	vmul.f32 v14, v11;
	v17 =	vmul.f32 v17, v11  }
0x684: {  	v9 =	vld.idx.msk [tilespmem:v25+s26+$0x0], $0xffff;
	v25 =	vmul.f32 v19, v11;
	[tilespmem:$0x1F990] =	vst v8;
	v8 =	vmul.f32 v12, v11  }
0x685: {  	v10 =	vld.idx.msk [tilespmem:v21+s26+$0x0], $0xffff;
	v21 =	vor.u32 v5, v0;
	v20 =	vmul.f32 v20, v32;
	v4 =	vmul.f32 v51, v32  }
0x686: {  	s17 =	simm.s32 $0x3;
	v2 =	vimm.f32 $0.0e+00;
	v22 =	vmul.f32 v22, v32;
	[tilespmem:$0x1F950] =	vst v8;
	v8 =	vmul.f32 v16, v11;
	v16 =	vld.idx.msk [tilespmem:v53+s26+$0x0], $0xffff  }
0x687: {  	v62 =	vmul.f32 v27, v11;
	v12 =	vmov s17;
	v15 =	vadd.f32 v15, v2;
	v19 =	vld.idx.msk [tilespmem:v13+s26+$0x0], $0xffff  }
0x688: {  	v4 =	vadd.f32 v4, v2;
	v13 =	vmul.f32 v24, v11;
	v24 =	vmul.f32 v29, v32;
	v29 =	vld.idx.msk [tilespmem:v31+s26+$0x0], $0xffff  }
0x689: {  	v31 =	vmul.f32 v9, v32;
	v9 =	vadd.f32 v20, v2;
	v20 =	vld.idx.msk [tilespmem:v26+s26+$0x0], $0xffff;
	v26 =	vshll.u32 v12, $0x5  }
0x68a: {  	s30 =	simm.s32 $0x2;
	v12 =	vadd.f32 v1, v15;
	[tilespmem:$0x1F960] =	vst v8;
	v8 =	vmul.f32 v10, v11;
	v10 =	vor.u32 v40, v0  }
0x68b: {  	v1 =	vld.idx.msk [tilespmem:v3+s26+$0x0], $0xffff;
	v3 =	vmov s30;
	v0 =	vor.u32 v59, v0;
	v35 =	vor.u32 v39, v26  }
0x68c: {  	v22 =	vadd.f32 v22, v2;
	v21 =	vld.idx.msk [tilespmem:v21+s26+$0x0], $0xffff;
	v3 =	vshll.u32 v3, $0x5;
	v58 =	vor.u32 v48, v35  }
0x68d: {  	v24 =	vadd.f32 v24, v2;
	v31 =	vadd.f32 v31, v2;
	[tilespmem:$0x1F970] =	vst v8;
	v8 =	vmul.f32 v28, v11  }
0x68e: {  	v53 =	vor.u32 v39, v3;
	v28 =	vadd.f32 v14, v22;
	v14 =	vld.idx.msk [tilespmem:v54+s26+$0x0], $0xffff;
	v22 =	vor.u32 v60, v35  }
0x68f: {  	[tilespmem:$0x1F9B0] =	vst v8;
	v8 =	vmul.f32 v16, v32;
	v19 =	vmul.f32 v19, v32;
	v16 =	vld.idx.msk [tilespmem:v10+s26+$0x0], $0xffff  }
0x690: {  	[tilespmem:$0x1F980] =	vst v1;
	v1 =	vmul.f32 v23, v11;
	v23 =	vor.u32 v57, v35;
	v0 =	vld.idx.msk [tilespmem:v0+s26+$0x0], $0xffff  }
0x691: {  	v29 =	vmul.f32 v29, v32;
	v20 =	vmul.f32 v20, v32;
	v10 =	vadd.f32 v17, v9;
	v9 =	vld.idx.msk [tilespmem:v18+s26+$0x0], $0xffff  }
0x692: {  	v17 =	vmul.f32 v21, v32;
	v21 =	vor.u32 v56, v35;
	[tilespmem:$0x1F9D0] =	vst v1;
	v1 =	vmul.f32 v30, v32  }
0x693: {  	v26 =	vadd.f32 v19, v2;
	v61 =	vadd.f32 v29, v2;
	v29 =	vor.u32 v63, v35  }
0x694: {  	v3 =	vld [tilespmem:$0x1F970];
	v43 =	vmul.f32 v16, v32;
	v16 =	vadd.f32 v34, v24;
	v24 =	vor.u32 v47, v53  }
0x695: {  	v15 =	vld.idx.msk [tilespmem:v55+s26+$0x0], $0xffff;
	v55 =	vmul.f32 v14, v32;
	v44 =	vadd.f32 v1, v2;
	v34 =	vor.u32 v48, v53  }
0x696: {  	v48 =	vadd.f32 v17, v2;
	v9 =	vmul.f32 v9, v32;
	v0 =	vmul.f32 v0, v32  }
0x697: {  	v54 =	vld.idx.msk [tilespmem:v21+s26+$0x0], $0xffff;
	v32 =	vor.u32 v60, v53;
	v60 =	vadd.f32 v62, v26;
	v14 =	vadd.f32 v43, v2  }
0x698: {  	v21 =	vor.u32 v57, v53;
	v26 =	vadd.f32 v20, v2;
	v57 =	vld.idx.msk [tilespmem:v29+s26+$0x0], $0xffff;
	v29 =	vadd.f32 v8, v2  }
0x699: {  	v36 =	vmul.f32 v50, v11;
	v0 =	vadd.f32 v0, v2;
	v14 =	vadd.f32 v3, v14;
	v3 =	vld.idx.msk [tilespmem:v24+s26+$0x0], $0xffff  }
0x69a: {  	v8 =	vadd.f32 v9, v2;
	v24 =	vadd.f32 v55, v2;
	v2 =	vld [tilespmem:$0x1F980]  }
0x69b: {  	v50 =	vadd.f32 v36, v4;
	v36 =	vor.u32 v49, v35  }
0x69c: {  	s9 =	simm.s32 $0x11830  }
0x69d: {  	v27 =	vld [tilespmem:s9+$0x0]  }
0x69e: {  	v18 =	vld [tilespmem:s9+$0xFFFFFFF0]  }
0x69f: {  	v46 =	vor.u32 v41, v35;
	v55 =	vmul.f32 v2, v11;
	v2 =	vld [tilespmem:$0x1F990]  }
0x6a0: {  	v19 =	vor.u32 v47, v35;
	v33 =	vld.idx.msk [tilespmem:v36+s26+$0x0], $0xffff  }
0x6a1: {  	v39 =	vld.idx.msk [tilespmem:v22+s26+$0x0], $0xffff  }
0x6a2: {  	v59 =	vor.u32 v59, v35;
	v51 =	vld.idx.msk [tilespmem:v23+s26+$0x0], $0xffff  }
0x6a3: {  	v49 =	vor.u32 v49, v53;
	v30 =	vor.u32 v52, v35;
	v47 =	vld.idx.msk [tilespmem:v58+s26+$0x0], $0xffff  }
0x6a4: {  	v58 =	vor.u32 v56, v53;
	v56 =	vadd.f32 v25, v31;
	v25 =	vld.idx.msk [tilespmem:v46+s26+$0x0], $0xffff;
	v0 =	vadd.f32 v2, v0  }
0x6a5: {  	v1 =	vor.u32 v42, v35;
	v4 =	vld.idx.msk [tilespmem:v19+s26+$0x0], $0xffff  }
0x6a6: {  	[tilespmem:$0x1F9A0] =	vst v0;
	v0 =	vld [tilespmem:$0x1F9B0]  }
0x6a7: {  	v19 =	vld.idx.msk [tilespmem:v59+s26+$0x0], $0xffff  }
0x6a8: {  	v17 =	vld.idx.msk [tilespmem:v30+s26+$0x0], $0xffff  }
0x6a9: {  	v37 =	vor.u32 v63, v53;
	v20 =	vor.u32 v5, v35;
	v30 =	vor.u32 v40, v35;
	v40 =	vld.idx.msk [tilespmem:v49+s26+$0x0], $0xffff  }
0x6aa: {  	v63 =	vor.u32 v42, v53;
	v42 =	vor.u32 v41, v53;
	v23 =	vor.u32 v52, v53;
	v1 =	vld.idx.msk [tilespmem:v1+s26+$0x0], $0xffff  }
0x6ab: {  	[tilespmem:$0x1F9C0] =	vst v38;
	v52 =	vor.u32 v6, v53;
	v46 =	vor.u32 v45, v35;
	v22 =	vadd.f32 v0, v44;
	v0 =	vld [tilespmem:$0x1F9D0]  }
0x6ac: {  	v62 =	vor.u32 v5, v53;
	v31 =	vor.u32 v6, v35;
	v36 =	vld.idx.msk [tilespmem:v34+s26+$0x0], $0xffff;
	v34 =	vmul.f32 v27, v38  }
0x6ad: {  	v45 =	vor.u32 v45, v53;
	v43 =	vmul.f32 v15, v11;
	v15 =	vmul.f32 v18, v38;
	v41 =	vld.idx.msk [tilespmem:v32+s26+$0x0], $0xffff  }
0x6ae: {  	v59 =	vor.u32 v7, v53;
	v32 =	vld.idx.msk [tilespmem:v20+s26+$0x0], $0xffff;
	v38 =	vmul.f32 v4, v34;
	v27 =	vmul.f32 v47, v34  }
0x6af: {  	v30 =	vld.idx.msk [tilespmem:v30+s26+$0x0], $0xffff;
	v39 =	vmul.f32 v39, v34;
	v49 =	vadd.f32 v55, v8;
	v55 =	vmul.f32 v57, v34  }
0x6b0: {  	s10 =	simm.s32 $0x4;
	v2 =	vor.u32 v7, v35;
	v35 =	vld.idx.msk [tilespmem:v46+s26+$0x0], $0xffff;
	v44 =	vmul.f32 v3, v15;
	v57 =	vadd.f32 v0, v48  }
.LBB2_20:
0x6b1: {  	v0 =	vld.idx.msk [tilespmem:v37+s26+$0x0], $0xffff  }
0x6b2: {  	v4 =	vmul.f32 v19, v34;
	v19 =	vld.idx.msk [tilespmem:v23+s26+$0x0], $0xffff  }
0x6b3: {  	v46 =	vld [tilespmem:$0x1F950]  }
0x6b4: {  	v48 =	vld [tilespmem:$0x1F960]  }
0x6b5: {  	v11 =	vld [tilespmem:$0x1FB50]  }
0x6b6: {  	v21 =	vld.idx.msk [tilespmem:v21+s26+$0x0], $0xffff  }
0x6b7: {  	v3 =	vmul.f32 v33, v34;
	v20 =	vmov v34;
	v34 =	vld.idx.msk [tilespmem:v31+s26+$0x0], $0xffff  }
0x6b8: {  	v7 =	vld [tilespmem:$0x1FEC0]  }
0x6b9: {  	v8 =	vld [tilespmem:$0x1FB20]  }
0x6ba: {  	v18 =	vld [tilespmem:$0x1FB40]  }
0x6bb: {  	v47 =	vmul.f32 v54, v20;
	v54 =	vld.idx.msk [tilespmem:v42+s26+$0x0], $0xffff  }
0x6bc: {  	v12 =	vadd.f32 v44, v12;
	v44 =	vld.idx.msk [tilespmem:v62+s26+$0x0], $0xffff  }
0x6bd: {  	v62 =	vld [tilespmem:$0x1FB10]  }
0x6be: {  	v31 =	vmul.f32 v35, v20;
	v35 =	vld.idx.msk [tilespmem:v63+s26+$0x0], $0xffff  }
0x6bf: {  	[tilespmem:$0x1F950] =	vst v47;
	v47 =	vmul.f32 v41, v15;
	v41 =	vld.idx.msk [tilespmem:v52+s26+$0x0], $0xffff  }
0x6c0: {  	v52 =	vld [tilespmem:$0x1FFF0]  }
0x6c1: {  	v63 =	vld [tilespmem:$0x1FAF0]  }
0x6c2: {  	v23 =	vadd.f32 v46, v61;
	v61 =	vld.idx.msk [tilespmem:v45+s26+$0x0], $0xffff  }
0x6c3: {  	[tilespmem:$0x1F930] =	vst v4;
	v4 =	vadd.f32 v48, v24;
	v24 =	vmul.f32 v25, v20;
	v25 =	vld.idx.msk [tilespmem:v58+s26+$0x0], $0xffff  }
0x6c4: {  	s11 =	smov.u32 s10;
	v42 =	vmul.f32 v17, v20;
	v17 =	vmul.f32 v40, v15;
	v48 =	vld [tilespmem:$0x1FB80]  }
0x6c5: {  	v5 =	vadd.f32 v13, v29;
	s0 =	sadd.s32 $0x1, s11;
	v58 =	vld [tilespmem:$0x1FEF0]  }
0x6c6: {  	v1 =	vmul.f32 v1, v20;
	v29 =	vmov s0;
	v10 =	vadd.f32 v17, v10;
	v17 =	vld.idx.msk [tilespmem:v59+s26+$0x0], $0xffff  }
0x6c7: {  	s9 =	sadd.s32 $0x20, s9;
	v26 =	vadd.f32 v43, v26;
	v43 =	vmul.f32 v51, v20;
	v29 =	vshll.u32 v29, $0x5;
	v59 =	vld [tilespmem:$0x1FB90]  }
0x6c8: {  	[tilespmem:$0x1F960] =	vst v1;
	v36 =	vmul.f32 v36, v15;
	v1 =	vor.u32 v11, v53;
	v9 =	vadd.f32 v47, v28;
	v47 =	vld [tilespmem:s9+$0x0]  }
0x6c9: {  	v13 =	vadd.f32 v38, v12;
	v0 =	vmul.f32 v0, v15;
	v19 =	vmul.f32 v19, v15;
	v28 =	vld [tilespmem:$0x1FB60]  }
0x6ca: {  	v21 =	vmul.f32 v21, v15;
	v36 =	vadd.f32 v36, v50;
	[tilespmem:$0x1F920] =	vst v4;
	v4 =	vld [tilespmem:s9+$0xFFFFFFF0];
	v12 =	vadd.f32 v3, v10  }
0x6cb: {  	v10 =	vadd.f32 v39, v9;
	v3 =	vmul.f32 v32, v20;
	v32 =	vor.u32 v7, v29;
	v9 =	vld [tilespmem:$0x1FBC0]  }
0x6cc: {  	v56 =	vadd.f32 v19, v56;
	v19 =	vld [tilespmem:$0x1FBA0];
	v38 =	vor.u32 v8, v32;
	v46 =	vmul.f32 v61, v15  }
0x6cd: {  	v0 =	vadd.f32 v0, v16;
	v16 =	vmov s11;
	v45 =	vor.u32 v48, v53;
	v1 =	vld.idx.msk [tilespmem:v1+s26+$0x0], $0xffff  }
0x6ce: {  	[tilespmem:$0x1F940] =	vst v43;
	v16 =	vshll.u32 v16, $0x5;
	v33 =	vor.u32 v52, v32;
	v43 =	vadd.f32 v46, v60;
	v46 =	vld.idx.msk [tilespmem:v2+s26+$0x0], $0xffff  }
0x6cf: {  	v50 =	vadd.f32 v27, v36;
	v53 =	vor.u32 v7, v16;
	v2 =	vor.u32 v58, v32;
	v60 =	vld [tilespmem:$0x1FB70]  }
0x6d0: {  	v56 =	vadd.f32 v42, v56;
	v36 =	vor.u32 v9, v32;
	v42 =	vor.u32 v9, v53;
	v9 =	vld [tilespmem:$0x1F920]  }
0x6d1: {  	v40 =	vmul.f32 v54, v15;
	v54 =	vld.idx.msk [tilespmem:v38+s26+$0x0], $0xffff  }
0x6d2: {  	v30 =	vmul.f32 v30, v20;
	v22 =	vadd.f32 v21, v22;
	v37 =	vld.idx.msk [tilespmem:v45+s26+$0x0], $0xffff;
	v45 =	vor.u32 v18, v32  }
0x6d3: {  	v29 =	vmul.f32 v44, v15;
	v39 =	vor.u32 v62, v32;
	v25 =	vmul.f32 v25, v15;
	v38 =	vld.idx.msk [tilespmem:v33+s26+$0x0], $0xffff  }
0x6d4: {  	v48 =	vor.u32 v48, v32;
	v16 =	vadd.f32 v55, v0;
	v27 =	vmul.f32 v1, v15;
	v7 =	vld.idx.msk [tilespmem:v2+s26+$0x0], $0xffff  }
0x6d5: {  	v57 =	vadd.f32 v29, v57;
	v29 =	vadd.f32 v40, v5;
	v44 =	vor.u32 v59, v32;
	v2 =	vld [tilespmem:$0x1FBB0]  }
0x6d6: {  	v6 =	vmul.f32 v17, v15;
	v14 =	vadd.f32 v27, v14;
	v27 =	vor.u32 v11, v32;
	v11 =	vld [tilespmem:$0x1FB30]  }
0x6d7: {  	v0 =	vor.u32 v52, v53;
	v17 =	vor.u32 v19, v32;
	v21 =	vor.u32 v60, v32;
	v51 =	vld.idx.msk [tilespmem:v45+s26+$0x0], $0xffff  }
0x6d8: {  	v61 =	vadd.f32 v25, v23;
	v45 =	vor.u32 v58, v53;
	v58 =	vor.u32 v8, v53;
	v8 =	vld [tilespmem:$0x1FB00]  }
0x6d9: {  	v25 =	vor.u32 v63, v32;
	v23 =	vor.u32 v59, v53;
	v14 =	vadd.f32 v30, v14;
	v30 =	vld [tilespmem:$0x1F9C0]  }
0x6da: {  	v55 =	vor.u32 v19, v53;
	v19 =	vld.idx.msk [tilespmem:v48+s26+$0x0], $0xffff;
	v48 =	vmul.f32 v37, v15;
	v37 =	vor.u32 v63, v53  }
0x6db: {  	v39 =	vld.idx.msk [tilespmem:v39+s26+$0x0], $0xffff;
	v63 =	vor.u32 v60, v53;
	v60 =	vadd.f32 v31, v43;
	v31 =	vor.u32 v28, v32  }
0x6dc: {  	v59 =	vor.u32 v2, v53;
	v1 =	vld.idx.msk [tilespmem:v21+s26+$0x0], $0xffff;
	v21 =	vor.u32 v18, v53;
	v18 =	vor.u32 v62, v53  }
0x6dd: {  	v0 =	vld.idx.msk [tilespmem:v0+s26+$0x0], $0xffff;
	v5 =	vor.u32 v11, v32;
	v2 =	vor.u32 v2, v32;
	v62 =	vor.u32 v8, v53  }
0x6de: {  	v32 =	vor.u32 v8, v32;
	v8 =	vmul.f32 v34, v20;
	v34 =	vmul.f32 v47, v30;
	v47 =	vld [tilespmem:$0x1F9A0]  }
0x6df: {  	v33 =	vld.idx.msk [tilespmem:v17+s26+$0x0], $0xffff  }
0x6e0: {  	v17 =	vld.idx.msk [tilespmem:v44+s26+$0x0], $0xffff  }
0x6e1: {  	v44 =	vld.idx.msk [tilespmem:v25+s26+$0x0], $0xffff  }
0x6e2: {  	v41 =	vmul.f32 v41, v15;
	v40 =	vld.idx.msk [tilespmem:v55+s26+$0x0], $0xffff  }
0x6e3: {  	v35 =	vmul.f32 v35, v15;
	v15 =	vmul.f32 v4, v30;
	v4 =	vadd.f32 v48, v47;
	v48 =	vld [tilespmem:$0x1F930]  }
0x6e4: {  	v25 =	vld.idx.msk [tilespmem:v36+s26+$0x0], $0xffff  }
0x6e5: {  	p0 =	slt.u32 s10, $0x1E;
	v52 =	vor.u32 v28, v53;
	v57 =	vadd.f32 v3, v57;
	v47 =	vadd.f32 v41, v49;
	v49 =	vld [tilespmem:$0x1F940]  }
.Ltmp12:
0x6e6: {  	v26 =	vadd.f32 v6, v26;
	v28 =	vmovc v10;
	v10 =	vmovc v12;
	v12 =	vmov v13;
	v13 =	vmov v24;
	v36 =	vld.idx.msk [tilespmem:v45+s26+$0x0], $0xffff;
	(pc) =	sbr.rel @p0 .LBB2_20-.Ltmp12, $4  }
0x6e7: {  	v24 =	vadd.f32 v35, v9;
	v43 =	vmul.f32 v46, v20;
	v30 =	vld.idx.msk [tilespmem:v27+s26+$0x0], $0xffff;
	v55 =	vmul.f32 v44, v34  }
0x6e8: {  	v44 =	vmul.f32 v0, v15;
	v38 =	vmul.f32 v38, v34;
	v35 =	vld.idx.msk [tilespmem:v5+s26+$0x0], $0xffff;
	v4 =	vadd.f32 v48, v4  }
0x6e9: {  	v45 =	vor.u32 v11, v53;
	v27 =	vmul.f32 v7, v34;
	v39 =	vmul.f32 v39, v34;
	v41 =	vld.idx.msk [tilespmem:v18+s26+$0x0], $0xffff  }
0x6ea: {  	s10 =	sadd.s32 $0x2, s10;
	v32 =	vld.idx.msk [tilespmem:v32+s26+$0x0], $0xffff;
	v22 =	vadd.f32 v49, v22;
	v49 =	vadd.f32 v8, v47;
	[tilespmem:$0x1F9A0] =	vst v4  }
0x6eb: {  	_ =	sdelay $0x3  }
0x6ec: {  	v0 =	vld.idx.msk [tilespmem:v45+s26+$0x0], $0xffff  }
0x6ed: {  	v4 =	vld [tilespmem:$0x1F950];
	v8 =	vmul.f32 v40, v15  }
0x6ee: {  	v5 =	vld.idx.msk [tilespmem:v37+s26+$0x0], $0xffff  }
0x6ef: {  	v7 =	vld [tilespmem:$0x1FB50];
	v8 =	vadd.f32 v8, v10;
	v10 =	vmul.f32 v33, v34  }
0x6f0: {  	v18 =	vld.idx.msk [tilespmem:v23+s26+$0x0], $0xffff  }
0x6f1: {  	v8 =	vadd.f32 v10, v8;
	v10 =	vld.idx.msk [tilespmem:v59+s26+$0x0], $0xffff  }
0x6f2: {  	v21 =	vld.idx.msk [tilespmem:v21+s26+$0x0], $0xffff  }
0x6f3: {  	v2 =	vld.idx.msk [tilespmem:v2+s26+$0x0], $0xffff  }
0x6f4: {  	v40 =	vld.idx.msk [tilespmem:v42+s26+$0x0], $0xffff  }
0x6f5: {  	v12 =	vadd.f32 v44, v12;
	v42 =	vld.idx.msk [tilespmem:v31+s26+$0x0], $0xffff;
	v4 =	vadd.f32 v4, v61  }
0x6f6: {  	v44 =	vld [tilespmem:$0x1FB80];
	v61 =	vadd.f32 v43, v26;
	v18 =	vmul.f32 v18, v15;
	v10 =	vmul.f32 v10, v15  }
0x6f7: {  	v45 =	vld.idx.msk [tilespmem:v52+s26+$0x0], $0xffff  }
0x6f8: {  	v2 =	vmul.f32 v2, v34;
	v18 =	vadd.f32 v18, v56;
	v56 =	vld [tilespmem:$0x1FBD0];
	v10 =	vadd.f32 v10, v61  }
0x6f9: {  	v59 =	vld [tilespmem:$0x1FBE0]  }
0x6fa: {  	v7 =	vor.u32 v7, v53;
	v2 =	vadd.f32 v2, v10;
	v10 =	vld [tilespmem:$0x1FBF0]  }
0x6fb: {  	v20 =	vmul.f32 v36, v15;
	v26 =	vor.u32 v44, v53;
	v61 =	vld [tilespmem:$0x1FC00]  }
0x6fc: {  	v48 =	vld.idx.msk [tilespmem:v58+s26+$0x0], $0xffff  }
0x6fd: {  	v52 =	vld.idx.msk [tilespmem:v63+s26+$0x0], $0xffff;
	v20 =	vadd.f32 v20, v50  }
0x6fe: {  	v17 =	vmul.f32 v17, v34;
	v12 =	vadd.f32 v38, v12;
	v50 =	vld.idx.msk [tilespmem:v62+s26+$0x0], $0xffff  }
0x6ff: {  	v20 =	vadd.f32 v27, v20;
	v7 =	vld.idx.msk [tilespmem:v7+s26+$0x0], $0xffff  }
0x700: {  	v17 =	vadd.f32 v17, v18;
	v53 =	vld.idx.msk [tilespmem:v26+s26+$0x0], $0xffff;
	[tilespmem:v56+s28+$0x0] =	vst.idx.msk $0xffff, v12  }
0x701: {  	[tilespmem:v59+s28+$0x0] =	vst.idx.msk $0xffff, v20  }
0x702: {  	[tilespmem:v10+s28+$0x0] =	vst.idx.msk $0xffff, v17  }
0x703: {  	[tilespmem:v61+s28+$0x0] =	vst.idx.msk $0xffff, v8;
	v8 =	vld [tilespmem:$0x1FC10]  }
0x704: {  	v62 =	vld [tilespmem:$0x1FC20];
	_ =	sdelay $0x1  }
0x705: {  	v43 =	vmul.f32 v54, v34;
	v54 =	vmul.f32 v45, v15  }
0x706: {  	v37 =	vmul.f32 v41, v15  }
0x707: {  	v41 =	vmul.f32 v19, v34;
	v19 =	vmul.f32 v42, v34;
	v58 =	vadd.f32 v54, v49;
	_ =	sdelay $0x1  }
0x708: {  	v10 =	vadd.f32 v19, v58  }
0x709: {  	[tilespmem:v8+s28+$0x0] =	vst.idx.msk $0xffff, v2  }
0x70a: {  	[tilespmem:v62+s28+$0x0] =	vst.idx.msk $0xffff, v10;
	v10 =	vld [tilespmem:$0x1FC30];
	_ =	sdelay $0x1  }
0x70b: {  	v7 =	vmul.f32 v7, v15;
	_ =	sdelay $0x1  }
0x70c: {  	v46 =	vmul.f32 v30, v34;
	v7 =	vadd.f32 v7, v14;
	_ =	sdelay $0x1  }
0x70d: {  	v7 =	vadd.f32 v46, v7;
	_ =	sdelay $0x1  }
0x70e: {  	[tilespmem:v10+s28+$0x0] =	vst.idx.msk $0xffff, v7;
	v7 =	vld [tilespmem:$0x1FC40];
	_ =	sdelay $0x1  }
0x70f: {  	v21 =	vmul.f32 v21, v15;
	_ =	sdelay $0x1  }
0x710: {  	v6 =	vld [tilespmem:$0x1F960];
	v47 =	vmul.f32 v51, v34;
	v21 =	vadd.f32 v21, v22;
	_ =	sdelay $0x1  }
0x711: {  	v8 =	vadd.f32 v47, v21;
	_ =	sdelay $0x1  }
0x712: {  	v3 =	vadd.f32 v13, v29;
	[tilespmem:v7+s28+$0x0] =	vst.idx.msk $0xffff, v8;
	v7 =	vmul.f32 v40, v15  }
0x713: {  	v63 =	vld [tilespmem:$0x1FC50];
	v6 =	vadd.f32 v6, v24;
	v8 =	vmul.f32 v52, v15  }
0x714: {  	v0 =	vmul.f32 v0, v15;
	v3 =	vadd.f32 v7, v3;
	v7 =	vld [tilespmem:$0x1FC60]  }
0x715: {  	v6 =	vadd.f32 v8, v6;
	v8 =	vld [tilespmem:$0x1FC70]  }
0x716: {  	v0 =	vadd.f32 v0, v60;
	v60 =	vmul.f32 v48, v15  }
0x717: {  	v51 =	vmul.f32 v35, v34  }
0x718: {  	v4 =	vadd.f32 v60, v4  }
0x719: {  	v9 =	vadd.f32 v37, v28;
	v0 =	vadd.f32 v51, v0  }
0x71a: {  	v4 =	vadd.f32 v43, v4  }
0x71b: {  	v9 =	vadd.f32 v39, v9;
	[tilespmem:v63+s28+$0x0] =	vst.idx.msk $0xffff, v0  }
0x71c: {  	[tilespmem:v7+s28+$0x0] =	vst.idx.msk $0xffff, v4  }
0x71d: {  	[tilespmem:v8+s28+$0x0] =	vst.idx.msk $0xffff, v9;
	v8 =	vld [tilespmem:$0x1FC80];
	_ =	sdelay $0x1  }
0x71e: {  	v2 =	vmul.f32 v50, v15;
	_ =	sdelay $0x1  }
0x71f: {  	s0 =	simm.s32 $0x0;
	v33 =	vlaneseq.u32;
	v32 =	vmul.f32 v32, v34;
	v2 =	vadd.f32 v2, v57  }
0x720: {  	v0 =	vadd.s32 s0, v33  }
0x721: {  	v2 =	vadd.f32 v32, v2;
	v4 =	vshll.u32 v0, $0x4  }
0x722: {  	v4 =	vand.u32 $0x1F0, v4  }
0x723: {  	[tilespmem:v8+s28+$0x0] =	vst.idx.msk $0xffff, v2;
	v2 =	vor.u32 v33, v4;
	v4 =	vld [tilespmem:$0x1FC90];
	_ =	sdelay $0x1  }
0x724: {  	v5 =	vmul.f32 v5, v15;
	_ =	sdelay $0x1  }
0x725: {  	v5 =	vadd.f32 v5, v16;
	_ =	sdelay $0x1  }
0x726: {  	v5 =	vadd.f32 v55, v5;
	_ =	sdelay $0x1  }
0x727: {  	[tilespmem:v4+s28+$0x0] =	vst.idx.msk $0xffff, v5;
	v5 =	vld [tilespmem:$0x1FCA0];
	_ =	sdelay $0x3  }
0x728: {  	v25 =	vmul.f32 v25, v34;
	_ =	sdelay $0x1  }
0x729: {  	v3 =	vadd.f32 v25, v3;
	_ =	sdelay $0x1  }
0x72a: {  	[tilespmem:v5+s28+$0x0] =	vst.idx.msk $0xffff, v3;
	v3 =	vld [tilespmem:$0x1FCB0];
	_ =	sdelay $0x3  }
0x72b: {  	v1 =	vmul.f32 v1, v34;
	_ =	sdelay $0x1  }
0x72c: {  	v1 =	vadd.f32 v1, v6  }
0x72d: {  	v7 =	vld [tilespmem:$0x1F9A0]  }
0x72e: {  	[tilespmem:v3+s28+$0x0] =	vst.idx.msk $0xffff, v1;
	v1 =	vld [tilespmem:$0x1FCC0];
	_ =	sdelay $0x1  }
0x72f: {  	v10 =	vmul.f32 v53, v15;
	_ =	sdelay $0x1  }
0x730: {  	v7 =	vadd.f32 v10, v7;
	_ =	sdelay $0x1  }
0x731: {  	v4 =	vadd.f32 v41, v7;
	_ =	sdelay $0x1  }
0x732: {  	[tilespmem:v1+s28+$0x0] =	vst.idx.msk $0xffff, v4;
	v4 =	vld [tilespmem:$0x1FAD0];
	_ =	sdelay $0x1  }
0x733: {  	s15 =	simm.s32 $0x1;
	v5 =	vld [tilespmem:$0x1F9C0]  }
0x734: {  	v1 =	vld.idx.msk [tilespmem:v2+s23+$0x0], $0xffff;
	v2 =	vadd.s32 s15, v33  }
0x735: {  	v0 =	vand.u32 $0x1F, v0;
	v3 =	vshll.u32 v2, $0x4  }
0x736: {  	v3 =	vand.u32 $0x1F0, v3;
	v0 =	vor.u32 v4, v0  }
0x737: {  	v3 =	vor.u32 v33, v3;
	_ =	sdelay $0x1  }
0x738: {  	v1 =	vmul.f32 v1, v5;
	_ =	sdelay $0x1  }
0x739: {  	s17 =	simm.s32 $0x2;
	[tilespmem:v0+s29+$0x0] =	vst.idx.msk $0xffff, v1  }
0x73a: {  	v1 =	vadd.s32 s17, v33;
	v0 =	vld.idx.msk [tilespmem:v3+s23+$0x0], $0xffff  }
0x73b: {  	v2 =	vand.u32 $0x1F, v2;
	v3 =	vshll.u32 v1, $0x4  }
0x73c: {  	v2 =	vor.u32 v4, v2;
	v3 =	vand.u32 $0x1F0, v3  }
0x73d: {  	v3 =	vor.u32 v33, v3;
	_ =	sdelay $0x1  }
0x73e: {  	v0 =	vmul.f32 v0, v5;
	_ =	sdelay $0x1  }
0x73f: {  	s30 =	simm.s32 $0x3;
	[tilespmem:v2+s29+$0x0] =	vst.idx.msk $0xffff, v0  }
0x740: {  	v2 =	vadd.s32 s30, v33;
	v0 =	vld.idx.msk [tilespmem:v3+s23+$0x0], $0xffff  }
0x741: {  	v1 =	vand.u32 $0x1F, v1;
	v3 =	vshll.u32 v2, $0x4  }
0x742: {  	v1 =	vor.u32 v4, v1;
	v3 =	vand.u32 $0x1F0, v3  }
0x743: {  	v3 =	vor.u32 v33, v3;
	_ =	sdelay $0x1  }
0x744: {  	v0 =	vmul.f32 v0, v5;
	_ =	sdelay $0x1  }
0x745: {  	s9 =	simm.s32 $0x4;
	[tilespmem:v1+s29+$0x0] =	vst.idx.msk $0xffff, v0  }
0x746: {  	v1 =	vadd.s32 s9, v33;
	v0 =	vld.idx.msk [tilespmem:v3+s23+$0x0], $0xffff  }
0x747: {  	v2 =	vand.u32 $0x1F, v2;
	v3 =	vshll.u32 v1, $0x4  }
0x748: {  	v7 =	vor.u32 v4, v2;
	v3 =	vand.u32 $0x1F0, v3  }
0x749: {  	v2 =	vor.u32 v33, v3;
	_ =	sdelay $0x1  }
0x74a: {  	s10 =	simm.s32 $0x8;
	v1 =	vand.u32 $0x1F, v1;
	v8 =	vmul.f32 v0, v5  }
.LBB2_22:
0x74b: {  	_ = 	snop  }
0x74c: {  	p0 =	slt.u32 s10, $0x1C;
	s0 =	smov.u32 s10;
	s10 =	sadd.s32 $0x4, s10;
	[tilespmem:v7+s29+$0x0] =	vst.idx.msk $0xffff, v8  }
0x74d: {  	s11 =	sadd.s32 $0x1, s9;
	v0 =	vld.idx.msk [tilespmem:v2+s23+$0x0], $0xffff  }
0x74e: {  	v2 =	vadd.s32 s11, v33  }
0x74f: {  	v3 =	vshll.u32 v2, $0x4;
	v2 =	vand.u32 $0x1F, v2  }
0x750: {  	v1 =	vor.u32 v4, v1;
	v3 =	vand.u32 $0x1F0, v3  }
0x751: {  	v3 =	vor.u32 v33, v3;
	_ =	sdelay $0x1  }
0x752: {  	v0 =	vmul.f32 v0, v5;
	_ =	sdelay $0x1  }
0x753: {  	[tilespmem:v1+s29+$0x0] =	vst.idx.msk $0xffff, v0  }
0x754: {  	s11 =	sadd.s32 $0x2, s9;
	v0 =	vld.idx.msk [tilespmem:v3+s23+$0x0], $0xffff  }
0x755: {  	v1 =	vadd.s32 s11, v33  }
0x756: {  	v3 =	vshll.u32 v1, $0x4;
	v1 =	vand.u32 $0x1F, v1  }
0x757: {  	v2 =	vor.u32 v4, v2;
	v3 =	vand.u32 $0x1F0, v3  }
0x758: {  	v3 =	vor.u32 v33, v3;
	_ =	sdelay $0x1  }
0x759: {  	v0 =	vmul.f32 v0, v5;
	_ =	sdelay $0x1  }
0x75a: {  	[tilespmem:v2+s29+$0x0] =	vst.idx.msk $0xffff, v0  }
0x75b: {  	s11 =	sadd.s32 $0x3, s9;
	s9 =	smov.u32 s0;
	v0 =	vld.idx.msk [tilespmem:v3+s23+$0x0], $0xffff  }
0x75c: {  	v2 =	vadd.s32 s11, v33  }
0x75d: {  	v3 =	vshll.u32 v2, $0x4;
	v2 =	vand.u32 $0x1F, v2  }
0x75e: {  	v1 =	vor.u32 v4, v1;
	v3 =	vand.u32 $0x1F0, v3  }
0x75f: {  	v3 =	vor.u32 v33, v3;
	_ =	sdelay $0x1  }
0x760: {  	v0 =	vmul.f32 v0, v5;
	_ =	sdelay $0x1  }
0x761: {  	[tilespmem:v1+s29+$0x0] =	vst.idx.msk $0xffff, v0  }
0x762: {  	v0 =	vld.idx.msk [tilespmem:v3+s23+$0x0], $0xffff  }
0x763: {  	v1 =	vadd.s32 s9, v33  }
.Ltmp13:
0x764: {  	v3 =	vshll.u32 v1, $0x4;
	v1 =	vand.u32 $0x1F, v1;
	(pc) =	sbr.rel @p0 .LBB2_22-.Ltmp13, $3  }
0x765: {  	v7 =	vor.u32 v4, v2;
	v3 =	vand.u32 $0x1F0, v3  }
0x766: {  	v2 =	vor.u32 v33, v3;
	_ =	sdelay $0x1  }
0x767: {  	v8 =	vmul.f32 v0, v5  }
0x768: {  	_ =	sdelay $0x3  }
0x769: {  	s0 =	sadd.s32 $0x1, s9;
	[tilespmem:v7+s29+$0x0] =	vst.idx.msk $0xffff, v8  }
0x76a: {  	v0 =	vld.idx.msk [tilespmem:v2+s23+$0x0], $0xffff;
	v2 =	vadd.s32 s0, v33  }
0x76b: {  	v3 =	vshll.u32 v2, $0x4  }
0x76c: {  	v1 =	vor.u32 v4, v1;
	v3 =	vand.u32 $0x1F0, v3  }
0x76d: {  	v3 =	vor.u32 v33, v3;
	_ =	sdelay $0x1  }
0x76e: {  	v0 =	vmul.f32 v0, v5;
	_ =	sdelay $0x1  }
0x76f: {  	s12 =	sadd.s32 $0x2, s9;
	[tilespmem:v1+s29+$0x0] =	vst.idx.msk $0xffff, v0  }
0x770: {  	v1 =	vadd.s32 s12, v33;
	v0 =	vld.idx.msk [tilespmem:v3+s23+$0x0], $0xffff  }
0x771: {  	v2 =	vand.u32 $0x1F, v2;
	v3 =	vshll.u32 v1, $0x4  }
0x772: {  	v2 =	vor.u32 v4, v2;
	v3 =	vand.u32 $0x1F0, v3  }
0x773: {  	v3 =	vor.u32 v33, v3;
	_ =	sdelay $0x1  }
0x774: {  	v0 =	vmul.f32 v0, v5;
	_ =	sdelay $0x1  }
0x775: {  	s15 =	sadd.s32 $0x3, s9;
	[tilespmem:v2+s29+$0x0] =	vst.idx.msk $0xffff, v0  }
0x776: {  	v2 =	vadd.s32 s15, v33;
	v0 =	vld.idx.msk [tilespmem:v3+s23+$0x0], $0xffff  }
0x777: {  	v1 =	vand.u32 $0x1F, v1;
	v3 =	vshll.u32 v2, $0x4  }
0x778: {  	v1 =	vor.u32 v4, v1;
	v3 =	vand.u32 $0x1F0, v3  }
0x779: {  	v3 =	vor.u32 v33, v3;
	_ =	sdelay $0x1  }
0x77a: {  	v0 =	vmul.f32 v0, v5;
	_ =	sdelay $0x1  }
0x77b: {  	[tilespmem:v1+s29+$0x0] =	vst.idx.msk $0xffff, v0  }
0x77c: {  	v0 =	vld.idx.msk [tilespmem:v3+s23+$0x0], $0xffff  }
0x77d: {  	v1 =	vand.u32 $0x1F, v2  }
0x77e: {  	v1 =	vor.u32 v4, v1;
	_ =	sdelay $0x2  }
0x77f: {  	v0 =	vmul.f32 v0, v5;
	_ =	sdelay $0x1  }
0x780: {  	[tilespmem:v1+s29+$0x0] =	vst.idx.msk $0xffff, v0;
	v0 =	vld [tilespmem:$0x1FAE0];
	_ =	sdelay $0x7  }
0x781: {  	v52 =	vld.idx.msk [tilespmem:v0+s20+$0x0], $0xffff  }
0x782: {  	v0 =	vld [tilespmem:$0x1FDB0];
	_ =	sdelay $0x7  }
0x783: {  	v51 =	vld.idx.msk [tilespmem:v0+s20+$0x0], $0xffff  }
0x784: {  	v0 =	vld [tilespmem:$0x1FDC0];
	_ =	sdelay $0x7  }
0x785: {  	v49 =	vld.idx.msk [tilespmem:v0+s20+$0x0], $0xffff  }
0x786: {  	v0 =	vld [tilespmem:$0x1FDD0];
	_ =	sdelay $0x7  }
0x787: {  	v50 =	vld.idx.msk [tilespmem:v0+s20+$0x0], $0xffff  }
0x788: {  	v0 =	vld [tilespmem:$0x1FDE0];
	_ =	sdelay $0x7  }
0x789: {  	v14 =	vld.idx.msk [tilespmem:v0+s20+$0x0], $0xffff  }
0x78a: {  	v0 =	vld [tilespmem:$0x1FDF0];
	_ =	sdelay $0x5  }
0x78b: {  	v61 =	vld [tilespmem:$0x1FA50]  }
0x78c: {  	v32 =	vld [tilespmem:$0x1FF00]  }
0x78d: {  	v16 =	vld.idx.msk [tilespmem:v0+s20+$0x0], $0xffff  }
0x78e: {  	v0 =	vld [tilespmem:$0x1FE00]  }
0x78f: {  	v34 =	vld [tilespmem:$0x1FF10]  }
0x790: {  	v35 =	vld [tilespmem:$0x1FF20]  }
0x791: {  	v1 =	vld [tilespmem:$0x1FE30]  }
0x792: {  	v12 =	vld [tilespmem:$0x1FE90]  }
0x793: {  	v36 =	vld [tilespmem:$0x1FF30]  }
0x794: {  	v37 =	vld [tilespmem:$0x1FF40]  }
0x795: {  	v38 =	vld [tilespmem:$0x1FF50]  }
0x796: {  	v9 =	vld.idx.msk [tilespmem:v0+s20+$0x0], $0xffff  }
0x797: {  	v0 =	vld [tilespmem:$0x1FE10]  }
0x798: {  	v39 =	vld [tilespmem:$0x1FF60]  }
0x799: {  	v13 =	vld.idx.msk [tilespmem:v1+s20+$0x0], $0xffff  }
0x79a: {  	v1 =	vld [tilespmem:$0x1FE40]  }
0x79b: {  	v40 =	vld [tilespmem:$0x1FF70]  }
0x79c: {  	v41 =	vld [tilespmem:$0x1FF80]  }
0x79d: {  	v42 =	vld [tilespmem:$0x1FF90]  }
0x79e: {  	v43 =	vld [tilespmem:$0x1FFA0]  }
0x79f: {  	v15 =	vld.idx.msk [tilespmem:v0+s20+$0x0], $0xffff  }
0x7a0: {  	v0 =	vld [tilespmem:$0x1FE20]  }
0x7a1: {  	v44 =	vld [tilespmem:$0x1FFB0]  }
0x7a2: {  	v5 =	vld.idx.msk [tilespmem:v1+s20+$0x0], $0xffff  }
0x7a3: {  	v1 =	vld [tilespmem:$0x1FE50]  }
0x7a4: {  	v2 =	vld [tilespmem:$0x1FE60]  }
0x7a5: {  	v3 =	vld [tilespmem:$0x1FE70]  }
0x7a6: {  	v4 =	vld [tilespmem:$0x1FE80]  }
0x7a7: {  	s17 =	simm.s32 $0x0;
	v45 =	vld [tilespmem:$0x1FFC0]  }
0x7a8: {  	v8 =	vld.idx.msk [tilespmem:v0+s20+$0x0], $0xffff;
	v0 =	vmov s17  }
0x7a9: {  	v47 =	vld [tilespmem:$0x1FFE0];
	v0 =	vshll.u32 v0, $0x5  }
0x7aa: {  	v46 =	vld [tilespmem:$0x1FFD0];
	v0 =	vor.u32 v61, v0  }
0x7ab: {  	v10 =	vld.idx.msk [tilespmem:v1+s20+$0x0], $0xffff;
	v1 =	vor.u32 v33, v0  }
0x7ac: {  	v6 =	vld.idx.msk [tilespmem:v2+s20+$0x0], $0xffff;
	v2 =	vor.u32 v32, v0  }
0x7ad: {  	v11 =	vld.idx.msk [tilespmem:v3+s20+$0x0], $0xffff;
	v3 =	vor.u32 v34, v0  }
0x7ae: {  	v7 =	vld.idx.msk [tilespmem:v4+s20+$0x0], $0xffff;
	v4 =	vor.u32 v35, v0  }
0x7af: {  	v12 =	vld.idx.msk [tilespmem:v12+s20+$0x0], $0xffff;
	v17 =	vor.u32 v36, v0  }
0x7b0: {  	v18 =	vor.u32 v37, v0;
	v1 =	vld.idx.msk [tilespmem:v1+s26+$0x0], $0xffff  }
0x7b1: {  	v19 =	vor.u32 v38, v0;
	v2 =	vld.idx.msk [tilespmem:v2+s26+$0x0], $0xffff  }
0x7b2: {  	v20 =	vor.u32 v39, v0;
	v3 =	vld.idx.msk [tilespmem:v3+s26+$0x0], $0xffff  }
0x7b3: {  	v21 =	vor.u32 v40, v0;
	v4 =	vld.idx.msk [tilespmem:v4+s26+$0x0], $0xffff  }
0x7b4: {  	v22 =	vor.u32 v41, v0;
	v17 =	vld.idx.msk [tilespmem:v17+s26+$0x0], $0xffff  }
0x7b5: {  	v23 =	vor.u32 v42, v0;
	v18 =	vld.idx.msk [tilespmem:v18+s26+$0x0], $0xffff;
	v1 =	vmul.f32 v1, v52  }
0x7b6: {  	v24 =	vor.u32 v43, v0;
	v25 =	vor.u32 v44, v0;
	v19 =	vld.idx.msk [tilespmem:v19+s26+$0x0], $0xffff;
	v2 =	vmul.f32 v2, v51  }
0x7b7: {  	v26 =	vor.u32 v45, v0;
	v20 =	vld.idx.msk [tilespmem:v20+s26+$0x0], $0xffff;
	v3 =	vmul.f32 v3, v49;
	v1 =	vadd.f32 $0.0e+00, v1  }
0x7b8: {  	v27 =	vor.u32 v47, v0;
	v21 =	vld.idx.msk [tilespmem:v21+s26+$0x0], $0xffff;
	v4 =	vmul.f32 v4, v50;
	v2 =	vadd.f32 $0.0e+00, v2  }
0x7b9: {  	v0 =	vor.u32 v46, v0;
	v22 =	vld.idx.msk [tilespmem:v22+s26+$0x0], $0xffff;
	v1 =	vadd.f32 v3, v1;
	v3 =	vmul.f32 v17, v14  }
0x7ba: {  	v17 =	vld.idx.msk [tilespmem:v23+s26+$0x0], $0xffff;
	v2 =	vadd.f32 v4, v2;
	v4 =	vmul.f32 v18, v16  }
0x7bb: {  	v18 =	vld.idx.msk [tilespmem:v24+s26+$0x0], $0xffff;
	v1 =	vadd.f32 v3, v1;
	v3 =	vmul.f32 v19, v9  }
0x7bc: {  	v19 =	vld.idx.msk [tilespmem:v25+s26+$0x0], $0xffff;
	v2 =	vadd.f32 v4, v2;
	v4 =	vmul.f32 v20, v15  }
0x7bd: {  	v20 =	vld.idx.msk [tilespmem:v26+s26+$0x0], $0xffff;
	v1 =	vadd.f32 v3, v1;
	v3 =	vmul.f32 v21, v8  }
0x7be: {  	v0 =	vld.idx.msk [tilespmem:v0+s26+$0x0], $0xffff;
	v2 =	vadd.f32 v4, v2;
	v4 =	vmul.f32 v22, v13  }
0x7bf: {  	v21 =	vld.idx.msk [tilespmem:v27+s26+$0x0], $0xffff;
	v1 =	vadd.f32 v3, v1;
	v3 =	vmul.f32 v17, v5  }
0x7c0: {  	v2 =	vadd.f32 v4, v2;
	v4 =	vmul.f32 v18, v10  }
0x7c1: {  	v1 =	vadd.f32 v3, v1  }
0x7c2: {  	v3 =	vmul.f32 v19, v6;
	v2 =	vadd.f32 v4, v2;
	v4 =	vmul.f32 v20, v11  }
0x7c3: {  	v0 =	vmul.f32 v0, v7  }
0x7c4: {  	v1 =	vadd.f32 v3, v1;
	v2 =	vadd.f32 v4, v2;
	v3 =	vmul.f32 v21, v12;
	_ =	sdelay $0x1  }
0x7c5: {  	v0 =	vadd.f32 v0, v1;
	v1 =	vadd.f32 v3, v2;
	_ =	sdelay $0x1  }
0x7c6: {  	v0 =	vadd.f32 v1, v0;
	_ =	sdelay $0x1  }
0x7c7: {  	v0 =	vmul.f32 $1.442695020e+00, v0;
	_ =	sdelay $0x1  }
0x7c8: {  	(erf) = vpow2.f32 v0;
	_ =	sdelay $0x1  }
0x7c9: {  	s30 =	simm.s32 $0x1  }
0x7ca: {  	v0 =	vmov s30  }
0x7cb: {  	v0 =	vshll.u32 v0, $0x5  }
0x7cc: {  	v0 =	vor.u32 v61, v0  }
0x7cd: {  	v1 =	vor.u32 v33, v0  }
0x7ce: {  	v2 =	vor.u32 v32, v0  }
0x7cf: {  	v3 =	vor.u32 v34, v0  }
0x7d0: {  	s15 =	simm.s32 $0x11810;
	v4 =	vor.u32 v35, v0;
	v54 =	vpop (erf)  }
0x7d1: {  	v62 =	vld [tilespmem:$0x1FEF0];
	v17 =	vor.u32 v37, v0;
	[tilespmem:s15+$0xFFFFFFF0] =	vst v54  }
0x7d2: {  	v21 =	vor.u32 v36, v0;
	v20 =	vld.idx.msk [tilespmem:v1+s26+$0x0], $0xffff  }
0x7d3: {  	s9 =	simm.s32 $0x4;
	v24 =	vld.idx.msk [tilespmem:v2+s26+$0x0], $0xffff  }
0x7d4: {  	v53 =	vimm.f32 $0.0e+00;
	s12 =	simm.s32 $0x2;
	v26 =	vmov s9;
	v25 =	vor.u32 v38, v0;
	v3 =	vld.idx.msk [tilespmem:v3+s26+$0x0], $0xffff  }
0x7d5: {  	v18 =	vmov s12;
	v23 =	vor.u32 v39, v0;
	v28 =	vor.u32 v41, v0;
	v4 =	vld.idx.msk [tilespmem:v4+s26+$0x0], $0xffff  }
0x7d6: {  	v31 =	vor.u32 v40, v0;
	v22 =	vor.u32 v43, v0;
	v1 =	vshll.u32 v18, $0x5;
	v19 =	vld.idx.msk [tilespmem:v17+s26+$0x0], $0xffff  }
0x7d7: {  	v2 =	vor.u32 v47, v0;
	v18 =	vld.idx.msk [tilespmem:v21+s26+$0x0], $0xffff;
	v17 =	vor.u32 v44, v0;
	v21 =	vshll.u32 v26, $0x5  }
0x7d8: {  	v48 =	vld [tilespmem:$0x1FBB0];
	v26 =	vor.u32 v45, v0;
	v56 =	vor.u32 v61, v1;
	v1 =	vor.u32 v46, v0  }
0x7d9: {  	v55 =	vor.u32 v61, v21;
	v21 =	vld.idx.msk [tilespmem:v25+s26+$0x0], $0xffff;
	v58 =	vor.u32 v33, v56;
	v57 =	vor.u32 v32, v56  }
0x7da: {  	v27 =	vmul.f32 v20, v52;
	v20 =	vld.idx.msk [tilespmem:v23+s26+$0x0], $0xffff;
	v23 =	vor.u32 v42, v0;
	v29 =	vmul.f32 v24, v51  }
0x7db: {  	v25 =	vld.idx.msk [tilespmem:v31+s26+$0x0], $0xffff;
	v60 =	vor.u32 v33, v55;
	v59 =	vor.u32 v32, v55;
	v30 =	vmul.f32 v4, v50  }
0x7dc: {  	s10 =	simm.s32 $0x11830;
	s11 =	simm.s32 $0x11830;
	s17 =	simm.s32 $0x6;
	v24 =	vld.idx.msk [tilespmem:v28+s26+$0x0], $0xffff;
	v27 =	vadd.f32 $0.0e+00, v27;
	v28 =	vadd.f32 $0.0e+00, v29;
	v29 =	vmul.f32 v3, v49  }
.LBB2_24:
0x7dd: {  	p0 =	slt.u32 s17, $0x1E  }
0x7de: {  	s10 =	sadd.s32 $0x20, s10;
	v0 =	vmul.f32 v19, v16;
	v3 =	vld.idx.msk [tilespmem:v22+s26+$0x0], $0xffff;
	s30 =	smov.u32 s17;
	s17 =	sadd.s32 $0x2, s17  }
0x7df: {  	v18 =	vmul.f32 v18, v14;
	v4 =	vadd.f32 v29, v27;
	v19 =	vadd.f32 v30, v28;
	v22 =	vld.idx.msk [tilespmem:v23+s26+$0x0], $0xffff  }
0x7e0: {  	v20 =	vmul.f32 v20, v15;
	v23 =	vld.idx.msk [tilespmem:v26+s26+$0x0], $0xffff  }
0x7e1: {  	v4 =	vadd.f32 v18, v4;
	v0 =	vadd.f32 v0, v19;
	v18 =	vmul.f32 v21, v9;
	v17 =	vld.idx.msk [tilespmem:v17+s26+$0x0], $0xffff  }
0x7e2: {  	v19 =	vmul.f32 v24, v13;
	v2 =	vld.idx.msk [tilespmem:v2+s26+$0x0], $0xffff  }
0x7e3: {  	v4 =	vadd.f32 v18, v4;
	v0 =	vadd.f32 v20, v0;
	v18 =	vmul.f32 v25, v8;
	v1 =	vld.idx.msk [tilespmem:v1+s26+$0x0], $0xffff  }
0x7e4: {  	v3 =	vmul.f32 v3, v10  }
0x7e5: {  	v4 =	vadd.f32 v18, v4;
	v0 =	vadd.f32 v19, v0;
	v18 =	vmul.f32 v22, v5  }
0x7e6: {  	v19 =	vmul.f32 v23, v11  }
0x7e7: {  	v4 =	vadd.f32 v18, v4;
	v0 =	vadd.f32 v3, v0;
	v3 =	vmul.f32 v17, v6  }
0x7e8: {  	v2 =	vmul.f32 v2, v12  }
0x7e9: {  	v1 =	vmul.f32 v1, v7;
	v3 =	vadd.f32 v3, v4;
	v0 =	vadd.f32 v19, v0;
	_ =	sdelay $0x1  }
0x7ea: {  	v1 =	vadd.f32 v1, v3;
	v0 =	vadd.f32 v2, v0;
	_ =	sdelay $0x1  }
0x7eb: {  	v0 =	vadd.f32 v0, v1;
	_ =	sdelay $0x1  }
0x7ec: {  	v0 =	vmul.f32 $1.442695020e+00, v0;
	_ =	sdelay $0x1  }
0x7ed: {  	(erf) = vpow2.f32 v0;
	_ =	sdelay $0x7  }
0x7ee: {  	v1 =	vadd.f32 v54, v53;
	v0 =	vor.u32 v34, v56  }
0x7ef: {  	v2 =	vor.u32 v35, v56;
	v3 =	vpop (erf)  }
0x7f0: {  	v4 =	vor.u32 v36, v56;
	[tilespmem:s15+$0x0] =	vst v3;
	v53 =	vadd.f32 v3, v1;
	s15 =	smov.u32 s11;
	s11 =	smov.u32 s10  }
0x7f1: {  	v3 =	vor.u32 v37, v56;
	v1 =	vld.idx.msk [tilespmem:v58+s26+$0x0], $0xffff;
	v58 =	vmov v60  }
0x7f2: {  	v18 =	vor.u32 v38, v56;
	v17 =	vld.idx.msk [tilespmem:v57+s26+$0x0], $0xffff;
	v57 =	vmov v59  }
0x7f3: {  	v19 =	vor.u32 v39, v56;
	v0 =	vld.idx.msk [tilespmem:v0+s26+$0x0], $0xffff  }
0x7f4: {  	v20 =	vor.u32 v40, v56;
	v2 =	vld.idx.msk [tilespmem:v2+s26+$0x0], $0xffff  }
0x7f5: {  	v21 =	vor.u32 v41, v56;
	v4 =	vld.idx.msk [tilespmem:v4+s26+$0x0], $0xffff  }
0x7f6: {  	v22 =	vor.u32 v42, v56;
	v3 =	vld.idx.msk [tilespmem:v3+s26+$0x0], $0xffff  }
0x7f7: {  	v23 =	vor.u32 v43, v56;
	v1 =	vmul.f32 v1, v52;
	v18 =	vld.idx.msk [tilespmem:v18+s26+$0x0], $0xffff  }
0x7f8: {  	v24 =	vor.u32 v44, v56;
	v17 =	vmul.f32 v17, v51;
	v19 =	vld.idx.msk [tilespmem:v19+s26+$0x0], $0xffff  }
0x7f9: {  	v25 =	vor.u32 v45, v56;
	v1 =	vadd.f32 $0.0e+00, v1;
	v0 =	vmul.f32 v0, v49;
	v20 =	vld.idx.msk [tilespmem:v20+s26+$0x0], $0xffff  }
0x7fa: {  	v26 =	vor.u32 v47, v56;
	v17 =	vadd.f32 $0.0e+00, v17;
	v2 =	vmul.f32 v2, v50;
	v21 =	vld.idx.msk [tilespmem:v21+s26+$0x0], $0xffff  }
0x7fb: {  	v0 =	vadd.f32 v0, v1;
	v1 =	vmul.f32 v4, v14;
	v4 =	vld.idx.msk [tilespmem:v22+s26+$0x0], $0xffff;
	v22 =	vor.u32 v46, v56  }
0x7fc: {  	v2 =	vadd.f32 v2, v17;
	v3 =	vmul.f32 v3, v16;
	v56 =	vmov v55;
	v17 =	vld.idx.msk [tilespmem:v23+s26+$0x0], $0xffff  }
0x7fd: {  	v0 =	vadd.f32 v1, v0;
	v1 =	vmul.f32 v18, v9;
	v18 =	vld.idx.msk [tilespmem:v24+s26+$0x0], $0xffff  }
0x7fe: {  	v2 =	vadd.f32 v3, v2;
	v3 =	vmul.f32 v19, v15;
	v19 =	vld.idx.msk [tilespmem:v25+s26+$0x0], $0xffff  }
0x7ff: {  	v0 =	vadd.f32 v1, v0;
	v1 =	vmul.f32 v20, v8;
	v20 =	vld.idx.msk [tilespmem:v26+s26+$0x0], $0xffff  }
0x800: {  	v2 =	vadd.f32 v3, v2;
	v3 =	vmul.f32 v21, v13;
	v21 =	vld.idx.msk [tilespmem:v22+s26+$0x0], $0xffff  }
0x801: {  	v0 =	vadd.f32 v1, v0;
	v1 =	vmul.f32 v4, v5  }
0x802: {  	v2 =	vadd.f32 v3, v2;
	v3 =	vmul.f32 v17, v10  }
0x803: {  	v0 =	vadd.f32 v1, v0;
	v1 =	vmul.f32 v18, v6  }
0x804: {  	v2 =	vadd.f32 v3, v2;
	v3 =	vmul.f32 v19, v11  }
0x805: {  	v0 =	vadd.f32 v1, v0  }
0x806: {  	v1 =	vadd.f32 v3, v2;
	v2 =	vmul.f32 v21, v7;
	v3 =	vmul.f32 v20, v12;
	_ =	sdelay $0x1  }
0x807: {  	v0 =	vadd.f32 v2, v0;
	v1 =	vadd.f32 v3, v1;
	_ =	sdelay $0x1  }
0x808: {  	v0 =	vadd.f32 v1, v0;
	_ =	sdelay $0x1  }
0x809: {  	v0 =	vmul.f32 $1.442695020e+00, v0;
	_ =	sdelay $0x1  }
0x80a: {  	(erf) = vpow2.f32 v0;
	_ =	sdelay $0x1  }
0x80b: {  	s0 =	sadd.s32 $0x1, s12;
	s12 =	smov.u32 s9;
	s9 =	smov.u32 s30  }
0x80c: {  	v0 =	vmov s0  }
0x80d: {  	v0 =	vshll.u32 v0, $0x5  }
0x80e: {  	v0 =	vor.u32 v61, v0  }
0x80f: {  	v2 =	vor.u32 v33, v0;
	v3 =	vor.u32 v32, v0;
	v1 =	vor.u32 v46, v0;
	_ =	sdelay $0x1  }
0x810: {  	v4 =	vor.u32 v34, v0  }
0x811: {  	v17 =	vor.u32 v35, v0;
	v54 =	vpop (erf)  }
0x812: {  	v18 =	vor.u32 v37, v0;
	[tilespmem:s15+$0xFFFFFFF0] =	vst v54  }
0x813: {  	v21 =	vor.u32 v36, v0;
	v20 =	vld.idx.msk [tilespmem:v2+s26+$0x0], $0xffff  }
0x814: {  	v23 =	vor.u32 v39, v0;
	v3 =	vld.idx.msk [tilespmem:v3+s26+$0x0], $0xffff  }
0x815: {  	v24 =	vor.u32 v38, v0;
	v4 =	vld.idx.msk [tilespmem:v4+s26+$0x0], $0xffff  }
0x816: {  	v28 =	vor.u32 v41, v0;
	v25 =	vld.idx.msk [tilespmem:v17+s26+$0x0], $0xffff  }
0x817: {  	v31 =	vor.u32 v40, v0;
	v2 =	vor.u32 v47, v0;
	v19 =	vld.idx.msk [tilespmem:v18+s26+$0x0], $0xffff  }
.Ltmp14:
0x818: {  	v26 =	vmov s9;
	v22 =	vor.u32 v43, v0;
	v17 =	vor.u32 v44, v0;
	v18 =	vld.idx.msk [tilespmem:v21+s26+$0x0], $0xffff;
	(pc) =	sbr.rel @p0 .LBB2_24-.Ltmp14, $4  }
0x819: {  	v21 =	vshll.u32 v26, $0x5;
	v27 =	vmul.f32 v20, v52;
	v20 =	vld.idx.msk [tilespmem:v23+s26+$0x0], $0xffff;
	v23 =	vor.u32 v42, v0  }
0x81a: {  	v26 =	vor.u32 v45, v0;
	v55 =	vor.u32 v61, v21;
	v3 =	vmul.f32 v3, v51;
	v21 =	vld.idx.msk [tilespmem:v24+s26+$0x0], $0xffff  }
0x81b: {  	v60 =	vor.u32 v33, v55;
	v59 =	vor.u32 v32, v55;
	v27 =	vadd.f32 $0.0e+00, v27;
	v24 =	vld.idx.msk [tilespmem:v28+s26+$0x0], $0xffff  }
0x81c: {  	v29 =	vmul.f32 v4, v49;
	v28 =	vadd.f32 $0.0e+00, v3;
	v30 =	vmul.f32 v25, v50;
	v25 =	vld.idx.msk [tilespmem:v31+s26+$0x0], $0xffff  }
0x81d: {  	_ =	sdelay $0x2  }
0x81e: {  	v0 =	vmul.f32 v19, v16  }
0x81f: {  	v3 =	vld.idx.msk [tilespmem:v22+s26+$0x0], $0xffff;
	v18 =	vmul.f32 v18, v14;
	v4 =	vadd.f32 v29, v27;
	v19 =	vadd.f32 v30, v28  }
0x820: {  	v22 =	vld.idx.msk [tilespmem:v23+s26+$0x0], $0xffff;
	v20 =	vmul.f32 v20, v15  }
0x821: {  	v23 =	vld.idx.msk [tilespmem:v26+s26+$0x0], $0xffff;
	v4 =	vadd.f32 v18, v4;
	v0 =	vadd.f32 v0, v19;
	v18 =	vmul.f32 v21, v9  }
0x822: {  	v17 =	vld.idx.msk [tilespmem:v17+s26+$0x0], $0xffff;
	v19 =	vmul.f32 v24, v13  }
0x823: {  	v2 =	vld.idx.msk [tilespmem:v2+s26+$0x0], $0xffff;
	v4 =	vadd.f32 v18, v4;
	v0 =	vadd.f32 v20, v0;
	v18 =	vmul.f32 v25, v8  }
0x824: {  	v1 =	vld.idx.msk [tilespmem:v1+s26+$0x0], $0xffff;
	v3 =	vmul.f32 v3, v10  }
0x825: {  	v4 =	vadd.f32 v18, v4;
	v0 =	vadd.f32 v19, v0;
	v18 =	vmul.f32 v22, v5  }
0x826: {  	v19 =	vmul.f32 v23, v11  }
0x827: {  	v4 =	vadd.f32 v18, v4;
	v0 =	vadd.f32 v3, v0;
	v3 =	vmul.f32 v17, v6  }
0x828: {  	v2 =	vmul.f32 v2, v12  }
0x829: {  	v1 =	vmul.f32 v1, v7;
	v3 =	vadd.f32 v3, v4;
	v0 =	vadd.f32 v19, v0;
	_ =	sdelay $0x1  }
0x82a: {  	v1 =	vadd.f32 v1, v3;
	v0 =	vadd.f32 v2, v0;
	_ =	sdelay $0x1  }
0x82b: {  	v0 =	vadd.f32 v0, v1;
	_ =	sdelay $0x1  }
0x82c: {  	v0 =	vmul.f32 $1.442695020e+00, v0;
	_ =	sdelay $0x1  }
0x82d: {  	(erf) = vpow2.f32 v0;
	_ =	sdelay $0x7  }
0x82e: {  	v0 =	vor.u32 v34, v56  }
0x82f: {  	v1 =	vor.u32 v35, v56;
	v30 =	vpop (erf)  }
0x830: {  	v2 =	vor.u32 v36, v56;
	[tilespmem:s15+$0x0] =	vst v30  }
0x831: {  	v4 =	vor.u32 v37, v56;
	v3 =	vld.idx.msk [tilespmem:v58+s26+$0x0], $0xffff  }
0x832: {  	v18 =	vor.u32 v38, v56;
	v17 =	vld.idx.msk [tilespmem:v57+s26+$0x0], $0xffff  }
0x833: {  	v19 =	vor.u32 v39, v56;
	v0 =	vld.idx.msk [tilespmem:v0+s26+$0x0], $0xffff  }
0x834: {  	v20 =	vor.u32 v40, v56;
	v1 =	vld.idx.msk [tilespmem:v1+s26+$0x0], $0xffff  }
0x835: {  	v21 =	vor.u32 v41, v56;
	v2 =	vld.idx.msk [tilespmem:v2+s26+$0x0], $0xffff  }
0x836: {  	v22 =	vor.u32 v42, v56;
	v4 =	vld.idx.msk [tilespmem:v4+s26+$0x0], $0xffff;
	v3 =	vmul.f32 v3, v52  }
0x837: {  	v23 =	vor.u32 v43, v56;
	v18 =	vld.idx.msk [tilespmem:v18+s26+$0x0], $0xffff;
	v17 =	vmul.f32 v17, v51  }
0x838: {  	v24 =	vor.u32 v44, v56;
	v19 =	vld.idx.msk [tilespmem:v19+s26+$0x0], $0xffff;
	v0 =	vmul.f32 v0, v49;
	v3 =	vadd.f32 $0.0e+00, v3  }
0x839: {  	v25 =	vor.u32 v45, v56;
	v20 =	vld.idx.msk [tilespmem:v20+s26+$0x0], $0xffff;
	v1 =	vmul.f32 v1, v50;
	v17 =	vadd.f32 $0.0e+00, v17  }
0x83a: {  	v26 =	vor.u32 v47, v56;
	v21 =	vld.idx.msk [tilespmem:v21+s26+$0x0], $0xffff;
	v2 =	vmul.f32 v2, v14;
	v0 =	vadd.f32 v0, v3  }
0x83b: {  	v4 =	vmul.f32 v4, v16;
	v3 =	vld.idx.msk [tilespmem:v22+s26+$0x0], $0xffff;
	v22 =	vor.u32 v46, v56;
	v1 =	vadd.f32 v1, v17  }
0x83c: {  	v17 =	vld.idx.msk [tilespmem:v23+s26+$0x0], $0xffff;
	v0 =	vadd.f32 v2, v0;
	v2 =	vmul.f32 v18, v9  }
0x83d: {  	v18 =	vld.idx.msk [tilespmem:v24+s26+$0x0], $0xffff;
	v1 =	vadd.f32 v4, v1;
	v4 =	vmul.f32 v19, v15  }
0x83e: {  	v19 =	vld.idx.msk [tilespmem:v25+s26+$0x0], $0xffff;
	v0 =	vadd.f32 v2, v0;
	v2 =	vmul.f32 v20, v8  }
0x83f: {  	v20 =	vld.idx.msk [tilespmem:v26+s26+$0x0], $0xffff;
	v1 =	vadd.f32 v4, v1;
	v4 =	vmul.f32 v21, v13  }
0x840: {  	v21 =	vld.idx.msk [tilespmem:v22+s26+$0x0], $0xffff;
	v0 =	vadd.f32 v2, v0;
	v2 =	vmul.f32 v3, v5  }
0x841: {  	v1 =	vadd.f32 v4, v1;
	v3 =	vmul.f32 v17, v10  }
0x842: {  	v0 =	vadd.f32 v2, v0;
	v2 =	vmul.f32 v18, v6  }
0x843: {  	v1 =	vadd.f32 v3, v1;
	v3 =	vmul.f32 v19, v11  }
0x844: {  	v0 =	vadd.f32 v2, v0  }
0x845: {  	v1 =	vadd.f32 v3, v1;
	v2 =	vmul.f32 v21, v7;
	v3 =	vmul.f32 v20, v12;
	_ =	sdelay $0x1  }
0x846: {  	v0 =	vadd.f32 v2, v0;
	v1 =	vadd.f32 v3, v1;
	_ =	sdelay $0x1  }
0x847: {  	v0 =	vadd.f32 v1, v0;
	_ =	sdelay $0x1  }
0x848: {  	v0 =	vmul.f32 $1.442695020e+00, v0;
	_ =	sdelay $0x1  }
0x849: {  	(erf) = vpow2.f32 v0;
	_ =	sdelay $0x1  }
0x84a: {  	s0 =	sadd.s32 $0x1, s12  }
0x84b: {  	v0 =	vmov s0  }
0x84c: {  	v0 =	vshll.u32 v0, $0x5  }
0x84d: {  	v0 =	vor.u32 v61, v0  }
0x84e: {  	v1 =	vor.u32 v33, v0  }
0x84f: {  	v2 =	vor.u32 v32, v0  }
0x850: {  	v3 =	vor.u32 v34, v0  }
0x851: {  	v4 =	vor.u32 v35, v0;
	v63 =	vpop (erf)  }
0x852: {  	v17 =	vor.u32 v37, v0;
	[tilespmem:s11+$0xFFFFFFF0] =	vst v63  }
0x853: {  	v18 =	vor.u32 v36, v0;
	v1 =	vld.idx.msk [tilespmem:v1+s26+$0x0], $0xffff  }
0x854: {  	v19 =	vor.u32 v39, v0;
	v2 =	vld.idx.msk [tilespmem:v2+s26+$0x0], $0xffff  }
0x855: {  	v20 =	vor.u32 v38, v0;
	v3 =	vld.idx.msk [tilespmem:v3+s26+$0x0], $0xffff  }
0x856: {  	v21 =	vor.u32 v41, v0;
	v4 =	vld.idx.msk [tilespmem:v4+s26+$0x0], $0xffff  }
0x857: {  	v22 =	vor.u32 v40, v0;
	v17 =	vld.idx.msk [tilespmem:v17+s26+$0x0], $0xffff  }
0x858: {  	v23 =	vor.u32 v43, v0;
	v18 =	vld.idx.msk [tilespmem:v18+s26+$0x0], $0xffff  }
0x859: {  	v24 =	vor.u32 v42, v0;
	v19 =	vld.idx.msk [tilespmem:v19+s26+$0x0], $0xffff;
	v1 =	vmul.f32 v1, v52;
	v2 =	vmul.f32 v2, v51  }
0x85a: {  	v25 =	vor.u32 v44, v0;
	v26 =	vor.u32 v45, v0;
	v20 =	vld.idx.msk [tilespmem:v20+s26+$0x0], $0xffff;
	v3 =	vmul.f32 v3, v49  }
0x85b: {  	v21 =	vld.idx.msk [tilespmem:v21+s26+$0x0], $0xffff;
	v4 =	vmul.f32 v4, v50;
	v1 =	vadd.f32 $0.0e+00, v1;
	v2 =	vadd.f32 $0.0e+00, v2  }
0x85c: {  	v27 =	vor.u32 v46, v0;
	v0 =	vor.u32 v47, v0;
	v22 =	vld.idx.msk [tilespmem:v22+s26+$0x0], $0xffff;
	v17 =	vmul.f32 v17, v16  }
0x85d: {  	v23 =	vld.idx.msk [tilespmem:v23+s26+$0x0], $0xffff;
	v1 =	vadd.f32 v3, v1;
	v2 =	vadd.f32 v4, v2;
	v3 =	vmul.f32 v18, v14  }
0x85e: {  	v4 =	vld.idx.msk [tilespmem:v24+s26+$0x0], $0xffff;
	v18 =	vmul.f32 v19, v15  }
0x85f: {  	v19 =	vld.idx.msk [tilespmem:v26+s26+$0x0], $0xffff;
	v1 =	vadd.f32 v3, v1;
	v2 =	vadd.f32 v17, v2;
	v3 =	vmul.f32 v20, v9  }
0x860: {  	v17 =	vld.idx.msk [tilespmem:v25+s26+$0x0], $0xffff;
	v20 =	vmul.f32 v21, v13  }
0x861: {  	v0 =	vld.idx.msk [tilespmem:v0+s26+$0x0], $0xffff;
	v1 =	vadd.f32 v3, v1;
	v2 =	vadd.f32 v18, v2;
	v3 =	vmul.f32 v22, v8  }
0x862: {  	v21 =	vmul.f32 v23, v10;
	v18 =	vld.idx.msk [tilespmem:v27+s26+$0x0], $0xffff  }
0x863: {  	v1 =	vadd.f32 v3, v1;
	v2 =	vadd.f32 v20, v2;
	v3 =	vmul.f32 v4, v5  }
0x864: {  	v4 =	vmul.f32 v19, v11  }
0x865: {  	v1 =	vadd.f32 v3, v1;
	v2 =	vadd.f32 v21, v2;
	v3 =	vmul.f32 v17, v6  }
0x866: {  	v0 =	vmul.f32 v0, v12  }
0x867: {  	v1 =	vadd.f32 v3, v1;
	v2 =	vadd.f32 v4, v2;
	v3 =	vmul.f32 v18, v7;
	_ =	sdelay $0x1  }
0x868: {  	v1 =	vadd.f32 v3, v1;
	v0 =	vadd.f32 v0, v2;
	_ =	sdelay $0x1  }
0x869: {  	v0 =	vadd.f32 v0, v1;
	_ =	sdelay $0x1  }
0x86a: {  	v0 =	vmul.f32 $1.442695020e+00, v0;
	_ =	sdelay $0x1  }
0x86b: {  	(erf) = vpow2.f32 v0;
	_ =	sdelay $0x7  }
0x86c: {  	v0 =	vor.u32 v34, v55  }
0x86d: {  	v2 =	vor.u32 v35, v55;
	v1 =	vpop (erf)  }
0x86e: {  	v3 =	vor.u32 v36, v55;
	[tilespmem:s11+$0x0] =	vst v1  }
0x86f: {  	v17 =	vor.u32 v37, v55;
	v4 =	vld.idx.msk [tilespmem:v60+s26+$0x0], $0xffff  }
0x870: {  	v19 =	vor.u32 v38, v55;
	v18 =	vld.idx.msk [tilespmem:v59+s26+$0x0], $0xffff  }
0x871: {  	v20 =	vor.u32 v39, v55;
	v0 =	vld.idx.msk [tilespmem:v0+s26+$0x0], $0xffff  }
0x872: {  	v21 =	vor.u32 v40, v55;
	v2 =	vld.idx.msk [tilespmem:v2+s26+$0x0], $0xffff  }
0x873: {  	v22 =	vor.u32 v41, v55;
	v3 =	vld.idx.msk [tilespmem:v3+s26+$0x0], $0xffff  }
0x874: {  	v23 =	vor.u32 v42, v55;
	v17 =	vld.idx.msk [tilespmem:v17+s26+$0x0], $0xffff;
	v4 =	vmul.f32 v4, v52  }
0x875: {  	v24 =	vor.u32 v43, v55;
	v19 =	vld.idx.msk [tilespmem:v19+s26+$0x0], $0xffff;
	v18 =	vmul.f32 v18, v51  }
0x876: {  	v25 =	vor.u32 v44, v55;
	v20 =	vld.idx.msk [tilespmem:v20+s26+$0x0], $0xffff;
	v0 =	vmul.f32 v0, v49;
	v4 =	vadd.f32 $0.0e+00, v4  }
0x877: {  	v26 =	vor.u32 v45, v55;
	v21 =	vld.idx.msk [tilespmem:v21+s26+$0x0], $0xffff;
	v2 =	vmul.f32 v2, v50;
	v18 =	vadd.f32 $0.0e+00, v18  }
0x878: {  	v27 =	vor.u32 v47, v55;
	v22 =	vld.idx.msk [tilespmem:v22+s26+$0x0], $0xffff;
	v3 =	vmul.f32 v3, v14;
	v0 =	vadd.f32 v0, v4  }
0x879: {  	v17 =	vmul.f32 v17, v16;
	v4 =	vld.idx.msk [tilespmem:v23+s26+$0x0], $0xffff;
	v23 =	vor.u32 v46, v55;
	v2 =	vadd.f32 v2, v18  }
0x87a: {  	v18 =	vld.idx.msk [tilespmem:v24+s26+$0x0], $0xffff;
	v0 =	vadd.f32 v3, v0;
	v3 =	vmul.f32 v19, v9  }
0x87b: {  	v19 =	vld.idx.msk [tilespmem:v25+s26+$0x0], $0xffff;
	v2 =	vadd.f32 v17, v2;
	v17 =	vmul.f32 v20, v15  }
0x87c: {  	v20 =	vld.idx.msk [tilespmem:v26+s26+$0x0], $0xffff;
	v0 =	vadd.f32 v3, v0;
	v3 =	vmul.f32 v21, v8  }
0x87d: {  	v21 =	vld.idx.msk [tilespmem:v27+s26+$0x0], $0xffff;
	v2 =	vadd.f32 v17, v2;
	v17 =	vmul.f32 v22, v13  }
0x87e: {  	v22 =	vld.idx.msk [tilespmem:v23+s26+$0x0], $0xffff;
	v0 =	vadd.f32 v3, v0;
	v3 =	vmul.f32 v4, v5  }
0x87f: {  	v2 =	vadd.f32 v17, v2;
	v4 =	vmul.f32 v18, v10  }
0x880: {  	v0 =	vadd.f32 v3, v0;
	v3 =	vmul.f32 v19, v6  }
0x881: {  	v2 =	vadd.f32 v4, v2;
	v4 =	vmul.f32 v20, v11  }
0x882: {  	v0 =	vadd.f32 v3, v0  }
0x883: {  	v2 =	vadd.f32 v4, v2;
	v3 =	vmul.f32 v22, v7;
	v4 =	vmul.f32 v21, v12;
	_ =	sdelay $0x1  }
0x884: {  	v0 =	vadd.f32 v3, v0;
	v2 =	vadd.f32 v4, v2;
	_ =	sdelay $0x1  }
0x885: {  	v0 =	vadd.f32 v2, v0;
	_ =	sdelay $0x1  }
0x886: {  	v0 =	vmul.f32 $1.442695020e+00, v0;
	_ =	sdelay $0x1  }
0x887: {  	(erf) = vpow2.f32 v0;
	_ =	sdelay $0x1  }
0x888: {  	s9 =	sadd.s32 $0x1, s9  }
0x889: {  	v0 =	vmov s9  }
0x88a: {  	v0 =	vshll.u32 v0, $0x5  }
0x88b: {  	v0 =	vor.u32 v61, v0  }
0x88c: {  	v2 =	vor.u32 v33, v0  }
0x88d: {  	v3 =	vor.u32 v32, v0  }
0x88e: {  	v4 =	vor.u32 v34, v0  }
0x88f: {  	s10 =	sadd.s32 $0x20, s10;
	v17 =	vor.u32 v35, v0;
	v18 =	vpop (erf)  }
0x890: {  	v19 =	vor.u32 v37, v0;
	[tilespmem:s10+$0xFFFFFFF0] =	vst v18  }
0x891: {  	v20 =	vor.u32 v36, v0;
	v2 =	vld.idx.msk [tilespmem:v2+s26+$0x0], $0xffff  }
0x892: {  	v21 =	vor.u32 v39, v0;
	v3 =	vld.idx.msk [tilespmem:v3+s26+$0x0], $0xffff  }
0x893: {  	v22 =	vor.u32 v38, v0;
	v4 =	vld.idx.msk [tilespmem:v4+s26+$0x0], $0xffff  }
0x894: {  	v23 =	vor.u32 v41, v0;
	v17 =	vld.idx.msk [tilespmem:v17+s26+$0x0], $0xffff  }
0x895: {  	v24 =	vor.u32 v40, v0;
	v19 =	vld.idx.msk [tilespmem:v19+s26+$0x0], $0xffff  }
0x896: {  	v25 =	vor.u32 v43, v0;
	v20 =	vld.idx.msk [tilespmem:v20+s26+$0x0], $0xffff  }
0x897: {  	v26 =	vor.u32 v42, v0;
	v21 =	vld.idx.msk [tilespmem:v21+s26+$0x0], $0xffff;
	v2 =	vmul.f32 v2, v52;
	v3 =	vmul.f32 v3, v51  }
0x898: {  	v27 =	vor.u32 v44, v0;
	v28 =	vor.u32 v45, v0;
	v22 =	vld.idx.msk [tilespmem:v22+s26+$0x0], $0xffff;
	v4 =	vmul.f32 v4, v49  }
0x899: {  	v23 =	vld.idx.msk [tilespmem:v23+s26+$0x0], $0xffff;
	v17 =	vmul.f32 v17, v50;
	v2 =	vadd.f32 $0.0e+00, v2;
	v3 =	vadd.f32 $0.0e+00, v3  }
0x89a: {  	v29 =	vor.u32 v46, v0;
	v0 =	vor.u32 v47, v0;
	v24 =	vld.idx.msk [tilespmem:v24+s26+$0x0], $0xffff;
	v16 =	vmul.f32 v19, v16  }
0x89b: {  	v19 =	vld.idx.msk [tilespmem:v25+s26+$0x0], $0xffff;
	v2 =	vadd.f32 v4, v2;
	v3 =	vadd.f32 v17, v3;
	v4 =	vmul.f32 v20, v14  }
0x89c: {  	v15 =	vmul.f32 v21, v15;
	v14 =	vld.idx.msk [tilespmem:v26+s26+$0x0], $0xffff  }
0x89d: {  	v17 =	vld.idx.msk [tilespmem:v28+s26+$0x0], $0xffff;
	v2 =	vadd.f32 v4, v2;
	v3 =	vadd.f32 v16, v3;
	v4 =	vmul.f32 v22, v9  }
0x89e: {  	v13 =	vmul.f32 v23, v13;
	v9 =	vld.idx.msk [tilespmem:v27+s26+$0x0], $0xffff  }
0x89f: {  	v0 =	vld.idx.msk [tilespmem:v0+s26+$0x0], $0xffff;
	v2 =	vadd.f32 v4, v2;
	v3 =	vadd.f32 v15, v3;
	v4 =	vmul.f32 v24, v8  }
0x8a0: {  	v10 =	vmul.f32 v19, v10;
	v8 =	vld.idx.msk [tilespmem:v29+s26+$0x0], $0xffff  }
0x8a1: {  	v2 =	vadd.f32 v4, v2;
	v3 =	vadd.f32 v13, v3;
	v4 =	vmul.f32 v14, v5  }
0x8a2: {  	v5 =	vmul.f32 v17, v11  }
0x8a3: {  	v2 =	vadd.f32 v4, v2;
	v3 =	vadd.f32 v10, v3;
	v4 =	vmul.f32 v9, v6  }
0x8a4: {  	v0 =	vmul.f32 v0, v12  }
0x8a5: {  	v2 =	vadd.f32 v4, v2;
	v3 =	vadd.f32 v5, v3;
	v4 =	vmul.f32 v8, v7;
	_ =	sdelay $0x1  }
0x8a6: {  	v2 =	vadd.f32 v4, v2;
	v0 =	vadd.f32 v0, v3;
	_ =	sdelay $0x1  }
0x8a7: {  	v0 =	vadd.f32 v0, v2;
	_ =	sdelay $0x1  }
0x8a8: {  	v57 =	vld [tilespmem:$0x1FAF0];
	v0 =	vmul.f32 $1.442695020e+00, v0  }
0x8a9: {  	v56 =	vld [tilespmem:$0x1FB10]  }
0x8aa: {  	v60 =	vld [tilespmem:$0x1FBA0];
	(erf) = vpow2.f32 v0  }
0x8ab: {  	v40 =	vld [tilespmem:$0x1FB40]  }
0x8ac: {  	v47 =	vld [tilespmem:$0x1FFF0]  }
0x8ad: {  	v0 =	vadd.f32 v54, v53;
	v53 =	vld [tilespmem:$0x1FB20]  }
0x8ae: {  	s11 =	simm.s32 $0x1;
	v42 =	vld [tilespmem:$0x1FB80]  }
0x8af: {  	v43 =	vld [tilespmem:$0x1FBC0];
	v2 =	vmov s11  }
0x8b0: {  	v38 =	vld [tilespmem:$0x1FB50];
	v2 =	vshll.u32 v2, $0x5;
	v0 =	vadd.f32 v30, v0  }
0x8b1: {  	v45 =	vld [tilespmem:$0x1FB60];
	v2 =	vor.u32 v61, v2  }
0x8b2: {  	v49 =	vld [tilespmem:$0x1FB00];
	v0 =	vadd.f32 v63, v0;
	v3 =	vor.u32 v53, v2  }
0x8b3: {  	v17 =	vld [tilespmem:$0x1FB90];
	v5 =	vor.u32 v40, v2;
	v4 =	vpop (erf)  }
0x8b4: {  	s12 =	simm.s32 $0x11810;
	v63 =	vld [tilespmem:$0x1FB70];
	v0 =	vadd.f32 v1, v0;
	v1 =	vor.u32 v47, v2;
	[tilespmem:s10+$0x0] =	vst v4  }
0x8b5: {  	v6 =	vor.u32 v62, v2;
	v7 =	vld [tilespmem:s12+$0x0]  }
0x8b6: {  	v8 =	vor.u32 v42, v2;
	v9 =	vld [tilespmem:s12+$0xFFFFFFF0]  }
0x8b7: {  	v13 =	vor.u32 v56, v2;
	v3 =	vld.idx.msk [tilespmem:v3+s26+$0x0], $0xffff  }
0x8b8: {  	v15 =	vor.u32 v43, v2;
	v0 =	vadd.f32 v18, v0;
	v12 =	vld.idx.msk [tilespmem:v5+s26+$0x0], $0xffff  }
0x8b9: {  	v22 =	vor.u32 v49, v2;
	v1 =	vld.idx.msk [tilespmem:v1+s26+$0x0], $0xffff  }
0x8ba: {  	s15 =	simm.s32 $0x0;
	v10 =	vor.u32 v63, v2;
	v0 =	vadd.f32 v4, v0;
	v6 =	vld.idx.msk [tilespmem:v6+s26+$0x0], $0xffff  }
0x8bb: {  	v11 =	vmov s15;
	v8 =	vld.idx.msk [tilespmem:v8+s26+$0x0], $0xffff  }
0x8bc: {  	v4 =	vor.u32 v60, v2;
	v13 =	vld.idx.msk [tilespmem:v13+s26+$0x0], $0xffff;
	(erf) = vrcp.f32 v0;
	v0 =	vshll.u32 v11, $0x5  }
0x8bd: {  	v23 =	vld.idx.msk [tilespmem:v15+s26+$0x0], $0xffff;
	v11 =	vor.u32 v57, v2;
	v0 =	vor.u32 v61, v0  }
0x8be: {  	v22 =	vld.idx.msk [tilespmem:v22+s26+$0x0], $0xffff;
	v14 =	vor.u32 v47, v0  }
0x8bf: {  	v52 =	vld.idx.msk [tilespmem:v10+s26+$0x0], $0xffff;
	v16 =	vor.u32 v62, v0  }
0x8c0: {  	v18 =	vor.u32 v60, v0;
	v10 =	vld [tilespmem:$0x1FB30]  }
0x8c1: {  	v21 =	vor.u32 v56, v0;
	v4 =	vld.idx.msk [tilespmem:v4+s26+$0x0], $0xffff  }
0x8c2: {  	v29 =	vor.u32 v40, v0;
	v19 =	vld.idx.msk [tilespmem:v11+s26+$0x0], $0xffff  }
0x8c3: {  	v28 =	vor.u32 v57, v0;
	v14 =	vld.idx.msk [tilespmem:v14+s26+$0x0], $0xffff  }
0x8c4: {  	v20 =	vor.u32 v38, v2;
	v59 =	vor.u32 v48, v2;
	v16 =	vld.idx.msk [tilespmem:v16+s26+$0x0], $0xffff  }
0x8c5: {  	v5 =	vor.u32 v17, v2;
	v24 =	vor.u32 v17, v0;
	v25 =	vor.u32 v48, v0;
	v18 =	vld.idx.msk [tilespmem:v18+s26+$0x0], $0xffff;
	v41 =	vpop (erf)  }
0x8c6: {  	v31 =	vor.u32 v43, v0;
	v21 =	vld.idx.msk [tilespmem:v21+s26+$0x0], $0xffff;
	v15 =	vmul.f32 v7, v41;
	v32 =	vmul.f32 v9, v41  }
0x8c7: {  	v27 =	vor.u32 v45, v0;
	v26 =	vor.u32 v10, v2;
	v2 =	vor.u32 v45, v2;
	v29 =	vld.idx.msk [tilespmem:v29+s26+$0x0], $0xffff  }
0x8c8: {  	v30 =	vor.u32 v53, v0;
	v28 =	vld.idx.msk [tilespmem:v28+s26+$0x0], $0xffff;
	v19 =	vmul.f32 v19, v15;
	v14 =	vmul.f32 v14, v32  }
0x8c9: {  	v54 =	vor.u32 v10, v0;
	v9 =	vld.idx.msk [tilespmem:v20+s26+$0x0], $0xffff;
	v1 =	vmul.f32 v1, v15;
	v58 =	vmul.f32 v6, v15  }
0x8ca: {  	v20 =	vor.u32 v49, v0;
	v13 =	vmul.f32 v13, v15;
	v6 =	vmul.f32 v8, v15;
	v8 =	vld.idx.msk [tilespmem:v24+s26+$0x0], $0xffff  }
0x8cb: {  	v55 =	vor.u32 v63, v0;
	v4 =	vmul.f32 v4, v15;
	v3 =	vmul.f32 v3, v15;
	v24 =	vld.idx.msk [tilespmem:v31+s26+$0x0], $0xffff  }
0x8cc: {  	v11 =	vimm.f32 $0.0e+00;
	v18 =	vmul.f32 v18, v32;
	v39 =	vld.idx.msk [tilespmem:v2+s26+$0x0], $0xffff;
	v2 =	vmul.f32 v29, v32;
	[tilespmem:$0x1F8D0] =	vst v6  }
0x8cd: {  	[tilespmem:$0x1F870] =	vst v3;
	v3 =	vmul.f32 v52, v15;
	v6 =	vmul.f32 v12, v15;
	v12 =	vadd.f32 v14, v11  }
0x8ce: {  	v31 =	vld.idx.msk [tilespmem:v54+s26+$0x0], $0xffff;
	v14 =	vmul.f32 v16, v32;
	v44 =	vadd.f32 v2, v11;
	v37 =	vmul.f32 v9, v15  }
0x8cf: {  	v9 =	vor.u32 v38, v0;
	v16 =	vld.idx.msk [tilespmem:v20+s26+$0x0], $0xffff;
	v20 =	vmul.f32 v21, v32;
	v21 =	vmul.f32 v28, v32  }
0x8d0: {  	s17 =	simm.s32 $0x3;
	v0 =	vor.u32 v42, v0;
	[tilespmem:$0x1F880] =	vst v3;
	v28 =	vmul.f32 v8, v32;
	v8 =	vadd.f32 v18, v11  }
0x8d1: {  	v36 =	vld.idx.msk [tilespmem:v59+s26+$0x0], $0xffff;
	v3 =	vmov s17;
	[tilespmem:$0x1F8F0] =	vst v6;
	v14 =	vadd.f32 v14, v11;
	v12 =	vadd.f32 v1, v12  }
0x8d2: {  	v6 =	vmul.f32 v23, v15;
	v23 =	vld.idx.msk [tilespmem:v30+s26+$0x0], $0xffff;
	v20 =	vadd.f32 v20, v11;
	v1 =	vadd.f32 v4, v8  }
0x8d3: {  	s9 =	simm.s32 $0x11830;
	v18 =	vld.idx.msk [tilespmem:v25+s26+$0x0], $0xffff;
	v3 =	vshll.u32 v3, $0x5;
	v24 =	vmul.f32 v24, v32;
	v30 =	vmul.f32 v31, v32  }
0x8d4: {  	v33 =	vld [tilespmem:s9+$0x0];
	v21 =	vadd.f32 v21, v11;
	v3 =	vor.u32 v61, v3;
	[tilespmem:$0x1F8A0] =	vst v1;
	v1 =	vadd.f32 v13, v20  }
0x8d5: {  	s30 =	simm.s32 $0x2;
	v29 =	vor.u32 v56, v3;
	v30 =	vadd.f32 v30, v11;
	v34 =	vor.u32 v17, v3;
	v25 =	vld.idx.msk [tilespmem:v9+s26+$0x0], $0xffff  }
0x8d6: {  	v2 =	vmov s30;
	v31 =	vor.u32 v40, v3;
	v9 =	vmovc v60;
	v0 =	vld.idx.msk [tilespmem:v0+s26+$0x0], $0xffff;
	[tilespmem:$0x1F8B0] =	vst v1;
	v1 =	vmul.f32 v22, v15  }
0x8d7: {  	v20 =	vmul.f32 v16, v32;
	v16 =	vadd.f32 v58, v14;
	v14 =	vor.u32 v9, v3;
	v22 =	vld.idx.msk [tilespmem:v27+s26+$0x0], $0xffff  }
0x8d8: {  	v2 =	vshll.u32 v2, $0x5;
	v42 =	vor.u32 v42, v3;
	v4 =	vadd.f32 v28, v11;
	[tilespmem:$0x1F910] =	vst v1;
	v1 =	vld.idx.msk [tilespmem:v55+s26+$0x0], $0xffff  }
0x8d9: {  	v5 =	vld.idx.msk [tilespmem:v5+s26+$0x0], $0xffff;
	v35 =	vadd.f32 v24, v11;
	v60 =	vor.u32 v62, v3;
	v23 =	vmul.f32 v23, v32  }
0x8da: {  	v26 =	vld.idx.msk [tilespmem:v26+s26+$0x0], $0xffff;
	v13 =	vor.u32 v53, v3;
	v55 =	vor.u32 v61, v2;
	v2 =	vadd.f32 v19, v21  }
0x8db: {  	v18 =	vmul.f32 v18, v32;
	v58 =	vadd.f32 v23, v11;
	v50 =	vld.idx.msk [tilespmem:v31+s26+$0x0], $0xffff;
	v25 =	vmul.f32 v25, v32  }
0x8dc: {  	v8 =	vadd.f32 v20, v11;
	v0 =	vmul.f32 v0, v32;
	v31 =	vld.idx.msk [tilespmem:v14+s26+$0x0], $0xffff;
	[tilespmem:$0x1F8C0] =	vst v2  }
0x8dd: {  	v2 =	vld.idx.msk [tilespmem:v42+s26+$0x0], $0xffff;
	v14 =	vadd.f32 v25, v11;
	v42 =	vmul.f32 v22, v32;
	v54 =	vmul.f32 v1, v32  }
0x8de: {  	v7 =	vmovc v17;
	v17 =	vld [tilespmem:s9+$0xFFFFFFF0];
	v28 =	vor.u32 v63, v3;
	v0 =	vadd.f32 v0, v11;
	v25 =	vadd.f32 v18, v11  }
0x8df: {  	v27 =	vor.u32 v47, v3;
	v42 =	vadd.f32 v42, v11;
	v24 =	vadd.f32 v54, v11;
	v11 =	vld [tilespmem:$0x1F8D0]  }
0x8e0: {  	v29 =	vld.idx.msk [tilespmem:v29+s26+$0x0], $0xffff  }
0x8e1: {  	v51 =	vld.idx.msk [tilespmem:v13+s26+$0x0], $0xffff  }
0x8e2: {  	v23 =	vor.u32 v57, v3;
	v19 =	vor.u32 v47, v55;
	v47 =	vld.idx.msk [tilespmem:v60+s26+$0x0], $0xffff  }
0x8e3: {  	v60 =	vld.idx.msk [tilespmem:v28+s26+$0x0], $0xffff  }
0x8e4: {  	v5 =	vmul.f32 v5, v15;
	v21 =	vor.u32 v62, v55;
	v46 =	vld.idx.msk [tilespmem:v27+s26+$0x0], $0xffff;
	v0 =	vadd.f32 v11, v0  }
0x8e5: {  	[tilespmem:$0x1F890] =	vst v6;
	v6 =	vmul.f32 v26, v15;
	v61 =	vor.u32 v9, v55;
	v1 =	vld.idx.msk [tilespmem:v34+s26+$0x0], $0xffff  }
0x8e6: {  	v26 =	vmov v40;
	v62 =	vor.u32 v7, v55;
	v59 =	vor.u32 v48, v55;
	[tilespmem:$0x1F8E0] =	vst v0;
	v0 =	vld [tilespmem:$0x1F8F0]  }
0x8e7: {  	v27 =	vor.u32 v43, v3;
	v32 =	vor.u32 v56, v55;
	v56 =	vadd.f32 v6, v30;
	v6 =	vld.idx.msk [tilespmem:v23+s26+$0x0], $0xffff  }
0x8e8: {  	v20 =	vor.u32 v53, v55;
	v53 =	vadd.f32 v5, v4;
	v4 =	vor.u32 v10, v3;
	v19 =	vld.idx.msk [tilespmem:v19+s26+$0x0], $0xffff  }
0x8e9: {  	v52 =	vor.u32 v45, v55;
	v28 =	vor.u32 v49, v55;
	v5 =	vor.u32 v38, v3;
	v30 =	vld.idx.msk [tilespmem:v21+s26+$0x0], $0xffff  }
0x8ea: {  	v40 =	vor.u32 v57, v55;
	v57 =	vor.u32 v49, v3;
	v14 =	vadd.f32 v37, v14;
	v37 =	vld.idx.msk [tilespmem:v61+s26+$0x0], $0xffff  }
0x8eb: {  	[tilespmem:$0x1F900] =	vst v41;
	v18 =	vor.u32 v48, v3;
	v22 =	vor.u32 v26, v55;
	v61 =	vadd.f32 v0, v44;
	v0 =	vld [tilespmem:$0x1F910]  }
0x8ec: {  	v54 =	vmul.f32 v39, v15;
	v23 =	vld.idx.msk [tilespmem:v27+s26+$0x0], $0xffff;
	v27 =	vor.u32 v63, v55;
	v63 =	vmul.f32 v33, v41  }
0x8ed: {  	v43 =	vor.u32 v43, v55;
	v34 =	vld.idx.msk [tilespmem:v4+s26+$0x0], $0xffff;
	v39 =	vmul.f32 v36, v15;
	v15 =	vmul.f32 v17, v41  }
0x8ee: {  	v36 =	vld.idx.msk [tilespmem:v5+s26+$0x0], $0xffff;
	v49 =	vadd.f32 v54, v42;
	v54 =	vmul.f32 v6, v63;
	v38 =	vmul.f32 v46, v63  }
0x8ef: {  	v33 =	vor.u32 v45, v3;
	v41 =	vld.idx.msk [tilespmem:v32+s26+$0x0], $0xffff;
	v21 =	vmul.f32 v47, v63;
	v29 =	vmul.f32 v29, v63  }
0x8f0: {  	s10 =	simm.s32 $0x4;
	v32 =	vld.idx.msk [tilespmem:v57+s26+$0x0], $0xffff;
	v42 =	vmul.f32 v19, v15;
	v44 =	vor.u32 v10, v55;
	v57 =	vadd.f32 v0, v8  }
.LBB2_26:
0x8f1: {  	_ = 	snop  }
0x8f2: {  	v0 =	vld.idx.msk [tilespmem:v40+s26+$0x0], $0xffff  }
0x8f3: {  	v5 =	vld [tilespmem:$0x1F870]  }
0x8f4: {  	v3 =	vmul.f32 v31, v63;
	v2 =	vmul.f32 v2, v63;
	v19 =	vmov v63;
	v63 =	vld.idx.msk [tilespmem:v43+s26+$0x0], $0xffff  }
0x8f5: {  	v11 =	vld [tilespmem:$0x1FB50]  }
0x8f6: {  	v22 =	vld.idx.msk [tilespmem:v22+s26+$0x0], $0xffff  }
0x8f7: {  	v28 =	vld.idx.msk [tilespmem:v28+s26+$0x0], $0xffff  }
0x8f8: {  	v20 =	vld.idx.msk [tilespmem:v20+s26+$0x0], $0xffff  }
0x8f9: {  	v6 =	vld [tilespmem:$0x1F8A0]  }
0x8fa: {  	v27 =	vld.idx.msk [tilespmem:v27+s26+$0x0], $0xffff  }
0x8fb: {  	v17 =	vld [tilespmem:$0x1FFF0]  }
0x8fc: {  	v45 =	vld.idx.msk [tilespmem:v18+s26+$0x0], $0xffff;
	v31 =	vadd.f32 v5, v58;
	v5 =	vmul.f32 v51, v19  }
0x8fd: {  	v10 =	vld [tilespmem:$0x1F8C0]  }
0x8fe: {  	[tilespmem:$0x1F870] =	vst v5;
	v5 =	vld [tilespmem:$0x1F880]  }
0x8ff: {  	s9 =	sadd.s32 $0x20, s9;
	v12 =	vadd.f32 v42, v12;
	[tilespmem:$0x1F850] =	vst v2;
	v2 =	vld [tilespmem:$0x1F890]  }
0x900: {  	v43 =	vld [tilespmem:s9+$0x0]  }
0x901: {  	v13 =	vadd.f32 v38, v12;
	v38 =	vld.idx.msk [tilespmem:v33+s26+$0x0], $0xffff  }
0x902: {  	v48 =	vor.u32 v11, v55;
	v51 =	vld.idx.msk [tilespmem:v44+s26+$0x0], $0xffff;
	v44 =	vmul.f32 v1, v19  }
0x903: {  	v12 =	vld [tilespmem:$0x1FB60];
	v1 =	vmul.f32 v37, v15;
	v24 =	vadd.f32 v5, v24;
	v5 =	vmul.f32 v60, v19  }
0x904: {  	v30 =	vmul.f32 v30, v15;
	v4 =	vadd.f32 v2, v35;
	v2 =	vld.idx.msk [tilespmem:v62+s26+$0x0], $0xffff  }
0x905: {  	v0 =	vmul.f32 v0, v15;
	v1 =	vadd.f32 v1, v6;
	v6 =	vld [tilespmem:$0x1F8B0];
	[tilespmem:$0x1F880] =	vst v5;
	v5 =	vmul.f32 v50, v19  }
0x906: {  	v16 =	vadd.f32 v30, v16;
	v30 =	vld.idx.msk [tilespmem:v59+s26+$0x0], $0xffff  }
0x907: {  	v0 =	vadd.f32 v0, v10;
	v10 =	vld [tilespmem:$0x1FBC0];
	[tilespmem:$0x1F860] =	vst v5;
	v5 =	vmul.f32 v23, v19  }
0x908: {  	v25 =	vadd.f32 v39, v25;
	v39 =	vld.idx.msk [tilespmem:v48+s26+$0x0], $0xffff;
	v23 =	vmul.f32 v41, v15  }
0x909: {  	v58 =	vmul.f32 v51, v15;
	[tilespmem:$0x1F890] =	vst v5;
	v5 =	vld [tilespmem:$0x1FB80]  }
0x90a: {  	v1 =	vadd.f32 v3, v1;
	v2 =	vmul.f32 v2, v15;
	v8 =	vadd.f32 v23, v6;
	v6 =	vld [tilespmem:$0x1FA50]  }
0x90b: {  	s11 =	smov.u32 s10;
	v37 =	vadd.f32 v58, v56;
	v56 =	vld [tilespmem:$0x1FAF0]  }
0x90c: {  	s0 =	sadd.s32 $0x1, s11;
	[tilespmem:$0x1F8A0] =	vst v1;
	v47 =	vadd.f32 v2, v53;
	v53 =	vld [tilespmem:$0x1FB70];
	v1 =	vadd.f32 v29, v8  }
0x90d: {  	v62 =	vmov s0;
	v23 =	vmul.f32 v63, v15;
	v63 =	vld [tilespmem:$0x1FB10]  }
0x90e: {  	v35 =	vshll.u32 v62, $0x5;
	v3 =	vmul.f32 v32, v19;
	v8 =	vld [tilespmem:$0x1FB20];
	[tilespmem:$0x1F8B0] =	vst v1  }
0x90f: {  	v1 =	vmul.f32 v22, v15;
	v55 =	vor.u32 v5, v55;
	v29 =	vor.u32 v6, v35;
	v35 =	vld.idx.msk [tilespmem:v52+s26+$0x0], $0xffff  }
0x910: {  	v32 =	vmul.f32 v39, v15;
	v52 =	vld [tilespmem:$0x1FEF0];
	v40 =	vor.u32 v17, v29;
	v42 =	vor.u32 v26, v29  }
0x911: {  	v46 =	vor.u32 v5, v29;
	v48 =	vadd.f32 v1, v61;
	v61 =	vld [tilespmem:s9+$0xFFFFFFF0];
	v5 =	vmul.f32 v30, v15  }
0x912: {  	v14 =	vadd.f32 v32, v14;
	v32 =	vor.u32 v11, v29;
	v11 =	vld [tilespmem:$0x1F8E0]  }
0x913: {  	v16 =	vadd.f32 v21, v16;
	v1 =	vor.u32 v53, v29;
	v25 =	vadd.f32 v5, v25;
	v5 =	vld [tilespmem:$0x1F850]  }
0x914: {  	v2 =	vmov s11;
	v22 =	vmul.f32 v28, v15;
	v21 =	vor.u32 v9, v29;
	v28 =	vld.idx.msk [tilespmem:v55+s26+$0x0], $0xffff  }
0x915: {  	v2 =	vshll.u32 v2, $0x5;
	v41 =	vor.u32 v7, v29;
	v50 =	vld.idx.msk [tilespmem:v42+s26+$0x0], $0xffff  }
0x916: {  	v30 =	vor.u32 v56, v29;
	v55 =	vor.u32 v6, v2;
	v6 =	vld.idx.msk [tilespmem:v40+s26+$0x0], $0xffff  }
0x917: {  	v20 =	vmul.f32 v20, v15;
	v2 =	vld.idx.msk [tilespmem:v46+s26+$0x0], $0xffff  }
0x918: {  	v33 =	vmul.f32 v34, v19;
	v34 =	vor.u32 v63, v29;
	v60 =	vld.idx.msk [tilespmem:v1+s26+$0x0], $0xffff  }
0x919: {  	v58 =	vadd.f32 v20, v31;
	v39 =	vor.u32 v10, v29;
	v31 =	vld.idx.msk [tilespmem:v21+s26+$0x0], $0xffff  }
0x91a: {  	v1 =	vld.idx.msk [tilespmem:v41+s26+$0x0], $0xffff  }
0x91b: {  	v57 =	vadd.f32 v22, v57;
	v22 =	vor.u32 v26, v55;
	v26 =	vld.idx.msk [tilespmem:v30+s26+$0x0], $0xffff  }
0x91c: {  	v18 =	vor.u32 v52, v29;
	v41 =	vld [tilespmem:$0x1FB30]  }
0x91d: {  	v0 =	vadd.f32 v54, v0;
	v54 =	vor.u32 v9, v55;
	v9 =	vld.idx.msk [tilespmem:v34+s26+$0x0], $0xffff  }
0x91e: {  	v36 =	vmul.f32 v36, v19;
	v46 =	vmul.f32 v35, v15;
	v35 =	vadd.f32 v23, v4;
	v23 =	vld.idx.msk [tilespmem:v39+s26+$0x0], $0xffff  }
0x91f: {  	v59 =	vor.u32 v8, v29;
	v20 =	vor.u32 v8, v55;
	v8 =	vor.u32 v63, v55;
	v63 =	vld [tilespmem:$0x1F900]  }
0x920: {  	v14 =	vadd.f32 v36, v14;
	v36 =	vld.idx.msk [tilespmem:v32+s26+$0x0], $0xffff  }
0x921: {  	[tilespmem:$0x1F8C0] =	vst v0;
	v0 =	vor.u32 v17, v55;
	v17 =	vld.idx.msk [tilespmem:v18+s26+$0x0], $0xffff  }
0x922: {  	v42 =	vor.u32 v52, v55;
	v18 =	vld [tilespmem:$0x1FBB0]  }
0x923: {  	v62 =	vor.u32 v7, v55;
	v7 =	vmul.f32 v27, v15;
	v21 =	vmul.f32 v28, v15;
	v15 =	vld [tilespmem:$0x1FB00]  }
0x924: {  	v51 =	vld.idx.msk [tilespmem:v59+s26+$0x0], $0xffff  }
0x925: {  	v40 =	vor.u32 v56, v55;
	v24 =	vadd.f32 v7, v24;
	v7 =	vld [tilespmem:$0x1FB90];
	v11 =	vadd.f32 v21, v11  }
0x926: {  	v27 =	vor.u32 v53, v55;
	v56 =	vadd.f32 v33, v37;
	v4 =	vor.u32 v41, v29;
	v0 =	vld.idx.msk [tilespmem:v0+s26+$0x0], $0xffff  }
0x927: {  	v33 =	vor.u32 v12, v29;
	v53 =	vadd.f32 v44, v47;
	v30 =	vld.idx.msk [tilespmem:v42+s26+$0x0], $0xffff;
	v5 =	vadd.f32 v5, v11  }
0x928: {  	v37 =	vld.idx.msk [tilespmem:v54+s26+$0x0], $0xffff;
	v59 =	vor.u32 v18, v55;
	v18 =	vor.u32 v18, v29;
	v29 =	vor.u32 v15, v29  }
0x929: {  	p0 =	slt.u32 s10, $0x1E;
	v34 =	vmul.f32 v38, v19;
	v44 =	vor.u32 v41, v55;
	v21 =	vadd.f32 v46, v49;
	[tilespmem:$0x1F8E0] =	vst v5;
	v5 =	vld [tilespmem:$0x1F860]  }
.Ltmp15:
0x92a: {  	v41 =	vld.idx.msk [tilespmem:v8+s26+$0x0], $0xffff;
	v28 =	vor.u32 v15, v55;
	v15 =	vmul.f32 v61, v63;
	v63 =	vmul.f32 v43, v63;
	(pc) =	sbr.rel @p0 .LBB2_26-.Ltmp15, $4  }
0x92b: {  	v57 =	vadd.f32 v3, v57;
	v49 =	vadd.f32 v34, v21;
	v34 =	vld.idx.msk [tilespmem:v4+s26+$0x0], $0xffff  }
0x92c: {  	v52 =	vor.u32 v12, v55;
	v39 =	vmul.f32 v45, v19;
	v54 =	vmul.f32 v26, v63;
	v26 =	vld [tilespmem:$0x1FB40]  }
0x92d: {  	v43 =	vor.u32 v10, v55;
	v42 =	vmul.f32 v0, v15;
	v38 =	vmul.f32 v6, v63;
	v32 =	vld.idx.msk [tilespmem:v29+s26+$0x0], $0xffff  }
0x92e: {  	s10 =	sadd.s32 $0x2, s10;
	v12 =	vmovc v13;
	v21 =	vmul.f32 v17, v63;
	v29 =	vmul.f32 v9, v63;
	v9 =	vld [tilespmem:$0x1FBA0];
	v61 =	vadd.f32 v5, v48  }
0x92f: {  	_ =	sdelay $0x3  }
0x930: {  	v0 =	vld.idx.msk [tilespmem:v40+s26+$0x0], $0xffff  }
0x931: {  	v3 =	vld.idx.msk [tilespmem:v62+s26+$0x0], $0xffff  }
0x932: {  	v4 =	vld.idx.msk [tilespmem:v43+s26+$0x0], $0xffff  }
0x933: {  	v5 =	vld [tilespmem:$0x1FB50]  }
0x934: {  	v6 =	vld.idx.msk [tilespmem:v44+s26+$0x0], $0xffff  }
0x935: {  	v7 =	vld.idx.msk [tilespmem:v22+s26+$0x0], $0xffff  }
0x936: {  	v8 =	vld.idx.msk [tilespmem:v28+s26+$0x0], $0xffff  }
0x937: {  	v9 =	vld [tilespmem:$0x1FB80]  }
0x938: {  	v17 =	vld.idx.msk [tilespmem:v20+s26+$0x0], $0xffff  }
0x939: {  	v19 =	vld.idx.msk [tilespmem:v59+s26+$0x0], $0xffff  }
0x93a: {  	v62 =	vld.idx.msk [tilespmem:v33+s26+$0x0], $0xffff  }
0x93b: {  	v22 =	vld.idx.msk [tilespmem:v27+s26+$0x0], $0xffff;
	v37 =	vmul.f32 v37, v15;
	v40 =	vmul.f32 v41, v15  }
0x93c: {  	v41 =	vld.idx.msk [tilespmem:v52+s26+$0x0], $0xffff;
	v31 =	vmul.f32 v31, v63;
	v2 =	vmul.f32 v2, v63  }
0x93d: {  	v12 =	vadd.f32 v42, v12;
	v42 =	vld [tilespmem:$0x1F8A0];
	v47 =	vmul.f32 v51, v63;
	v48 =	vmul.f32 v60, v63  }
0x93e: {  	v43 =	vld [tilespmem:$0x1FAE0];
	v1 =	vmul.f32 v1, v63;
	v6 =	vmul.f32 v6, v15  }
0x93f: {  	v25 =	vadd.f32 v39, v25;
	v18 =	vld.idx.msk [tilespmem:v18+s26+$0x0], $0xffff;
	v13 =	vmul.f32 v36, v63;
	v52 =	vmul.f32 v50, v63  }
0x940: {  	v5 =	vor.u32 v5, v55;
	v7 =	vmul.f32 v7, v15;
	v6 =	vadd.f32 v6, v56;
	v56 =	vld [tilespmem:$0x1FDB0]  }
0x941: {  	v23 =	vmul.f32 v23, v63;
	v60 =	vld [tilespmem:$0x1FDC0];
	v9 =	vor.u32 v9, v55;
	v3 =	vmul.f32 v3, v15  }
0x942: {  	v12 =	vadd.f32 v38, v12;
	v38 =	vmul.f32 v30, v15;
	v7 =	vadd.f32 v7, v61;
	v61 =	vld [tilespmem:$0x1FDD0]  }
0x943: {  	v55 =	vmul.f32 v32, v63;
	v20 =	vmul.f32 v62, v63;
	v62 =	vld [tilespmem:$0x1FDE0];
	v3 =	vadd.f32 v3, v53  }
0x944: {  	v44 =	vadd.f32 v38, v16;
	v18 =	vmul.f32 v18, v63;
	v53 =	vmul.f32 v34, v63;
	v63 =	vld [tilespmem:$0x1FDF0]  }
0x945: {  	v27 =	vadd.f32 v37, v42;
	v19 =	vmul.f32 v19, v15;
	v1 =	vadd.f32 v1, v3;
	v5 =	vld.idx.msk [tilespmem:v5+s26+$0x0], $0xffff  }
0x946: {  	v3 =	vmul.f32 v41, v15;
	v9 =	vld.idx.msk [tilespmem:v9+s26+$0x0], $0xffff;
	[tilespmem:v43+s28+$0x0] =	vst.idx.msk $0xffff, v12;
	v12 =	vadd.f32 v21, v44  }
0x947: {  	v19 =	vadd.f32 v19, v25  }
0x948: {  	v27 =	vadd.f32 v31, v27;
	v3 =	vadd.f32 v3, v49;
	[tilespmem:v56+s28+$0x0] =	vst.idx.msk $0xffff, v12  }
0x949: {  	v59 =	vadd.f32 v18, v19;
	[tilespmem:v60+s28+$0x0] =	vst.idx.msk $0xffff, v1  }
0x94a: {  	v8 =	vmul.f32 v8, v15;
	v3 =	vadd.f32 v20, v3;
	[tilespmem:v61+s28+$0x0] =	vst.idx.msk $0xffff, v27  }
0x94b: {  	[tilespmem:v62+s28+$0x0] =	vst.idx.msk $0xffff, v59  }
0x94c: {  	[tilespmem:v63+s28+$0x0] =	vst.idx.msk $0xffff, v3;
	v3 =	vadd.f32 v8, v57;
	v8 =	vld [tilespmem:$0x1FE00];
	_ =	sdelay $0x1  }
0x94d: {  	v5 =	vmul.f32 v5, v15;
	_ =	sdelay $0x1  }
0x94e: {  	v5 =	vadd.f32 v5, v14;
	_ =	sdelay $0x1  }
0x94f: {  	v5 =	vadd.f32 v13, v5;
	_ =	sdelay $0x1  }
0x950: {  	[tilespmem:v8+s28+$0x0] =	vst.idx.msk $0xffff, v5;
	v5 =	vld [tilespmem:$0x1FE10]  }
0x951: {  	v8 =	vld [tilespmem:$0x1FE20];
	_ =	sdelay $0x4  }
0x952: {  	v11 =	vld [tilespmem:$0x1F870];
	v7 =	vadd.f32 v52, v7  }
0x953: {  	v6 =	vadd.f32 v53, v6  }
0x954: {  	[tilespmem:v5+s28+$0x0] =	vst.idx.msk $0xffff, v7  }
0x955: {  	[tilespmem:v8+s28+$0x0] =	vst.idx.msk $0xffff, v6;
	v8 =	vld [tilespmem:$0x1FE30];
	_ =	sdelay $0x1  }
0x956: {  	v26 =	vadd.f32 v11, v58;
	v58 =	vmul.f32 v17, v15;
	_ =	sdelay $0x1  }
0x957: {  	v1 =	vadd.f32 v58, v26;
	_ =	sdelay $0x1  }
0x958: {  	v1 =	vadd.f32 v47, v1;
	_ =	sdelay $0x1  }
0x959: {  	[tilespmem:v8+s28+$0x0] =	vst.idx.msk $0xffff, v1;
	v8 =	vld [tilespmem:$0x1F8E0];
	_ =	sdelay $0x2  }
0x95a: {  	v7 =	vmul.f32 v9, v15  }
0x95b: {  	v45 =	vld [tilespmem:$0x1F8B0]  }
0x95c: {  	v7 =	vadd.f32 v7, v8;
	v8 =	vld [tilespmem:$0x1FE40];
	_ =	sdelay $0x1  }
0x95d: {  	v10 =	vld [tilespmem:$0x1F890];
	_ =	sdelay $0x1  }
0x95e: {  	v46 =	vadd.f32 v40, v45;
	_ =	sdelay $0x1  }
0x95f: {  	v16 =	vadd.f32 v29, v46  }
0x960: {  	v10 =	vadd.f32 v10, v35;
	v35 =	vld [tilespmem:$0x1F880]  }
0x961: {  	[tilespmem:v8+s28+$0x0] =	vst.idx.msk $0xffff, v16;
	v8 =	vld [tilespmem:$0x1FE50];
	_ =	sdelay $0x3  }
0x962: {  	v24 =	vadd.f32 v35, v24;
	v5 =	vmul.f32 v22, v15;
	_ =	sdelay $0x1  }
0x963: {  	v3 =	vadd.f32 v55, v3;
	v5 =	vadd.f32 v5, v24  }
0x964: {  	v51 =	vld [tilespmem:$0x1F8C0]  }
0x965: {  	[tilespmem:v8+s28+$0x0] =	vst.idx.msk $0xffff, v3;
	v3 =	vadd.f32 v48, v5;
	v5 =	vld [tilespmem:$0x1FE60];
	_ =	sdelay $0x1  }
0x966: {  	v0 =	vmul.f32 v0, v15;
	_ =	sdelay $0x1  }
0x967: {  	v0 =	vadd.f32 v0, v51;
	_ =	sdelay $0x1  }
0x968: {  	v0 =	vadd.f32 v54, v0;
	_ =	sdelay $0x1  }
0x969: {  	[tilespmem:v5+s28+$0x0] =	vst.idx.msk $0xffff, v0;
	v0 =	vadd.f32 v2, v7;
	v2 =	vld [tilespmem:$0x1FE70];
	_ =	sdelay $0x1  }
0x96a: {  	v4 =	vmul.f32 v4, v15;
	_ =	sdelay $0x1  }
0x96b: {  	v4 =	vadd.f32 v4, v10;
	_ =	sdelay $0x1  }
0x96c: {  	v4 =	vadd.f32 v23, v4;
	_ =	sdelay $0x1  }
0x96d: {  	[tilespmem:v2+s28+$0x0] =	vst.idx.msk $0xffff, v4;
	v2 =	vld [tilespmem:$0x1FE80];
	_ =	sdelay $0x7  }
0x96e: {  	s0 =	simm.s32 $0x0;
	v46 =	vlaneseq.u32;
	[tilespmem:v2+s28+$0x0] =	vst.idx.msk $0xffff, v3;
	v2 =	vld [tilespmem:$0x1FE90]  }
0x96f: {  	v6 =	vadd.s32 s0, v46  }
0x970: {  	v1 =	vshll.u32 v6, $0x4  }
0x971: {  	v1 =	vand.u32 $0x1F0, v1  }
0x972: {  	v1 =	vor.u32 v46, v1;
	_ =	sdelay $0x1  }
0x973: {  	v5 =	vld [tilespmem:$0x1F9E0];
	_ =	sdelay $0x1  }
0x974: {  	s15 =	simm.s32 $0x1;
	v7 =	vld [tilespmem:$0x1F900];
	[tilespmem:v2+s28+$0x0] =	vst.idx.msk $0xffff, v0  }
0x975: {  	v0 =	vld.idx.msk [tilespmem:v1+s23+$0x0], $0xffff;
	v1 =	vadd.s32 s15, v46  }
0x976: {  	v2 =	vand.u32 $0x1F, v6;
	v3 =	vshll.u32 v1, $0x4  }
0x977: {  	v2 =	vor.u32 v5, v2;
	v3 =	vand.u32 $0x1F0, v3  }
0x978: {  	v3 =	vor.u32 v46, v3;
	_ =	sdelay $0x1  }
0x979: {  	v0 =	vmul.f32 v0, v7;
	_ =	sdelay $0x1  }
0x97a: {  	s17 =	simm.s32 $0x2;
	[tilespmem:v2+s29+$0x0] =	vst.idx.msk $0xffff, v0  }
0x97b: {  	v2 =	vadd.s32 s17, v46;
	v0 =	vld.idx.msk [tilespmem:v3+s23+$0x0], $0xffff  }
0x97c: {  	v1 =	vand.u32 $0x1F, v1;
	v3 =	vshll.u32 v2, $0x4  }
0x97d: {  	v1 =	vor.u32 v5, v1;
	v3 =	vand.u32 $0x1F0, v3  }
0x97e: {  	v3 =	vor.u32 v46, v3;
	_ =	sdelay $0x1  }
0x97f: {  	v0 =	vmul.f32 v0, v7;
	_ =	sdelay $0x1  }
0x980: {  	s30 =	simm.s32 $0x3;
	[tilespmem:v1+s29+$0x0] =	vst.idx.msk $0xffff, v0  }
0x981: {  	v1 =	vadd.s32 s30, v46;
	v0 =	vld.idx.msk [tilespmem:v3+s23+$0x0], $0xffff  }
0x982: {  	v2 =	vand.u32 $0x1F, v2;
	v3 =	vshll.u32 v1, $0x4  }
0x983: {  	v2 =	vor.u32 v5, v2;
	v3 =	vand.u32 $0x1F0, v3  }
0x984: {  	v3 =	vor.u32 v46, v3;
	_ =	sdelay $0x1  }
0x985: {  	v0 =	vmul.f32 v0, v7;
	_ =	sdelay $0x1  }
0x986: {  	s9 =	simm.s32 $0x4;
	[tilespmem:v2+s29+$0x0] =	vst.idx.msk $0xffff, v0  }
0x987: {  	v2 =	vadd.s32 s9, v46;
	v0 =	vld.idx.msk [tilespmem:v3+s23+$0x0], $0xffff  }
0x988: {  	v4 =	vand.u32 $0x1F, v1;
	v3 =	vshll.u32 v2, $0x4  }
0x989: {  	v1 =	vand.u32 $0x1F, v2;
	v2 =	vand.u32 $0x1F0, v3;
	v3 =	vor.u32 v5, v4  }
0x98a: {  	v2 =	vor.u32 v46, v2;
	_ =	sdelay $0x1  }
0x98b: {  	s10 =	simm.s32 $0x8;
	v6 =	vmul.f32 v0, v7  }
.LBB2_28:
0x98c: {  	_ = 	snop  }
0x98d: {  	p0 =	slt.u32 s10, $0x1C;
	s0 =	smov.u32 s10;
	s10 =	sadd.s32 $0x4, s10;
	[tilespmem:v3+s29+$0x0] =	vst.idx.msk $0xffff, v6  }
0x98e: {  	s11 =	sadd.s32 $0x1, s9;
	v0 =	vld.idx.msk [tilespmem:v2+s23+$0x0], $0xffff  }
0x98f: {  	v2 =	vadd.s32 s11, v46  }
0x990: {  	v3 =	vshll.u32 v2, $0x4;
	v2 =	vand.u32 $0x1F, v2  }
0x991: {  	v1 =	vor.u32 v5, v1;
	v3 =	vand.u32 $0x1F0, v3  }
0x992: {  	v3 =	vor.u32 v46, v3;
	_ =	sdelay $0x1  }
0x993: {  	v0 =	vmul.f32 v0, v7;
	_ =	sdelay $0x1  }
0x994: {  	[tilespmem:v1+s29+$0x0] =	vst.idx.msk $0xffff, v0  }
0x995: {  	s11 =	sadd.s32 $0x2, s9;
	v0 =	vld.idx.msk [tilespmem:v3+s23+$0x0], $0xffff  }
0x996: {  	v1 =	vadd.s32 s11, v46  }
0x997: {  	v3 =	vshll.u32 v1, $0x4;
	v1 =	vand.u32 $0x1F, v1  }
0x998: {  	v2 =	vor.u32 v5, v2;
	v3 =	vand.u32 $0x1F0, v3  }
0x999: {  	v3 =	vor.u32 v46, v3;
	_ =	sdelay $0x1  }
0x99a: {  	v0 =	vmul.f32 v0, v7;
	_ =	sdelay $0x1  }
0x99b: {  	[tilespmem:v2+s29+$0x0] =	vst.idx.msk $0xffff, v0  }
0x99c: {  	s11 =	sadd.s32 $0x3, s9;
	s9 =	smov.u32 s0;
	v0 =	vld.idx.msk [tilespmem:v3+s23+$0x0], $0xffff  }
0x99d: {  	v2 =	vadd.s32 s11, v46  }
0x99e: {  	v3 =	vshll.u32 v2, $0x4;
	v2 =	vand.u32 $0x1F, v2  }
0x99f: {  	v1 =	vor.u32 v5, v1;
	v3 =	vand.u32 $0x1F0, v3  }
0x9a0: {  	v3 =	vor.u32 v46, v3;
	_ =	sdelay $0x1  }
0x9a1: {  	v0 =	vmul.f32 v0, v7;
	_ =	sdelay $0x1  }
0x9a2: {  	[tilespmem:v1+s29+$0x0] =	vst.idx.msk $0xffff, v0  }
0x9a3: {  	v0 =	vld.idx.msk [tilespmem:v3+s23+$0x0], $0xffff  }
0x9a4: {  	v1 =	vadd.s32 s9, v46  }
.Ltmp16:
0x9a5: {  	v3 =	vshll.u32 v1, $0x4;
	v1 =	vand.u32 $0x1F, v1;
	(pc) =	sbr.rel @p0 .LBB2_28-.Ltmp16, $3  }
0x9a6: {  	v4 =	vand.u32 $0x1F0, v3;
	v3 =	vor.u32 v5, v2  }
0x9a7: {  	v2 =	vor.u32 v46, v4;
	_ =	sdelay $0x1  }
0x9a8: {  	v6 =	vmul.f32 v0, v7  }
0x9a9: {  	_ =	sdelay $0x3  }
0x9aa: {  	s0 =	sadd.s32 $0x1, s9;
	[tilespmem:v3+s29+$0x0] =	vst.idx.msk $0xffff, v6  }
0x9ab: {  	v57 =	vadd.s32 s0, v46;
	v0 =	vld.idx.msk [tilespmem:v2+s23+$0x0], $0xffff  }
0x9ac: {  	v58 =	vshll.u32 v57, $0x4  }
0x9ad: {  	v1 =	vor.u32 v5, v1;
	v3 =	vand.u32 $0x1F0, v58  }
0x9ae: {  	v3 =	vor.u32 v46, v3;
	_ =	sdelay $0x1  }
0x9af: {  	v0 =	vmul.f32 v0, v7;
	_ =	sdelay $0x1  }
0x9b0: {  	s12 =	sadd.s32 $0x2, s9;
	[tilespmem:v1+s29+$0x0] =	vst.idx.msk $0xffff, v0  }
0x9b1: {  	v59 =	vadd.s32 s12, v46;
	v0 =	vld.idx.msk [tilespmem:v3+s23+$0x0], $0xffff  }
0x9b2: {  	v2 =	vand.u32 $0x1F, v57;
	v60 =	vshll.u32 v59, $0x4  }
0x9b3: {  	v2 =	vor.u32 v5, v2;
	v3 =	vand.u32 $0x1F0, v60  }
0x9b4: {  	v3 =	vor.u32 v46, v3;
	_ =	sdelay $0x1  }
0x9b5: {  	v0 =	vmul.f32 v0, v7;
	_ =	sdelay $0x1  }
0x9b6: {  	s15 =	sadd.s32 $0x3, s9;
	[tilespmem:v2+s29+$0x0] =	vst.idx.msk $0xffff, v0  }
0x9b7: {  	v61 =	vadd.s32 s15, v46;
	v0 =	vld.idx.msk [tilespmem:v3+s23+$0x0], $0xffff  }
0x9b8: {  	v62 =	vshll.u32 v61, $0x4;
	v1 =	vand.u32 $0x1F, v59  }
0x9b9: {  	v48 =	vld [tilespmem:$0x1FF00];
	v1 =	vor.u32 v5, v1;
	v3 =	vand.u32 $0x1F0, v62  }
0x9ba: {  	v47 =	vld [tilespmem:$0x1FF20];
	v3 =	vor.u32 v46, v3  }
0x9bb: {  	v35 =	vld [tilespmem:$0x1FF40]  }
0x9bc: {  	v45 =	vld [tilespmem:$0x1FF50];
	v0 =	vmul.f32 v0, v7  }
0x9bd: {  	v44 =	vld [tilespmem:$0x1FF60]  }
0x9be: {  	v56 =	vld [tilespmem:$0x1FF70];
	[tilespmem:v1+s29+$0x0] =	vst.idx.msk $0xffff, v0  }
0x9bf: {  	v0 =	vld.idx.msk [tilespmem:v3+s23+$0x0], $0xffff  }
0x9c0: {  	v42 =	vld [tilespmem:$0x1FF90];
	v63 =	vand.u32 $0x1F, v61  }
0x9c1: {  	v43 =	vld [tilespmem:$0x1FFA0];
	v1 =	vor.u32 v5, v63  }
0x9c2: {  	v54 =	vld [tilespmem:$0x1FFD0]  }
0x9c3: {  	v55 =	vld [tilespmem:$0x1FFE0]  }
0x9c4: {  	v57 =	vld [tilespmem:$0x1FFF0];
	v0 =	vmul.f32 v0, v7  }
.Ltmp17:
0x9c5: {  	s17 =	sshll.u32 s18, $0x7;
	v58 =	vld [tilespmem:$0x1FFB0];
	(pc) =	sbr.rel .LBB2_30-.Ltmp17, $4  }
0x9c6: {  	s30 =	sshll.u32 s18, $0x6;
	s0 =	sadd.s32 s6, s17;
	v59 =	vld [tilespmem:$0x1FFC0];
	[tilespmem:v1+s29+$0x0] =	vst.idx.msk $0xffff, v0  }
0x9c7: {  	v60 =	vld [tilespmem:$0x1FF80];
	[hbm4b:s0+s2] =	stream.linear.scatter [tilespmem:s29], [sflag:$0x5], $0x400, $0x38  }
0x9c8: {  	v62 =	vld [tilespmem:$0x1FF30];
	s0 =	sadd.s32 s8, s30  }
0x9c9: {  	v63 =	vld [tilespmem:$0x1FF10];
	[hbm4b:s0+s2] =	stream.linear.scatter [tilespmem:s28], [sflag:$0x5], $0x200, $0x38  }
.LBB2_16:
.Ltmp18:
0x9ca: {  	(pc) =	sbr.rel @p0 .LBB2_30-.Ltmp18, $4  }
.Ltmp19:
0x9cb: {  	(pc) =	sbr.rel @!p0 .LBB2_17-.Ltmp19, $4  }
0x9cc: {  	_ = 	snop  }
0x9cd: {  	v48 =	vld [tilespmem:$0x1FF00]  }
0x9ce: {  	v63 =	vld [tilespmem:$0x1FF10]  }
0x9cf: {  	_ = 	snop  }
.LBB2_32:
0x9d0: {  	_ =	sfence.sel $0x180000  }
0x9d1: {  	[bflag:$0x0] =	sbarrier.arrive $0xFFFF  }
0x9d2: {  	_ =	strace $0x90000047  }
0x9d3: {  	s0 =	stileid.u32;
	[bflag:$0x2] =	sbarrier.arrive $0xFFFF  }
0x9d4: {  	p0 =	sne.s32 s0, $0x0;
	s0 =	rddreg [dreg:$0x2]  }
0x9d5: {  	s0 =	sadd.s32 @!p0 $0x100000, s0  }
0x9d6: {  	[sflag:s0] =	ssyncadd.tile.s32 @!p0 $0x1;
	_ =	shalt  }
.Lfunc_end2:
_tile_overlayer_lowered:
.L_overlay_start_2:
0x9d7: {  	(tag) =	ssettag $0x2  }
0x9d8: {  	s0 =	rddreg [dreg:$0x0];
	s2 =	stileid.u32  }
0x9d9: {  	s1 =	rddreg [dreg:$0x1];
	p0 =	sne.s32 s2, $0x0  }
0x9da: {  	s3 =	rddreg [dreg:$0x2];
	[bflag:$0x3] =	sbarrier.arrive $0xFFFF;
	s2 =	simm.s32 @!p0 $0x1C06  }
0x9db: {  	[timem:s3], [sflag:s2] =	dma.local @!p0 [hbm:s0], s1  }
0x9dc: {  	s0 =	simm.s32 @!p0 $0x6  }
0x9dd: {  	_ =	swait.ge @!p0 [sflag:s0], s1  }
0x9de: {  	s1 =	ssub.s32 @!p0 $0x0, s1;
	[sflag:s0] =	ssyncset.done @!p0 $0x0  }
0x9df: {  	[sflag:s0] =	ssyncadd.s32 @!p0 s1  }
0x9e0: {  	[bflag:$0x3] =	sbarrier.arrive $0xFFFF  }
0x9e1: {  	_ =	shalt  }

</sc_bundles>
